<compile_context>
chip_gen: v7x
topology: tpu7x:2x2x1
jax: 0.10.2.dev20260603
libtpu: 0.0.44.dev20260713+nightly
codegen_flags: <defaults>
</compile_context>

<pallas_src>
import functools

import jax
import jax.numpy as jnp
from jax import lax
from jax.experimental import pallas as pl
from jax.experimental.pallas import tpu as pltpu
from jax.experimental.pallas import tpu_sc as plsc

N = 10000
E = 320000
D = 128
D2 = 64
NG = 64
NC = 2
NS = 16
NW = NC * NS
CHUNK = 128
CPT = 80
NB = 5
EPAD = NW * CPT * CHUNK
NP = 10240
STRIPE = NP // NS
RB = 1000
GRID = N // RB


def _mesh():
    return plsc.VectorSubcoreMesh(core_axis_name="c", subcore_axis_name="s")


@functools.partial(
    pl.kernel,
    mesh=_mesh(),
    out_type=jax.ShapeDtypeStruct((NC, NP), jnp.float32),
    scratch_types=[
        pltpu.VMEM((CPT, CHUNK), jnp.int32),
        pltpu.VMEM((CHUNK,), jnp.float32),
        pltpu.VMEM((STRIPE,), jnp.float32),
        pltpu.VMEM_SHARED((NP,), jnp.float32),
    ],
)
def _sc_deg(dst_hbm, ones_hbm, zeros_hbm, out_hbm, dst_v, ones_v, zbuf,
            deg_sh):
    cid = lax.axis_index("c")
    sid = lax.axis_index("s")
    wid = cid * NS + sid

    pltpu.sync_copy(ones_hbm, ones_v)
    pltpu.sync_copy(zeros_hbm, zbuf)
    pltpu.sync_copy(zbuf, deg_sh.at[pl.ds(sid * STRIPE, STRIPE)])
    plsc.subcore_barrier()
    pltpu.sync_copy(dst_hbm.at[wid], dst_v)

    def step(g, carry):
        pltpu.sync_copy(ones_v, deg_sh.at[dst_v.at[g]], add=True)
        return carry

    lax.fori_loop(0, CPT, step, 0)
    plsc.subcore_barrier()
    pltpu.sync_copy(deg_sh.at[pl.ds(sid * STRIPE, STRIPE)], zbuf)
    pltpu.sync_copy(zbuf, out_hbm.at[cid, pl.ds(sid * STRIPE, STRIPE)])


@functools.partial(
    pl.kernel,
    mesh=_mesh(),
    out_type=[
        jax.ShapeDtypeStruct((NC, NP, D2), jnp.float32),
        jax.ShapeDtypeStruct((NC, NP, D2), jnp.float32),
    ],
    scratch_types=[
        pltpu.VMEM((CPT, CHUNK), jnp.int32),
        pltpu.VMEM((CPT, CHUNK), jnp.int32),
        [pltpu.VMEM((CHUNK, D2), jnp.float32) for _ in range(NB)],
        [pltpu.SemaphoreType.DMA for _ in range(NB)],
        [pltpu.SemaphoreType.DMA for _ in range(NB)],
        pltpu.VMEM_SHARED((NP, D2), jnp.float32),
    ],
    compiler_params=pltpu.CompilerParams(use_tc_tiling_on_sc=False),
)
def _sc_acc(yh0_hbm, yh1_hbm, src_hbm, dst_hbm, zrow_hbm, out0_hbm, out1_hbm,
            src_v, dst_v, rows, gsem, ssem, acc_sh):
    cid = lax.axis_index("c")
    sid = lax.axis_index("s")
    wid = cid * NS + sid

    pltpu.sync_copy(src_hbm.at[wid], src_v)
    pltpu.sync_copy(dst_hbm.at[wid], dst_v)

    def wait_gather(g, b):
        pltpu.make_async_copy(
            yh0_hbm.at[src_v.at[g]], rows[b], gsem[b]).wait()

    def wait_scatter(g, b):
        pltpu.make_async_copy(
            rows[b], acc_sh.at[dst_v.at[g]], ssem[b]).wait()

    for y_hbm, out_hbm in ((yh0_hbm, out0_hbm), (yh1_hbm, out1_hbm)):
        pltpu.sync_copy(zrow_hbm, rows[0])
        for k in range(STRIPE // CHUNK):
            pltpu.sync_copy(
                rows[0], acc_sh.at[pl.ds(sid * STRIPE + k * CHUNK, CHUNK)])
        plsc.subcore_barrier()

        for b in range(NB):
            pltpu.async_copy(y_hbm.at[src_v.at[b]], rows[b], gsem[b])

        def step(i, carry):
            g = NB * i
            for b in range(NB):
                wait_gather(g + b, b)
                pltpu.async_copy(
                    rows[b], acc_sh.at[dst_v.at[g + b]], ssem[b], add=True)
            for b in range(NB):
                wait_scatter(g + b, b)
                pltpu.async_copy(
                    y_hbm.at[src_v.at[g + NB + b]], rows[b], gsem[b])
            return carry

        lax.fori_loop(0, CPT // NB - 1, step, 0)
        g = CPT - NB
        for b in range(NB):
            wait_gather(g + b, b)
            pltpu.async_copy(
                rows[b], acc_sh.at[dst_v.at[g + b]], ssem[b], add=True)
        for b in range(NB):
            wait_scatter(g + b, b)
        plsc.subcore_barrier()

        for k in range(STRIPE // CHUNK):
            off = sid * STRIPE + k * CHUNK
            pltpu.sync_copy(acc_sh.at[pl.ds(off, CHUNK)], rows[0])
            pltpu.sync_copy(rows[0], out_hbm.at[cid, pl.ds(off, CHUNK)])


def _dinv_block(dega, degb):
    return lax.rsqrt(dega + degb + 1.0)


def _pre_body(x_ref, w_ref, dega_ref, degb_ref, yh0_ref, yh1_ref):
    dinv = _dinv_block(dega_ref[...], degb_ref[...])
    y = jnp.dot(x_ref[...], w_ref[...],
                preferred_element_type=jnp.float32) * dinv
    yh0_ref[...] = y[:, :D2]
    yh1_ref[...] = y[:, D2:]


def _tc_pre(x, W, dega, degb):
    return pl.pallas_call(
        _pre_body,
        grid=(GRID,),
        in_specs=[
            pl.BlockSpec((RB, D), lambda i: (i, 0)),
            pl.BlockSpec((D, D), lambda i: (0, 0)),
            pl.BlockSpec((RB, 1), lambda i: (i, 0)),
            pl.BlockSpec((RB, 1), lambda i: (i, 0)),
        ],
        out_specs=[
            pl.BlockSpec((RB, D2), lambda i: (i, 0)),
            pl.BlockSpec((RB, D2), lambda i: (i, 0)),
        ],
        out_shape=[
            jax.ShapeDtypeStruct((N, D2), jnp.float32),
            jax.ShapeDtypeStruct((N, D2), jnp.float32),
        ],
    )(x, W, dega, degb)


def _pool_accum(g_ref, batch_blk, z_blk):
    onehot = (batch_blk == lax.broadcasted_iota(
        jnp.int32, (RB, NG), 1)).astype(jnp.float32)
    part = lax.dot_general(onehot, z_blk, (((0,), (0,)), ((), ())),
                           preferred_element_type=jnp.float32)

    @pl.when(pl.program_id(0) == 0)
    def _():
        g_ref[...] = jnp.zeros_like(g_ref)

    g_ref[...] += part


def _gcn_combine(a00_ref, a01_ref, a10_ref, a11_ref, yh0_ref, yh1_ref,
                 dinv, b_ref, alpha_ref):
    lo = a00_ref[...] + a10_ref[...] + yh0_ref[...]
    hi = a01_ref[...] + a11_ref[...] + yh1_ref[...]
    z = dinv * jnp.concatenate([lo, hi], axis=1) + b_ref[...]
    return jnp.where(z >= 0.0, z, alpha_ref[...] * z)


def _mid_body(a00_ref, a01_ref, a10_ref, a11_ref, yh0_ref, yh1_ref,
              dega_ref, degb_ref, b_ref, alpha_ref, w2_ref, batch_ref,
              y2h0_ref, y2h1_ref, g_ref):
    dinv = _dinv_block(dega_ref[...], degb_ref[...])
    z = _gcn_combine(a00_ref, a01_ref, a10_ref, a11_ref, yh0_ref, yh1_ref,
                     dinv, b_ref, alpha_ref)
    y2 = jnp.dot(z, w2_ref[...], preferred_element_type=jnp.float32) * dinv
    y2h0_ref[...] = y2[:, :D2]
    y2h1_ref[...] = y2[:, D2:]
    _pool_accum(g_ref, batch_ref[...], z)


def _tc_mid(a00, a01, a10, a11, yh0, yh1, dega, degb, b1, alpha, W2,
            batch2d):
    return pl.pallas_call(
        _mid_body,
        grid=(GRID,),
        in_specs=[
            pl.BlockSpec((RB, D2), lambda i: (i, 0)),
            pl.BlockSpec((RB, D2), lambda i: (i, 0)),
            pl.BlockSpec((RB, D2), lambda i: (i, 0)),
            pl.BlockSpec((RB, D2), lambda i: (i, 0)),
            pl.BlockSpec((RB, D2), lambda i: (i, 0)),
            pl.BlockSpec((RB, D2), lambda i: (i, 0)),
            pl.BlockSpec((RB, 1), lambda i: (i, 0)),
            pl.BlockSpec((RB, 1), lambda i: (i, 0)),
            pl.BlockSpec((D,), lambda i: (0,)),
            pl.BlockSpec((D,), lambda i: (0,)),
            pl.BlockSpec((D, D), lambda i: (0, 0)),
            pl.BlockSpec((RB, 1), lambda i: (i, 0)),
        ],
        out_specs=[
            pl.BlockSpec((RB, D2), lambda i: (i, 0)),
            pl.BlockSpec((RB, D2), lambda i: (i, 0)),
            pl.BlockSpec((NG, D), lambda i: (0, 0)),
        ],
        out_shape=[
            jax.ShapeDtypeStruct((N, D2), jnp.float32),
            jax.ShapeDtypeStruct((N, D2), jnp.float32),
            jax.ShapeDtypeStruct((NG, D), jnp.float32),
        ],
    )(a00, a01, a10, a11, yh0, yh1, dega, degb, b1, alpha, W2, batch2d)


def _post_body(a00_ref, a01_ref, a10_ref, a11_ref, yh0_ref, yh1_ref,
               dega_ref, degb_ref, b_ref, alpha_ref, batch_ref,
               z_ref, g_ref):
    dinv = _dinv_block(dega_ref[...], degb_ref[...])
    z = _gcn_combine(a00_ref, a01_ref, a10_ref, a11_ref, yh0_ref, yh1_ref,
                     dinv, b_ref, alpha_ref)
    z_ref[...] = z
    _pool_accum(g_ref, batch_ref[...], z)


def _tc_post(a00, a01, a10, a11, yh0, yh1, dega, degb, b2, alpha, batch2d):
    return pl.pallas_call(
        _post_body,
        grid=(GRID,),
        in_specs=[
            pl.BlockSpec((RB, D2), lambda i: (i, 0)),
            pl.BlockSpec((RB, D2), lambda i: (i, 0)),
            pl.BlockSpec((RB, D2), lambda i: (i, 0)),
            pl.BlockSpec((RB, D2), lambda i: (i, 0)),
            pl.BlockSpec((RB, D2), lambda i: (i, 0)),
            pl.BlockSpec((RB, D2), lambda i: (i, 0)),
            pl.BlockSpec((RB, 1), lambda i: (i, 0)),
            pl.BlockSpec((RB, 1), lambda i: (i, 0)),
            pl.BlockSpec((D,), lambda i: (0,)),
            pl.BlockSpec((D,), lambda i: (0,)),
            pl.BlockSpec((RB, 1), lambda i: (i, 0)),
        ],
        out_specs=[
            pl.BlockSpec((RB, D), lambda i: (i, 0)),
            pl.BlockSpec((NG, D), lambda i: (0, 0)),
        ],
        out_shape=[
            jax.ShapeDtypeStruct((N, D), jnp.float32),
            jax.ShapeDtypeStruct((NG, D), jnp.float32),
        ],
    )(a00, a01, a10, a11, yh0, yh1, dega, degb, b2, alpha, batch2d)


def kernel(x, edge_index, batch, W1, b1, W2, b2, alpha):
    pad = EPAD - E
    pad_src = jnp.arange(pad, dtype=jnp.int32) % N
    pad_dst = N + (jnp.arange(pad, dtype=jnp.int32) % (NP - N))
    srcp = jnp.concatenate([edge_index[0], pad_src]).reshape(NW, CPT, CHUNK)
    dstp = jnp.concatenate([edge_index[1], pad_dst]).reshape(NW, CPT, CHUNK)

    ones_c = jnp.ones((CHUNK,), jnp.float32)
    zeros_s = jnp.zeros((STRIPE,), jnp.float32)
    zrow = jnp.zeros((CHUNK, D2), jnp.float32)

    deg2 = _sc_deg(dstp, ones_c, zeros_s)
    dega = deg2[0].reshape(NP, 1)
    degb = deg2[1].reshape(NP, 1)
    batch2d = batch[:, None]

    y1h0, y1h1 = _tc_pre(x, W1, dega, degb)
    acc1h0, acc1h1 = _sc_acc(y1h0, y1h1, srcp, dstp, zrow)
    y2h0, y2h1, g1 = _tc_mid(acc1h0[0], acc1h1[0], acc1h0[1], acc1h1[1],
                             y1h0, y1h1, dega, degb, b1, alpha, W2, batch2d)
    acc2h0, acc2h1 = _sc_acc(y2h0, y2h1, srcp, dstp, zrow)
    z2, g2 = _tc_post(acc2h0[0], acc2h1[0], acc2h0[1], acc2h1[1],
                      y2h0, y2h1, dega, degb, b2, alpha, batch2d)
    return z2, jnp.concatenate([g1, g2], axis=1)

# --- scband reference (transcript-rebuilt; emitter-appended) ---
"""Pipeline reference for scband-gconv-8134668059125 (READ-ONLY COPY).

The authoritative reference and input builder live on the scoring server;
editing this copy changes nothing except your own understanding.
"""

import jax, jax.numpy as jnp
import numpy as np

N = 10000
E = 320000
D_IN = 128
D_H = 128
N_GRAPHS = 64


def setup_inputs(seed: int = 0) -> dict:
    key = jax.random.key(seed)
    ks = jax.random.split(key, 8)
    x = jax.random.normal(ks[0], (N, D_IN), dtype=jnp.float32)
    edge_index = jax.random.randint(ks[1], (2, E), 0, N, dtype=jnp.int32)
    batch = jnp.sort(jax.random.randint(ks[2], (N,), 0, N_GRAPHS, dtype=jnp.int32))
    W1 = jax.random.normal(ks[3], (D_IN, D_H), dtype=jnp.float32) * (1.0 / np.sqrt(D_IN))
    b1 = jnp.zeros((D_H,), dtype=jnp.float32)
    W2 = jax.random.normal(ks[4], (D_H, D_H), dtype=jnp.float32) * (1.0 / np.sqrt(D_H))
    b2 = jnp.zeros((D_H,), dtype=jnp.float32)
    alpha = jnp.full((D_H,), 0.25, dtype=jnp.float32)  # PReLU per-channel weight
    return {"x": x, "edge_index": edge_index, "batch": batch,
            "W1": W1, "b1": b1, "W2": W2, "b2": b2, "alpha": alpha}


def _gcn_conv(x, edge_index, W, b):
    # GCNConv: x' = D^{-1/2} (A + I) D^{-1/2} X W + b
    xw = x @ W
    src = edge_index[0]
    dst = edge_index[1]
    loop = jnp.arange(N, dtype=src.dtype)
    src = jnp.concatenate([src, loop])
    dst = jnp.concatenate([dst, loop])
    deg = jax.ops.segment_sum(jnp.ones_like(dst, dtype=xw.dtype), dst, num_segments=N)
    dinv = jnp.where(deg > 0, jax.lax.rsqrt(deg), 0.0)
    norm = dinv[src] * dinv[dst]
    msgs = xw[src] * norm[:, None]
    out = jax.ops.segment_sum(msgs, dst, num_segments=N)
    return out + b


def _prelu(z, alpha):
    return jnp.where(z >= 0, z, alpha[None, :] * z)


def reference(x, edge_index, batch, W1, b1, W2, b2, alpha):
    z = x
    zs = []
    z = _prelu(_gcn_conv(z, edge_index, W1, b1), alpha)
    zs.append(z)
    z = _prelu(_gcn_conv(z, edge_index, W2, b2), alpha)
    zs.append(z)
    gs = [jax.ops.segment_sum(zz, batch, num_segments=N_GRAPHS) for zz in zs]
    g = jnp.concatenate(gs, axis=1)
    return (z, g)

if __name__ == "__main__":
    import jax
    _d = setup_inputs()
    print(jax.jit(kernel)(*tuple(_d.values())))

</pallas_src>

<mosaic_0001>
#map = affine_map<(d0, d1) -> (0, 0)>
#map1 = affine_map<(d0, d1) -> (0, 0, 0)>
module attributes {stable_mosaic.version = 14 : i64} {
  func.func @_sc_acc(%arg0: i32, %arg1: i32, %arg2: memref<10000x64xf32, #tpu.memory_space<hbm>>, %arg3: memref<10000x64xf32, #tpu.memory_space<hbm>>, %arg4: memref<32x80x128xi32, #tpu.memory_space<hbm>>, %arg5: memref<32x80x128xi32, #tpu.memory_space<hbm>>, %arg6: memref<128x64xf32, #tpu.memory_space<hbm>>, %arg7: memref<2x10240x64xf32, #tpu.memory_space<hbm>>, %arg8: memref<2x10240x64xf32, #tpu.memory_space<hbm>>, %arg9: memref<80x128xi32, #tpu.memory_space<vmem>>, %arg10: memref<80x128xi32, #tpu.memory_space<vmem>>, %arg11: memref<128x64xf32, #tpu.memory_space<vmem>>, %arg12: memref<128x64xf32, #tpu.memory_space<vmem>>, %arg13: memref<128x64xf32, #tpu.memory_space<vmem>>, %arg14: memref<128x64xf32, #tpu.memory_space<vmem>>, %arg15: memref<128x64xf32, #tpu.memory_space<vmem>>, %arg16: memref<!tpu.dma_semaphore, #tpu.memory_space<semaphore_mem>>, %arg17: memref<!tpu.dma_semaphore, #tpu.memory_space<semaphore_mem>>, %arg18: memref<!tpu.dma_semaphore, #tpu.memory_space<semaphore_mem>>, %arg19: memref<!tpu.dma_semaphore, #tpu.memory_space<semaphore_mem>>, %arg20: memref<!tpu.dma_semaphore, #tpu.memory_space<semaphore_mem>>, %arg21: memref<!tpu.dma_semaphore, #tpu.memory_space<semaphore_mem>>, %arg22: memref<!tpu.dma_semaphore, #tpu.memory_space<semaphore_mem>>, %arg23: memref<!tpu.dma_semaphore, #tpu.memory_space<semaphore_mem>>, %arg24: memref<!tpu.dma_semaphore, #tpu.memory_space<semaphore_mem>>, %arg25: memref<!tpu.dma_semaphore, #tpu.memory_space<semaphore_mem>>, %arg26: memref<10240x64xf32, #tpu.memory_space<vmem_shared>>) attributes {dimension_semantics = [#tpu.dimension_semantics<core_parallel>, #tpu.dimension_semantics<subcore_parallel>], iteration_bounds = array<i64: 2, 16>, scalar_prefetch = 0 : i64, scratch_operands = 18 : i64, tpu.core_type = #tpu.core_type<sc_vector_subcore>, window_params = [{transform_indices = #map}, {transform_indices = #map}, {transform_indices = #map1}, {transform_indices = #map1}, {transform_indices = #map}, {transform_indices = #map1}, {transform_indices = #map1}]} {
    %mul3A = arith.constant 16 : i32
    %mul3A_0 = arith.muli %arg0, %mul3A : i32
    %add3A = arith.addi %mul3A_0, %arg1 : i32
    "tpu.region"() ({
      %run_scoped3A = tpu.sem_alloc : memref<!tpu.dma_semaphore, #tpu.memory_space<semaphore_mem>>
      %dma_start3A_373 = arith.constant 0 : i32
      %dma_start3A_374 = arith.constant 0 : i32
      %dma_start3A_375 = tpu.memref_slice %arg4[%add3A, %dma_start3A_373, %dma_start3A_374] : memref<32x80x128xi32, #tpu.memory_space<hbm>> -> memref<1x80x128xi32, #tpu.memory_space<hbm>>
      %dma_start3A_376 = tpu.memref_squeeze %dma_start3A_375 : memref<1x80x128xi32, #tpu.memory_space<hbm>> -> memref<80x128xi32, #tpu.memory_space<hbm>>
      %dma_start3A_377 = arith.constant 0 : i32
      %dma_start3A_378 = arith.constant 0 : i32
      %dma_start3A_379 = tpu.memref_slice %arg4[%add3A, %dma_start3A_377, %dma_start3A_378] : memref<32x80x128xi32, #tpu.memory_space<hbm>> -> memref<1x80x128xi32, #tpu.memory_space<hbm>>
      %dma_start3A_380 = tpu.memref_squeeze %dma_start3A_379 : memref<1x80x128xi32, #tpu.memory_space<hbm>> -> memref<80x128xi32, #tpu.memory_space<hbm>>
      tpu.enqueue_dma source(%dma_start3A_380 : memref<80x128xi32, #tpu.memory_space<hbm>>) target(%arg9 : memref<80x128xi32, #tpu.memory_space<vmem>>) target_semaphore(%run_scoped3A : memref<!tpu.dma_semaphore, #tpu.memory_space<semaphore_mem>>)
      %dma_wait3A_381 = arith.constant 0 : i32
      %dma_wait3A_382 = arith.constant 0 : i32
      %dma_wait3A_383 = tpu.memref_slice %arg4[%add3A, %dma_wait3A_381, %dma_wait3A_382] : memref<32x80x128xi32, #tpu.memory_space<hbm>> -> memref<1x80x128xi32, #tpu.memory_space<hbm>>
      %dma_wait3A_384 = tpu.memref_squeeze %dma_wait3A_383 : memref<1x80x128xi32, #tpu.memory_space<hbm>> -> memref<80x128xi32, #tpu.memory_space<hbm>>
      %dma_wait3A_385 = arith.constant 0 : i32
      %dma_wait3A_386 = arith.constant 0 : i32
      %dma_wait3A_387 = tpu.memref_slice %arg4[%add3A, %dma_wait3A_385, %dma_wait3A_386] : memref<32x80x128xi32, #tpu.memory_space<hbm>> -> memref<1x80x128xi32, #tpu.memory_space<hbm>>
      %dma_wait3A_388 = tpu.memref_squeeze %dma_wait3A_387 : memref<1x80x128xi32, #tpu.memory_space<hbm>> -> memref<80x128xi32, #tpu.memory_space<hbm>>
      tpu.wait_dma2 semaphore(%run_scoped3A : memref<!tpu.dma_semaphore, #tpu.memory_space<semaphore_mem>>) src(%dma_wait3A_388 : memref<80x128xi32, #tpu.memory_space<hbm>>) dst(%arg9 : memref<80x128xi32, #tpu.memory_space<vmem>>)
      tpu.yield
    }) : () -> ()
    "tpu.region"() ({
      %run_scoped3A = tpu.sem_alloc : memref<!tpu.dma_semaphore, #tpu.memory_space<semaphore_mem>>
      %dma_start3A_373 = arith.constant 0 : i32
      %dma_start3A_374 = arith.constant 0 : i32
      %dma_start3A_375 = tpu.memref_slice %arg5[%add3A, %dma_start3A_373, %dma_start3A_374] : memref<32x80x128xi32, #tpu.memory_space<hbm>> -> memref<1x80x128xi32, #tpu.memory_space<hbm>>
      %dma_start3A_376 = tpu.memref_squeeze %dma_start3A_375 : memref<1x80x128xi32, #tpu.memory_space<hbm>> -> memref<80x128xi32, #tpu.memory_space<hbm>>
      %dma_start3A_377 = arith.constant 0 : i32
      %dma_start3A_378 = arith.constant 0 : i32
      %dma_start3A_379 = tpu.memref_slice %arg5[%add3A, %dma_start3A_377, %dma_start3A_378] : memref<32x80x128xi32, #tpu.memory_space<hbm>> -> memref<1x80x128xi32, #tpu.memory_space<hbm>>
      %dma_start3A_380 = tpu.memref_squeeze %dma_start3A_379 : memref<1x80x128xi32, #tpu.memory_space<hbm>> -> memref<80x128xi32, #tpu.memory_space<hbm>>
      tpu.enqueue_dma source(%dma_start3A_380 : memref<80x128xi32, #tpu.memory_space<hbm>>) target(%arg10 : memref<80x128xi32, #tpu.memory_space<vmem>>) target_semaphore(%run_scoped3A : memref<!tpu.dma_semaphore, #tpu.memory_space<semaphore_mem>>)
      %dma_wait3A_381 = arith.constant 0 : i32
      %dma_wait3A_382 = arith.constant 0 : i32
      %dma_wait3A_383 = tpu.memref_slice %arg5[%add3A, %dma_wait3A_381, %dma_wait3A_382] : memref<32x80x128xi32, #tpu.memory_space<hbm>> -> memref<1x80x128xi32, #tpu.memory_space<hbm>>
      %dma_wait3A_384 = tpu.memref_squeeze %dma_wait3A_383 : memref<1x80x128xi32, #tpu.memory_space<hbm>> -> memref<80x128xi32, #tpu.memory_space<hbm>>
      %dma_wait3A_385 = arith.constant 0 : i32
      %dma_wait3A_386 = arith.constant 0 : i32
      %dma_wait3A_387 = tpu.memref_slice %arg5[%add3A, %dma_wait3A_385, %dma_wait3A_386] : memref<32x80x128xi32, #tpu.memory_space<hbm>> -> memref<1x80x128xi32, #tpu.memory_space<hbm>>
      %dma_wait3A_388 = tpu.memref_squeeze %dma_wait3A_387 : memref<1x80x128xi32, #tpu.memory_space<hbm>> -> memref<80x128xi32, #tpu.memory_space<hbm>>
      tpu.wait_dma2 semaphore(%run_scoped3A : memref<!tpu.dma_semaphore, #tpu.memory_space<semaphore_mem>>) src(%dma_wait3A_388 : memref<80x128xi32, #tpu.memory_space<hbm>>) dst(%arg10 : memref<80x128xi32, #tpu.memory_space<vmem>>)
      tpu.yield
    }) : () -> ()
    "tpu.region"() ({
      %run_scoped3A = tpu.sem_alloc : memref<!tpu.dma_semaphore, #tpu.memory_space<semaphore_mem>>
      tpu.enqueue_dma source(%arg6 : memref<128x64xf32, #tpu.memory_space<hbm>>) target(%arg11 : memref<128x64xf32, #tpu.memory_space<vmem>>) target_semaphore(%run_scoped3A : memref<!tpu.dma_semaphore, #tpu.memory_space<semaphore_mem>>)
      tpu.wait_dma2 semaphore(%run_scoped3A : memref<!tpu.dma_semaphore, #tpu.memory_space<semaphore_mem>>) src(%arg6 : memref<128x64xf32, #tpu.memory_space<hbm>>) dst(%arg11 : memref<128x64xf32, #tpu.memory_space<vmem>>)
      tpu.yield
    }) : () -> ()
    %mul3A_1 = arith.constant 640 : i32
    %mul3A_2 = arith.muli %arg1, %mul3A_1 : i32
    %add3A_3 = arith.constant 0 : i32
    %add3A_4 = arith.addi %mul3A_2, %add3A_3 : i32
    "tpu.region"() ({
      %run_scoped3A = tpu.sem_alloc : memref<!tpu.dma_semaphore, #tpu.memory_space<semaphore_mem>>
      %dma_start3A_373 = arith.constant 0 : i32
      %dma_start3A_374 = tpu.memref_slice %arg26[%add3A_4, %dma_start3A_373] : memref<10240x64xf32, #tpu.memory_space<vmem_shared>> -> memref<128x64xf32, #tpu.memory_space<vmem_shared>>
      %dma_start3A_375 = arith.constant 0 : i32
      %dma_start3A_376 = tpu.memref_slice %arg26[%add3A_4, %dma_start3A_375] : memref<10240x64xf32, #tpu.memory_space<vmem_shared>> -> memref<128x64xf32, #tpu.memory_space<vmem_shared>>
      tpu.enqueue_dma source(%arg11 : memref<128x64xf32, #tpu.memory_space<vmem>>) target(%dma_start3A_376 : memref<128x64xf32, #tpu.memory_space<vmem_shared>>) target_semaphore(%run_scoped3A : memref<!tpu.dma_semaphore, #tpu.memory_space<semaphore_mem>>)
      %dma_wait3A_377 = arith.constant 0 : i32
      %dma_wait3A_378 = tpu.memref_slice %arg26[%add3A_4, %dma_wait3A_377] : memref<10240x64xf32, #tpu.memory_space<vmem_shared>> -> memref<128x64xf32, #tpu.memory_space<vmem_shared>>
      %dma_wait3A_379 = arith.constant 0 : i32
      %dma_wait3A_380 = tpu.memref_slice %arg26[%add3A_4, %dma_wait3A_379] : memref<10240x64xf32, #tpu.memory_space<vmem_shared>> -> memref<128x64xf32, #tpu.memory_space<vmem_shared>>
      tpu.wait_dma2 semaphore(%run_scoped3A : memref<!tpu.dma_semaphore, #tpu.memory_space<semaphore_mem>>) src(%arg11 : memref<128x64xf32, #tpu.memory_space<vmem>>) dst(%dma_wait3A_380 : memref<128x64xf32, #tpu.memory_space<vmem_shared>>)
      tpu.yield
    }) : () -> ()
    %mul3A_5 = arith.constant 640 : i32
    %mul3A_6 = arith.muli %arg1, %mul3A_5 : i32
    %add3A_7 = arith.constant 128 : i32
    %add3A_8 = arith.addi %mul3A_6, %add3A_7 : i32
    "tpu.region"() ({
      %run_scoped3A = tpu.sem_alloc : memref<!tpu.dma_semaphore, #tpu.memory_space<semaphore_mem>>
      %dma_start3A_373 = arith.constant 0 : i32
      %dma_start3A_374 = tpu.memref_slice %arg26[%add3A_8, %dma_start3A_373] : memref<10240x64xf32, #tpu.memory_space<vmem_shared>> -> memref<128x64xf32, #tpu.memory_space<vmem_shared>>
      %dma_start3A_375 = arith.constant 0 : i32
      %dma_start3A_376 = tpu.memref_slice %arg26[%add3A_8, %dma_start3A_375] : memref<10240x64xf32, #tpu.memory_space<vmem_shared>> -> memref<128x64xf32, #tpu.memory_space<vmem_shared>>
      tpu.enqueue_dma source(%arg11 : memref<128x64xf32, #tpu.memory_space<vmem>>) target(%dma_start3A_376 : memref<128x64xf32, #tpu.memory_space<vmem_shared>>) target_semaphore(%run_scoped3A : memref<!tpu.dma_semaphore, #tpu.memory_space<semaphore_mem>>)
      %dma_wait3A_377 = arith.constant 0 : i32
      %dma_wait3A_378 = tpu.memref_slice %arg26[%add3A_8, %dma_wait3A_377] : memref<10240x64xf32, #tpu.memory_space<vmem_shared>> -> memref<128x64xf32, #tpu.memory_space<vmem_shared>>
      %dma_wait3A_379 = arith.constant 0 : i32
      %dma_wait3A_380 = tpu.memref_slice %arg26[%add3A_8, %dma_wait3A_379] : memref<10240x64xf32, #tpu.memory_space<vmem_shared>> -> memref<128x64xf32, #tpu.memory_space<vmem_shared>>
      tpu.wait_dma2 semaphore(%run_scoped3A : memref<!tpu.dma_semaphore, #tpu.memory_space<semaphore_mem>>) src(%arg11 : memref<128x64xf32, #tpu.memory_space<vmem>>) dst(%dma_wait3A_380 : memref<128x64xf32, #tpu.memory_space<vmem_shared>>)
      tpu.yield
    }) : () -> ()
    %mul3A_9 = arith.constant 640 : i32
    %mul3A_10 = arith.muli %arg1, %mul3A_9 : i32
    %add3A_11 = arith.constant 256 : i32
    %add3A_12 = arith.addi %mul3A_10, %add3A_11 : i32
    "tpu.region"() ({
      %run_scoped3A = tpu.sem_alloc : memref<!tpu.dma_semaphore, #tpu.memory_space<semaphore_mem>>
      %dma_start3A_373 = arith.constant 0 : i32
      %dma_start3A_374 = tpu.memref_slice %arg26[%add3A_12, %dma_start3A_373] : memref<10240x64xf32, #tpu.memory_space<vmem_shared>> -> memref<128x64xf32, #tpu.memory_space<vmem_shared>>
      %dma_start3A_375 = arith.constant 0 : i32
      %dma_start3A_376 = tpu.memref_slice %arg26[%add3A_12, %dma_start3A_375] : memref<10240x64xf32, #tpu.memory_space<vmem_shared>> -> memref<128x64xf32, #tpu.memory_space<vmem_shared>>
      tpu.enqueue_dma source(%arg11 : memref<128x64xf32, #tpu.memory_space<vmem>>) target(%dma_start3A_376 : memref<128x64xf32, #tpu.memory_space<vmem_shared>>) target_semaphore(%run_scoped3A : memref<!tpu.dma_semaphore, #tpu.memory_space<semaphore_mem>>)
      %dma_wait3A_377 = arith.constant 0 : i32
      %dma_wait3A_378 = tpu.memref_slice %arg26[%add3A_12, %dma_wait3A_377] : memref<10240x64xf32, #tpu.memory_space<vmem_shared>> -> memref<128x64xf32, #tpu.memory_space<vmem_shared>>
      %dma_wait3A_379 = arith.constant 0 : i32
      %dma_wait3A_380 = tpu.memref_slice %arg26[%add3A_12, %dma_wait3A_379] : memref<10240x64xf32, #tpu.memory_space<vmem_shared>> -> memref<128x64xf32, #tpu.memory_space<vmem_shared>>
      tpu.wait_dma2 semaphore(%run_scoped3A : memref<!tpu.dma_semaphore, #tpu.memory_space<semaphore_mem>>) src(%arg11 : memref<128x64xf32, #tpu.memory_space<vmem>>) dst(%dma_wait3A_380 : memref<128x64xf32, #tpu.memory_space<vmem_shared>>)
      tpu.yield
    }) : () -> ()
    %mul3A_13 = arith.constant 640 : i32
    %mul3A_14 = arith.muli %arg1, %mul3A_13 : i32
    %add3A_15 = arith.constant 384 : i32
    %add3A_16 = arith.addi %mul3A_14, %add3A_15 : i32
    "tpu.region"() ({
      %run_scoped3A = tpu.sem_alloc : memref<!tpu.dma_semaphore, #tpu.memory_space<semaphore_mem>>
      %dma_start3A_373 = arith.constant 0 : i32
      %dma_start3A_374 = tpu.memref_slice %arg26[%add3A_16, %dma_start3A_373] : memref<10240x64xf32, #tpu.memory_space<vmem_shared>> -> memref<128x64xf32, #tpu.memory_space<vmem_shared>>
      %dma_start3A_375 = arith.constant 0 : i32
      %dma_start3A_376 = tpu.memref_slice %arg26[%add3A_16, %dma_start3A_375] : memref<10240x64xf32, #tpu.memory_space<vmem_shared>> -> memref<128x64xf32, #tpu.memory_space<vmem_shared>>
      tpu.enqueue_dma source(%arg11 : memref<128x64xf32, #tpu.memory_space<vmem>>) target(%dma_start3A_376 : memref<128x64xf32, #tpu.memory_space<vmem_shared>>) target_semaphore(%run_scoped3A : memref<!tpu.dma_semaphore, #tpu.memory_space<semaphore_mem>>)
      %dma_wait3A_377 = arith.constant 0 : i32
      %dma_wait3A_378 = tpu.memref_slice %arg26[%add3A_16, %dma_wait3A_377] : memref<10240x64xf32, #tpu.memory_space<vmem_shared>> -> memref<128x64xf32, #tpu.memory_space<vmem_shared>>
      %dma_wait3A_379 = arith.constant 0 : i32
      %dma_wait3A_380 = tpu.memref_slice %arg26[%add3A_16, %dma_wait3A_379] : memref<10240x64xf32, #tpu.memory_space<vmem_shared>> -> memref<128x64xf32, #tpu.memory_space<vmem_shared>>
      tpu.wait_dma2 semaphore(%run_scoped3A : memref<!tpu.dma_semaphore, #tpu.memory_space<semaphore_mem>>) src(%arg11 : memref<128x64xf32, #tpu.memory_space<vmem>>) dst(%dma_wait3A_380 : memref<128x64xf32, #tpu.memory_space<vmem_shared>>)
      tpu.yield
    }) : () -> ()
    %mul3A_17 = arith.constant 640 : i32
    %mul3A_18 = arith.muli %arg1, %mul3A_17 : i32
    %add3A_19 = arith.constant 512 : i32
    %add3A_20 = arith.addi %mul3A_18, %add3A_19 : i32
    "tpu.region"() ({
      %run_scoped3A = tpu.sem_alloc : memref<!tpu.dma_semaphore, #tpu.memory_space<semaphore_mem>>
      %dma_start3A_373 = arith.constant 0 : i32
      %dma_start3A_374 = tpu.memref_slice %arg26[%add3A_20, %dma_start3A_373] : memref<10240x64xf32, #tpu.memory_space<vmem_shared>> -> memref<128x64xf32, #tpu.memory_space<vmem_shared>>
      %dma_start3A_375 = arith.constant 0 : i32
      %dma_start3A_376 = tpu.memref_slice %arg26[%add3A_20, %dma_start3A_375] : memref<10240x64xf32, #tpu.memory_space<vmem_shared>> -> memref<128x64xf32, #tpu.memory_space<vmem_shared>>
      tpu.enqueue_dma source(%arg11 : memref<128x64xf32, #tpu.memory_space<vmem>>) target(%dma_start3A_376 : memref<128x64xf32, #tpu.memory_space<vmem_shared>>) target_semaphore(%run_scoped3A : memref<!tpu.dma_semaphore, #tpu.memory_space<semaphore_mem>>)
      %dma_wait3A_377 = arith.constant 0 : i32
      %dma_wait3A_378 = tpu.memref_slice %arg26[%add3A_20, %dma_wait3A_377] : memref<10240x64xf32, #tpu.memory_space<vmem_shared>> -> memref<128x64xf32, #tpu.memory_space<vmem_shared>>
      %dma_wait3A_379 = arith.constant 0 : i32
      %dma_wait3A_380 = tpu.memref_slice %arg26[%add3A_20, %dma_wait3A_379] : memref<10240x64xf32, #tpu.memory_space<vmem_shared>> -> memref<128x64xf32, #tpu.memory_space<vmem_shared>>
      tpu.wait_dma2 semaphore(%run_scoped3A : memref<!tpu.dma_semaphore, #tpu.memory_space<semaphore_mem>>) src(%arg11 : memref<128x64xf32, #tpu.memory_space<vmem>>) dst(%dma_wait3A_380 : memref<128x64xf32, #tpu.memory_space<vmem_shared>>)
      tpu.yield
    }) : () -> ()
    %barrier3A = arith.constant 0 : index
    tpu.barrier barrier_id(%barrier3A)
    %dma_start3A = arith.constant 0 : i32
    %dma_start3A_21 = arith.constant 0 : i32
    %dma_start3A_22 = tpu.memref_slice %arg9[%dma_start3A, %dma_start3A_21] : memref<80x128xi32, #tpu.memory_space<vmem>> -> memref<1x128xi32, #tpu.memory_space<vmem>>
    %dma_start3A_23 = tpu.memref_squeeze %dma_start3A_22 : memref<1x128xi32, #tpu.memory_space<vmem>> -> memref<128xi32, #tpu.memory_space<vmem>>
    %dma_start3A_24 = arith.constant 0 : i32
    %dma_start3A_25 = arith.constant 0 : i32
    %dma_start3A_26 = tpu.memref_slice %arg2[%dma_start3A_24, %dma_start3A_25] : memref<10000x64xf32, #tpu.memory_space<hbm>> -> memref<10000x64xf32, #tpu.memory_space<hbm>>
    tpu.enqueue_indirect_dma source(%dma_start3A_26 : memref<10000x64xf32, #tpu.memory_space<hbm>>) target(%arg11 : memref<128x64xf32, #tpu.memory_space<vmem>>) offsets(%dma_start3A_23 : memref<128xi32, #tpu.memory_space<vmem>>) semaphore(%arg16 : memref<!tpu.dma_semaphore, #tpu.memory_space<semaphore_mem>>)
    %dma_start3A_27 = arith.constant 1 : i32
    %dma_start3A_28 = arith.constant 0 : i32
    %dma_start3A_29 = tpu.memref_slice %arg9[%dma_start3A_27, %dma_start3A_28] : memref<80x128xi32, #tpu.memory_space<vmem>> -> memref<1x128xi32, #tpu.memory_space<vmem>>
    %dma_start3A_30 = tpu.memref_squeeze %dma_start3A_29 : memref<1x128xi32, #tpu.memory_space<vmem>> -> memref<128xi32, #tpu.memory_space<vmem>>
    %dma_start3A_31 = arith.constant 0 : i32
    %dma_start3A_32 = arith.constant 0 : i32
    %dma_start3A_33 = tpu.memref_slice %arg2[%dma_start3A_31, %dma_start3A_32] : memref<10000x64xf32, #tpu.memory_space<hbm>> -> memref<10000x64xf32, #tpu.memory_space<hbm>>
    tpu.enqueue_indirect_dma source(%dma_start3A_33 : memref<10000x64xf32, #tpu.memory_space<hbm>>) target(%arg12 : memref<128x64xf32, #tpu.memory_space<vmem>>) offsets(%dma_start3A_30 : memref<128xi32, #tpu.memory_space<vmem>>) semaphore(%arg17 : memref<!tpu.dma_semaphore, #tpu.memory_space<semaphore_mem>>)
    %dma_start3A_34 = arith.constant 2 : i32
    %dma_start3A_35 = arith.constant 0 : i32
    %dma_start3A_36 = tpu.memref_slice %arg9[%dma_start3A_34, %dma_start3A_35] : memref<80x128xi32, #tpu.memory_space<vmem>> -> memref<1x128xi32, #tpu.memory_space<vmem>>
    %dma_start3A_37 = tpu.memref_squeeze %dma_start3A_36 : memref<1x128xi32, #tpu.memory_space<vmem>> -> memref<128xi32, #tpu.memory_space<vmem>>
    %dma_start3A_38 = arith.constant 0 : i32
    %dma_start3A_39 = arith.constant 0 : i32
    %dma_start3A_40 = tpu.memref_slice %arg2[%dma_start3A_38, %dma_start3A_39] : memref<10000x64xf32, #tpu.memory_space<hbm>> -> memref<10000x64xf32, #tpu.memory_space<hbm>>
    tpu.enqueue_indirect_dma source(%dma_start3A_40 : memref<10000x64xf32, #tpu.memory_space<hbm>>) target(%arg13 : memref<128x64xf32, #tpu.memory_space<vmem>>) offsets(%dma_start3A_37 : memref<128xi32, #tpu.memory_space<vmem>>) semaphore(%arg18 : memref<!tpu.dma_semaphore, #tpu.memory_space<semaphore_mem>>)
    %dma_start3A_41 = arith.constant 3 : i32
    %dma_start3A_42 = arith.constant 0 : i32
    %dma_start3A_43 = tpu.memref_slice %arg9[%dma_start3A_41, %dma_start3A_42] : memref<80x128xi32, #tpu.memory_space<vmem>> -> memref<1x128xi32, #tpu.memory_space<vmem>>
    %dma_start3A_44 = tpu.memref_squeeze %dma_start3A_43 : memref<1x128xi32, #tpu.memory_space<vmem>> -> memref<128xi32, #tpu.memory_space<vmem>>
    %dma_start3A_45 = arith.constant 0 : i32
    %dma_start3A_46 = arith.constant 0 : i32
    %dma_start3A_47 = tpu.memref_slice %arg2[%dma_start3A_45, %dma_start3A_46] : memref<10000x64xf32, #tpu.memory_space<hbm>> -> memref<10000x64xf32, #tpu.memory_space<hbm>>
    tpu.enqueue_indirect_dma source(%dma_start3A_47 : memref<10000x64xf32, #tpu.memory_space<hbm>>) target(%arg14 : memref<128x64xf32, #tpu.memory_space<vmem>>) offsets(%dma_start3A_44 : memref<128xi32, #tpu.memory_space<vmem>>) semaphore(%arg19 : memref<!tpu.dma_semaphore, #tpu.memory_space<semaphore_mem>>)
    %dma_start3A_48 = arith.constant 4 : i32
    %dma_start3A_49 = arith.constant 0 : i32
    %dma_start3A_50 = tpu.memref_slice %arg9[%dma_start3A_48, %dma_start3A_49] : memref<80x128xi32, #tpu.memory_space<vmem>> -> memref<1x128xi32, #tpu.memory_space<vmem>>
    %dma_start3A_51 = tpu.memref_squeeze %dma_start3A_50 : memref<1x128xi32, #tpu.memory_space<vmem>> -> memref<128xi32, #tpu.memory_space<vmem>>
    %dma_start3A_52 = arith.constant 0 : i32
    %dma_start3A_53 = arith.constant 0 : i32
    %dma_start3A_54 = tpu.memref_slice %arg2[%dma_start3A_52, %dma_start3A_53] : memref<10000x64xf32, #tpu.memory_space<hbm>> -> memref<10000x64xf32, #tpu.memory_space<hbm>>
    tpu.enqueue_indirect_dma source(%dma_start3A_54 : memref<10000x64xf32, #tpu.memory_space<hbm>>) target(%arg15 : memref<128x64xf32, #tpu.memory_space<vmem>>) offsets(%dma_start3A_51 : memref<128xi32, #tpu.memory_space<vmem>>) semaphore(%arg20 : memref<!tpu.dma_semaphore, #tpu.memory_space<semaphore_mem>>)
    %scan3A = arith.constant 0 : i32
    %scan3A_55 = arith.constant 0 : i32
    %scan3A_56 = arith.constant 15 : i32
    %scan3A_57 = arith.addi %scan3A_55, %scan3A_56 : i32
    %scan3A_58 = arith.constant 1 : i32
    scf.for %scan3A_373 = %scan3A_55 to %scan3A_57 step %scan3A_58  : i32 {
      %mul3A_374 = arith.constant 5 : i32
      %mul3A_375 = arith.muli %mul3A_374, %scan3A_373 : i32
      %add3A_376 = arith.constant 0 : i32
      %add3A_377 = arith.addi %mul3A_375, %add3A_376 : i32
      %dma_wait3A_378 = arith.constant 0 : i32
      %dma_wait3A_379 = tpu.memref_slice %arg9[%add3A_377, %dma_wait3A_378] : memref<80x128xi32, #tpu.memory_space<vmem>> -> memref<1x128xi32, #tpu.memory_space<vmem>>
      %dma_wait3A_380 = tpu.memref_squeeze %dma_wait3A_379 : memref<1x128xi32, #tpu.memory_space<vmem>> -> memref<128xi32, #tpu.memory_space<vmem>>
      %dma_wait3A_381 = arith.constant 0 : i32
      %dma_wait3A_382 = arith.constant 0 : i32
      %dma_wait3A_383 = tpu.memref_slice %arg2[%dma_wait3A_381, %dma_wait3A_382] : memref<10000x64xf32, #tpu.memory_space<hbm>> -> memref<10000x64xf32, #tpu.memory_space<hbm>>
      tpu.wait_indirect_dma semaphore(%arg16 : memref<!tpu.dma_semaphore, #tpu.memory_space<semaphore_mem>>) src(%dma_wait3A_383 : memref<10000x64xf32, #tpu.memory_space<hbm>>) dst(%arg11 : memref<128x64xf32, #tpu.memory_space<vmem>>)
      %add3A_384 = arith.constant 0 : i32
      %add3A_385 = arith.addi %mul3A_375, %add3A_384 : i32
      %dma_start3A_386 = arith.constant 0 : i32
      %dma_start3A_387 = tpu.memref_slice %arg10[%add3A_385, %dma_start3A_386] : memref<80x128xi32, #tpu.memory_space<vmem>> -> memref<1x128xi32, #tpu.memory_space<vmem>>
      %dma_start3A_388 = tpu.memref_squeeze %dma_start3A_387 : memref<1x128xi32, #tpu.memory_space<vmem>> -> memref<128xi32, #tpu.memory_space<vmem>>
      %dma_start3A_389 = arith.constant 0 : i32
      %dma_start3A_390 = arith.constant 0 : i32
      %dma_start3A_391 = tpu.memref_slice %arg26[%dma_start3A_389, %dma_start3A_390] : memref<10240x64xf32, #tpu.memory_space<vmem_shared>> -> memref<10240x64xf32, #tpu.memory_space<vmem_shared>>
      tpu.enqueue_indirect_dma source(%arg11 : memref<128x64xf32, #tpu.memory_space<vmem>>) target(%dma_start3A_391 : memref<10240x64xf32, #tpu.memory_space<vmem_shared>>) offsets(%dma_start3A_388 : memref<128xi32, #tpu.memory_space<vmem>>) semaphore(%arg21 : memref<!tpu.dma_semaphore, #tpu.memory_space<semaphore_mem>>) {add = true}
      %add3A_392 = arith.constant 1 : i32
      %add3A_393 = arith.addi %mul3A_375, %add3A_392 : i32
      %dma_wait3A_394 = arith.constant 0 : i32
      %dma_wait3A_395 = tpu.memref_slice %arg9[%add3A_393, %dma_wait3A_394] : memref<80x128xi32, #tpu.memory_space<vmem>> -> memref<1x128xi32, #tpu.memory_space<vmem>>
      %dma_wait3A_396 = tpu.memref_squeeze %dma_wait3A_395 : memref<1x128xi32, #tpu.memory_space<vmem>> -> memref<128xi32, #tpu.memory_space<vmem>>
      %dma_wait3A_397 = arith.constant 0 : i32
      %dma_wait3A_398 = arith.constant 0 : i32
      %dma_wait3A_399 = tpu.memref_slice %arg2[%dma_wait3A_397, %dma_wait3A_398] : memref<10000x64xf32, #tpu.memory_space<hbm>> -> memref<10000x64xf32, #tpu.memory_space<hbm>>
      tpu.wait_indirect_dma semaphore(%arg17 : memref<!tpu.dma_semaphore, #tpu.memory_space<semaphore_mem>>) src(%dma_wait3A_399 : memref<10000x64xf32, #tpu.memory_space<hbm>>) dst(%arg12 : memref<128x64xf32, #tpu.memory_space<vmem>>)
      %add3A_400 = arith.constant 1 : i32
      %add3A_401 = arith.addi %mul3A_375, %add3A_400 : i32
      %dma_start3A_402 = arith.constant 0 : i32
      %dma_start3A_403 = tpu.memref_slice %arg10[%add3A_401, %dma_start3A_402] : memref<80x128xi32, #tpu.memory_space<vmem>> -> memref<1x128xi32, #tpu.memory_space<vmem>>
      %dma_start3A_404 = tpu.memref_squeeze %dma_start3A_403 : memref<1x128xi32, #tpu.memory_space<vmem>> -> memref<128xi32, #tpu.memory_space<vmem>>
      %dma_start3A_405 = arith.constant 0 : i32
      %dma_start3A_406 = arith.constant 0 : i32
      %dma_start3A_407 = tpu.memref_slice %arg26[%dma_start3A_405, %dma_start3A_406] : memref<10240x64xf32, #tpu.memory_space<vmem_shared>> -> memref<10240x64xf32, #tpu.memory_space<vmem_shared>>
      tpu.enqueue_indirect_dma source(%arg12 : memref<128x64xf32, #tpu.memory_space<vmem>>) target(%dma_start3A_407 : memref<10240x64xf32, #tpu.memory_space<vmem_shared>>) offsets(%dma_start3A_404 : memref<128xi32, #tpu.memory_space<vmem>>) semaphore(%arg22 : memref<!tpu.dma_semaphore, #tpu.memory_space<semaphore_mem>>) {add = true}
      %add3A_408 = arith.constant 2 : i32
      %add3A_409 = arith.addi %mul3A_375, %add3A_408 : i32
      %dma_wait3A_410 = arith.constant 0 : i32
      %dma_wait3A_411 = tpu.memref_slice %arg9[%add3A_409, %dma_wait3A_410] : memref<80x128xi32, #tpu.memory_space<vmem>> -> memref<1x128xi32, #tpu.memory_space<vmem>>
      %dma_wait3A_412 = tpu.memref_squeeze %dma_wait3A_411 : memref<1x128xi32, #tpu.memory_space<vmem>> -> memref<128xi32, #tpu.memory_space<vmem>>
      %dma_wait3A_413 = arith.constant 0 : i32
      %dma_wait3A_414 = arith.constant 0 : i32
      %dma_wait3A_415 = tpu.memref_slice %arg2[%dma_wait3A_413, %dma_wait3A_414] : memref<10000x64xf32, #tpu.memory_space<hbm>> -> memref<10000x64xf32, #tpu.memory_space<hbm>>
      tpu.wait_indirect_dma semaphore(%arg18 : memref<!tpu.dma_semaphore, #tpu.memory_space<semaphore_mem>>) src(%dma_wait3A_415 : memref<10000x64xf32, #tpu.memory_space<hbm>>) dst(%arg13 : memref<128x64xf32, #tpu.memory_space<vmem>>)
      %add3A_416 = arith.constant 2 : i32
      %add3A_417 = arith.addi %mul3A_375, %add3A_416 : i32
      %dma_start3A_418 = arith.constant 0 : i32
      %dma_start3A_419 = tpu.memref_slice %arg10[%add3A_417, %dma_start3A_418] : memref<80x128xi32, #tpu.memory_space<vmem>> -> memref<1x128xi32, #tpu.memory_space<vmem>>
      %dma_start3A_420 = tpu.memref_squeeze %dma_start3A_419 : memref<1x128xi32, #tpu.memory_space<vmem>> -> memref<128xi32, #tpu.memory_space<vmem>>
      %dma_start3A_421 = arith.constant 0 : i32
      %dma_start3A_422 = arith.constant 0 : i32
      %dma_start3A_423 = tpu.memref_slice %arg26[%dma_start3A_421, %dma_start3A_422] : memref<10240x64xf32, #tpu.memory_space<vmem_shared>> -> memref<10240x64xf32, #tpu.memory_space<vmem_shared>>
      tpu.enqueue_indirect_dma source(%arg13 : memref<128x64xf32, #tpu.memory_space<vmem>>) target(%dma_start3A_423 : memref<10240x64xf32, #tpu.memory_space<vmem_shared>>) offsets(%dma_start3A_420 : memref<128xi32, #tpu.memory_space<vmem>>) semaphore(%arg23 : memref<!tpu.dma_semaphore, #tpu.memory_space<semaphore_mem>>) {add = true}
      %add3A_424 = arith.constant 3 : i32
      %add3A_425 = arith.addi %mul3A_375, %add3A_424 : i32
      %dma_wait3A_426 = arith.constant 0 : i32
      %dma_wait3A_427 = tpu.memref_slice %arg9[%add3A_425, %dma_wait3A_426] : memref<80x128xi32, #tpu.memory_space<vmem>> -> memref<1x128xi32, #tpu.memory_space<vmem>>
      %dma_wait3A_428 = tpu.memref_squeeze %dma_wait3A_427 : memref<1x128xi32, #tpu.memory_space<vmem>> -> memref<128xi32, #tpu.memory_space<vmem>>
      %dma_wait3A_429 = arith.constant 0 : i32
      %dma_wait3A_430 = arith.constant 0 : i32
      %dma_wait3A_431 = tpu.memref_slice %arg2[%dma_wait3A_429, %dma_wait3A_430] : memref<10000x64xf32, #tpu.memory_space<hbm>> -> memref<10000x64xf32, #tpu.memory_space<hbm>>
      tpu.wait_indirect_dma semaphore(%arg19 : memref<!tpu.dma_semaphore, #tpu.memory_space<semaphore_mem>>) src(%dma_wait3A_431 : memref<10000x64xf32, #tpu.memory_space<hbm>>) dst(%arg14 : memref<128x64xf32, #tpu.memory_space<vmem>>)
      %add3A_432 = arith.constant 3 : i32
      %add3A_433 = arith.addi %mul3A_375, %add3A_432 : i32
      %dma_start3A_434 = arith.constant 0 : i32
      %dma_start3A_435 = tpu.memref_slice %arg10[%add3A_433, %dma_start3A_434] : memref<80x128xi32, #tpu.memory_space<vmem>> -> memref<1x128xi32, #tpu.memory_space<vmem>>
      %dma_start3A_436 = tpu.memref_squeeze %dma_start3A_435 : memref<1x128xi32, #tpu.memory_space<vmem>> -> memref<128xi32, #tpu.memory_space<vmem>>
      %dma_start3A_437 = arith.constant 0 : i32
      %dma_start3A_438 = arith.constant 0 : i32
      %dma_start3A_439 = tpu.memref_slice %arg26[%dma_start3A_437, %dma_start3A_438] : memref<10240x64xf32, #tpu.memory_space<vmem_shared>> -> memref<10240x64xf32, #tpu.memory_space<vmem_shared>>
      tpu.enqueue_indirect_dma source(%arg14 : memref<128x64xf32, #tpu.memory_space<vmem>>) target(%dma_start3A_439 : memref<10240x64xf32, #tpu.memory_space<vmem_shared>>) offsets(%dma_start3A_436 : memref<128xi32, #tpu.memory_space<vmem>>) semaphore(%arg24 : memref<!tpu.dma_semaphore, #tpu.memory_space<semaphore_mem>>) {add = true}
      %add3A_440 = arith.constant 4 : i32
      %add3A_441 = arith.addi %mul3A_375, %add3A_440 : i32
      %dma_wait3A_442 = arith.constant 0 : i32
      %dma_wait3A_443 = tpu.memref_slice %arg9[%add3A_441, %dma_wait3A_442] : memref<80x128xi32, #tpu.memory_space<vmem>> -> memref<1x128xi32, #tpu.memory_space<vmem>>
      %dma_wait3A_444 = tpu.memref_squeeze %dma_wait3A_443 : memref<1x128xi32, #tpu.memory_space<vmem>> -> memref<128xi32, #tpu.memory_space<vmem>>
      %dma_wait3A_445 = arith.constant 0 : i32
      %dma_wait3A_446 = arith.constant 0 : i32
      %dma_wait3A_447 = tpu.memref_slice %arg2[%dma_wait3A_445, %dma_wait3A_446] : memref<10000x64xf32, #tpu.memory_space<hbm>> -> memref<10000x64xf32, #tpu.memory_space<hbm>>
      tpu.wait_indirect_dma semaphore(%arg20 : memref<!tpu.dma_semaphore, #tpu.memory_space<semaphore_mem>>) src(%dma_wait3A_447 : memref<10000x64xf32, #tpu.memory_space<hbm>>) dst(%arg15 : memref<128x64xf32, #tpu.memory_space<vmem>>)
      %add3A_448 = arith.constant 4 : i32
      %add3A_449 = arith.addi %mul3A_375, %add3A_448 : i32
      %dma_start3A_450 = arith.constant 0 : i32
      %dma_start3A_451 = tpu.memref_slice %arg10[%add3A_449, %dma_start3A_450] : memref<80x128xi32, #tpu.memory_space<vmem>> -> memref<1x128xi32, #tpu.memory_space<vmem>>
      %dma_start3A_452 = tpu.memref_squeeze %dma_start3A_451 : memref<1x128xi32, #tpu.memory_space<vmem>> -> memref<128xi32, #tpu.memory_space<vmem>>
      %dma_start3A_453 = arith.constant 0 : i32
      %dma_start3A_454 = arith.constant 0 : i32
      %dma_start3A_455 = tpu.memref_slice %arg26[%dma_start3A_453, %dma_start3A_454] : memref<10240x64xf32, #tpu.memory_space<vmem_shared>> -> memref<10240x64xf32, #tpu.memory_space<vmem_shared>>
      tpu.enqueue_indirect_dma source(%arg15 : memref<128x64xf32, #tpu.memory_space<vmem>>) target(%dma_start3A_455 : memref<10240x64xf32, #tpu.memory_space<vmem_shared>>) offsets(%dma_start3A_452 : memref<128xi32, #tpu.memory_space<vmem>>) semaphore(%arg25 : memref<!tpu.dma_semaphore, #tpu.memory_space<semaphore_mem>>) {add = true}
      %add3A_456 = arith.constant 0 : i32
      %add3A_457 = arith.addi %mul3A_375, %add3A_456 : i32
      %dma_wait3A_458 = arith.constant 0 : i32
      %dma_wait3A_459 = tpu.memref_slice %arg10[%add3A_457, %dma_wait3A_458] : memref<80x128xi32, #tpu.memory_space<vmem>> -> memref<1x128xi32, #tpu.memory_space<vmem>>
      %dma_wait3A_460 = tpu.memref_squeeze %dma_wait3A_459 : memref<1x128xi32, #tpu.memory_space<vmem>> -> memref<128xi32, #tpu.memory_space<vmem>>
      %dma_wait3A_461 = arith.constant 0 : i32
      %dma_wait3A_462 = arith.constant 0 : i32
      %dma_wait3A_463 = tpu.memref_slice %arg26[%dma_wait3A_461, %dma_wait3A_462] : memref<10240x64xf32, #tpu.memory_space<vmem_shared>> -> memref<10240x64xf32, #tpu.memory_space<vmem_shared>>
      tpu.wait_indirect_dma semaphore(%arg21 : memref<!tpu.dma_semaphore, #tpu.memory_space<semaphore_mem>>) src(%arg11 : memref<128x64xf32, #tpu.memory_space<vmem>>) dst(%dma_wait3A_463 : memref<10240x64xf32, #tpu.memory_space<vmem_shared>>)
      %add3A_464 = arith.constant 5 : i32
      %add3A_465 = arith.addi %mul3A_375, %add3A_464 : i32
      %add3A_466 = arith.constant 0 : i32
      %add3A_467 = arith.addi %add3A_465, %add3A_466 : i32
      %dma_start3A_468 = arith.constant 0 : i32
      %dma_start3A_469 = tpu.memref_slice %arg9[%add3A_467, %dma_start3A_468] : memref<80x128xi32, #tpu.memory_space<vmem>> -> memref<1x128xi32, #tpu.memory_space<vmem>>
      %dma_start3A_470 = tpu.memref_squeeze %dma_start3A_469 : memref<1x128xi32, #tpu.memory_space<vmem>> -> memref<128xi32, #tpu.memory_space<vmem>>
      %dma_start3A_471 = arith.constant 0 : i32
      %dma_start3A_472 = arith.constant 0 : i32
      %dma_start3A_473 = tpu.memref_slice %arg2[%dma_start3A_471, %dma_start3A_472] : memref<10000x64xf32, #tpu.memory_space<hbm>> -> memref<10000x64xf32, #tpu.memory_space<hbm>>
      tpu.enqueue_indirect_dma source(%dma_start3A_473 : memref<10000x64xf32, #tpu.memory_space<hbm>>) target(%arg11 : memref<128x64xf32, #tpu.memory_space<vmem>>) offsets(%dma_start3A_470 : memref<128xi32, #tpu.memory_space<vmem>>) semaphore(%arg16 : memref<!tpu.dma_semaphore, #tpu.memory_space<semaphore_mem>>)
      %add3A_474 = arith.constant 1 : i32
      %add3A_475 = arith.addi %mul3A_375, %add3A_474 : i32
      %dma_wait3A_476 = arith.constant 0 : i32
      %dma_wait3A_477 = tpu.memref_slice %arg10[%add3A_475, %dma_wait3A_476] : memref<80x128xi32, #tpu.memory_space<vmem>> -> memref<1x128xi32, #tpu.memory_space<vmem>>
      %dma_wait3A_478 = tpu.memref_squeeze %dma_wait3A_477 : memref<1x128xi32, #tpu.memory_space<vmem>> -> memref<128xi32, #tpu.memory_space<vmem>>
      %dma_wait3A_479 = arith.constant 0 : i32
      %dma_wait3A_480 = arith.constant 0 : i32
      %dma_wait3A_481 = tpu.memref_slice %arg26[%dma_wait3A_479, %dma_wait3A_480] : memref<10240x64xf32, #tpu.memory_space<vmem_shared>> -> memref<10240x64xf32, #tpu.memory_space<vmem_shared>>
      tpu.wait_indirect_dma semaphore(%arg22 : memref<!tpu.dma_semaphore, #tpu.memory_space<semaphore_mem>>) src(%arg12 : memref<128x64xf32, #tpu.memory_space<vmem>>) dst(%dma_wait3A_481 : memref<10240x64xf32, #tpu.memory_space<vmem_shared>>)
      %add3A_482 = arith.constant 5 : i32
      %add3A_483 = arith.addi %mul3A_375, %add3A_482 : i32
      %add3A_484 = arith.constant 1 : i32
      %add3A_485 = arith.addi %add3A_483, %add3A_484 : i32
      %dma_start3A_486 = arith.constant 0 : i32
      %dma_start3A_487 = tpu.memref_slice %arg9[%add3A_485, %dma_start3A_486] : memref<80x128xi32, #tpu.memory_space<vmem>> -> memref<1x128xi32, #tpu.memory_space<vmem>>
      %dma_start3A_488 = tpu.memref_squeeze %dma_start3A_487 : memref<1x128xi32, #tpu.memory_space<vmem>> -> memref<128xi32, #tpu.memory_space<vmem>>
      %dma_start3A_489 = arith.constant 0 : i32
      %dma_start3A_490 = arith.constant 0 : i32
      %dma_start3A_491 = tpu.memref_slice %arg2[%dma_start3A_489, %dma_start3A_490] : memref<10000x64xf32, #tpu.memory_space<hbm>> -> memref<10000x64xf32, #tpu.memory_space<hbm>>
      tpu.enqueue_indirect_dma source(%dma_start3A_491 : memref<10000x64xf32, #tpu.memory_space<hbm>>) target(%arg12 : memref<128x64xf32, #tpu.memory_space<vmem>>) offsets(%dma_start3A_488 : memref<128xi32, #tpu.memory_space<vmem>>) semaphore(%arg17 : memref<!tpu.dma_semaphore, #tpu.memory_space<semaphore_mem>>)
      %add3A_492 = arith.constant 2 : i32
      %add3A_493 = arith.addi %mul3A_375, %add3A_492 : i32
      %dma_wait3A_494 = arith.constant 0 : i32
      %dma_wait3A_495 = tpu.memref_slice %arg10[%add3A_493, %dma_wait3A_494] : memref<80x128xi32, #tpu.memory_space<vmem>> -> memref<1x128xi32, #tpu.memory_space<vmem>>
      %dma_wait3A_496 = tpu.memref_squeeze %dma_wait3A_495 : memref<1x128xi32, #tpu.memory_space<vmem>> -> memref<128xi32, #tpu.memory_space<vmem>>
      %dma_wait3A_497 = arith.constant 0 : i32
      %dma_wait3A_498 = arith.constant 0 : i32
      %dma_wait3A_499 = tpu.memref_slice %arg26[%dma_wait3A_497, %dma_wait3A_498] : memref<10240x64xf32, #tpu.memory_space<vmem_shared>> -> memref<10240x64xf32, #tpu.memory_space<vmem_shared>>
      tpu.wait_indirect_dma semaphore(%arg23 : memref<!tpu.dma_semaphore, #tpu.memory_space<semaphore_mem>>) src(%arg13 : memref<128x64xf32, #tpu.memory_space<vmem>>) dst(%dma_wait3A_499 : memref<10240x64xf32, #tpu.memory_space<vmem_shared>>)
      %add3A_500 = arith.constant 5 : i32
      %add3A_501 = arith.addi %mul3A_375, %add3A_500 : i32
      %add3A_502 = arith.constant 2 : i32
      %add3A_503 = arith.addi %add3A_501, %add3A_502 : i32
      %dma_start3A_504 = arith.constant 0 : i32
      %dma_start3A_505 = tpu.memref_slice %arg9[%add3A_503, %dma_start3A_504] : memref<80x128xi32, #tpu.memory_space<vmem>> -> memref<1x128xi32, #tpu.memory_space<vmem>>
      %dma_start3A_506 = tpu.memref_squeeze %dma_start3A_505 : memref<1x128xi32, #tpu.memory_space<vmem>> -> memref<128xi32, #tpu.memory_space<vmem>>
      %dma_start3A_507 = arith.constant 0 : i32
      %dma_start3A_508 = arith.constant 0 : i32
      %dma_start3A_509 = tpu.memref_slice %arg2[%dma_start3A_507, %dma_start3A_508] : memref<10000x64xf32, #tpu.memory_space<hbm>> -> memref<10000x64xf32, #tpu.memory_space<hbm>>
      tpu.enqueue_indirect_dma source(%dma_start3A_509 : memref<10000x64xf32, #tpu.memory_space<hbm>>) target(%arg13 : memref<128x64xf32, #tpu.memory_space<vmem>>) offsets(%dma_start3A_506 : memref<128xi32, #tpu.memory_space<vmem>>) semaphore(%arg18 : memref<!tpu.dma_semaphore, #tpu.memory_space<semaphore_mem>>)
      %add3A_510 = arith.constant 3 : i32
      %add3A_511 = arith.addi %mul3A_375, %add3A_510 : i32
      %dma_wait3A_512 = arith.constant 0 : i32
      %dma_wait3A_513 = tpu.memref_slice %arg10[%add3A_511, %dma_wait3A_512] : memref<80x128xi32, #tpu.memory_space<vmem>> -> memref<1x128xi32, #tpu.memory_space<vmem>>
      %dma_wait3A_514 = tpu.memref_squeeze %dma_wait3A_513 : memref<1x128xi32, #tpu.memory_space<vmem>> -> memref<128xi32, #tpu.memory_space<vmem>>
      %dma_wait3A_515 = arith.constant 0 : i32
      %dma_wait3A_516 = arith.constant 0 : i32
      %dma_wait3A_517 = tpu.memref_slice %arg26[%dma_wait3A_515, %dma_wait3A_516] : memref<10240x64xf32, #tpu.memory_space<vmem_shared>> -> memref<10240x64xf32, #tpu.memory_space<vmem_shared>>
      tpu.wait_indirect_dma semaphore(%arg24 : memref<!tpu.dma_semaphore, #tpu.memory_space<semaphore_mem>>) src(%arg14 : memref<128x64xf32, #tpu.memory_space<vmem>>) dst(%dma_wait3A_517 : memref<10240x64xf32, #tpu.memory_space<vmem_shared>>)
      %add3A_518 = arith.constant 5 : i32
      %add3A_519 = arith.addi %mul3A_375, %add3A_518 : i32
      %add3A_520 = arith.constant 3 : i32
      %add3A_521 = arith.addi %add3A_519, %add3A_520 : i32
      %dma_start3A_522 = arith.constant 0 : i32
      %dma_start3A_523 = tpu.memref_slice %arg9[%add3A_521, %dma_start3A_522] : memref<80x128xi32, #tpu.memory_space<vmem>> -> memref<1x128xi32, #tpu.memory_space<vmem>>
      %dma_start3A_524 = tpu.memref_squeeze %dma_start3A_523 : memref<1x128xi32, #tpu.memory_space<vmem>> -> memref<128xi32, #tpu.memory_space<vmem>>
      %dma_start3A_525 = arith.constant 0 : i32
      %dma_start3A_526 = arith.constant 0 : i32
      %dma_start3A_527 = tpu.memref_slice %arg2[%dma_start3A_525, %dma_start3A_526] : memref<10000x64xf32, #tpu.memory_space<hbm>> -> memref<10000x64xf32, #tpu.memory_space<hbm>>
      tpu.enqueue_indirect_dma source(%dma_start3A_527 : memref<10000x64xf32, #tpu.memory_space<hbm>>) target(%arg14 : memref<128x64xf32, #tpu.memory_space<vmem>>) offsets(%dma_start3A_524 : memref<128xi32, #tpu.memory_space<vmem>>) semaphore(%arg19 : memref<!tpu.dma_semaphore, #tpu.memory_space<semaphore_mem>>)
      %add3A_528 = arith.constant 4 : i32
      %add3A_529 = arith.addi %mul3A_375, %add3A_528 : i32
      %dma_wait3A_530 = arith.constant 0 : i32
      %dma_wait3A_531 = tpu.memref_slice %arg10[%add3A_529, %dma_wait3A_530] : memref<80x128xi32, #tpu.memory_space<vmem>> -> memref<1x128xi32, #tpu.memory_space<vmem>>
      %dma_wait3A_532 = tpu.memref_squeeze %dma_wait3A_531 : memref<1x128xi32, #tpu.memory_space<vmem>> -> memref<128xi32, #tpu.memory_space<vmem>>
      %dma_wait3A_533 = arith.constant 0 : i32
      %dma_wait3A_534 = arith.constant 0 : i32
      %dma_wait3A_535 = tpu.memref_slice %arg26[%dma_wait3A_533, %dma_wait3A_534] : memref<10240x64xf32, #tpu.memory_space<vmem_shared>> -> memref<10240x64xf32, #tpu.memory_space<vmem_shared>>
      tpu.wait_indirect_dma semaphore(%arg25 : memref<!tpu.dma_semaphore, #tpu.memory_space<semaphore_mem>>) src(%arg15 : memref<128x64xf32, #tpu.memory_space<vmem>>) dst(%dma_wait3A_535 : memref<10240x64xf32, #tpu.memory_space<vmem_shared>>)
      %add3A_536 = arith.constant 5 : i32
      %add3A_537 = arith.addi %mul3A_375, %add3A_536 : i32
      %add3A_538 = arith.constant 4 : i32
      %add3A_539 = arith.addi %add3A_537, %add3A_538 : i32
      %dma_start3A_540 = arith.constant 0 : i32
      %dma_start3A_541 = tpu.memref_slice %arg9[%add3A_539, %dma_start3A_540] : memref<80x128xi32, #tpu.memory_space<vmem>> -> memref<1x128xi32, #tpu.memory_space<vmem>>
      %dma_start3A_542 = tpu.memref_squeeze %dma_start3A_541 : memref<1x128xi32, #tpu.memory_space<vmem>> -> memref<128xi32, #tpu.memory_space<vmem>>
      %dma_start3A_543 = arith.constant 0 : i32
      %dma_start3A_544 = arith.constant 0 : i32
      %dma_start3A_545 = tpu.memref_slice %arg2[%dma_start3A_543, %dma_start3A_544] : memref<10000x64xf32, #tpu.memory_space<hbm>> -> memref<10000x64xf32, #tpu.memory_space<hbm>>
      tpu.enqueue_indirect_dma source(%dma_start3A_545 : memref<10000x64xf32, #tpu.memory_space<hbm>>) target(%arg15 : memref<128x64xf32, #tpu.memory_space<vmem>>) offsets(%dma_start3A_542 : memref<128xi32, #tpu.memory_space<vmem>>) semaphore(%arg20 : memref<!tpu.dma_semaphore, #tpu.memory_space<semaphore_mem>>)
    }
    %scan3A_59 = arith.constant 15 : i32
    %dma_wait3A = arith.constant 75 : i32
    %dma_wait3A_60 = arith.constant 0 : i32
    %dma_wait3A_61 = tpu.memref_slice %arg9[%dma_wait3A, %dma_wait3A_60] : memref<80x128xi32, #tpu.memory_space<vmem>> -> memref<1x128xi32, #tpu.memory_space<vmem>>
    %dma_wait3A_62 = tpu.memref_squeeze %dma_wait3A_61 : memref<1x128xi32, #tpu.memory_space<vmem>> -> memref<128xi32, #tpu.memory_space<vmem>>
    %dma_wait3A_63 = arith.constant 0 : i32
    %dma_wait3A_64 = arith.constant 0 : i32
    %dma_wait3A_65 = tpu.memref_slice %arg2[%dma_wait3A_63, %dma_wait3A_64] : memref<10000x64xf32, #tpu.memory_space<hbm>> -> memref<10000x64xf32, #tpu.memory_space<hbm>>
    tpu.wait_indirect_dma semaphore(%arg16 : memref<!tpu.dma_semaphore, #tpu.memory_space<semaphore_mem>>) src(%dma_wait3A_65 : memref<10000x64xf32, #tpu.memory_space<hbm>>) dst(%arg11 : memref<128x64xf32, #tpu.memory_space<vmem>>)
    %dma_start3A_66 = arith.constant 75 : i32
    %dma_start3A_67 = arith.constant 0 : i32
    %dma_start3A_68 = tpu.memref_slice %arg10[%dma_start3A_66, %dma_start3A_67] : memref<80x128xi32, #tpu.memory_space<vmem>> -> memref<1x128xi32, #tpu.memory_space<vmem>>
    %dma_start3A_69 = tpu.memref_squeeze %dma_start3A_68 : memref<1x128xi32, #tpu.memory_space<vmem>> -> memref<128xi32, #tpu.memory_space<vmem>>
    %dma_start3A_70 = arith.constant 0 : i32
    %dma_start3A_71 = arith.constant 0 : i32
    %dma_start3A_72 = tpu.memref_slice %arg26[%dma_start3A_70, %dma_start3A_71] : memref<10240x64xf32, #tpu.memory_space<vmem_shared>> -> memref<10240x64xf32, #tpu.memory_space<vmem_shared>>
    tpu.enqueue_indirect_dma source(%arg11 : memref<128x64xf32, #tpu.memory_space<vmem>>) target(%dma_start3A_72 : memref<10240x64xf32, #tpu.memory_space<vmem_shared>>) offsets(%dma_start3A_69 : memref<128xi32, #tpu.memory_space<vmem>>) semaphore(%arg21 : memref<!tpu.dma_semaphore, #tpu.memory_space<semaphore_mem>>) {add = true}
    %dma_wait3A_73 = arith.constant 76 : i32
    %dma_wait3A_74 = arith.constant 0 : i32
    %dma_wait3A_75 = tpu.memref_slice %arg9[%dma_wait3A_73, %dma_wait3A_74] : memref<80x128xi32, #tpu.memory_space<vmem>> -> memref<1x128xi32, #tpu.memory_space<vmem>>
    %dma_wait3A_76 = tpu.memref_squeeze %dma_wait3A_75 : memref<1x128xi32, #tpu.memory_space<vmem>> -> memref<128xi32, #tpu.memory_space<vmem>>
    %dma_wait3A_77 = arith.constant 0 : i32
    %dma_wait3A_78 = arith.constant 0 : i32
    %dma_wait3A_79 = tpu.memref_slice %arg2[%dma_wait3A_77, %dma_wait3A_78] : memref<10000x64xf32, #tpu.memory_space<hbm>> -> memref<10000x64xf32, #tpu.memory_space<hbm>>
    tpu.wait_indirect_dma semaphore(%arg17 : memref<!tpu.dma_semaphore, #tpu.memory_space<semaphore_mem>>) src(%dma_wait3A_79 : memref<10000x64xf32, #tpu.memory_space<hbm>>) dst(%arg12 : memref<128x64xf32, #tpu.memory_space<vmem>>)
    %dma_start3A_80 = arith.constant 76 : i32
    %dma_start3A_81 = arith.constant 0 : i32
    %dma_start3A_82 = tpu.memref_slice %arg10[%dma_start3A_80, %dma_start3A_81] : memref<80x128xi32, #tpu.memory_space<vmem>> -> memref<1x128xi32, #tpu.memory_space<vmem>>
    %dma_start3A_83 = tpu.memref_squeeze %dma_start3A_82 : memref<1x128xi32, #tpu.memory_space<vmem>> -> memref<128xi32, #tpu.memory_space<vmem>>
    %dma_start3A_84 = arith.constant 0 : i32
    %dma_start3A_85 = arith.constant 0 : i32
    %dma_start3A_86 = tpu.memref_slice %arg26[%dma_start3A_84, %dma_start3A_85] : memref<10240x64xf32, #tpu.memory_space<vmem_shared>> -> memref<10240x64xf32, #tpu.memory_space<vmem_shared>>
    tpu.enqueue_indirect_dma source(%arg12 : memref<128x64xf32, #tpu.memory_space<vmem>>) target(%dma_start3A_86 : memref<10240x64xf32, #tpu.memory_space<vmem_shared>>) offsets(%dma_start3A_83 : memref<128xi32, #tpu.memory_space<vmem>>) semaphore(%arg22 : memref<!tpu.dma_semaphore, #tpu.memory_space<semaphore_mem>>) {add = true}
    %dma_wait3A_87 = arith.constant 77 : i32
    %dma_wait3A_88 = arith.constant 0 : i32
    %dma_wait3A_89 = tpu.memref_slice %arg9[%dma_wait3A_87, %dma_wait3A_88] : memref<80x128xi32, #tpu.memory_space<vmem>> -> memref<1x128xi32, #tpu.memory_space<vmem>>
    %dma_wait3A_90 = tpu.memref_squeeze %dma_wait3A_89 : memref<1x128xi32, #tpu.memory_space<vmem>> -> memref<128xi32, #tpu.memory_space<vmem>>
    %dma_wait3A_91 = arith.constant 0 : i32
    %dma_wait3A_92 = arith.constant 0 : i32
    %dma_wait3A_93 = tpu.memref_slice %arg2[%dma_wait3A_91, %dma_wait3A_92] : memref<10000x64xf32, #tpu.memory_space<hbm>> -> memref<10000x64xf32, #tpu.memory_space<hbm>>
    tpu.wait_indirect_dma semaphore(%arg18 : memref<!tpu.dma_semaphore, #tpu.memory_space<semaphore_mem>>) src(%dma_wait3A_93 : memref<10000x64xf32, #tpu.memory_space<hbm>>) dst(%arg13 : memref<128x64xf32, #tpu.memory_space<vmem>>)
    %dma_start3A_94 = arith.constant 77 : i32
    %dma_start3A_95 = arith.constant 0 : i32
    %dma_start3A_96 = tpu.memref_slice %arg10[%dma_start3A_94, %dma_start3A_95] : memref<80x128xi32, #tpu.memory_space<vmem>> -> memref<1x128xi32, #tpu.memory_space<vmem>>
    %dma_start3A_97 = tpu.memref_squeeze %dma_start3A_96 : memref<1x128xi32, #tpu.memory_space<vmem>> -> memref<128xi32, #tpu.memory_space<vmem>>
    %dma_start3A_98 = arith.constant 0 : i32
    %dma_start3A_99 = arith.constant 0 : i32
    %dma_start3A_100 = tpu.memref_slice %arg26[%dma_start3A_98, %dma_start3A_99] : memref<10240x64xf32, #tpu.memory_space<vmem_shared>> -> memref<10240x64xf32, #tpu.memory_space<vmem_shared>>
    tpu.enqueue_indirect_dma source(%arg13 : memref<128x64xf32, #tpu.memory_space<vmem>>) target(%dma_start3A_100 : memref<10240x64xf32, #tpu.memory_space<vmem_shared>>) offsets(%dma_start3A_97 : memref<128xi32, #tpu.memory_space<vmem>>) semaphore(%arg23 : memref<!tpu.dma_semaphore, #tpu.memory_space<semaphore_mem>>) {add = true}
    %dma_wait3A_101 = arith.constant 78 : i32
    %dma_wait3A_102 = arith.constant 0 : i32
    %dma_wait3A_103 = tpu.memref_slice %arg9[%dma_wait3A_101, %dma_wait3A_102] : memref<80x128xi32, #tpu.memory_space<vmem>> -> memref<1x128xi32, #tpu.memory_space<vmem>>
    %dma_wait3A_104 = tpu.memref_squeeze %dma_wait3A_103 : memref<1x128xi32, #tpu.memory_space<vmem>> -> memref<128xi32, #tpu.memory_space<vmem>>
    %dma_wait3A_105 = arith.constant 0 : i32
    %dma_wait3A_106 = arith.constant 0 : i32
    %dma_wait3A_107 = tpu.memref_slice %arg2[%dma_wait3A_105, %dma_wait3A_106] : memref<10000x64xf32, #tpu.memory_space<hbm>> -> memref<10000x64xf32, #tpu.memory_space<hbm>>
    tpu.wait_indirect_dma semaphore(%arg19 : memref<!tpu.dma_semaphore, #tpu.memory_space<semaphore_mem>>) src(%dma_wait3A_107 : memref<10000x64xf32, #tpu.memory_space<hbm>>) dst(%arg14 : memref<128x64xf32, #tpu.memory_space<vmem>>)
    %dma_start3A_108 = arith.constant 78 : i32
    %dma_start3A_109 = arith.constant 0 : i32
    %dma_start3A_110 = tpu.memref_slice %arg10[%dma_start3A_108, %dma_start3A_109] : memref<80x128xi32, #tpu.memory_space<vmem>> -> memref<1x128xi32, #tpu.memory_space<vmem>>
    %dma_start3A_111 = tpu.memref_squeeze %dma_start3A_110 : memref<1x128xi32, #tpu.memory_space<vmem>> -> memref<128xi32, #tpu.memory_space<vmem>>
    %dma_start3A_112 = arith.constant 0 : i32
    %dma_start3A_113 = arith.constant 0 : i32
    %dma_start3A_114 = tpu.memref_slice %arg26[%dma_start3A_112, %dma_start3A_113] : memref<10240x64xf32, #tpu.memory_space<vmem_shared>> -> memref<10240x64xf32, #tpu.memory_space<vmem_shared>>
    tpu.enqueue_indirect_dma source(%arg14 : memref<128x64xf32, #tpu.memory_space<vmem>>) target(%dma_start3A_114 : memref<10240x64xf32, #tpu.memory_space<vmem_shared>>) offsets(%dma_start3A_111 : memref<128xi32, #tpu.memory_space<vmem>>) semaphore(%arg24 : memref<!tpu.dma_semaphore, #tpu.memory_space<semaphore_mem>>) {add = true}
    %dma_wait3A_115 = arith.constant 79 : i32
    %dma_wait3A_116 = arith.constant 0 : i32
    %dma_wait3A_117 = tpu.memref_slice %arg9[%dma_wait3A_115, %dma_wait3A_116] : memref<80x128xi32, #tpu.memory_space<vmem>> -> memref<1x128xi32, #tpu.memory_space<vmem>>
    %dma_wait3A_118 = tpu.memref_squeeze %dma_wait3A_117 : memref<1x128xi32, #tpu.memory_space<vmem>> -> memref<128xi32, #tpu.memory_space<vmem>>
    %dma_wait3A_119 = arith.constant 0 : i32
    %dma_wait3A_120 = arith.constant 0 : i32
    %dma_wait3A_121 = tpu.memref_slice %arg2[%dma_wait3A_119, %dma_wait3A_120] : memref<10000x64xf32, #tpu.memory_space<hbm>> -> memref<10000x64xf32, #tpu.memory_space<hbm>>
    tpu.wait_indirect_dma semaphore(%arg20 : memref<!tpu.dma_semaphore, #tpu.memory_space<semaphore_mem>>) src(%dma_wait3A_121 : memref<10000x64xf32, #tpu.memory_space<hbm>>) dst(%arg15 : memref<128x64xf32, #tpu.memory_space<vmem>>)
    %dma_start3A_122 = arith.constant 79 : i32
    %dma_start3A_123 = arith.constant 0 : i32
    %dma_start3A_124 = tpu.memref_slice %arg10[%dma_start3A_122, %dma_start3A_123] : memref<80x128xi32, #tpu.memory_space<vmem>> -> memref<1x128xi32, #tpu.memory_space<vmem>>
    %dma_start3A_125 = tpu.memref_squeeze %dma_start3A_124 : memref<1x128xi32, #tpu.memory_space<vmem>> -> memref<128xi32, #tpu.memory_space<vmem>>
    %dma_start3A_126 = arith.constant 0 : i32
    %dma_start3A_127 = arith.constant 0 : i32
    %dma_start3A_128 = tpu.memref_slice %arg26[%dma_start3A_126, %dma_start3A_127] : memref<10240x64xf32, #tpu.memory_space<vmem_shared>> -> memref<10240x64xf32, #tpu.memory_space<vmem_shared>>
    tpu.enqueue_indirect_dma source(%arg15 : memref<128x64xf32, #tpu.memory_space<vmem>>) target(%dma_start3A_128 : memref<10240x64xf32, #tpu.memory_space<vmem_shared>>) offsets(%dma_start3A_125 : memref<128xi32, #tpu.memory_space<vmem>>) semaphore(%arg25 : memref<!tpu.dma_semaphore, #tpu.memory_space<semaphore_mem>>) {add = true}
    %dma_wait3A_129 = arith.constant 75 : i32
    %dma_wait3A_130 = arith.constant 0 : i32
    %dma_wait3A_131 = tpu.memref_slice %arg10[%dma_wait3A_129, %dma_wait3A_130] : memref<80x128xi32, #tpu.memory_space<vmem>> -> memref<1x128xi32, #tpu.memory_space<vmem>>
    %dma_wait3A_132 = tpu.memref_squeeze %dma_wait3A_131 : memref<1x128xi32, #tpu.memory_space<vmem>> -> memref<128xi32, #tpu.memory_space<vmem>>
    %dma_wait3A_133 = arith.constant 0 : i32
    %dma_wait3A_134 = arith.constant 0 : i32
    %dma_wait3A_135 = tpu.memref_slice %arg26[%dma_wait3A_133, %dma_wait3A_134] : memref<10240x64xf32, #tpu.memory_space<vmem_shared>> -> memref<10240x64xf32, #tpu.memory_space<vmem_shared>>
    tpu.wait_indirect_dma semaphore(%arg21 : memref<!tpu.dma_semaphore, #tpu.memory_space<semaphore_mem>>) src(%arg11 : memref<128x64xf32, #tpu.memory_space<vmem>>) dst(%dma_wait3A_135 : memref<10240x64xf32, #tpu.memory_space<vmem_shared>>)
    %dma_wait3A_136 = arith.constant 76 : i32
    %dma_wait3A_137 = arith.constant 0 : i32
    %dma_wait3A_138 = tpu.memref_slice %arg10[%dma_wait3A_136, %dma_wait3A_137] : memref<80x128xi32, #tpu.memory_space<vmem>> -> memref<1x128xi32, #tpu.memory_space<vmem>>
    %dma_wait3A_139 = tpu.memref_squeeze %dma_wait3A_138 : memref<1x128xi32, #tpu.memory_space<vmem>> -> memref<128xi32, #tpu.memory_space<vmem>>
    %dma_wait3A_140 = arith.constant 0 : i32
    %dma_wait3A_141 = arith.constant 0 : i32
    %dma_wait3A_142 = tpu.memref_slice %arg26[%dma_wait3A_140, %dma_wait3A_141] : memref<10240x64xf32, #tpu.memory_space<vmem_shared>> -> memref<10240x64xf32, #tpu.memory_space<vmem_shared>>
    tpu.wait_indirect_dma semaphore(%arg22 : memref<!tpu.dma_semaphore, #tpu.memory_space<semaphore_mem>>) src(%arg12 : memref<128x64xf32, #tpu.memory_space<vmem>>) dst(%dma_wait3A_142 : memref<10240x64xf32, #tpu.memory_space<vmem_shared>>)
    %dma_wait3A_143 = arith.constant 77 : i32
    %dma_wait3A_144 = arith.constant 0 : i32
    %dma_wait3A_145 = tpu.memref_slice %arg10[%dma_wait3A_143, %dma_wait3A_144] : memref<80x128xi32, #tpu.memory_space<vmem>> -> memref<1x128xi32, #tpu.memory_space<vmem>>
    %dma_wait3A_146 = tpu.memref_squeeze %dma_wait3A_145 : memref<1x128xi32, #tpu.memory_space<vmem>> -> memref<128xi32, #tpu.memory_space<vmem>>
    %dma_wait3A_147 = arith.constant 0 : i32
    %dma_wait3A_148 = arith.constant 0 : i32
    %dma_wait3A_149 = tpu.memref_slice %arg26[%dma_wait3A_147, %dma_wait3A_148] : memref<10240x64xf32, #tpu.memory_space<vmem_shared>> -> memref<10240x64xf32, #tpu.memory_space<vmem_shared>>
    tpu.wait_indirect_dma semaphore(%arg23 : memref<!tpu.dma_semaphore, #tpu.memory_space<semaphore_mem>>) src(%arg13 : memref<128x64xf32, #tpu.memory_space<vmem>>) dst(%dma_wait3A_149 : memref<10240x64xf32, #tpu.memory_space<vmem_shared>>)
    %dma_wait3A_150 = arith.constant 78 : i32
    %dma_wait3A_151 = arith.constant 0 : i32
    %dma_wait3A_152 = tpu.memref_slice %arg10[%dma_wait3A_150, %dma_wait3A_151] : memref<80x128xi32, #tpu.memory_space<vmem>> -> memref<1x128xi32, #tpu.memory_space<vmem>>
    %dma_wait3A_153 = tpu.memref_squeeze %dma_wait3A_152 : memref<1x128xi32, #tpu.memory_space<vmem>> -> memref<128xi32, #tpu.memory_space<vmem>>
    %dma_wait3A_154 = arith.constant 0 : i32
    %dma_wait3A_155 = arith.constant 0 : i32
    %dma_wait3A_156 = tpu.memref_slice %arg26[%dma_wait3A_154, %dma_wait3A_155] : memref<10240x64xf32, #tpu.memory_space<vmem_shared>> -> memref<10240x64xf32, #tpu.memory_space<vmem_shared>>
    tpu.wait_indirect_dma semaphore(%arg24 : memref<!tpu.dma_semaphore, #tpu.memory_space<semaphore_mem>>) src(%arg14 : memref<128x64xf32, #tpu.memory_space<vmem>>) dst(%dma_wait3A_156 : memref<10240x64xf32, #tpu.memory_space<vmem_shared>>)
    %dma_wait3A_157 = arith.constant 79 : i32
    %dma_wait3A_158 = arith.constant 0 : i32
    %dma_wait3A_159 = tpu.memref_slice %arg10[%dma_wait3A_157, %dma_wait3A_158] : memref<80x128xi32, #tpu.memory_space<vmem>> -> memref<1x128xi32, #tpu.memory_space<vmem>>
    %dma_wait3A_160 = tpu.memref_squeeze %dma_wait3A_159 : memref<1x128xi32, #tpu.memory_space<vmem>> -> memref<128xi32, #tpu.memory_space<vmem>>
    %dma_wait3A_161 = arith.constant 0 : i32
    %dma_wait3A_162 = arith.constant 0 : i32
    %dma_wait3A_163 = tpu.memref_slice %arg26[%dma_wait3A_161, %dma_wait3A_162] : memref<10240x64xf32, #tpu.memory_space<vmem_shared>> -> memref<10240x64xf32, #tpu.memory_space<vmem_shared>>
    tpu.wait_indirect_dma semaphore(%arg25 : memref<!tpu.dma_semaphore, #tpu.memory_space<semaphore_mem>>) src(%arg15 : memref<128x64xf32, #tpu.memory_space<vmem>>) dst(%dma_wait3A_163 : memref<10240x64xf32, #tpu.memory_space<vmem_shared>>)
    %barrier3A_164 = arith.constant 0 : index
    tpu.barrier barrier_id(%barrier3A_164)
    %mul3A_165 = arith.constant 640 : i32
    %mul3A_166 = arith.muli %arg1, %mul3A_165 : i32
    %add3A_167 = arith.constant 0 : i32
    %add3A_168 = arith.addi %mul3A_166, %add3A_167 : i32
    "tpu.region"() ({
      %run_scoped3A = tpu.sem_alloc : memref<!tpu.dma_semaphore, #tpu.memory_space<semaphore_mem>>
      %dma_start3A_373 = arith.constant 0 : i32
      %dma_start3A_374 = tpu.memref_slice %arg26[%add3A_168, %dma_start3A_373] : memref<10240x64xf32, #tpu.memory_space<vmem_shared>> -> memref<128x64xf32, #tpu.memory_space<vmem_shared>>
      %dma_start3A_375 = arith.constant 0 : i32
      %dma_start3A_376 = tpu.memref_slice %arg26[%add3A_168, %dma_start3A_375] : memref<10240x64xf32, #tpu.memory_space<vmem_shared>> -> memref<128x64xf32, #tpu.memory_space<vmem_shared>>
      tpu.enqueue_dma source(%dma_start3A_376 : memref<128x64xf32, #tpu.memory_space<vmem_shared>>) target(%arg11 : memref<128x64xf32, #tpu.memory_space<vmem>>) target_semaphore(%run_scoped3A : memref<!tpu.dma_semaphore, #tpu.memory_space<semaphore_mem>>)
      %dma_wait3A_377 = arith.constant 0 : i32
      %dma_wait3A_378 = tpu.memref_slice %arg26[%add3A_168, %dma_wait3A_377] : memref<10240x64xf32, #tpu.memory_space<vmem_shared>> -> memref<128x64xf32, #tpu.memory_space<vmem_shared>>
      %dma_wait3A_379 = arith.constant 0 : i32
      %dma_wait3A_380 = tpu.memref_slice %arg26[%add3A_168, %dma_wait3A_379] : memref<10240x64xf32, #tpu.memory_space<vmem_shared>> -> memref<128x64xf32, #tpu.memory_space<vmem_shared>>
      tpu.wait_dma2 semaphore(%run_scoped3A : memref<!tpu.dma_semaphore, #tpu.memory_space<semaphore_mem>>) src(%dma_wait3A_380 : memref<128x64xf32, #tpu.memory_space<vmem_shared>>) dst(%arg11 : memref<128x64xf32, #tpu.memory_space<vmem>>)
      tpu.yield
    }) : () -> ()
    "tpu.region"() ({
      %run_scoped3A = tpu.sem_alloc : memref<!tpu.dma_semaphore, #tpu.memory_space<semaphore_mem>>
      %dma_start3A_373 = arith.constant 0 : i32
      %dma_start3A_374 = tpu.memref_slice %arg7[%arg0, %add3A_168, %dma_start3A_373] : memref<2x10240x64xf32, #tpu.memory_space<hbm>> -> memref<1x128x64xf32, #tpu.memory_space<hbm>>
      %dma_start3A_375 = tpu.memref_squeeze %dma_start3A_374 : memref<1x128x64xf32, #tpu.memory_space<hbm>> -> memref<128x64xf32, #tpu.memory_space<hbm>>
      %dma_start3A_376 = arith.constant 0 : i32
      %dma_start3A_377 = tpu.memref_slice %arg7[%arg0, %add3A_168, %dma_start3A_376] : memref<2x10240x64xf32, #tpu.memory_space<hbm>> -> memref<1x128x64xf32, #tpu.memory_space<hbm>>
      %dma_start3A_378 = tpu.memref_squeeze %dma_start3A_377 : memref<1x128x64xf32, #tpu.memory_space<hbm>> -> memref<128x64xf32, #tpu.memory_space<hbm>>
      tpu.enqueue_dma source(%arg11 : memref<128x64xf32, #tpu.memory_space<vmem>>) target(%dma_start3A_378 : memref<128x64xf32, #tpu.memory_space<hbm>>) target_semaphore(%run_scoped3A : memref<!tpu.dma_semaphore, #tpu.memory_space<semaphore_mem>>)
      %dma_wait3A_379 = arith.constant 0 : i32
      %dma_wait3A_380 = tpu.memref_slice %arg7[%arg0, %add3A_168, %dma_wait3A_379] : memref<2x10240x64xf32, #tpu.memory_space<hbm>> -> memref<1x128x64xf32, #tpu.memory_space<hbm>>
      %dma_wait3A_381 = tpu.memref_squeeze %dma_wait3A_380 : memref<1x128x64xf32, #tpu.memory_space<hbm>> -> memref<128x64xf32, #tpu.memory_space<hbm>>
      %dma_wait3A_382 = arith.constant 0 : i32
      %dma_wait3A_383 = tpu.memref_slice %arg7[%arg0, %add3A_168, %dma_wait3A_382] : memref<2x10240x64xf32, #tpu.memory_space<hbm>> -> memref<1x128x64xf32, #tpu.memory_space<hbm>>
      %dma_wait3A_384 = tpu.memref_squeeze %dma_wait3A_383 : memref<1x128x64xf32, #tpu.memory_space<hbm>> -> memref<128x64xf32, #tpu.memory_space<hbm>>
      tpu.wait_dma2 semaphore(%run_scoped3A : memref<!tpu.dma_semaphore, #tpu.memory_space<semaphore_mem>>) src(%arg11 : memref<128x64xf32, #tpu.memory_space<vmem>>) dst(%dma_wait3A_384 : memref<128x64xf32, #tpu.memory_space<hbm>>)
      tpu.yield
    }) : () -> ()
    %mul3A_169 = arith.constant 640 : i32
    %mul3A_170 = arith.muli %arg1, %mul3A_169 : i32
    %add3A_171 = arith.constant 128 : i32
    %add3A_172 = arith.addi %mul3A_170, %add3A_171 : i32
    "tpu.region"() ({
      %run_scoped3A = tpu.sem_alloc : memref<!tpu.dma_semaphore, #tpu.memory_space<semaphore_mem>>
      %dma_start3A_373 = arith.constant 0 : i32
      %dma_start3A_374 = tpu.memref_slice %arg26[%add3A_172, %dma_start3A_373] : memref<10240x64xf32, #tpu.memory_space<vmem_shared>> -> memref<128x64xf32, #tpu.memory_space<vmem_shared>>
      %dma_start3A_375 = arith.constant 0 : i32
      %dma_start3A_376 = tpu.memref_slice %arg26[%add3A_172, %dma_start3A_375] : memref<10240x64xf32, #tpu.memory_space<vmem_shared>> -> memref<128x64xf32, #tpu.memory_space<vmem_shared>>
      tpu.enqueue_dma source(%dma_start3A_376 : memref<128x64xf32, #tpu.memory_space<vmem_shared>>) target(%arg11 : memref<128x64xf32, #tpu.memory_space<vmem>>) target_semaphore(%run_scoped3A : memref<!tpu.dma_semaphore, #tpu.memory_space<semaphore_mem>>)
      %dma_wait3A_377 = arith.constant 0 : i32
      %dma_wait3A_378 = tpu.memref_slice %arg26[%add3A_172, %dma_wait3A_377] : memref<10240x64xf32, #tpu.memory_space<vmem_shared>> -> memref<128x64xf32, #tpu.memory_space<vmem_shared>>
      %dma_wait3A_379 = arith.constant 0 : i32
      %dma_wait3A_380 = tpu.memref_slice %arg26[%add3A_172, %dma_wait3A_379] : memref<10240x64xf32, #tpu.memory_space<vmem_shared>> -> memref<128x64xf32, #tpu.memory_space<vmem_shared>>
      tpu.wait_dma2 semaphore(%run_scoped3A : memref<!tpu.dma_semaphore, #tpu.memory_space<semaphore_mem>>) src(%dma_wait3A_380 : memref<128x64xf32, #tpu.memory_space<vmem_shared>>) dst(%arg11 : memref<128x64xf32, #tpu.memory_space<vmem>>)
      tpu.yield
    }) : () -> ()
    "tpu.region"() ({
      %run_scoped3A = tpu.sem_alloc : memref<!tpu.dma_semaphore, #tpu.memory_space<semaphore_mem>>
      %dma_start3A_373 = arith.constant 0 : i32
      %dma_start3A_374 = tpu.memref_slice %arg7[%arg0, %add3A_172, %dma_start3A_373] : memref<2x10240x64xf32, #tpu.memory_space<hbm>> -> memref<1x128x64xf32, #tpu.memory_space<hbm>>
      %dma_start3A_375 = tpu.memref_squeeze %dma_start3A_374 : memref<1x128x64xf32, #tpu.memory_space<hbm>> -> memref<128x64xf32, #tpu.memory_space<hbm>>
      %dma_start3A_376 = arith.constant 0 : i32
      %dma_start3A_377 = tpu.memref_slice %arg7[%arg0, %add3A_172, %dma_start3A_376] : memref<2x10240x64xf32, #tpu.memory_space<hbm>> -> memref<1x128x64xf32, #tpu.memory_space<hbm>>
      %dma_start3A_378 = tpu.memref_squeeze %dma_start3A_377 : memref<1x128x64xf32, #tpu.memory_space<hbm>> -> memref<128x64xf32, #tpu.memory_space<hbm>>
      tpu.enqueue_dma source(%arg11 : memref<128x64xf32, #tpu.memory_space<vmem>>) target(%dma_start3A_378 : memref<128x64xf32, #tpu.memory_space<hbm>>) target_semaphore(%run_scoped3A : memref<!tpu.dma_semaphore, #tpu.memory_space<semaphore_mem>>)
      %dma_wait3A_379 = arith.constant 0 : i32
      %dma_wait3A_380 = tpu.memref_slice %arg7[%arg0, %add3A_172, %dma_wait3A_379] : memref<2x10240x64xf32, #tpu.memory_space<hbm>> -> memref<1x128x64xf32, #tpu.memory_space<hbm>>
      %dma_wait3A_381 = tpu.memref_squeeze %dma_wait3A_380 : memref<1x128x64xf32, #tpu.memory_space<hbm>> -> memref<128x64xf32, #tpu.memory_space<hbm>>
      %dma_wait3A_382 = arith.constant 0 : i32
      %dma_wait3A_383 = tpu.memref_slice %arg7[%arg0, %add3A_172, %dma_wait3A_382] : memref<2x10240x64xf32, #tpu.memory_space<hbm>> -> memref<1x128x64xf32, #tpu.memory_space<hbm>>
      %dma_wait3A_384 = tpu.memref_squeeze %dma_wait3A_383 : memref<1x128x64xf32, #tpu.memory_space<hbm>> -> memref<128x64xf32, #tpu.memory_space<hbm>>
      tpu.wait_dma2 semaphore(%run_scoped3A : memref<!tpu.dma_semaphore, #tpu.memory_space<semaphore_mem>>) src(%arg11 : memref<128x64xf32, #tpu.memory_space<vmem>>) dst(%dma_wait3A_384 : memref<128x64xf32, #tpu.memory_space<hbm>>)
      tpu.yield
    }) : () -> ()
    %mul3A_173 = arith.constant 640 : i32
    %mul3A_174 = arith.muli %arg1, %mul3A_173 : i32
    %add3A_175 = arith.constant 256 : i32
    %add3A_176 = arith.addi %mul3A_174, %add3A_175 : i32
    "tpu.region"() ({
      %run_scoped3A = tpu.sem_alloc : memref<!tpu.dma_semaphore, #tpu.memory_space<semaphore_mem>>
      %dma_start3A_373 = arith.constant 0 : i32
      %dma_start3A_374 = tpu.memref_slice %arg26[%add3A_176, %dma_start3A_373] : memref<10240x64xf32, #tpu.memory_space<vmem_shared>> -> memref<128x64xf32, #tpu.memory_space<vmem_shared>>
      %dma_start3A_375 = arith.constant 0 : i32
      %dma_start3A_376 = tpu.memref_slice %arg26[%add3A_176, %dma_start3A_375] : memref<10240x64xf32, #tpu.memory_space<vmem_shared>> -> memref<128x64xf32, #tpu.memory_space<vmem_shared>>
      tpu.enqueue_dma source(%dma_start3A_376 : memref<128x64xf32, #tpu.memory_space<vmem_shared>>) target(%arg11 : memref<128x64xf32, #tpu.memory_space<vmem>>) target_semaphore(%run_scoped3A : memref<!tpu.dma_semaphore, #tpu.memory_space<semaphore_mem>>)
      %dma_wait3A_377 = arith.constant 0 : i32
      %dma_wait3A_378 = tpu.memref_slice %arg26[%add3A_176, %dma_wait3A_377] : memref<10240x64xf32, #tpu.memory_space<vmem_shared>> -> memref<128x64xf32, #tpu.memory_space<vmem_shared>>
      %dma_wait3A_379 = arith.constant 0 : i32
      %dma_wait3A_380 = tpu.memref_slice %arg26[%add3A_176, %dma_wait3A_379] : memref<10240x64xf32, #tpu.memory_space<vmem_shared>> -> memref<128x64xf32, #tpu.memory_space<vmem_shared>>
      tpu.wait_dma2 semaphore(%run_scoped3A : memref<!tpu.dma_semaphore, #tpu.memory_space<semaphore_mem>>) src(%dma_wait3A_380 : memref<128x64xf32, #tpu.memory_space<vmem_shared>>) dst(%arg11 : memref<128x64xf32, #tpu.memory_space<vmem>>)
      tpu.yield
    }) : () -> ()
    "tpu.region"() ({
      %run_scoped3A = tpu.sem_alloc : memref<!tpu.dma_semaphore, #tpu.memory_space<semaphore_mem>>
      %dma_start3A_373 = arith.constant 0 : i32
      %dma_start3A_374 = tpu.memref_slice %arg7[%arg0, %add3A_176, %dma_start3A_373] : memref<2x10240x64xf32, #tpu.memory_space<hbm>> -> memref<1x128x64xf32, #tpu.memory_space<hbm>>
      %dma_start3A_375 = tpu.memref_squeeze %dma_start3A_374 : memref<1x128x64xf32, #tpu.memory_space<hbm>> -> memref<128x64xf32, #tpu.memory_space<hbm>>
      %dma_start3A_376 = arith.constant 0 : i32
      %dma_start3A_377 = tpu.memref_slice %arg7[%arg0, %add3A_176, %dma_start3A_376] : memref<2x10240x64xf32, #tpu.memory_space<hbm>> -> memref<1x128x64xf32, #tpu.memory_space<hbm>>
      %dma_start3A_378 = tpu.memref_squeeze %dma_start3A_377 : memref<1x128x64xf32, #tpu.memory_space<hbm>> -> memref<128x64xf32, #tpu.memory_space<hbm>>
      tpu.enqueue_dma source(%arg11 : memref<128x64xf32, #tpu.memory_space<vmem>>) target(%dma_start3A_378 : memref<128x64xf32, #tpu.memory_space<hbm>>) target_semaphore(%run_scoped3A : memref<!tpu.dma_semaphore, #tpu.memory_space<semaphore_mem>>)
      %dma_wait3A_379 = arith.constant 0 : i32
      %dma_wait3A_380 = tpu.memref_slice %arg7[%arg0, %add3A_176, %dma_wait3A_379] : memref<2x10240x64xf32, #tpu.memory_space<hbm>> -> memref<1x128x64xf32, #tpu.memory_space<hbm>>
      %dma_wait3A_381 = tpu.memref_squeeze %dma_wait3A_380 : memref<1x128x64xf32, #tpu.memory_space<hbm>> -> memref<128x64xf32, #tpu.memory_space<hbm>>
      %dma_wait3A_382 = arith.constant 0 : i32
      %dma_wait3A_383 = tpu.memref_slice %arg7[%arg0, %add3A_176, %dma_wait3A_382] : memref<2x10240x64xf32, #tpu.memory_space<hbm>> -> memref<1x128x64xf32, #tpu.memory_space<hbm>>
      %dma_wait3A_384 = tpu.memref_squeeze %dma_wait3A_383 : memref<1x128x64xf32, #tpu.memory_space<hbm>> -> memref<128x64xf32, #tpu.memory_space<hbm>>
      tpu.wait_dma2 semaphore(%run_scoped3A : memref<!tpu.dma_semaphore, #tpu.memory_space<semaphore_mem>>) src(%arg11 : memref<128x64xf32, #tpu.memory_space<vmem>>) dst(%dma_wait3A_384 : memref<128x64xf32, #tpu.memory_space<hbm>>)
      tpu.yield
    }) : () -> ()
    %mul3A_177 = arith.constant 640 : i32
    %mul3A_178 = arith.muli %arg1, %mul3A_177 : i32
    %add3A_179 = arith.constant 384 : i32
    %add3A_180 = arith.addi %mul3A_178, %add3A_179 : i32
    "tpu.region"() ({
      %run_scoped3A = tpu.sem_alloc : memref<!tpu.dma_semaphore, #tpu.memory_space<semaphore_mem>>
      %dma_start3A_373 = arith.constant 0 : i32
      %dma_start3A_374 = tpu.memref_slice %arg26[%add3A_180, %dma_start3A_373] : memref<10240x64xf32, #tpu.memory_space<vmem_shared>> -> memref<128x64xf32, #tpu.memory_space<vmem_shared>>
      %dma_start3A_375 = arith.constant 0 : i32
      %dma_start3A_376 = tpu.memref_slice %arg26[%add3A_180, %dma_start3A_375] : memref<10240x64xf32, #tpu.memory_space<vmem_shared>> -> memref<128x64xf32, #tpu.memory_space<vmem_shared>>
      tpu.enqueue_dma source(%dma_start3A_376 : memref<128x64xf32, #tpu.memory_space<vmem_shared>>) target(%arg11 : memref<128x64xf32, #tpu.memory_space<vmem>>) target_semaphore(%run_scoped3A : memref<!tpu.dma_semaphore, #tpu.memory_space<semaphore_mem>>)
      %dma_wait3A_377 = arith.constant 0 : i32
      %dma_wait3A_378 = tpu.memref_slice %arg26[%add3A_180, %dma_wait3A_377] : memref<10240x64xf32, #tpu.memory_space<vmem_shared>> -> memref<128x64xf32, #tpu.memory_space<vmem_shared>>
      %dma_wait3A_379 = arith.constant 0 : i32
      %dma_wait3A_380 = tpu.memref_slice %arg26[%add3A_180, %dma_wait3A_379] : memref<10240x64xf32, #tpu.memory_space<vmem_shared>> -> memref<128x64xf32, #tpu.memory_space<vmem_shared>>
      tpu.wait_dma2 semaphore(%run_scoped3A : memref<!tpu.dma_semaphore, #tpu.memory_space<semaphore_mem>>) src(%dma_wait3A_380 : memref<128x64xf32, #tpu.memory_space<vmem_shared>>) dst(%arg11 : memref<128x64xf32, #tpu.memory_space<vmem>>)
      tpu.yield
    }) : () -> ()
    "tpu.region"() ({
      %run_scoped3A = tpu.sem_alloc : memref<!tpu.dma_semaphore, #tpu.memory_space<semaphore_mem>>
      %dma_start3A_373 = arith.constant 0 : i32
      %dma_start3A_374 = tpu.memref_slice %arg7[%arg0, %add3A_180, %dma_start3A_373] : memref<2x10240x64xf32, #tpu.memory_space<hbm>> -> memref<1x128x64xf32, #tpu.memory_space<hbm>>
      %dma_start3A_375 = tpu.memref_squeeze %dma_start3A_374 : memref<1x128x64xf32, #tpu.memory_space<hbm>> -> memref<128x64xf32, #tpu.memory_space<hbm>>
      %dma_start3A_376 = arith.constant 0 : i32
      %dma_start3A_377 = tpu.memref_slice %arg7[%arg0, %add3A_180, %dma_start3A_376] : memref<2x10240x64xf32, #tpu.memory_space<hbm>> -> memref<1x128x64xf32, #tpu.memory_space<hbm>>
      %dma_start3A_378 = tpu.memref_squeeze %dma_start3A_377 : memref<1x128x64xf32, #tpu.memory_space<hbm>> -> memref<128x64xf32, #tpu.memory_space<hbm>>
      tpu.enqueue_dma source(%arg11 : memref<128x64xf32, #tpu.memory_space<vmem>>) target(%dma_start3A_378 : memref<128x64xf32, #tpu.memory_space<hbm>>) target_semaphore(%run_scoped3A : memref<!tpu.dma_semaphore, #tpu.memory_space<semaphore_mem>>)
      %dma_wait3A_379 = arith.constant 0 : i32
      %dma_wait3A_380 = tpu.memref_slice %arg7[%arg0, %add3A_180, %dma_wait3A_379] : memref<2x10240x64xf32, #tpu.memory_space<hbm>> -> memref<1x128x64xf32, #tpu.memory_space<hbm>>
      %dma_wait3A_381 = tpu.memref_squeeze %dma_wait3A_380 : memref<1x128x64xf32, #tpu.memory_space<hbm>> -> memref<128x64xf32, #tpu.memory_space<hbm>>
      %dma_wait3A_382 = arith.constant 0 : i32
      %dma_wait3A_383 = tpu.memref_slice %arg7[%arg0, %add3A_180, %dma_wait3A_382] : memref<2x10240x64xf32, #tpu.memory_space<hbm>> -> memref<1x128x64xf32, #tpu.memory_space<hbm>>
      %dma_wait3A_384 = tpu.memref_squeeze %dma_wait3A_383 : memref<1x128x64xf32, #tpu.memory_space<hbm>> -> memref<128x64xf32, #tpu.memory_space<hbm>>
      tpu.wait_dma2 semaphore(%run_scoped3A : memref<!tpu.dma_semaphore, #tpu.memory_space<semaphore_mem>>) src(%arg11 : memref<128x64xf32, #tpu.memory_space<vmem>>) dst(%dma_wait3A_384 : memref<128x64xf32, #tpu.memory_space<hbm>>)
      tpu.yield
    }) : () -> ()
    %mul3A_181 = arith.constant 640 : i32
    %mul3A_182 = arith.muli %arg1, %mul3A_181 : i32
    %add3A_183 = arith.constant 512 : i32
    %add3A_184 = arith.addi %mul3A_182, %add3A_183 : i32
    "tpu.region"() ({
      %run_scoped3A = tpu.sem_alloc : memref<!tpu.dma_semaphore, #tpu.memory_space<semaphore_mem>>
      %dma_start3A_373 = arith.constant 0 : i32
      %dma_start3A_374 = tpu.memref_slice %arg26[%add3A_184, %dma_start3A_373] : memref<10240x64xf32, #tpu.memory_space<vmem_shared>> -> memref<128x64xf32, #tpu.memory_space<vmem_shared>>
      %dma_start3A_375 = arith.constant 0 : i32
      %dma_start3A_376 = tpu.memref_slice %arg26[%add3A_184, %dma_start3A_375] : memref<10240x64xf32, #tpu.memory_space<vmem_shared>> -> memref<128x64xf32, #tpu.memory_space<vmem_shared>>
      tpu.enqueue_dma source(%dma_start3A_376 : memref<128x64xf32, #tpu.memory_space<vmem_shared>>) target(%arg11 : memref<128x64xf32, #tpu.memory_space<vmem>>) target_semaphore(%run_scoped3A : memref<!tpu.dma_semaphore, #tpu.memory_space<semaphore_mem>>)
      %dma_wait3A_377 = arith.constant 0 : i32
      %dma_wait3A_378 = tpu.memref_slice %arg26[%add3A_184, %dma_wait3A_377] : memref<10240x64xf32, #tpu.memory_space<vmem_shared>> -> memref<128x64xf32, #tpu.memory_space<vmem_shared>>
      %dma_wait3A_379 = arith.constant 0 : i32
      %dma_wait3A_380 = tpu.memref_slice %arg26[%add3A_184, %dma_wait3A_379] : memref<10240x64xf32, #tpu.memory_space<vmem_shared>> -> memref<128x64xf32, #tpu.memory_space<vmem_shared>>
      tpu.wait_dma2 semaphore(%run_scoped3A : memref<!tpu.dma_semaphore, #tpu.memory_space<semaphore_mem>>) src(%dma_wait3A_380 : memref<128x64xf32, #tpu.memory_space<vmem_shared>>) dst(%arg11 : memref<128x64xf32, #tpu.memory_space<vmem>>)
      tpu.yield
    }) : () -> ()
    "tpu.region"() ({
      %run_scoped3A = tpu.sem_alloc : memref<!tpu.dma_semaphore, #tpu.memory_space<semaphore_mem>>
      %dma_start3A_373 = arith.constant 0 : i32
      %dma_start3A_374 = tpu.memref_slice %arg7[%arg0, %add3A_184, %dma_start3A_373] : memref<2x10240x64xf32, #tpu.memory_space<hbm>> -> memref<1x128x64xf32, #tpu.memory_space<hbm>>
      %dma_start3A_375 = tpu.memref_squeeze %dma_start3A_374 : memref<1x128x64xf32, #tpu.memory_space<hbm>> -> memref<128x64xf32, #tpu.memory_space<hbm>>
      %dma_start3A_376 = arith.constant 0 : i32
      %dma_start3A_377 = tpu.memref_slice %arg7[%arg0, %add3A_184, %dma_start3A_376] : memref<2x10240x64xf32, #tpu.memory_space<hbm>> -> memref<1x128x64xf32, #tpu.memory_space<hbm>>
      %dma_start3A_378 = tpu.memref_squeeze %dma_start3A_377 : memref<1x128x64xf32, #tpu.memory_space<hbm>> -> memref<128x64xf32, #tpu.memory_space<hbm>>
      tpu.enqueue_dma source(%arg11 : memref<128x64xf32, #tpu.memory_space<vmem>>) target(%dma_start3A_378 : memref<128x64xf32, #tpu.memory_space<hbm>>) target_semaphore(%run_scoped3A : memref<!tpu.dma_semaphore, #tpu.memory_space<semaphore_mem>>)
      %dma_wait3A_379 = arith.constant 0 : i32
      %dma_wait3A_380 = tpu.memref_slice %arg7[%arg0, %add3A_184, %dma_wait3A_379] : memref<2x10240x64xf32, #tpu.memory_space<hbm>> -> memref<1x128x64xf32, #tpu.memory_space<hbm>>
      %dma_wait3A_381 = tpu.memref_squeeze %dma_wait3A_380 : memref<1x128x64xf32, #tpu.memory_space<hbm>> -> memref<128x64xf32, #tpu.memory_space<hbm>>
      %dma_wait3A_382 = arith.constant 0 : i32
      %dma_wait3A_383 = tpu.memref_slice %arg7[%arg0, %add3A_184, %dma_wait3A_382] : memref<2x10240x64xf32, #tpu.memory_space<hbm>> -> memref<1x128x64xf32, #tpu.memory_space<hbm>>
      %dma_wait3A_384 = tpu.memref_squeeze %dma_wait3A_383 : memref<1x128x64xf32, #tpu.memory_space<hbm>> -> memref<128x64xf32, #tpu.memory_space<hbm>>
      tpu.wait_dma2 semaphore(%run_scoped3A : memref<!tpu.dma_semaphore, #tpu.memory_space<semaphore_mem>>) src(%arg11 : memref<128x64xf32, #tpu.memory_space<vmem>>) dst(%dma_wait3A_384 : memref<128x64xf32, #tpu.memory_space<hbm>>)
      tpu.yield
    }) : () -> ()
    "tpu.region"() ({
      %run_scoped3A = tpu.sem_alloc : memref<!tpu.dma_semaphore, #tpu.memory_space<semaphore_mem>>
      tpu.enqueue_dma source(%arg6 : memref<128x64xf32, #tpu.memory_space<hbm>>) target(%arg11 : memref<128x64xf32, #tpu.memory_space<vmem>>) target_semaphore(%run_scoped3A : memref<!tpu.dma_semaphore, #tpu.memory_space<semaphore_mem>>)
      tpu.wait_dma2 semaphore(%run_scoped3A : memref<!tpu.dma_semaphore, #tpu.memory_space<semaphore_mem>>) src(%arg6 : memref<128x64xf32, #tpu.memory_space<hbm>>) dst(%arg11 : memref<128x64xf32, #tpu.memory_space<vmem>>)
      tpu.yield
    }) : () -> ()
    %mul3A_185 = arith.constant 640 : i32
    %mul3A_186 = arith.muli %arg1, %mul3A_185 : i32
    %add3A_187 = arith.constant 0 : i32
    %add3A_188 = arith.addi %mul3A_186, %add3A_187 : i32
    "tpu.region"() ({
      %run_scoped3A = tpu.sem_alloc : memref<!tpu.dma_semaphore, #tpu.memory_space<semaphore_mem>>
      %dma_start3A_373 = arith.constant 0 : i32
      %dma_start3A_374 = tpu.memref_slice %arg26[%add3A_188, %dma_start3A_373] : memref<10240x64xf32, #tpu.memory_space<vmem_shared>> -> memref<128x64xf32, #tpu.memory_space<vmem_shared>>
      %dma_start3A_375 = arith.constant 0 : i32
      %dma_start3A_376 = tpu.memref_slice %arg26[%add3A_188, %dma_start3A_375] : memref<10240x64xf32, #tpu.memory_space<vmem_shared>> -> memref<128x64xf32, #tpu.memory_space<vmem_shared>>
      tpu.enqueue_dma source(%arg11 : memref<128x64xf32, #tpu.memory_space<vmem>>) target(%dma_start3A_376 : memref<128x64xf32, #tpu.memory_space<vmem_shared>>) target_semaphore(%run_scoped3A : memref<!tpu.dma_semaphore, #tpu.memory_space<semaphore_mem>>)
      %dma_wait3A_377 = arith.constant 0 : i32
      %dma_wait3A_378 = tpu.memref_slice %arg26[%add3A_188, %dma_wait3A_377] : memref<10240x64xf32, #tpu.memory_space<vmem_shared>> -> memref<128x64xf32, #tpu.memory_space<vmem_shared>>
      %dma_wait3A_379 = arith.constant 0 : i32
      %dma_wait3A_380 = tpu.memref_slice %arg26[%add3A_188, %dma_wait3A_379] : memref<10240x64xf32, #tpu.memory_space<vmem_shared>> -> memref<128x64xf32, #tpu.memory_space<vmem_shared>>
      tpu.wait_dma2 semaphore(%run_scoped3A : memref<!tpu.dma_semaphore, #tpu.memory_space<semaphore_mem>>) src(%arg11 : memref<128x64xf32, #tpu.memory_space<vmem>>) dst(%dma_wait3A_380 : memref<128x64xf32, #tpu.memory_space<vmem_shared>>)
      tpu.yield
    }) : () -> ()
    %mul3A_189 = arith.constant 640 : i32
    %mul3A_190 = arith.muli %arg1, %mul3A_189 : i32
    %add3A_191 = arith.constant 128 : i32
    %add3A_192 = arith.addi %mul3A_190, %add3A_191 : i32
    "tpu.region"() ({
      %run_scoped3A = tpu.sem_alloc : memref<!tpu.dma_semaphore, #tpu.memory_space<semaphore_mem>>
      %dma_start3A_373 = arith.constant 0 : i32
      %dma_start3A_374 = tpu.memref_slice %arg26[%add3A_192, %dma_start3A_373] : memref<10240x64xf32, #tpu.memory_space<vmem_shared>> -> memref<128x64xf32, #tpu.memory_space<vmem_shared>>
      %dma_start3A_375 = arith.constant 0 : i32
      %dma_start3A_376 = tpu.memref_slice %arg26[%add3A_192, %dma_start3A_375] : memref<10240x64xf32, #tpu.memory_space<vmem_shared>> -> memref<128x64xf32, #tpu.memory_space<vmem_shared>>
      tpu.enqueue_dma source(%arg11 : memref<128x64xf32, #tpu.memory_space<vmem>>) target(%dma_start3A_376 : memref<128x64xf32, #tpu.memory_space<vmem_shared>>) target_semaphore(%run_scoped3A : memref<!tpu.dma_semaphore, #tpu.memory_space<semaphore_mem>>)
      %dma_wait3A_377 = arith.constant 0 : i32
      %dma_wait3A_378 = tpu.memref_slice %arg26[%add3A_192, %dma_wait3A_377] : memref<10240x64xf32, #tpu.memory_space<vmem_shared>> -> memref<128x64xf32, #tpu.memory_space<vmem_shared>>
      %dma_wait3A_379 = arith.constant 0 : i32
      %dma_wait3A_380 = tpu.memref_slice %arg26[%add3A_192, %dma_wait3A_379] : memref<10240x64xf32, #tpu.memory_space<vmem_shared>> -> memref<128x64xf32, #tpu.memory_space<vmem_shared>>
      tpu.wait_dma2 semaphore(%run_scoped3A : memref<!tpu.dma_semaphore, #tpu.memory_space<semaphore_mem>>) src(%arg11 : memref<128x64xf32, #tpu.memory_space<vmem>>) dst(%dma_wait3A_380 : memref<128x64xf32, #tpu.memory_space<vmem_shared>>)
      tpu.yield
    }) : () -> ()
    %mul3A_193 = arith.constant 640 : i32
    %mul3A_194 = arith.muli %arg1, %mul3A_193 : i32
    %add3A_195 = arith.constant 256 : i32
    %add3A_196 = arith.addi %mul3A_194, %add3A_195 : i32
    "tpu.region"() ({
      %run_scoped3A = tpu.sem_alloc : memref<!tpu.dma_semaphore, #tpu.memory_space<semaphore_mem>>
      %dma_start3A_373 = arith.constant 0 : i32
      %dma_start3A_374 = tpu.memref_slice %arg26[%add3A_196, %dma_start3A_373] : memref<10240x64xf32, #tpu.memory_space<vmem_shared>> -> memref<128x64xf32, #tpu.memory_space<vmem_shared>>
      %dma_start3A_375 = arith.constant 0 : i32
      %dma_start3A_376 = tpu.memref_slice %arg26[%add3A_196, %dma_start3A_375] : memref<10240x64xf32, #tpu.memory_space<vmem_shared>> -> memref<128x64xf32, #tpu.memory_space<vmem_shared>>
      tpu.enqueue_dma source(%arg11 : memref<128x64xf32, #tpu.memory_space<vmem>>) target(%dma_start3A_376 : memref<128x64xf32, #tpu.memory_space<vmem_shared>>) target_semaphore(%run_scoped3A : memref<!tpu.dma_semaphore, #tpu.memory_space<semaphore_mem>>)
      %dma_wait3A_377 = arith.constant 0 : i32
      %dma_wait3A_378 = tpu.memref_slice %arg26[%add3A_196, %dma_wait3A_377] : memref<10240x64xf32, #tpu.memory_space<vmem_shared>> -> memref<128x64xf32, #tpu.memory_space<vmem_shared>>
      %dma_wait3A_379 = arith.constant 0 : i32
      %dma_wait3A_380 = tpu.memref_slice %arg26[%add3A_196, %dma_wait3A_379] : memref<10240x64xf32, #tpu.memory_space<vmem_shared>> -> memref<128x64xf32, #tpu.memory_space<vmem_shared>>
      tpu.wait_dma2 semaphore(%run_scoped3A : memref<!tpu.dma_semaphore, #tpu.memory_space<semaphore_mem>>) src(%arg11 : memref<128x64xf32, #tpu.memory_space<vmem>>) dst(%dma_wait3A_380 : memref<128x64xf32, #tpu.memory_space<vmem_shared>>)
      tpu.yield
    }) : () -> ()
    %mul3A_197 = arith.constant 640 : i32
    %mul3A_198 = arith.muli %arg1, %mul3A_197 : i32
    %add3A_199 = arith.constant 384 : i32
    %add3A_200 = arith.addi %mul3A_198, %add3A_199 : i32
    "tpu.region"() ({
      %run_scoped3A = tpu.sem_alloc : memref<!tpu.dma_semaphore, #tpu.memory_space<semaphore_mem>>
      %dma_start3A_373 = arith.constant 0 : i32
      %dma_start3A_374 = tpu.memref_slice %arg26[%add3A_200, %dma_start3A_373] : memref<10240x64xf32, #tpu.memory_space<vmem_shared>> -> memref<128x64xf32, #tpu.memory_space<vmem_shared>>
      %dma_start3A_375 = arith.constant 0 : i32
      %dma_start3A_376 = tpu.memref_slice %arg26[%add3A_200, %dma_start3A_375] : memref<10240x64xf32, #tpu.memory_space<vmem_shared>> -> memref<128x64xf32, #tpu.memory_space<vmem_shared>>
      tpu.enqueue_dma source(%arg11 : memref<128x64xf32, #tpu.memory_space<vmem>>) target(%dma_start3A_376 : memref<128x64xf32, #tpu.memory_space<vmem_shared>>) target_semaphore(%run_scoped3A : memref<!tpu.dma_semaphore, #tpu.memory_space<semaphore_mem>>)
      %dma_wait3A_377 = arith.constant 0 : i32
      %dma_wait3A_378 = tpu.memref_slice %arg26[%add3A_200, %dma_wait3A_377] : memref<10240x64xf32, #tpu.memory_space<vmem_shared>> -> memref<128x64xf32, #tpu.memory_space<vmem_shared>>
      %dma_wait3A_379 = arith.constant 0 : i32
      %dma_wait3A_380 = tpu.memref_slice %arg26[%add3A_200, %dma_wait3A_379] : memref<10240x64xf32, #tpu.memory_space<vmem_shared>> -> memref<128x64xf32, #tpu.memory_space<vmem_shared>>
      tpu.wait_dma2 semaphore(%run_scoped3A : memref<!tpu.dma_semaphore, #tpu.memory_space<semaphore_mem>>) src(%arg11 : memref<128x64xf32, #tpu.memory_space<vmem>>) dst(%dma_wait3A_380 : memref<128x64xf32, #tpu.memory_space<vmem_shared>>)
      tpu.yield
    }) : () -> ()
    %mul3A_201 = arith.constant 640 : i32
    %mul3A_202 = arith.muli %arg1, %mul3A_201 : i32
    %add3A_203 = arith.constant 512 : i32
    %add3A_204 = arith.addi %mul3A_202, %add3A_203 : i32
    "tpu.region"() ({
      %run_scoped3A = tpu.sem_alloc : memref<!tpu.dma_semaphore, #tpu.memory_space<semaphore_mem>>
      %dma_start3A_373 = arith.constant 0 : i32
      %dma_start3A_374 = tpu.memref_slice %arg26[%add3A_204, %dma_start3A_373] : memref<10240x64xf32, #tpu.memory_space<vmem_shared>> -> memref<128x64xf32, #tpu.memory_space<vmem_shared>>
      %dma_start3A_375 = arith.constant 0 : i32
      %dma_start3A_376 = tpu.memref_slice %arg26[%add3A_204, %dma_start3A_375] : memref<10240x64xf32, #tpu.memory_space<vmem_shared>> -> memref<128x64xf32, #tpu.memory_space<vmem_shared>>
      tpu.enqueue_dma source(%arg11 : memref<128x64xf32, #tpu.memory_space<vmem>>) target(%dma_start3A_376 : memref<128x64xf32, #tpu.memory_space<vmem_shared>>) target_semaphore(%run_scoped3A : memref<!tpu.dma_semaphore, #tpu.memory_space<semaphore_mem>>)
      %dma_wait3A_377 = arith.constant 0 : i32
      %dma_wait3A_378 = tpu.memref_slice %arg26[%add3A_204, %dma_wait3A_377] : memref<10240x64xf32, #tpu.memory_space<vmem_shared>> -> memref<128x64xf32, #tpu.memory_space<vmem_shared>>
      %dma_wait3A_379 = arith.constant 0 : i32
      %dma_wait3A_380 = tpu.memref_slice %arg26[%add3A_204, %dma_wait3A_379] : memref<10240x64xf32, #tpu.memory_space<vmem_shared>> -> memref<128x64xf32, #tpu.memory_space<vmem_shared>>
      tpu.wait_dma2 semaphore(%run_scoped3A : memref<!tpu.dma_semaphore, #tpu.memory_space<semaphore_mem>>) src(%arg11 : memref<128x64xf32, #tpu.memory_space<vmem>>) dst(%dma_wait3A_380 : memref<128x64xf32, #tpu.memory_space<vmem_shared>>)
      tpu.yield
    }) : () -> ()
    %barrier3A_205 = arith.constant 0 : index
    tpu.barrier barrier_id(%barrier3A_205)
    %dma_start3A_206 = arith.constant 0 : i32
    %dma_start3A_207 = arith.constant 0 : i32
    %dma_start3A_208 = tpu.memref_slice %arg9[%dma_start3A_206, %dma_start3A_207] : memref<80x128xi32, #tpu.memory_space<vmem>> -> memref<1x128xi32, #tpu.memory_space<vmem>>
    %dma_start3A_209 = tpu.memref_squeeze %dma_start3A_208 : memref<1x128xi32, #tpu.memory_space<vmem>> -> memref<128xi32, #tpu.memory_space<vmem>>
    %dma_start3A_210 = arith.constant 0 : i32
    %dma_start3A_211 = arith.constant 0 : i32
    %dma_start3A_212 = tpu.memref_slice %arg3[%dma_start3A_210, %dma_start3A_211] : memref<10000x64xf32, #tpu.memory_space<hbm>> -> memref<10000x64xf32, #tpu.memory_space<hbm>>
    tpu.enqueue_indirect_dma source(%dma_start3A_212 : memref<10000x64xf32, #tpu.memory_space<hbm>>) target(%arg11 : memref<128x64xf32, #tpu.memory_space<vmem>>) offsets(%dma_start3A_209 : memref<128xi32, #tpu.memory_space<vmem>>) semaphore(%arg16 : memref<!tpu.dma_semaphore, #tpu.memory_space<semaphore_mem>>)
    %dma_start3A_213 = arith.constant 1 : i32
    %dma_start3A_214 = arith.constant 0 : i32
    %dma_start3A_215 = tpu.memref_slice %arg9[%dma_start3A_213, %dma_start3A_214] : memref<80x128xi32, #tpu.memory_space<vmem>> -> memref<1x128xi32, #tpu.memory_space<vmem>>
    %dma_start3A_216 = tpu.memref_squeeze %dma_start3A_215 : memref<1x128xi32, #tpu.memory_space<vmem>> -> memref<128xi32, #tpu.memory_space<vmem>>
    %dma_start3A_217 = arith.constant 0 : i32
    %dma_start3A_218 = arith.constant 0 : i32
    %dma_start3A_219 = tpu.memref_slice %arg3[%dma_start3A_217, %dma_start3A_218] : memref<10000x64xf32, #tpu.memory_space<hbm>> -> memref<10000x64xf32, #tpu.memory_space<hbm>>
    tpu.enqueue_indirect_dma source(%dma_start3A_219 : memref<10000x64xf32, #tpu.memory_space<hbm>>) target(%arg12 : memref<128x64xf32, #tpu.memory_space<vmem>>) offsets(%dma_start3A_216 : memref<128xi32, #tpu.memory_space<vmem>>) semaphore(%arg17 : memref<!tpu.dma_semaphore, #tpu.memory_space<semaphore_mem>>)
    %dma_start3A_220 = arith.constant 2 : i32
    %dma_start3A_221 = arith.constant 0 : i32
    %dma_start3A_222 = tpu.memref_slice %arg9[%dma_start3A_220, %dma_start3A_221] : memref<80x128xi32, #tpu.memory_space<vmem>> -> memref<1x128xi32, #tpu.memory_space<vmem>>
    %dma_start3A_223 = tpu.memref_squeeze %dma_start3A_222 : memref<1x128xi32, #tpu.memory_space<vmem>> -> memref<128xi32, #tpu.memory_space<vmem>>
    %dma_start3A_224 = arith.constant 0 : i32
    %dma_start3A_225 = arith.constant 0 : i32
    %dma_start3A_226 = tpu.memref_slice %arg3[%dma_start3A_224, %dma_start3A_225] : memref<10000x64xf32, #tpu.memory_space<hbm>> -> memref<10000x64xf32, #tpu.memory_space<hbm>>
    tpu.enqueue_indirect_dma source(%dma_start3A_226 : memref<10000x64xf32, #tpu.memory_space<hbm>>) target(%arg13 : memref<128x64xf32, #tpu.memory_space<vmem>>) offsets(%dma_start3A_223 : memref<128xi32, #tpu.memory_space<vmem>>) semaphore(%arg18 : memref<!tpu.dma_semaphore, #tpu.memory_space<semaphore_mem>>)
    %dma_start3A_227 = arith.constant 3 : i32
    %dma_start3A_228 = arith.constant 0 : i32
    %dma_start3A_229 = tpu.memref_slice %arg9[%dma_start3A_227, %dma_start3A_228] : memref<80x128xi32, #tpu.memory_space<vmem>> -> memref<1x128xi32, #tpu.memory_space<vmem>>
    %dma_start3A_230 = tpu.memref_squeeze %dma_start3A_229 : memref<1x128xi32, #tpu.memory_space<vmem>> -> memref<128xi32, #tpu.memory_space<vmem>>
    %dma_start3A_231 = arith.constant 0 : i32
    %dma_start3A_232 = arith.constant 0 : i32
    %dma_start3A_233 = tpu.memref_slice %arg3[%dma_start3A_231, %dma_start3A_232] : memref<10000x64xf32, #tpu.memory_space<hbm>> -> memref<10000x64xf32, #tpu.memory_space<hbm>>
    tpu.enqueue_indirect_dma source(%dma_start3A_233 : memref<10000x64xf32, #tpu.memory_space<hbm>>) target(%arg14 : memref<128x64xf32, #tpu.memory_space<vmem>>) offsets(%dma_start3A_230 : memref<128xi32, #tpu.memory_space<vmem>>) semaphore(%arg19 : memref<!tpu.dma_semaphore, #tpu.memory_space<semaphore_mem>>)
    %dma_start3A_234 = arith.constant 4 : i32
    %dma_start3A_235 = arith.constant 0 : i32
    %dma_start3A_236 = tpu.memref_slice %arg9[%dma_start3A_234, %dma_start3A_235] : memref<80x128xi32, #tpu.memory_space<vmem>> -> memref<1x128xi32, #tpu.memory_space<vmem>>
    %dma_start3A_237 = tpu.memref_squeeze %dma_start3A_236 : memref<1x128xi32, #tpu.memory_space<vmem>> -> memref<128xi32, #tpu.memory_space<vmem>>
    %dma_start3A_238 = arith.constant 0 : i32
    %dma_start3A_239 = arith.constant 0 : i32
    %dma_start3A_240 = tpu.memref_slice %arg3[%dma_start3A_238, %dma_start3A_239] : memref<10000x64xf32, #tpu.memory_space<hbm>> -> memref<10000x64xf32, #tpu.memory_space<hbm>>
    tpu.enqueue_indirect_dma source(%dma_start3A_240 : memref<10000x64xf32, #tpu.memory_space<hbm>>) target(%arg15 : memref<128x64xf32, #tpu.memory_space<vmem>>) offsets(%dma_start3A_237 : memref<128xi32, #tpu.memory_space<vmem>>) semaphore(%arg20 : memref<!tpu.dma_semaphore, #tpu.memory_space<semaphore_mem>>)
    %scan3A_241 = arith.constant 0 : i32
    %scan3A_242 = arith.constant 0 : i32
    %scan3A_243 = arith.constant 15 : i32
    %scan3A_244 = arith.addi %scan3A_242, %scan3A_243 : i32
    %scan3A_245 = arith.constant 1 : i32
    scf.for %scan3A_373 = %scan3A_242 to %scan3A_244 step %scan3A_245  : i32 {
      %mul3A_374 = arith.constant 5 : i32
      %mul3A_375 = arith.muli %mul3A_374, %scan3A_373 : i32
      %add3A_376 = arith.constant 0 : i32
      %add3A_377 = arith.addi %mul3A_375, %add3A_376 : i32
      %dma_wait3A_378 = arith.constant 0 : i32
      %dma_wait3A_379 = tpu.memref_slice %arg9[%add3A_377, %dma_wait3A_378] : memref<80x128xi32, #tpu.memory_space<vmem>> -> memref<1x128xi32, #tpu.memory_space<vmem>>
      %dma_wait3A_380 = tpu.memref_squeeze %dma_wait3A_379 : memref<1x128xi32, #tpu.memory_space<vmem>> -> memref<128xi32, #tpu.memory_space<vmem>>
      %dma_wait3A_381 = arith.constant 0 : i32
      %dma_wait3A_382 = arith.constant 0 : i32
      %dma_wait3A_383 = tpu.memref_slice %arg2[%dma_wait3A_381, %dma_wait3A_382] : memref<10000x64xf32, #tpu.memory_space<hbm>> -> memref<10000x64xf32, #tpu.memory_space<hbm>>
      tpu.wait_indirect_dma semaphore(%arg16 : memref<!tpu.dma_semaphore, #tpu.memory_space<semaphore_mem>>) src(%dma_wait3A_383 : memref<10000x64xf32, #tpu.memory_space<hbm>>) dst(%arg11 : memref<128x64xf32, #tpu.memory_space<vmem>>)
      %add3A_384 = arith.constant 0 : i32
      %add3A_385 = arith.addi %mul3A_375, %add3A_384 : i32
      %dma_start3A_386 = arith.constant 0 : i32
      %dma_start3A_387 = tpu.memref_slice %arg10[%add3A_385, %dma_start3A_386] : memref<80x128xi32, #tpu.memory_space<vmem>> -> memref<1x128xi32, #tpu.memory_space<vmem>>
      %dma_start3A_388 = tpu.memref_squeeze %dma_start3A_387 : memref<1x128xi32, #tpu.memory_space<vmem>> -> memref<128xi32, #tpu.memory_space<vmem>>
      %dma_start3A_389 = arith.constant 0 : i32
      %dma_start3A_390 = arith.constant 0 : i32
      %dma_start3A_391 = tpu.memref_slice %arg26[%dma_start3A_389, %dma_start3A_390] : memref<10240x64xf32, #tpu.memory_space<vmem_shared>> -> memref<10240x64xf32, #tpu.memory_space<vmem_shared>>
      tpu.enqueue_indirect_dma source(%arg11 : memref<128x64xf32, #tpu.memory_space<vmem>>) target(%dma_start3A_391 : memref<10240x64xf32, #tpu.memory_space<vmem_shared>>) offsets(%dma_start3A_388 : memref<128xi32, #tpu.memory_space<vmem>>) semaphore(%arg21 : memref<!tpu.dma_semaphore, #tpu.memory_space<semaphore_mem>>) {add = true}
      %add3A_392 = arith.constant 1 : i32
      %add3A_393 = arith.addi %mul3A_375, %add3A_392 : i32
      %dma_wait3A_394 = arith.constant 0 : i32
      %dma_wait3A_395 = tpu.memref_slice %arg9[%add3A_393, %dma_wait3A_394] : memref<80x128xi32, #tpu.memory_space<vmem>> -> memref<1x128xi32, #tpu.memory_space<vmem>>
      %dma_wait3A_396 = tpu.memref_squeeze %dma_wait3A_395 : memref<1x128xi32, #tpu.memory_space<vmem>> -> memref<128xi32, #tpu.memory_space<vmem>>
      %dma_wait3A_397 = arith.constant 0 : i32
      %dma_wait3A_398 = arith.constant 0 : i32
      %dma_wait3A_399 = tpu.memref_slice %arg2[%dma_wait3A_397, %dma_wait3A_398] : memref<10000x64xf32, #tpu.memory_space<hbm>> -> memref<10000x64xf32, #tpu.memory_space<hbm>>
      tpu.wait_indirect_dma semaphore(%arg17 : memref<!tpu.dma_semaphore, #tpu.memory_space<semaphore_mem>>) src(%dma_wait3A_399 : memref<10000x64xf32, #tpu.memory_space<hbm>>) dst(%arg12 : memref<128x64xf32, #tpu.memory_space<vmem>>)
      %add3A_400 = arith.constant 1 : i32
      %add3A_401 = arith.addi %mul3A_375, %add3A_400 : i32
      %dma_start3A_402 = arith.constant 0 : i32
      %dma_start3A_403 = tpu.memref_slice %arg10[%add3A_401, %dma_start3A_402] : memref<80x128xi32, #tpu.memory_space<vmem>> -> memref<1x128xi32, #tpu.memory_space<vmem>>
      %dma_start3A_404 = tpu.memref_squeeze %dma_start3A_403 : memref<1x128xi32, #tpu.memory_space<vmem>> -> memref<128xi32, #tpu.memory_space<vmem>>
      %dma_start3A_405 = arith.constant 0 : i32
      %dma_start3A_406 = arith.constant 0 : i32
      %dma_start3A_407 = tpu.memref_slice %arg26[%dma_start3A_405, %dma_start3A_406] : memref<10240x64xf32, #tpu.memory_space<vmem_shared>> -> memref<10240x64xf32, #tpu.memory_space<vmem_shared>>
      tpu.enqueue_indirect_dma source(%arg12 : memref<128x64xf32, #tpu.memory_space<vmem>>) target(%dma_start3A_407 : memref<10240x64xf32, #tpu.memory_space<vmem_shared>>) offsets(%dma_start3A_404 : memref<128xi32, #tpu.memory_space<vmem>>) semaphore(%arg22 : memref<!tpu.dma_semaphore, #tpu.memory_space<semaphore_mem>>) {add = true}
      %add3A_408 = arith.constant 2 : i32
      %add3A_409 = arith.addi %mul3A_375, %add3A_408 : i32
      %dma_wait3A_410 = arith.constant 0 : i32
      %dma_wait3A_411 = tpu.memref_slice %arg9[%add3A_409, %dma_wait3A_410] : memref<80x128xi32, #tpu.memory_space<vmem>> -> memref<1x128xi32, #tpu.memory_space<vmem>>
      %dma_wait3A_412 = tpu.memref_squeeze %dma_wait3A_411 : memref<1x128xi32, #tpu.memory_space<vmem>> -> memref<128xi32, #tpu.memory_space<vmem>>
      %dma_wait3A_413 = arith.constant 0 : i32
      %dma_wait3A_414 = arith.constant 0 : i32
      %dma_wait3A_415 = tpu.memref_slice %arg2[%dma_wait3A_413, %dma_wait3A_414] : memref<10000x64xf32, #tpu.memory_space<hbm>> -> memref<10000x64xf32, #tpu.memory_space<hbm>>
      tpu.wait_indirect_dma semaphore(%arg18 : memref<!tpu.dma_semaphore, #tpu.memory_space<semaphore_mem>>) src(%dma_wait3A_415 : memref<10000x64xf32, #tpu.memory_space<hbm>>) dst(%arg13 : memref<128x64xf32, #tpu.memory_space<vmem>>)
      %add3A_416 = arith.constant 2 : i32
      %add3A_417 = arith.addi %mul3A_375, %add3A_416 : i32
      %dma_start3A_418 = arith.constant 0 : i32
      %dma_start3A_419 = tpu.memref_slice %arg10[%add3A_417, %dma_start3A_418] : memref<80x128xi32, #tpu.memory_space<vmem>> -> memref<1x128xi32, #tpu.memory_space<vmem>>
      %dma_start3A_420 = tpu.memref_squeeze %dma_start3A_419 : memref<1x128xi32, #tpu.memory_space<vmem>> -> memref<128xi32, #tpu.memory_space<vmem>>
      %dma_start3A_421 = arith.constant 0 : i32
      %dma_start3A_422 = arith.constant 0 : i32
      %dma_start3A_423 = tpu.memref_slice %arg26[%dma_start3A_421, %dma_start3A_422] : memref<10240x64xf32, #tpu.memory_space<vmem_shared>> -> memref<10240x64xf32, #tpu.memory_space<vmem_shared>>
      tpu.enqueue_indirect_dma source(%arg13 : memref<128x64xf32, #tpu.memory_space<vmem>>) target(%dma_start3A_423 : memref<10240x64xf32, #tpu.memory_space<vmem_shared>>) offsets(%dma_start3A_420 : memref<128xi32, #tpu.memory_space<vmem>>) semaphore(%arg23 : memref<!tpu.dma_semaphore, #tpu.memory_space<semaphore_mem>>) {add = true}
      %add3A_424 = arith.constant 3 : i32
      %add3A_425 = arith.addi %mul3A_375, %add3A_424 : i32
      %dma_wait3A_426 = arith.constant 0 : i32
      %dma_wait3A_427 = tpu.memref_slice %arg9[%add3A_425, %dma_wait3A_426] : memref<80x128xi32, #tpu.memory_space<vmem>> -> memref<1x128xi32, #tpu.memory_space<vmem>>
      %dma_wait3A_428 = tpu.memref_squeeze %dma_wait3A_427 : memref<1x128xi32, #tpu.memory_space<vmem>> -> memref<128xi32, #tpu.memory_space<vmem>>
      %dma_wait3A_429 = arith.constant 0 : i32
      %dma_wait3A_430 = arith.constant 0 : i32
      %dma_wait3A_431 = tpu.memref_slice %arg2[%dma_wait3A_429, %dma_wait3A_430] : memref<10000x64xf32, #tpu.memory_space<hbm>> -> memref<10000x64xf32, #tpu.memory_space<hbm>>
      tpu.wait_indirect_dma semaphore(%arg19 : memref<!tpu.dma_semaphore, #tpu.memory_space<semaphore_mem>>) src(%dma_wait3A_431 : memref<10000x64xf32, #tpu.memory_space<hbm>>) dst(%arg14 : memref<128x64xf32, #tpu.memory_space<vmem>>)
      %add3A_432 = arith.constant 3 : i32
      %add3A_433 = arith.addi %mul3A_375, %add3A_432 : i32
      %dma_start3A_434 = arith.constant 0 : i32
      %dma_start3A_435 = tpu.memref_slice %arg10[%add3A_433, %dma_start3A_434] : memref<80x128xi32, #tpu.memory_space<vmem>> -> memref<1x128xi32, #tpu.memory_space<vmem>>
      %dma_start3A_436 = tpu.memref_squeeze %dma_start3A_435 : memref<1x128xi32, #tpu.memory_space<vmem>> -> memref<128xi32, #tpu.memory_space<vmem>>
      %dma_start3A_437 = arith.constant 0 : i32
      %dma_start3A_438 = arith.constant 0 : i32
      %dma_start3A_439 = tpu.memref_slice %arg26[%dma_start3A_437, %dma_start3A_438] : memref<10240x64xf32, #tpu.memory_space<vmem_shared>> -> memref<10240x64xf32, #tpu.memory_space<vmem_shared>>
      tpu.enqueue_indirect_dma source(%arg14 : memref<128x64xf32, #tpu.memory_space<vmem>>) target(%dma_start3A_439 : memref<10240x64xf32, #tpu.memory_space<vmem_shared>>) offsets(%dma_start3A_436 : memref<128xi32, #tpu.memory_space<vmem>>) semaphore(%arg24 : memref<!tpu.dma_semaphore, #tpu.memory_space<semaphore_mem>>) {add = true}
      %add3A_440 = arith.constant 4 : i32
      %add3A_441 = arith.addi %mul3A_375, %add3A_440 : i32
      %dma_wait3A_442 = arith.constant 0 : i32
      %dma_wait3A_443 = tpu.memref_slice %arg9[%add3A_441, %dma_wait3A_442] : memref<80x128xi32, #tpu.memory_space<vmem>> -> memref<1x128xi32, #tpu.memory_space<vmem>>
      %dma_wait3A_444 = tpu.memref_squeeze %dma_wait3A_443 : memref<1x128xi32, #tpu.memory_space<vmem>> -> memref<128xi32, #tpu.memory_space<vmem>>
      %dma_wait3A_445 = arith.constant 0 : i32
      %dma_wait3A_446 = arith.constant 0 : i32
      %dma_wait3A_447 = tpu.memref_slice %arg2[%dma_wait3A_445, %dma_wait3A_446] : memref<10000x64xf32, #tpu.memory_space<hbm>> -> memref<10000x64xf32, #tpu.memory_space<hbm>>
      tpu.wait_indirect_dma semaphore(%arg20 : memref<!tpu.dma_semaphore, #tpu.memory_space<semaphore_mem>>) src(%dma_wait3A_447 : memref<10000x64xf32, #tpu.memory_space<hbm>>) dst(%arg15 : memref<128x64xf32, #tpu.memory_space<vmem>>)
      %add3A_448 = arith.constant 4 : i32
      %add3A_449 = arith.addi %mul3A_375, %add3A_448 : i32
      %dma_start3A_450 = arith.constant 0 : i32
      %dma_start3A_451 = tpu.memref_slice %arg10[%add3A_449, %dma_start3A_450] : memref<80x128xi32, #tpu.memory_space<vmem>> -> memref<1x128xi32, #tpu.memory_space<vmem>>
      %dma_start3A_452 = tpu.memref_squeeze %dma_start3A_451 : memref<1x128xi32, #tpu.memory_space<vmem>> -> memref<128xi32, #tpu.memory_space<vmem>>
      %dma_start3A_453 = arith.constant 0 : i32
      %dma_start3A_454 = arith.constant 0 : i32
      %dma_start3A_455 = tpu.memref_slice %arg26[%dma_start3A_453, %dma_start3A_454] : memref<10240x64xf32, #tpu.memory_space<vmem_shared>> -> memref<10240x64xf32, #tpu.memory_space<vmem_shared>>
      tpu.enqueue_indirect_dma source(%arg15 : memref<128x64xf32, #tpu.memory_space<vmem>>) target(%dma_start3A_455 : memref<10240x64xf32, #tpu.memory_space<vmem_shared>>) offsets(%dma_start3A_452 : memref<128xi32, #tpu.memory_space<vmem>>) semaphore(%arg25 : memref<!tpu.dma_semaphore, #tpu.memory_space<semaphore_mem>>) {add = true}
      %add3A_456 = arith.constant 0 : i32
      %add3A_457 = arith.addi %mul3A_375, %add3A_456 : i32
      %dma_wait3A_458 = arith.constant 0 : i32
      %dma_wait3A_459 = tpu.memref_slice %arg10[%add3A_457, %dma_wait3A_458] : memref<80x128xi32, #tpu.memory_space<vmem>> -> memref<1x128xi32, #tpu.memory_space<vmem>>
      %dma_wait3A_460 = tpu.memref_squeeze %dma_wait3A_459 : memref<1x128xi32, #tpu.memory_space<vmem>> -> memref<128xi32, #tpu.memory_space<vmem>>
      %dma_wait3A_461 = arith.constant 0 : i32
      %dma_wait3A_462 = arith.constant 0 : i32
      %dma_wait3A_463 = tpu.memref_slice %arg26[%dma_wait3A_461, %dma_wait3A_462] : memref<10240x64xf32, #tpu.memory_space<vmem_shared>> -> memref<10240x64xf32, #tpu.memory_space<vmem_shared>>
      tpu.wait_indirect_dma semaphore(%arg21 : memref<!tpu.dma_semaphore, #tpu.memory_space<semaphore_mem>>) src(%arg11 : memref<128x64xf32, #tpu.memory_space<vmem>>) dst(%dma_wait3A_463 : memref<10240x64xf32, #tpu.memory_space<vmem_shared>>)
      %add3A_464 = arith.constant 5 : i32
      %add3A_465 = arith.addi %mul3A_375, %add3A_464 : i32
      %add3A_466 = arith.constant 0 : i32
      %add3A_467 = arith.addi %add3A_465, %add3A_466 : i32
      %dma_start3A_468 = arith.constant 0 : i32
      %dma_start3A_469 = tpu.memref_slice %arg9[%add3A_467, %dma_start3A_468] : memref<80x128xi32, #tpu.memory_space<vmem>> -> memref<1x128xi32, #tpu.memory_space<vmem>>
      %dma_start3A_470 = tpu.memref_squeeze %dma_start3A_469 : memref<1x128xi32, #tpu.memory_space<vmem>> -> memref<128xi32, #tpu.memory_space<vmem>>
      %dma_start3A_471 = arith.constant 0 : i32
      %dma_start3A_472 = arith.constant 0 : i32
      %dma_start3A_473 = tpu.memref_slice %arg3[%dma_start3A_471, %dma_start3A_472] : memref<10000x64xf32, #tpu.memory_space<hbm>> -> memref<10000x64xf32, #tpu.memory_space<hbm>>
      tpu.enqueue_indirect_dma source(%dma_start3A_473 : memref<10000x64xf32, #tpu.memory_space<hbm>>) target(%arg11 : memref<128x64xf32, #tpu.memory_space<vmem>>) offsets(%dma_start3A_470 : memref<128xi32, #tpu.memory_space<vmem>>) semaphore(%arg16 : memref<!tpu.dma_semaphore, #tpu.memory_space<semaphore_mem>>)
      %add3A_474 = arith.constant 1 : i32
      %add3A_475 = arith.addi %mul3A_375, %add3A_474 : i32
      %dma_wait3A_476 = arith.constant 0 : i32
      %dma_wait3A_477 = tpu.memref_slice %arg10[%add3A_475, %dma_wait3A_476] : memref<80x128xi32, #tpu.memory_space<vmem>> -> memref<1x128xi32, #tpu.memory_space<vmem>>
      %dma_wait3A_478 = tpu.memref_squeeze %dma_wait3A_477 : memref<1x128xi32, #tpu.memory_space<vmem>> -> memref<128xi32, #tpu.memory_space<vmem>>
      %dma_wait3A_479 = arith.constant 0 : i32
      %dma_wait3A_480 = arith.constant 0 : i32
      %dma_wait3A_481 = tpu.memref_slice %arg26[%dma_wait3A_479, %dma_wait3A_480] : memref<10240x64xf32, #tpu.memory_space<vmem_shared>> -> memref<10240x64xf32, #tpu.memory_space<vmem_shared>>
      tpu.wait_indirect_dma semaphore(%arg22 : memref<!tpu.dma_semaphore, #tpu.memory_space<semaphore_mem>>) src(%arg12 : memref<128x64xf32, #tpu.memory_space<vmem>>) dst(%dma_wait3A_481 : memref<10240x64xf32, #tpu.memory_space<vmem_shared>>)
      %add3A_482 = arith.constant 5 : i32
      %add3A_483 = arith.addi %mul3A_375, %add3A_482 : i32
      %add3A_484 = arith.constant 1 : i32
      %add3A_485 = arith.addi %add3A_483, %add3A_484 : i32
      %dma_start3A_486 = arith.constant 0 : i32
      %dma_start3A_487 = tpu.memref_slice %arg9[%add3A_485, %dma_start3A_486] : memref<80x128xi32, #tpu.memory_space<vmem>> -> memref<1x128xi32, #tpu.memory_space<vmem>>
      %dma_start3A_488 = tpu.memref_squeeze %dma_start3A_487 : memref<1x128xi32, #tpu.memory_space<vmem>> -> memref<128xi32, #tpu.memory_space<vmem>>
      %dma_start3A_489 = arith.constant 0 : i32
      %dma_start3A_490 = arith.constant 0 : i32
      %dma_start3A_491 = tpu.memref_slice %arg3[%dma_start3A_489, %dma_start3A_490] : memref<10000x64xf32, #tpu.memory_space<hbm>> -> memref<10000x64xf32, #tpu.memory_space<hbm>>
      tpu.enqueue_indirect_dma source(%dma_start3A_491 : memref<10000x64xf32, #tpu.memory_space<hbm>>) target(%arg12 : memref<128x64xf32, #tpu.memory_space<vmem>>) offsets(%dma_start3A_488 : memref<128xi32, #tpu.memory_space<vmem>>) semaphore(%arg17 : memref<!tpu.dma_semaphore, #tpu.memory_space<semaphore_mem>>)
      %add3A_492 = arith.constant 2 : i32
      %add3A_493 = arith.addi %mul3A_375, %add3A_492 : i32
      %dma_wait3A_494 = arith.constant 0 : i32
      %dma_wait3A_495 = tpu.memref_slice %arg10[%add3A_493, %dma_wait3A_494] : memref<80x128xi32, #tpu.memory_space<vmem>> -> memref<1x128xi32, #tpu.memory_space<vmem>>
      %dma_wait3A_496 = tpu.memref_squeeze %dma_wait3A_495 : memref<1x128xi32, #tpu.memory_space<vmem>> -> memref<128xi32, #tpu.memory_space<vmem>>
      %dma_wait3A_497 = arith.constant 0 : i32
      %dma_wait3A_498 = arith.constant 0 : i32
      %dma_wait3A_499 = tpu.memref_slice %arg26[%dma_wait3A_497, %dma_wait3A_498] : memref<10240x64xf32, #tpu.memory_space<vmem_shared>> -> memref<10240x64xf32, #tpu.memory_space<vmem_shared>>
      tpu.wait_indirect_dma semaphore(%arg23 : memref<!tpu.dma_semaphore, #tpu.memory_space<semaphore_mem>>) src(%arg13 : memref<128x64xf32, #tpu.memory_space<vmem>>) dst(%dma_wait3A_499 : memref<10240x64xf32, #tpu.memory_space<vmem_shared>>)
      %add3A_500 = arith.constant 5 : i32
      %add3A_501 = arith.addi %mul3A_375, %add3A_500 : i32
      %add3A_502 = arith.constant 2 : i32
      %add3A_503 = arith.addi %add3A_501, %add3A_502 : i32
      %dma_start3A_504 = arith.constant 0 : i32
      %dma_start3A_505 = tpu.memref_slice %arg9[%add3A_503, %dma_start3A_504] : memref<80x128xi32, #tpu.memory_space<vmem>> -> memref<1x128xi32, #tpu.memory_space<vmem>>
      %dma_start3A_506 = tpu.memref_squeeze %dma_start3A_505 : memref<1x128xi32, #tpu.memory_space<vmem>> -> memref<128xi32, #tpu.memory_space<vmem>>
      %dma_start3A_507 = arith.constant 0 : i32
      %dma_start3A_508 = arith.constant 0 : i32
      %dma_start3A_509 = tpu.memref_slice %arg3[%dma_start3A_507, %dma_start3A_508] : memref<10000x64xf32, #tpu.memory_space<hbm>> -> memref<10000x64xf32, #tpu.memory_space<hbm>>
      tpu.enqueue_indirect_dma source(%dma_start3A_509 : memref<10000x64xf32, #tpu.memory_space<hbm>>) target(%arg13 : memref<128x64xf32, #tpu.memory_space<vmem>>) offsets(%dma_start3A_506 : memref<128xi32, #tpu.memory_space<vmem>>) semaphore(%arg18 : memref<!tpu.dma_semaphore, #tpu.memory_space<semaphore_mem>>)
      %add3A_510 = arith.constant 3 : i32
      %add3A_511 = arith.addi %mul3A_375, %add3A_510 : i32
      %dma_wait3A_512 = arith.constant 0 : i32
      %dma_wait3A_513 = tpu.memref_slice %arg10[%add3A_511, %dma_wait3A_512] : memref<80x128xi32, #tpu.memory_space<vmem>> -> memref<1x128xi32, #tpu.memory_space<vmem>>
      %dma_wait3A_514 = tpu.memref_squeeze %dma_wait3A_513 : memref<1x128xi32, #tpu.memory_space<vmem>> -> memref<128xi32, #tpu.memory_space<vmem>>
      %dma_wait3A_515 = arith.constant 0 : i32
      %dma_wait3A_516 = arith.constant 0 : i32
      %dma_wait3A_517 = tpu.memref_slice %arg26[%dma_wait3A_515, %dma_wait3A_516] : memref<10240x64xf32, #tpu.memory_space<vmem_shared>> -> memref<10240x64xf32, #tpu.memory_space<vmem_shared>>
      tpu.wait_indirect_dma semaphore(%arg24 : memref<!tpu.dma_semaphore, #tpu.memory_space<semaphore_mem>>) src(%arg14 : memref<128x64xf32, #tpu.memory_space<vmem>>) dst(%dma_wait3A_517 : memref<10240x64xf32, #tpu.memory_space<vmem_shared>>)
      %add3A_518 = arith.constant 5 : i32
      %add3A_519 = arith.addi %mul3A_375, %add3A_518 : i32
      %add3A_520 = arith.constant 3 : i32
      %add3A_521 = arith.addi %add3A_519, %add3A_520 : i32
      %dma_start3A_522 = arith.constant 0 : i32
      %dma_start3A_523 = tpu.memref_slice %arg9[%add3A_521, %dma_start3A_522] : memref<80x128xi32, #tpu.memory_space<vmem>> -> memref<1x128xi32, #tpu.memory_space<vmem>>
      %dma_start3A_524 = tpu.memref_squeeze %dma_start3A_523 : memref<1x128xi32, #tpu.memory_space<vmem>> -> memref<128xi32, #tpu.memory_space<vmem>>
      %dma_start3A_525 = arith.constant 0 : i32
      %dma_start3A_526 = arith.constant 0 : i32
      %dma_start3A_527 = tpu.memref_slice %arg3[%dma_start3A_525, %dma_start3A_526] : memref<10000x64xf32, #tpu.memory_space<hbm>> -> memref<10000x64xf32, #tpu.memory_space<hbm>>
      tpu.enqueue_indirect_dma source(%dma_start3A_527 : memref<10000x64xf32, #tpu.memory_space<hbm>>) target(%arg14 : memref<128x64xf32, #tpu.memory_space<vmem>>) offsets(%dma_start3A_524 : memref<128xi32, #tpu.memory_space<vmem>>) semaphore(%arg19 : memref<!tpu.dma_semaphore, #tpu.memory_space<semaphore_mem>>)
      %add3A_528 = arith.constant 4 : i32
      %add3A_529 = arith.addi %mul3A_375, %add3A_528 : i32
      %dma_wait3A_530 = arith.constant 0 : i32
      %dma_wait3A_531 = tpu.memref_slice %arg10[%add3A_529, %dma_wait3A_530] : memref<80x128xi32, #tpu.memory_space<vmem>> -> memref<1x128xi32, #tpu.memory_space<vmem>>
      %dma_wait3A_532 = tpu.memref_squeeze %dma_wait3A_531 : memref<1x128xi32, #tpu.memory_space<vmem>> -> memref<128xi32, #tpu.memory_space<vmem>>
      %dma_wait3A_533 = arith.constant 0 : i32
      %dma_wait3A_534 = arith.constant 0 : i32
      %dma_wait3A_535 = tpu.memref_slice %arg26[%dma_wait3A_533, %dma_wait3A_534] : memref<10240x64xf32, #tpu.memory_space<vmem_shared>> -> memref<10240x64xf32, #tpu.memory_space<vmem_shared>>
      tpu.wait_indirect_dma semaphore(%arg25 : memref<!tpu.dma_semaphore, #tpu.memory_space<semaphore_mem>>) src(%arg15 : memref<128x64xf32, #tpu.memory_space<vmem>>) dst(%dma_wait3A_535 : memref<10240x64xf32, #tpu.memory_space<vmem_shared>>)
      %add3A_536 = arith.constant 5 : i32
      %add3A_537 = arith.addi %mul3A_375, %add3A_536 : i32
      %add3A_538 = arith.constant 4 : i32
      %add3A_539 = arith.addi %add3A_537, %add3A_538 : i32
      %dma_start3A_540 = arith.constant 0 : i32
      %dma_start3A_541 = tpu.memref_slice %arg9[%add3A_539, %dma_start3A_540] : memref<80x128xi32, #tpu.memory_space<vmem>> -> memref<1x128xi32, #tpu.memory_space<vmem>>
      %dma_start3A_542 = tpu.memref_squeeze %dma_start3A_541 : memref<1x128xi32, #tpu.memory_space<vmem>> -> memref<128xi32, #tpu.memory_space<vmem>>
      %dma_start3A_543 = arith.constant 0 : i32
      %dma_start3A_544 = arith.constant 0 : i32
      %dma_start3A_545 = tpu.memref_slice %arg3[%dma_start3A_543, %dma_start3A_544] : memref<10000x64xf32, #tpu.memory_space<hbm>> -> memref<10000x64xf32, #tpu.memory_space<hbm>>
      tpu.enqueue_indirect_dma source(%dma_start3A_545 : memref<10000x64xf32, #tpu.memory_space<hbm>>) target(%arg15 : memref<128x64xf32, #tpu.memory_space<vmem>>) offsets(%dma_start3A_542 : memref<128xi32, #tpu.memory_space<vmem>>) semaphore(%arg20 : memref<!tpu.dma_semaphore, #tpu.memory_space<semaphore_mem>>)
    }
    %scan3A_246 = arith.constant 15 : i32
    %dma_wait3A_247 = arith.constant 75 : i32
    %dma_wait3A_248 = arith.constant 0 : i32
    %dma_wait3A_249 = tpu.memref_slice %arg9[%dma_wait3A_247, %dma_wait3A_248] : memref<80x128xi32, #tpu.memory_space<vmem>> -> memref<1x128xi32, #tpu.memory_space<vmem>>
    %dma_wait3A_250 = tpu.memref_squeeze %dma_wait3A_249 : memref<1x128xi32, #tpu.memory_space<vmem>> -> memref<128xi32, #tpu.memory_space<vmem>>
    %dma_wait3A_251 = arith.constant 0 : i32
    %dma_wait3A_252 = arith.constant 0 : i32
    %dma_wait3A_253 = tpu.memref_slice %arg2[%dma_wait3A_251, %dma_wait3A_252] : memref<10000x64xf32, #tpu.memory_space<hbm>> -> memref<10000x64xf32, #tpu.memory_space<hbm>>
    tpu.wait_indirect_dma semaphore(%arg16 : memref<!tpu.dma_semaphore, #tpu.memory_space<semaphore_mem>>) src(%dma_wait3A_253 : memref<10000x64xf32, #tpu.memory_space<hbm>>) dst(%arg11 : memref<128x64xf32, #tpu.memory_space<vmem>>)
    %dma_start3A_254 = arith.constant 75 : i32
    %dma_start3A_255 = arith.constant 0 : i32
    %dma_start3A_256 = tpu.memref_slice %arg10[%dma_start3A_254, %dma_start3A_255] : memref<80x128xi32, #tpu.memory_space<vmem>> -> memref<1x128xi32, #tpu.memory_space<vmem>>
    %dma_start3A_257 = tpu.memref_squeeze %dma_start3A_256 : memref<1x128xi32, #tpu.memory_space<vmem>> -> memref<128xi32, #tpu.memory_space<vmem>>
    %dma_start3A_258 = arith.constant 0 : i32
    %dma_start3A_259 = arith.constant 0 : i32
    %dma_start3A_260 = tpu.memref_slice %arg26[%dma_start3A_258, %dma_start3A_259] : memref<10240x64xf32, #tpu.memory_space<vmem_shared>> -> memref<10240x64xf32, #tpu.memory_space<vmem_shared>>
    tpu.enqueue_indirect_dma source(%arg11 : memref<128x64xf32, #tpu.memory_space<vmem>>) target(%dma_start3A_260 : memref<10240x64xf32, #tpu.memory_space<vmem_shared>>) offsets(%dma_start3A_257 : memref<128xi32, #tpu.memory_space<vmem>>) semaphore(%arg21 : memref<!tpu.dma_semaphore, #tpu.memory_space<semaphore_mem>>) {add = true}
    %dma_wait3A_261 = arith.constant 76 : i32
    %dma_wait3A_262 = arith.constant 0 : i32
    %dma_wait3A_263 = tpu.memref_slice %arg9[%dma_wait3A_261, %dma_wait3A_262] : memref<80x128xi32, #tpu.memory_space<vmem>> -> memref<1x128xi32, #tpu.memory_space<vmem>>
    %dma_wait3A_264 = tpu.memref_squeeze %dma_wait3A_263 : memref<1x128xi32, #tpu.memory_space<vmem>> -> memref<128xi32, #tpu.memory_space<vmem>>
    %dma_wait3A_265 = arith.constant 0 : i32
    %dma_wait3A_266 = arith.constant 0 : i32
    %dma_wait3A_267 = tpu.memref_slice %arg2[%dma_wait3A_265, %dma_wait3A_266] : memref<10000x64xf32, #tpu.memory_space<hbm>> -> memref<10000x64xf32, #tpu.memory_space<hbm>>
    tpu.wait_indirect_dma semaphore(%arg17 : memref<!tpu.dma_semaphore, #tpu.memory_space<semaphore_mem>>) src(%dma_wait3A_267 : memref<10000x64xf32, #tpu.memory_space<hbm>>) dst(%arg12 : memref<128x64xf32, #tpu.memory_space<vmem>>)
    %dma_start3A_268 = arith.constant 76 : i32
    %dma_start3A_269 = arith.constant 0 : i32
    %dma_start3A_270 = tpu.memref_slice %arg10[%dma_start3A_268, %dma_start3A_269] : memref<80x128xi32, #tpu.memory_space<vmem>> -> memref<1x128xi32, #tpu.memory_space<vmem>>
    %dma_start3A_271 = tpu.memref_squeeze %dma_start3A_270 : memref<1x128xi32, #tpu.memory_space<vmem>> -> memref<128xi32, #tpu.memory_space<vmem>>
    %dma_start3A_272 = arith.constant 0 : i32
    %dma_start3A_273 = arith.constant 0 : i32
    %dma_start3A_274 = tpu.memref_slice %arg26[%dma_start3A_272, %dma_start3A_273] : memref<10240x64xf32, #tpu.memory_space<vmem_shared>> -> memref<10240x64xf32, #tpu.memory_space<vmem_shared>>
    tpu.enqueue_indirect_dma source(%arg12 : memref<128x64xf32, #tpu.memory_space<vmem>>) target(%dma_start3A_274 : memref<10240x64xf32, #tpu.memory_space<vmem_shared>>) offsets(%dma_start3A_271 : memref<128xi32, #tpu.memory_space<vmem>>) semaphore(%arg22 : memref<!tpu.dma_semaphore, #tpu.memory_space<semaphore_mem>>) {add = true}
    %dma_wait3A_275 = arith.constant 77 : i32
    %dma_wait3A_276 = arith.constant 0 : i32
    %dma_wait3A_277 = tpu.memref_slice %arg9[%dma_wait3A_275, %dma_wait3A_276] : memref<80x128xi32, #tpu.memory_space<vmem>> -> memref<1x128xi32, #tpu.memory_space<vmem>>
    %dma_wait3A_278 = tpu.memref_squeeze %dma_wait3A_277 : memref<1x128xi32, #tpu.memory_space<vmem>> -> memref<128xi32, #tpu.memory_space<vmem>>
    %dma_wait3A_279 = arith.constant 0 : i32
    %dma_wait3A_280 = arith.constant 0 : i32
    %dma_wait3A_281 = tpu.memref_slice %arg2[%dma_wait3A_279, %dma_wait3A_280] : memref<10000x64xf32, #tpu.memory_space<hbm>> -> memref<10000x64xf32, #tpu.memory_space<hbm>>
    tpu.wait_indirect_dma semaphore(%arg18 : memref<!tpu.dma_semaphore, #tpu.memory_space<semaphore_mem>>) src(%dma_wait3A_281 : memref<10000x64xf32, #tpu.memory_space<hbm>>) dst(%arg13 : memref<128x64xf32, #tpu.memory_space<vmem>>)
    %dma_start3A_282 = arith.constant 77 : i32
    %dma_start3A_283 = arith.constant 0 : i32
    %dma_start3A_284 = tpu.memref_slice %arg10[%dma_start3A_282, %dma_start3A_283] : memref<80x128xi32, #tpu.memory_space<vmem>> -> memref<1x128xi32, #tpu.memory_space<vmem>>
    %dma_start3A_285 = tpu.memref_squeeze %dma_start3A_284 : memref<1x128xi32, #tpu.memory_space<vmem>> -> memref<128xi32, #tpu.memory_space<vmem>>
    %dma_start3A_286 = arith.constant 0 : i32
    %dma_start3A_287 = arith.constant 0 : i32
    %dma_start3A_288 = tpu.memref_slice %arg26[%dma_start3A_286, %dma_start3A_287] : memref<10240x64xf32, #tpu.memory_space<vmem_shared>> -> memref<10240x64xf32, #tpu.memory_space<vmem_shared>>
    tpu.enqueue_indirect_dma source(%arg13 : memref<128x64xf32, #tpu.memory_space<vmem>>) target(%dma_start3A_288 : memref<10240x64xf32, #tpu.memory_space<vmem_shared>>) offsets(%dma_start3A_285 : memref<128xi32, #tpu.memory_space<vmem>>) semaphore(%arg23 : memref<!tpu.dma_semaphore, #tpu.memory_space<semaphore_mem>>) {add = true}
    %dma_wait3A_289 = arith.constant 78 : i32
    %dma_wait3A_290 = arith.constant 0 : i32
    %dma_wait3A_291 = tpu.memref_slice %arg9[%dma_wait3A_289, %dma_wait3A_290] : memref<80x128xi32, #tpu.memory_space<vmem>> -> memref<1x128xi32, #tpu.memory_space<vmem>>
    %dma_wait3A_292 = tpu.memref_squeeze %dma_wait3A_291 : memref<1x128xi32, #tpu.memory_space<vmem>> -> memref<128xi32, #tpu.memory_space<vmem>>
    %dma_wait3A_293 = arith.constant 0 : i32
    %dma_wait3A_294 = arith.constant 0 : i32
    %dma_wait3A_295 = tpu.memref_slice %arg2[%dma_wait3A_293, %dma_wait3A_294] : memref<10000x64xf32, #tpu.memory_space<hbm>> -> memref<10000x64xf32, #tpu.memory_space<hbm>>
    tpu.wait_indirect_dma semaphore(%arg19 : memref<!tpu.dma_semaphore, #tpu.memory_space<semaphore_mem>>) src(%dma_wait3A_295 : memref<10000x64xf32, #tpu.memory_space<hbm>>) dst(%arg14 : memref<128x64xf32, #tpu.memory_space<vmem>>)
    %dma_start3A_296 = arith.constant 78 : i32
    %dma_start3A_297 = arith.constant 0 : i32
    %dma_start3A_298 = tpu.memref_slice %arg10[%dma_start3A_296, %dma_start3A_297] : memref<80x128xi32, #tpu.memory_space<vmem>> -> memref<1x128xi32, #tpu.memory_space<vmem>>
    %dma_start3A_299 = tpu.memref_squeeze %dma_start3A_298 : memref<1x128xi32, #tpu.memory_space<vmem>> -> memref<128xi32, #tpu.memory_space<vmem>>
    %dma_start3A_300 = arith.constant 0 : i32
    %dma_start3A_301 = arith.constant 0 : i32
    %dma_start3A_302 = tpu.memref_slice %arg26[%dma_start3A_300, %dma_start3A_301] : memref<10240x64xf32, #tpu.memory_space<vmem_shared>> -> memref<10240x64xf32, #tpu.memory_space<vmem_shared>>
    tpu.enqueue_indirect_dma source(%arg14 : memref<128x64xf32, #tpu.memory_space<vmem>>) target(%dma_start3A_302 : memref<10240x64xf32, #tpu.memory_space<vmem_shared>>) offsets(%dma_start3A_299 : memref<128xi32, #tpu.memory_space<vmem>>) semaphore(%arg24 : memref<!tpu.dma_semaphore, #tpu.memory_space<semaphore_mem>>) {add = true}
    %dma_wait3A_303 = arith.constant 79 : i32
    %dma_wait3A_304 = arith.constant 0 : i32
    %dma_wait3A_305 = tpu.memref_slice %arg9[%dma_wait3A_303, %dma_wait3A_304] : memref<80x128xi32, #tpu.memory_space<vmem>> -> memref<1x128xi32, #tpu.memory_space<vmem>>
    %dma_wait3A_306 = tpu.memref_squeeze %dma_wait3A_305 : memref<1x128xi32, #tpu.memory_space<vmem>> -> memref<128xi32, #tpu.memory_space<vmem>>
    %dma_wait3A_307 = arith.constant 0 : i32
    %dma_wait3A_308 = arith.constant 0 : i32
    %dma_wait3A_309 = tpu.memref_slice %arg2[%dma_wait3A_307, %dma_wait3A_308] : memref<10000x64xf32, #tpu.memory_space<hbm>> -> memref<10000x64xf32, #tpu.memory_space<hbm>>
    tpu.wait_indirect_dma semaphore(%arg20 : memref<!tpu.dma_semaphore, #tpu.memory_space<semaphore_mem>>) src(%dma_wait3A_309 : memref<10000x64xf32, #tpu.memory_space<hbm>>) dst(%arg15 : memref<128x64xf32, #tpu.memory_space<vmem>>)
    %dma_start3A_310 = arith.constant 79 : i32
    %dma_start3A_311 = arith.constant 0 : i32
    %dma_start3A_312 = tpu.memref_slice %arg10[%dma_start3A_310, %dma_start3A_311] : memref<80x128xi32, #tpu.memory_space<vmem>> -> memref<1x128xi32, #tpu.memory_space<vmem>>
    %dma_start3A_313 = tpu.memref_squeeze %dma_start3A_312 : memref<1x128xi32, #tpu.memory_space<vmem>> -> memref<128xi32, #tpu.memory_space<vmem>>
    %dma_start3A_314 = arith.constant 0 : i32
    %dma_start3A_315 = arith.constant 0 : i32
    %dma_start3A_316 = tpu.memref_slice %arg26[%dma_start3A_314, %dma_start3A_315] : memref<10240x64xf32, #tpu.memory_space<vmem_shared>> -> memref<10240x64xf32, #tpu.memory_space<vmem_shared>>
    tpu.enqueue_indirect_dma source(%arg15 : memref<128x64xf32, #tpu.memory_space<vmem>>) target(%dma_start3A_316 : memref<10240x64xf32, #tpu.memory_space<vmem_shared>>) offsets(%dma_start3A_313 : memref<128xi32, #tpu.memory_space<vmem>>) semaphore(%arg25 : memref<!tpu.dma_semaphore, #tpu.memory_space<semaphore_mem>>) {add = true}
    %dma_wait3A_317 = arith.constant 75 : i32
    %dma_wait3A_318 = arith.constant 0 : i32
    %dma_wait3A_319 = tpu.memref_slice %arg10[%dma_wait3A_317, %dma_wait3A_318] : memref<80x128xi32, #tpu.memory_space<vmem>> -> memref<1x128xi32, #tpu.memory_space<vmem>>
    %dma_wait3A_320 = tpu.memref_squeeze %dma_wait3A_319 : memref<1x128xi32, #tpu.memory_space<vmem>> -> memref<128xi32, #tpu.memory_space<vmem>>
    %dma_wait3A_321 = arith.constant 0 : i32
    %dma_wait3A_322 = arith.constant 0 : i32
    %dma_wait3A_323 = tpu.memref_slice %arg26[%dma_wait3A_321, %dma_wait3A_322] : memref<10240x64xf32, #tpu.memory_space<vmem_shared>> -> memref<10240x64xf32, #tpu.memory_space<vmem_shared>>
    tpu.wait_indirect_dma semaphore(%arg21 : memref<!tpu.dma_semaphore, #tpu.memory_space<semaphore_mem>>) src(%arg11 : memref<128x64xf32, #tpu.memory_space<vmem>>) dst(%dma_wait3A_323 : memref<10240x64xf32, #tpu.memory_space<vmem_shared>>)
    %dma_wait3A_324 = arith.constant 76 : i32
    %dma_wait3A_325 = arith.constant 0 : i32
    %dma_wait3A_326 = tpu.memref_slice %arg10[%dma_wait3A_324, %dma_wait3A_325] : memref<80x128xi32, #tpu.memory_space<vmem>> -> memref<1x128xi32, #tpu.memory_space<vmem>>
    %dma_wait3A_327 = tpu.memref_squeeze %dma_wait3A_326 : memref<1x128xi32, #tpu.memory_space<vmem>> -> memref<128xi32, #tpu.memory_space<vmem>>
    %dma_wait3A_328 = arith.constant 0 : i32
    %dma_wait3A_329 = arith.constant 0 : i32
    %dma_wait3A_330 = tpu.memref_slice %arg26[%dma_wait3A_328, %dma_wait3A_329] : memref<10240x64xf32, #tpu.memory_space<vmem_shared>> -> memref<10240x64xf32, #tpu.memory_space<vmem_shared>>
    tpu.wait_indirect_dma semaphore(%arg22 : memref<!tpu.dma_semaphore, #tpu.memory_space<semaphore_mem>>) src(%arg12 : memref<128x64xf32, #tpu.memory_space<vmem>>) dst(%dma_wait3A_330 : memref<10240x64xf32, #tpu.memory_space<vmem_shared>>)
    %dma_wait3A_331 = arith.constant 77 : i32
    %dma_wait3A_332 = arith.constant 0 : i32
    %dma_wait3A_333 = tpu.memref_slice %arg10[%dma_wait3A_331, %dma_wait3A_332] : memref<80x128xi32, #tpu.memory_space<vmem>> -> memref<1x128xi32, #tpu.memory_space<vmem>>
    %dma_wait3A_334 = tpu.memref_squeeze %dma_wait3A_333 : memref<1x128xi32, #tpu.memory_space<vmem>> -> memref<128xi32, #tpu.memory_space<vmem>>
    %dma_wait3A_335 = arith.constant 0 : i32
    %dma_wait3A_336 = arith.constant 0 : i32
    %dma_wait3A_337 = tpu.memref_slice %arg26[%dma_wait3A_335, %dma_wait3A_336] : memref<10240x64xf32, #tpu.memory_space<vmem_shared>> -> memref<10240x64xf32, #tpu.memory_space<vmem_shared>>
    tpu.wait_indirect_dma semaphore(%arg23 : memref<!tpu.dma_semaphore, #tpu.memory_space<semaphore_mem>>) src(%arg13 : memref<128x64xf32, #tpu.memory_space<vmem>>) dst(%dma_wait3A_337 : memref<10240x64xf32, #tpu.memory_space<vmem_shared>>)
    %dma_wait3A_338 = arith.constant 78 : i32
    %dma_wait3A_339 = arith.constant 0 : i32
    %dma_wait3A_340 = tpu.memref_slice %arg10[%dma_wait3A_338, %dma_wait3A_339] : memref<80x128xi32, #tpu.memory_space<vmem>> -> memref<1x128xi32, #tpu.memory_space<vmem>>
    %dma_wait3A_341 = tpu.memref_squeeze %dma_wait3A_340 : memref<1x128xi32, #tpu.memory_space<vmem>> -> memref<128xi32, #tpu.memory_space<vmem>>
    %dma_wait3A_342 = arith.constant 0 : i32
    %dma_wait3A_343 = arith.constant 0 : i32
    %dma_wait3A_344 = tpu.memref_slice %arg26[%dma_wait3A_342, %dma_wait3A_343] : memref<10240x64xf32, #tpu.memory_space<vmem_shared>> -> memref<10240x64xf32, #tpu.memory_space<vmem_shared>>
    tpu.wait_indirect_dma semaphore(%arg24 : memref<!tpu.dma_semaphore, #tpu.memory_space<semaphore_mem>>) src(%arg14 : memref<128x64xf32, #tpu.memory_space<vmem>>) dst(%dma_wait3A_344 : memref<10240x64xf32, #tpu.memory_space<vmem_shared>>)
    %dma_wait3A_345 = arith.constant 79 : i32
    %dma_wait3A_346 = arith.constant 0 : i32
    %dma_wait3A_347 = tpu.memref_slice %arg10[%dma_wait3A_345, %dma_wait3A_346] : memref<80x128xi32, #tpu.memory_space<vmem>> -> memref<1x128xi32, #tpu.memory_space<vmem>>
    %dma_wait3A_348 = tpu.memref_squeeze %dma_wait3A_347 : memref<1x128xi32, #tpu.memory_space<vmem>> -> memref<128xi32, #tpu.memory_space<vmem>>
    %dma_wait3A_349 = arith.constant 0 : i32
    %dma_wait3A_350 = arith.constant 0 : i32
    %dma_wait3A_351 = tpu.memref_slice %arg26[%dma_wait3A_349, %dma_wait3A_350] : memref<10240x64xf32, #tpu.memory_space<vmem_shared>> -> memref<10240x64xf32, #tpu.memory_space<vmem_shared>>
    tpu.wait_indirect_dma semaphore(%arg25 : memref<!tpu.dma_semaphore, #tpu.memory_space<semaphore_mem>>) src(%arg15 : memref<128x64xf32, #tpu.memory_space<vmem>>) dst(%dma_wait3A_351 : memref<10240x64xf32, #tpu.memory_space<vmem_shared>>)
    %barrier3A_352 = arith.constant 0 : index
    tpu.barrier barrier_id(%barrier3A_352)
    %mul3A_353 = arith.constant 640 : i32
    %mul3A_354 = arith.muli %arg1, %mul3A_353 : i32
    %add3A_355 = arith.constant 0 : i32
    %add3A_356 = arith.addi %mul3A_354, %add3A_355 : i32
    "tpu.region"() ({
      %run_scoped3A = tpu.sem_alloc : memref<!tpu.dma_semaphore, #tpu.memory_space<semaphore_mem>>
      %dma_start3A_373 = arith.constant 0 : i32
      %dma_start3A_374 = tpu.memref_slice %arg26[%add3A_356, %dma_start3A_373] : memref<10240x64xf32, #tpu.memory_space<vmem_shared>> -> memref<128x64xf32, #tpu.memory_space<vmem_shared>>
      %dma_start3A_375 = arith.constant 0 : i32
      %dma_start3A_376 = tpu.memref_slice %arg26[%add3A_356, %dma_start3A_375] : memref<10240x64xf32, #tpu.memory_space<vmem_shared>> -> memref<128x64xf32, #tpu.memory_space<vmem_shared>>
      tpu.enqueue_dma source(%dma_start3A_376 : memref<128x64xf32, #tpu.memory_space<vmem_shared>>) target(%arg11 : memref<128x64xf32, #tpu.memory_space<vmem>>) target_semaphore(%run_scoped3A : memref<!tpu.dma_semaphore, #tpu.memory_space<semaphore_mem>>)
      %dma_wait3A_377 = arith.constant 0 : i32
      %dma_wait3A_378 = tpu.memref_slice %arg26[%add3A_356, %dma_wait3A_377] : memref<10240x64xf32, #tpu.memory_space<vmem_shared>> -> memref<128x64xf32, #tpu.memory_space<vmem_shared>>
      %dma_wait3A_379 = arith.constant 0 : i32
      %dma_wait3A_380 = tpu.memref_slice %arg26[%add3A_356, %dma_wait3A_379] : memref<10240x64xf32, #tpu.memory_space<vmem_shared>> -> memref<128x64xf32, #tpu.memory_space<vmem_shared>>
      tpu.wait_dma2 semaphore(%run_scoped3A : memref<!tpu.dma_semaphore, #tpu.memory_space<semaphore_mem>>) src(%dma_wait3A_380 : memref<128x64xf32, #tpu.memory_space<vmem_shared>>) dst(%arg11 : memref<128x64xf32, #tpu.memory_space<vmem>>)
      tpu.yield
    }) : () -> ()
    "tpu.region"() ({
      %run_scoped3A = tpu.sem_alloc : memref<!tpu.dma_semaphore, #tpu.memory_space<semaphore_mem>>
      %dma_start3A_373 = arith.constant 0 : i32
      %dma_start3A_374 = tpu.memref_slice %arg8[%arg0, %add3A_356, %dma_start3A_373] : memref<2x10240x64xf32, #tpu.memory_space<hbm>> -> memref<1x128x64xf32, #tpu.memory_space<hbm>>
      %dma_start3A_375 = tpu.memref_squeeze %dma_start3A_374 : memref<1x128x64xf32, #tpu.memory_space<hbm>> -> memref<128x64xf32, #tpu.memory_space<hbm>>
      %dma_start3A_376 = arith.constant 0 : i32
      %dma_start3A_377 = tpu.memref_slice %arg8[%arg0, %add3A_356, %dma_start3A_376] : memref<2x10240x64xf32, #tpu.memory_space<hbm>> -> memref<1x128x64xf32, #tpu.memory_space<hbm>>
      %dma_start3A_378 = tpu.memref_squeeze %dma_start3A_377 : memref<1x128x64xf32, #tpu.memory_space<hbm>> -> memref<128x64xf32, #tpu.memory_space<hbm>>
      tpu.enqueue_dma source(%arg11 : memref<128x64xf32, #tpu.memory_space<vmem>>) target(%dma_start3A_378 : memref<128x64xf32, #tpu.memory_space<hbm>>) target_semaphore(%run_scoped3A : memref<!tpu.dma_semaphore, #tpu.memory_space<semaphore_mem>>)
      %dma_wait3A_379 = arith.constant 0 : i32
      %dma_wait3A_380 = tpu.memref_slice %arg8[%arg0, %add3A_356, %dma_wait3A_379] : memref<2x10240x64xf32, #tpu.memory_space<hbm>> -> memref<1x128x64xf32, #tpu.memory_space<hbm>>
      %dma_wait3A_381 = tpu.memref_squeeze %dma_wait3A_380 : memref<1x128x64xf32, #tpu.memory_space<hbm>> -> memref<128x64xf32, #tpu.memory_space<hbm>>
      %dma_wait3A_382 = arith.constant 0 : i32
      %dma_wait3A_383 = tpu.memref_slice %arg8[%arg0, %add3A_356, %dma_wait3A_382] : memref<2x10240x64xf32, #tpu.memory_space<hbm>> -> memref<1x128x64xf32, #tpu.memory_space<hbm>>
      %dma_wait3A_384 = tpu.memref_squeeze %dma_wait3A_383 : memref<1x128x64xf32, #tpu.memory_space<hbm>> -> memref<128x64xf32, #tpu.memory_space<hbm>>
      tpu.wait_dma2 semaphore(%run_scoped3A : memref<!tpu.dma_semaphore, #tpu.memory_space<semaphore_mem>>) src(%arg11 : memref<128x64xf32, #tpu.memory_space<vmem>>) dst(%dma_wait3A_384 : memref<128x64xf32, #tpu.memory_space<hbm>>)
      tpu.yield
    }) : () -> ()
    %mul3A_357 = arith.constant 640 : i32
    %mul3A_358 = arith.muli %arg1, %mul3A_357 : i32
    %add3A_359 = arith.constant 128 : i32
    %add3A_360 = arith.addi %mul3A_358, %add3A_359 : i32
    "tpu.region"() ({
      %run_scoped3A = tpu.sem_alloc : memref<!tpu.dma_semaphore, #tpu.memory_space<semaphore_mem>>
      %dma_start3A_373 = arith.constant 0 : i32
      %dma_start3A_374 = tpu.memref_slice %arg26[%add3A_360, %dma_start3A_373] : memref<10240x64xf32, #tpu.memory_space<vmem_shared>> -> memref<128x64xf32, #tpu.memory_space<vmem_shared>>
      %dma_start3A_375 = arith.constant 0 : i32
      %dma_start3A_376 = tpu.memref_slice %arg26[%add3A_360, %dma_start3A_375] : memref<10240x64xf32, #tpu.memory_space<vmem_shared>> -> memref<128x64xf32, #tpu.memory_space<vmem_shared>>
      tpu.enqueue_dma source(%dma_start3A_376 : memref<128x64xf32, #tpu.memory_space<vmem_shared>>) target(%arg11 : memref<128x64xf32, #tpu.memory_space<vmem>>) target_semaphore(%run_scoped3A : memref<!tpu.dma_semaphore, #tpu.memory_space<semaphore_mem>>)
      %dma_wait3A_377 = arith.constant 0 : i32
      %dma_wait3A_378 = tpu.memref_slice %arg26[%add3A_360, %dma_wait3A_377] : memref<10240x64xf32, #tpu.memory_space<vmem_shared>> -> memref<128x64xf32, #tpu.memory_space<vmem_shared>>
      %dma_wait3A_379 = arith.constant 0 : i32
      %dma_wait3A_380 = tpu.memref_slice %arg26[%add3A_360, %dma_wait3A_379] : memref<10240x64xf32, #tpu.memory_space<vmem_shared>> -> memref<128x64xf32, #tpu.memory_space<vmem_shared>>
      tpu.wait_dma2 semaphore(%run_scoped3A : memref<!tpu.dma_semaphore, #tpu.memory_space<semaphore_mem>>) src(%dma_wait3A_380 : memref<128x64xf32, #tpu.memory_space<vmem_shared>>) dst(%arg11 : memref<128x64xf32, #tpu.memory_space<vmem>>)
      tpu.yield
    }) : () -> ()
    "tpu.region"() ({
      %run_scoped3A = tpu.sem_alloc : memref<!tpu.dma_semaphore, #tpu.memory_space<semaphore_mem>>
      %dma_start3A_373 = arith.constant 0 : i32
      %dma_start3A_374 = tpu.memref_slice %arg8[%arg0, %add3A_360, %dma_start3A_373] : memref<2x10240x64xf32, #tpu.memory_space<hbm>> -> memref<1x128x64xf32, #tpu.memory_space<hbm>>
      %dma_start3A_375 = tpu.memref_squeeze %dma_start3A_374 : memref<1x128x64xf32, #tpu.memory_space<hbm>> -> memref<128x64xf32, #tpu.memory_space<hbm>>
      %dma_start3A_376 = arith.constant 0 : i32
      %dma_start3A_377 = tpu.memref_slice %arg8[%arg0, %add3A_360, %dma_start3A_376] : memref<2x10240x64xf32, #tpu.memory_space<hbm>> -> memref<1x128x64xf32, #tpu.memory_space<hbm>>
      %dma_start3A_378 = tpu.memref_squeeze %dma_start3A_377 : memref<1x128x64xf32, #tpu.memory_space<hbm>> -> memref<128x64xf32, #tpu.memory_space<hbm>>
      tpu.enqueue_dma source(%arg11 : memref<128x64xf32, #tpu.memory_space<vmem>>) target(%dma_start3A_378 : memref<128x64xf32, #tpu.memory_space<hbm>>) target_semaphore(%run_scoped3A : memref<!tpu.dma_semaphore, #tpu.memory_space<semaphore_mem>>)
      %dma_wait3A_379 = arith.constant 0 : i32
      %dma_wait3A_380 = tpu.memref_slice %arg8[%arg0, %add3A_360, %dma_wait3A_379] : memref<2x10240x64xf32, #tpu.memory_space<hbm>> -> memref<1x128x64xf32, #tpu.memory_space<hbm>>
      %dma_wait3A_381 = tpu.memref_squeeze %dma_wait3A_380 : memref<1x128x64xf32, #tpu.memory_space<hbm>> -> memref<128x64xf32, #tpu.memory_space<hbm>>
      %dma_wait3A_382 = arith.constant 0 : i32
      %dma_wait3A_383 = tpu.memref_slice %arg8[%arg0, %add3A_360, %dma_wait3A_382] : memref<2x10240x64xf32, #tpu.memory_space<hbm>> -> memref<1x128x64xf32, #tpu.memory_space<hbm>>
      %dma_wait3A_384 = tpu.memref_squeeze %dma_wait3A_383 : memref<1x128x64xf32, #tpu.memory_space<hbm>> -> memref<128x64xf32, #tpu.memory_space<hbm>>
      tpu.wait_dma2 semaphore(%run_scoped3A : memref<!tpu.dma_semaphore, #tpu.memory_space<semaphore_mem>>) src(%arg11 : memref<128x64xf32, #tpu.memory_space<vmem>>) dst(%dma_wait3A_384 : memref<128x64xf32, #tpu.memory_space<hbm>>)
      tpu.yield
    }) : () -> ()
    %mul3A_361 = arith.constant 640 : i32
    %mul3A_362 = arith.muli %arg1, %mul3A_361 : i32
    %add3A_363 = arith.constant 256 : i32
    %add3A_364 = arith.addi %mul3A_362, %add3A_363 : i32
    "tpu.region"() ({
      %run_scoped3A = tpu.sem_alloc : memref<!tpu.dma_semaphore, #tpu.memory_space<semaphore_mem>>
      %dma_start3A_373 = arith.constant 0 : i32
      %dma_start3A_374 = tpu.memref_slice %arg26[%add3A_364, %dma_start3A_373] : memref<10240x64xf32, #tpu.memory_space<vmem_shared>> -> memref<128x64xf32, #tpu.memory_space<vmem_shared>>
      %dma_start3A_375 = arith.constant 0 : i32
      %dma_start3A_376 = tpu.memref_slice %arg26[%add3A_364, %dma_start3A_375] : memref<10240x64xf32, #tpu.memory_space<vmem_shared>> -> memref<128x64xf32, #tpu.memory_space<vmem_shared>>
      tpu.enqueue_dma source(%dma_start3A_376 : memref<128x64xf32, #tpu.memory_space<vmem_shared>>) target(%arg11 : memref<128x64xf32, #tpu.memory_space<vmem>>) target_semaphore(%run_scoped3A : memref<!tpu.dma_semaphore, #tpu.memory_space<semaphore_mem>>)
      %dma_wait3A_377 = arith.constant 0 : i32
      %dma_wait3A_378 = tpu.memref_slice %arg26[%add3A_364, %dma_wait3A_377] : memref<10240x64xf32, #tpu.memory_space<vmem_shared>> -> memref<128x64xf32, #tpu.memory_space<vmem_shared>>
      %dma_wait3A_379 = arith.constant 0 : i32
      %dma_wait3A_380 = tpu.memref_slice %arg26[%add3A_364, %dma_wait3A_379] : memref<10240x64xf32, #tpu.memory_space<vmem_shared>> -> memref<128x64xf32, #tpu.memory_space<vmem_shared>>
      tpu.wait_dma2 semaphore(%run_scoped3A : memref<!tpu.dma_semaphore, #tpu.memory_space<semaphore_mem>>) src(%dma_wait3A_380 : memref<128x64xf32, #tpu.memory_space<vmem_shared>>) dst(%arg11 : memref<128x64xf32, #tpu.memory_space<vmem>>)
      tpu.yield
    }) : () -> ()
    "tpu.region"() ({
      %run_scoped3A = tpu.sem_alloc : memref<!tpu.dma_semaphore, #tpu.memory_space<semaphore_mem>>
      %dma_start3A_373 = arith.constant 0 : i32
      %dma_start3A_374 = tpu.memref_slice %arg8[%arg0, %add3A_364, %dma_start3A_373] : memref<2x10240x64xf32, #tpu.memory_space<hbm>> -> memref<1x128x64xf32, #tpu.memory_space<hbm>>
      %dma_start3A_375 = tpu.memref_squeeze %dma_start3A_374 : memref<1x128x64xf32, #tpu.memory_space<hbm>> -> memref<128x64xf32, #tpu.memory_space<hbm>>
      %dma_start3A_376 = arith.constant 0 : i32
      %dma_start3A_377 = tpu.memref_slice %arg8[%arg0, %add3A_364, %dma_start3A_376] : memref<2x10240x64xf32, #tpu.memory_space<hbm>> -> memref<1x128x64xf32, #tpu.memory_space<hbm>>
      %dma_start3A_378 = tpu.memref_squeeze %dma_start3A_377 : memref<1x128x64xf32, #tpu.memory_space<hbm>> -> memref<128x64xf32, #tpu.memory_space<hbm>>
      tpu.enqueue_dma source(%arg11 : memref<128x64xf32, #tpu.memory_space<vmem>>) target(%dma_start3A_378 : memref<128x64xf32, #tpu.memory_space<hbm>>) target_semaphore(%run_scoped3A : memref<!tpu.dma_semaphore, #tpu.memory_space<semaphore_mem>>)
      %dma_wait3A_379 = arith.constant 0 : i32
      %dma_wait3A_380 = tpu.memref_slice %arg8[%arg0, %add3A_364, %dma_wait3A_379] : memref<2x10240x64xf32, #tpu.memory_space<hbm>> -> memref<1x128x64xf32, #tpu.memory_space<hbm>>
      %dma_wait3A_381 = tpu.memref_squeeze %dma_wait3A_380 : memref<1x128x64xf32, #tpu.memory_space<hbm>> -> memref<128x64xf32, #tpu.memory_space<hbm>>
      %dma_wait3A_382 = arith.constant 0 : i32
      %dma_wait3A_383 = tpu.memref_slice %arg8[%arg0, %add3A_364, %dma_wait3A_382] : memref<2x10240x64xf32, #tpu.memory_space<hbm>> -> memref<1x128x64xf32, #tpu.memory_space<hbm>>
      %dma_wait3A_384 = tpu.memref_squeeze %dma_wait3A_383 : memref<1x128x64xf32, #tpu.memory_space<hbm>> -> memref<128x64xf32, #tpu.memory_space<hbm>>
      tpu.wait_dma2 semaphore(%run_scoped3A : memref<!tpu.dma_semaphore, #tpu.memory_space<semaphore_mem>>) src(%arg11 : memref<128x64xf32, #tpu.memory_space<vmem>>) dst(%dma_wait3A_384 : memref<128x64xf32, #tpu.memory_space<hbm>>)
      tpu.yield
    }) : () -> ()
    %mul3A_365 = arith.constant 640 : i32
    %mul3A_366 = arith.muli %arg1, %mul3A_365 : i32
    %add3A_367 = arith.constant 384 : i32
    %add3A_368 = arith.addi %mul3A_366, %add3A_367 : i32
    "tpu.region"() ({
      %run_scoped3A = tpu.sem_alloc : memref<!tpu.dma_semaphore, #tpu.memory_space<semaphore_mem>>
      %dma_start3A_373 = arith.constant 0 : i32
      %dma_start3A_374 = tpu.memref_slice %arg26[%add3A_368, %dma_start3A_373] : memref<10240x64xf32, #tpu.memory_space<vmem_shared>> -> memref<128x64xf32, #tpu.memory_space<vmem_shared>>
      %dma_start3A_375 = arith.constant 0 : i32
      %dma_start3A_376 = tpu.memref_slice %arg26[%add3A_368, %dma_start3A_375] : memref<10240x64xf32, #tpu.memory_space<vmem_shared>> -> memref<128x64xf32, #tpu.memory_space<vmem_shared>>
      tpu.enqueue_dma source(%dma_start3A_376 : memref<128x64xf32, #tpu.memory_space<vmem_shared>>) target(%arg11 : memref<128x64xf32, #tpu.memory_space<vmem>>) target_semaphore(%run_scoped3A : memref<!tpu.dma_semaphore, #tpu.memory_space<semaphore_mem>>)
      %dma_wait3A_377 = arith.constant 0 : i32
      %dma_wait3A_378 = tpu.memref_slice %arg26[%add3A_368, %dma_wait3A_377] : memref<10240x64xf32, #tpu.memory_space<vmem_shared>> -> memref<128x64xf32, #tpu.memory_space<vmem_shared>>
      %dma_wait3A_379 = arith.constant 0 : i32
      %dma_wait3A_380 = tpu.memref_slice %arg26[%add3A_368, %dma_wait3A_379] : memref<10240x64xf32, #tpu.memory_space<vmem_shared>> -> memref<128x64xf32, #tpu.memory_space<vmem_shared>>
      tpu.wait_dma2 semaphore(%run_scoped3A : memref<!tpu.dma_semaphore, #tpu.memory_space<semaphore_mem>>) src(%dma_wait3A_380 : memref<128x64xf32, #tpu.memory_space<vmem_shared>>) dst(%arg11 : memref<128x64xf32, #tpu.memory_space<vmem>>)
      tpu.yield
    }) : () -> ()
    "tpu.region"() ({
      %run_scoped3A = tpu.sem_alloc : memref<!tpu.dma_semaphore, #tpu.memory_space<semaphore_mem>>
      %dma_start3A_373 = arith.constant 0 : i32
      %dma_start3A_374 = tpu.memref_slice %arg8[%arg0, %add3A_368, %dma_start3A_373] : memref<2x10240x64xf32, #tpu.memory_space<hbm>> -> memref<1x128x64xf32, #tpu.memory_space<hbm>>
      %dma_start3A_375 = tpu.memref_squeeze %dma_start3A_374 : memref<1x128x64xf32, #tpu.memory_space<hbm>> -> memref<128x64xf32, #tpu.memory_space<hbm>>
      %dma_start3A_376 = arith.constant 0 : i32
      %dma_start3A_377 = tpu.memref_slice %arg8[%arg0, %add3A_368, %dma_start3A_376] : memref<2x10240x64xf32, #tpu.memory_space<hbm>> -> memref<1x128x64xf32, #tpu.memory_space<hbm>>
      %dma_start3A_378 = tpu.memref_squeeze %dma_start3A_377 : memref<1x128x64xf32, #tpu.memory_space<hbm>> -> memref<128x64xf32, #tpu.memory_space<hbm>>
      tpu.enqueue_dma source(%arg11 : memref<128x64xf32, #tpu.memory_space<vmem>>) target(%dma_start3A_378 : memref<128x64xf32, #tpu.memory_space<hbm>>) target_semaphore(%run_scoped3A : memref<!tpu.dma_semaphore, #tpu.memory_space<semaphore_mem>>)
      %dma_wait3A_379 = arith.constant 0 : i32
      %dma_wait3A_380 = tpu.memref_slice %arg8[%arg0, %add3A_368, %dma_wait3A_379] : memref<2x10240x64xf32, #tpu.memory_space<hbm>> -> memref<1x128x64xf32, #tpu.memory_space<hbm>>
      %dma_wait3A_381 = tpu.memref_squeeze %dma_wait3A_380 : memref<1x128x64xf32, #tpu.memory_space<hbm>> -> memref<128x64xf32, #tpu.memory_space<hbm>>
      %dma_wait3A_382 = arith.constant 0 : i32
      %dma_wait3A_383 = tpu.memref_slice %arg8[%arg0, %add3A_368, %dma_wait3A_382] : memref<2x10240x64xf32, #tpu.memory_space<hbm>> -> memref<1x128x64xf32, #tpu.memory_space<hbm>>
      %dma_wait3A_384 = tpu.memref_squeeze %dma_wait3A_383 : memref<1x128x64xf32, #tpu.memory_space<hbm>> -> memref<128x64xf32, #tpu.memory_space<hbm>>
      tpu.wait_dma2 semaphore(%run_scoped3A : memref<!tpu.dma_semaphore, #tpu.memory_space<semaphore_mem>>) src(%arg11 : memref<128x64xf32, #tpu.memory_space<vmem>>) dst(%dma_wait3A_384 : memref<128x64xf32, #tpu.memory_space<hbm>>)
      tpu.yield
    }) : () -> ()
    %mul3A_369 = arith.constant 640 : i32
    %mul3A_370 = arith.muli %arg1, %mul3A_369 : i32
    %add3A_371 = arith.constant 512 : i32
    %add3A_372 = arith.addi %mul3A_370, %add3A_371 : i32
    "tpu.region"() ({
      %run_scoped3A = tpu.sem_alloc : memref<!tpu.dma_semaphore, #tpu.memory_space<semaphore_mem>>
      %dma_start3A_373 = arith.constant 0 : i32
      %dma_start3A_374 = tpu.memref_slice %arg26[%add3A_372, %dma_start3A_373] : memref<10240x64xf32, #tpu.memory_space<vmem_shared>> -> memref<128x64xf32, #tpu.memory_space<vmem_shared>>
      %dma_start3A_375 = arith.constant 0 : i32
      %dma_start3A_376 = tpu.memref_slice %arg26[%add3A_372, %dma_start3A_375] : memref<10240x64xf32, #tpu.memory_space<vmem_shared>> -> memref<128x64xf32, #tpu.memory_space<vmem_shared>>
      tpu.enqueue_dma source(%dma_start3A_376 : memref<128x64xf32, #tpu.memory_space<vmem_shared>>) target(%arg11 : memref<128x64xf32, #tpu.memory_space<vmem>>) target_semaphore(%run_scoped3A : memref<!tpu.dma_semaphore, #tpu.memory_space<semaphore_mem>>)
      %dma_wait3A_377 = arith.constant 0 : i32
      %dma_wait3A_378 = tpu.memref_slice %arg26[%add3A_372, %dma_wait3A_377] : memref<10240x64xf32, #tpu.memory_space<vmem_shared>> -> memref<128x64xf32, #tpu.memory_space<vmem_shared>>
      %dma_wait3A_379 = arith.constant 0 : i32
      %dma_wait3A_380 = tpu.memref_slice %arg26[%add3A_372, %dma_wait3A_379] : memref<10240x64xf32, #tpu.memory_space<vmem_shared>> -> memref<128x64xf32, #tpu.memory_space<vmem_shared>>
      tpu.wait_dma2 semaphore(%run_scoped3A : memref<!tpu.dma_semaphore, #tpu.memory_space<semaphore_mem>>) src(%dma_wait3A_380 : memref<128x64xf32, #tpu.memory_space<vmem_shared>>) dst(%arg11 : memref<128x64xf32, #tpu.memory_space<vmem>>)
      tpu.yield
    }) : () -> ()
    "tpu.region"() ({
      %run_scoped3A = tpu.sem_alloc : memref<!tpu.dma_semaphore, #tpu.memory_space<semaphore_mem>>
      %dma_start3A_373 = arith.constant 0 : i32
      %dma_start3A_374 = tpu.memref_slice %arg8[%arg0, %add3A_372, %dma_start3A_373] : memref<2x10240x64xf32, #tpu.memory_space<hbm>> -> memref<1x128x64xf32, #tpu.memory_space<hbm>>
      %dma_start3A_375 = tpu.memref_squeeze %dma_start3A_374 : memref<1x128x64xf32, #tpu.memory_space<hbm>> -> memref<128x64xf32, #tpu.memory_space<hbm>>
      %dma_start3A_376 = arith.constant 0 : i32
      %dma_start3A_377 = tpu.memref_slice %arg8[%arg0, %add3A_372, %dma_start3A_376] : memref<2x10240x64xf32, #tpu.memory_space<hbm>> -> memref<1x128x64xf32, #tpu.memory_space<hbm>>
      %dma_start3A_378 = tpu.memref_squeeze %dma_start3A_377 : memref<1x128x64xf32, #tpu.memory_space<hbm>> -> memref<128x64xf32, #tpu.memory_space<hbm>>
      tpu.enqueue_dma source(%arg11 : memref<128x64xf32, #tpu.memory_space<vmem>>) target(%dma_start3A_378 : memref<128x64xf32, #tpu.memory_space<hbm>>) target_semaphore(%run_scoped3A : memref<!tpu.dma_semaphore, #tpu.memory_space<semaphore_mem>>)
      %dma_wait3A_379 = arith.constant 0 : i32
      %dma_wait3A_380 = tpu.memref_slice %arg8[%arg0, %add3A_372, %dma_wait3A_379] : memref<2x10240x64xf32, #tpu.memory_space<hbm>> -> memref<1x128x64xf32, #tpu.memory_space<hbm>>
      %dma_wait3A_381 = tpu.memref_squeeze %dma_wait3A_380 : memref<1x128x64xf32, #tpu.memory_space<hbm>> -> memref<128x64xf32, #tpu.memory_space<hbm>>
      %dma_wait3A_382 = arith.constant 0 : i32
      %dma_wait3A_383 = tpu.memref_slice %arg8[%arg0, %add3A_372, %dma_wait3A_382] : memref<2x10240x64xf32, #tpu.memory_space<hbm>> -> memref<1x128x64xf32, #tpu.memory_space<hbm>>
      %dma_wait3A_384 = tpu.memref_squeeze %dma_wait3A_383 : memref<1x128x64xf32, #tpu.memory_space<hbm>> -> memref<128x64xf32, #tpu.memory_space<hbm>>
      tpu.wait_dma2 semaphore(%run_scoped3A : memref<!tpu.dma_semaphore, #tpu.memory_space<semaphore_mem>>) src(%arg11 : memref<128x64xf32, #tpu.memory_space<vmem>>) dst(%dma_wait3A_384 : memref<128x64xf32, #tpu.memory_space<hbm>>)
      tpu.yield
    }) : () -> ()
    return
  }
}

#map = affine_map<(d0, d1) -> (0, 0, 0)>
#map1 = affine_map<(d0, d1) -> (0)>
#map2 = affine_map<(d0, d1) -> (0, 0)>
module attributes {stable_mosaic.version = 14 : i64} {
  func.func @_sc_deg(%arg0: i32, %arg1: i32, %arg2: memref<32x80x128xi32, #tpu.memory_space<hbm>>, %arg3: memref<128xf32, #tpu.memory_space<hbm>>, %arg4: memref<640xf32, #tpu.memory_space<hbm>>, %arg5: memref<2x10240xf32, #tpu.memory_space<hbm>>, %arg6: memref<80x128xi32, #tpu.memory_space<vmem>>, %arg7: memref<128xf32, #tpu.memory_space<vmem>>, %arg8: memref<640xf32, #tpu.memory_space<vmem>>, %arg9: memref<10240xf32, #tpu.memory_space<vmem_shared>>) attributes {dimension_semantics = [#tpu.dimension_semantics<core_parallel>, #tpu.dimension_semantics<subcore_parallel>], iteration_bounds = array<i64: 2, 16>, scalar_prefetch = 0 : i64, scratch_operands = 4 : i64, tpu.core_type = #tpu.core_type<sc_vector_subcore>, window_params = [{transform_indices = #map}, {transform_indices = #map1}, {transform_indices = #map1}, {transform_indices = #map2}]} {
    %mul3A = arith.constant 16 : i32
    %mul3A_0 = arith.muli %arg0, %mul3A : i32
    %add3A = arith.addi %mul3A_0, %arg1 : i32
    "tpu.region"() ({
      %run_scoped3A = tpu.sem_alloc : memref<!tpu.dma_semaphore, #tpu.memory_space<semaphore_mem>>
      tpu.enqueue_dma source(%arg3 : memref<128xf32, #tpu.memory_space<hbm>>) target(%arg7 : memref<128xf32, #tpu.memory_space<vmem>>) target_semaphore(%run_scoped3A : memref<!tpu.dma_semaphore, #tpu.memory_space<semaphore_mem>>)
      tpu.wait_dma2 semaphore(%run_scoped3A : memref<!tpu.dma_semaphore, #tpu.memory_space<semaphore_mem>>) src(%arg3 : memref<128xf32, #tpu.memory_space<hbm>>) dst(%arg7 : memref<128xf32, #tpu.memory_space<vmem>>)
      tpu.yield
    }) : () -> ()
    "tpu.region"() ({
      %run_scoped3A = tpu.sem_alloc : memref<!tpu.dma_semaphore, #tpu.memory_space<semaphore_mem>>
      tpu.enqueue_dma source(%arg4 : memref<640xf32, #tpu.memory_space<hbm>>) target(%arg8 : memref<640xf32, #tpu.memory_space<vmem>>) target_semaphore(%run_scoped3A : memref<!tpu.dma_semaphore, #tpu.memory_space<semaphore_mem>>)
      tpu.wait_dma2 semaphore(%run_scoped3A : memref<!tpu.dma_semaphore, #tpu.memory_space<semaphore_mem>>) src(%arg4 : memref<640xf32, #tpu.memory_space<hbm>>) dst(%arg8 : memref<640xf32, #tpu.memory_space<vmem>>)
      tpu.yield
    }) : () -> ()
    %mul3A_1 = arith.constant 640 : i32
    %mul3A_2 = arith.muli %arg1, %mul3A_1 : i32
    "tpu.region"() ({
      %run_scoped3A = tpu.sem_alloc : memref<!tpu.dma_semaphore, #tpu.memory_space<semaphore_mem>>
      %dma_start3A = tpu.memref_slice %arg9[%mul3A_2] : memref<10240xf32, #tpu.memory_space<vmem_shared>> -> memref<640xf32, #tpu.memory_space<vmem_shared>>
      %dma_start3A_13 = tpu.memref_slice %arg9[%mul3A_2] : memref<10240xf32, #tpu.memory_space<vmem_shared>> -> memref<640xf32, #tpu.memory_space<vmem_shared>>
      tpu.enqueue_dma source(%arg8 : memref<640xf32, #tpu.memory_space<vmem>>) target(%dma_start3A_13 : memref<640xf32, #tpu.memory_space<vmem_shared>>) target_semaphore(%run_scoped3A : memref<!tpu.dma_semaphore, #tpu.memory_space<semaphore_mem>>)
      %dma_wait3A = tpu.memref_slice %arg9[%mul3A_2] : memref<10240xf32, #tpu.memory_space<vmem_shared>> -> memref<640xf32, #tpu.memory_space<vmem_shared>>
      %dma_wait3A_14 = tpu.memref_slice %arg9[%mul3A_2] : memref<10240xf32, #tpu.memory_space<vmem_shared>> -> memref<640xf32, #tpu.memory_space<vmem_shared>>
      tpu.wait_dma2 semaphore(%run_scoped3A : memref<!tpu.dma_semaphore, #tpu.memory_space<semaphore_mem>>) src(%arg8 : memref<640xf32, #tpu.memory_space<vmem>>) dst(%dma_wait3A_14 : memref<640xf32, #tpu.memory_space<vmem_shared>>)
      tpu.yield
    }) : () -> ()
    %barrier3A = arith.constant 0 : index
    tpu.barrier barrier_id(%barrier3A)
    "tpu.region"() ({
      %run_scoped3A = tpu.sem_alloc : memref<!tpu.dma_semaphore, #tpu.memory_space<semaphore_mem>>
      %dma_start3A = arith.constant 0 : i32
      %dma_start3A_13 = arith.constant 0 : i32
      %dma_start3A_14 = tpu.memref_slice %arg2[%add3A, %dma_start3A, %dma_start3A_13] : memref<32x80x128xi32, #tpu.memory_space<hbm>> -> memref<1x80x128xi32, #tpu.memory_space<hbm>>
      %dma_start3A_15 = tpu.memref_squeeze %dma_start3A_14 : memref<1x80x128xi32, #tpu.memory_space<hbm>> -> memref<80x128xi32, #tpu.memory_space<hbm>>
      %dma_start3A_16 = arith.constant 0 : i32
      %dma_start3A_17 = arith.constant 0 : i32
      %dma_start3A_18 = tpu.memref_slice %arg2[%add3A, %dma_start3A_16, %dma_start3A_17] : memref<32x80x128xi32, #tpu.memory_space<hbm>> -> memref<1x80x128xi32, #tpu.memory_space<hbm>>
      %dma_start3A_19 = tpu.memref_squeeze %dma_start3A_18 : memref<1x80x128xi32, #tpu.memory_space<hbm>> -> memref<80x128xi32, #tpu.memory_space<hbm>>
      tpu.enqueue_dma source(%dma_start3A_19 : memref<80x128xi32, #tpu.memory_space<hbm>>) target(%arg6 : memref<80x128xi32, #tpu.memory_space<vmem>>) target_semaphore(%run_scoped3A : memref<!tpu.dma_semaphore, #tpu.memory_space<semaphore_mem>>)
      %dma_wait3A = arith.constant 0 : i32
      %dma_wait3A_20 = arith.constant 0 : i32
      %dma_wait3A_21 = tpu.memref_slice %arg2[%add3A, %dma_wait3A, %dma_wait3A_20] : memref<32x80x128xi32, #tpu.memory_space<hbm>> -> memref<1x80x128xi32, #tpu.memory_space<hbm>>
      %dma_wait3A_22 = tpu.memref_squeeze %dma_wait3A_21 : memref<1x80x128xi32, #tpu.memory_space<hbm>> -> memref<80x128xi32, #tpu.memory_space<hbm>>
      %dma_wait3A_23 = arith.constant 0 : i32
      %dma_wait3A_24 = arith.constant 0 : i32
      %dma_wait3A_25 = tpu.memref_slice %arg2[%add3A, %dma_wait3A_23, %dma_wait3A_24] : memref<32x80x128xi32, #tpu.memory_space<hbm>> -> memref<1x80x128xi32, #tpu.memory_space<hbm>>
      %dma_wait3A_26 = tpu.memref_squeeze %dma_wait3A_25 : memref<1x80x128xi32, #tpu.memory_space<hbm>> -> memref<80x128xi32, #tpu.memory_space<hbm>>
      tpu.wait_dma2 semaphore(%run_scoped3A : memref<!tpu.dma_semaphore, #tpu.memory_space<semaphore_mem>>) src(%dma_wait3A_26 : memref<80x128xi32, #tpu.memory_space<hbm>>) dst(%arg6 : memref<80x128xi32, #tpu.memory_space<vmem>>)
      tpu.yield
    }) : () -> ()
    %scan3A = arith.constant 0 : i32
    %scan3A_3 = arith.constant 0 : i32
    %scan3A_4 = arith.constant 80 : i32
    %scan3A_5 = arith.addi %scan3A_3, %scan3A_4 : i32
    %scan3A_6 = arith.constant 1 : i32
    scf.for %scan3A_13 = %scan3A_3 to %scan3A_5 step %scan3A_6  : i32 {
      "tpu.region"() ({
        %run_scoped3A = tpu.sem_alloc : memref<!tpu.dma_semaphore, #tpu.memory_space<semaphore_mem>>
        %dma_start3A = arith.constant 0 : i32
        %dma_start3A_14 = tpu.memref_slice %arg6[%scan3A_13, %dma_start3A] : memref<80x128xi32, #tpu.memory_space<vmem>> -> memref<1x128xi32, #tpu.memory_space<vmem>>
        %dma_start3A_15 = tpu.memref_squeeze %dma_start3A_14 : memref<1x128xi32, #tpu.memory_space<vmem>> -> memref<128xi32, #tpu.memory_space<vmem>>
        %dma_start3A_16 = arith.constant 0 : i32
        %dma_start3A_17 = tpu.memref_slice %arg9[%dma_start3A_16] : memref<10240xf32, #tpu.memory_space<vmem_shared>> -> memref<10240xf32, #tpu.memory_space<vmem_shared>>
        tpu.enqueue_indirect_dma source(%arg7 : memref<128xf32, #tpu.memory_space<vmem>>) target(%dma_start3A_17 : memref<10240xf32, #tpu.memory_space<vmem_shared>>) offsets(%dma_start3A_15 : memref<128xi32, #tpu.memory_space<vmem>>) semaphore(%run_scoped3A : memref<!tpu.dma_semaphore, #tpu.memory_space<semaphore_mem>>) {add = true}
        %dma_wait3A = arith.constant 0 : i32
        %dma_wait3A_18 = tpu.memref_slice %arg6[%scan3A_13, %dma_wait3A] : memref<80x128xi32, #tpu.memory_space<vmem>> -> memref<1x128xi32, #tpu.memory_space<vmem>>
        %dma_wait3A_19 = tpu.memref_squeeze %dma_wait3A_18 : memref<1x128xi32, #tpu.memory_space<vmem>> -> memref<128xi32, #tpu.memory_space<vmem>>
        %dma_wait3A_20 = arith.constant 0 : i32
        %dma_wait3A_21 = tpu.memref_slice %arg9[%dma_wait3A_20] : memref<10240xf32, #tpu.memory_space<vmem_shared>> -> memref<10240xf32, #tpu.memory_space<vmem_shared>>
        tpu.wait_indirect_dma semaphore(%run_scoped3A : memref<!tpu.dma_semaphore, #tpu.memory_space<semaphore_mem>>) src(%arg7 : memref<128xf32, #tpu.memory_space<vmem>>) dst(%dma_wait3A_21 : memref<10240xf32, #tpu.memory_space<vmem_shared>>)
        tpu.yield
      }) : () -> ()
    }
    %scan3A_7 = arith.constant 80 : i32
    %barrier3A_8 = arith.constant 0 : index
    tpu.barrier barrier_id(%barrier3A_8)
    %mul3A_9 = arith.constant 640 : i32
    %mul3A_10 = arith.muli %arg1, %mul3A_9 : i32
    "tpu.region"() ({
      %run_scoped3A = tpu.sem_alloc : memref<!tpu.dma_semaphore, #tpu.memory_space<semaphore_mem>>
      %dma_start3A = tpu.memref_slice %arg9[%mul3A_10] : memref<10240xf32, #tpu.memory_space<vmem_shared>> -> memref<640xf32, #tpu.memory_space<vmem_shared>>
      %dma_start3A_13 = tpu.memref_slice %arg9[%mul3A_10] : memref<10240xf32, #tpu.memory_space<vmem_shared>> -> memref<640xf32, #tpu.memory_space<vmem_shared>>
      tpu.enqueue_dma source(%dma_start3A_13 : memref<640xf32, #tpu.memory_space<vmem_shared>>) target(%arg8 : memref<640xf32, #tpu.memory_space<vmem>>) target_semaphore(%run_scoped3A : memref<!tpu.dma_semaphore, #tpu.memory_space<semaphore_mem>>)
      %dma_wait3A = tpu.memref_slice %arg9[%mul3A_10] : memref<10240xf32, #tpu.memory_space<vmem_shared>> -> memref<640xf32, #tpu.memory_space<vmem_shared>>
      %dma_wait3A_14 = tpu.memref_slice %arg9[%mul3A_10] : memref<10240xf32, #tpu.memory_space<vmem_shared>> -> memref<640xf32, #tpu.memory_space<vmem_shared>>
      tpu.wait_dma2 semaphore(%run_scoped3A : memref<!tpu.dma_semaphore, #tpu.memory_space<semaphore_mem>>) src(%dma_wait3A_14 : memref<640xf32, #tpu.memory_space<vmem_shared>>) dst(%arg8 : memref<640xf32, #tpu.memory_space<vmem>>)
      tpu.yield
    }) : () -> ()
    %mul3A_11 = arith.constant 640 : i32
    %mul3A_12 = arith.muli %arg1, %mul3A_11 : i32
    "tpu.region"() ({
      %run_scoped3A = tpu.sem_alloc : memref<!tpu.dma_semaphore, #tpu.memory_space<semaphore_mem>>
      %dma_start3A = tpu.memref_slice %arg5[%arg0, %mul3A_12] : memref<2x10240xf32, #tpu.memory_space<hbm>> -> memref<1x640xf32, #tpu.memory_space<hbm>>
      %dma_start3A_13 = tpu.memref_squeeze %dma_start3A : memref<1x640xf32, #tpu.memory_space<hbm>> -> memref<640xf32, #tpu.memory_space<hbm>>
      %dma_start3A_14 = tpu.memref_slice %arg5[%arg0, %mul3A_12] : memref<2x10240xf32, #tpu.memory_space<hbm>> -> memref<1x640xf32, #tpu.memory_space<hbm>>
      %dma_start3A_15 = tpu.memref_squeeze %dma_start3A_14 : memref<1x640xf32, #tpu.memory_space<hbm>> -> memref<640xf32, #tpu.memory_space<hbm>>
      tpu.enqueue_dma source(%arg8 : memref<640xf32, #tpu.memory_space<vmem>>) target(%dma_start3A_15 : memref<640xf32, #tpu.memory_space<hbm>>) target_semaphore(%run_scoped3A : memref<!tpu.dma_semaphore, #tpu.memory_space<semaphore_mem>>)
      %dma_wait3A = tpu.memref_slice %arg5[%arg0, %mul3A_12] : memref<2x10240xf32, #tpu.memory_space<hbm>> -> memref<1x640xf32, #tpu.memory_space<hbm>>
      %dma_wait3A_16 = tpu.memref_squeeze %dma_wait3A : memref<1x640xf32, #tpu.memory_space<hbm>> -> memref<640xf32, #tpu.memory_space<hbm>>
      %dma_wait3A_17 = tpu.memref_slice %arg5[%arg0, %mul3A_12] : memref<2x10240xf32, #tpu.memory_space<hbm>> -> memref<1x640xf32, #tpu.memory_space<hbm>>
      %dma_wait3A_18 = tpu.memref_squeeze %dma_wait3A_17 : memref<1x640xf32, #tpu.memory_space<hbm>> -> memref<640xf32, #tpu.memory_space<hbm>>
      tpu.wait_dma2 semaphore(%run_scoped3A : memref<!tpu.dma_semaphore, #tpu.memory_space<semaphore_mem>>) src(%arg8 : memref<640xf32, #tpu.memory_space<vmem>>) dst(%dma_wait3A_18 : memref<640xf32, #tpu.memory_space<hbm>>)
      tpu.yield
    }) : () -> ()
    return
  }
}

#map = affine_map<(d0, d1) -> (0, 0)>
#map1 = affine_map<(d0, d1) -> (0, 0, 0)>
module attributes {stable_mosaic.version = 14 : i64} {
  func.func @_sc_acc(%arg0: i32, %arg1: i32, %arg2: memref<10000x64xf32, #tpu.memory_space<hbm>>, %arg3: memref<10000x64xf32, #tpu.memory_space<hbm>>, %arg4: memref<32x80x128xi32, #tpu.memory_space<hbm>>, %arg5: memref<32x80x128xi32, #tpu.memory_space<hbm>>, %arg6: memref<128x64xf32, #tpu.memory_space<hbm>>, %arg7: memref<2x10240x64xf32, #tpu.memory_space<hbm>>, %arg8: memref<2x10240x64xf32, #tpu.memory_space<hbm>>, %arg9: memref<80x128xi32, #tpu.memory_space<vmem>>, %arg10: memref<80x128xi32, #tpu.memory_space<vmem>>, %arg11: memref<128x64xf32, #tpu.memory_space<vmem>>, %arg12: memref<128x64xf32, #tpu.memory_space<vmem>>, %arg13: memref<128x64xf32, #tpu.memory_space<vmem>>, %arg14: memref<128x64xf32, #tpu.memory_space<vmem>>, %arg15: memref<128x64xf32, #tpu.memory_space<vmem>>, %arg16: memref<!tpu.dma_semaphore, #tpu.memory_space<semaphore_mem>>, %arg17: memref<!tpu.dma_semaphore, #tpu.memory_space<semaphore_mem>>, %arg18: memref<!tpu.dma_semaphore, #tpu.memory_space<semaphore_mem>>, %arg19: memref<!tpu.dma_semaphore, #tpu.memory_space<semaphore_mem>>, %arg20: memref<!tpu.dma_semaphore, #tpu.memory_space<semaphore_mem>>, %arg21: memref<!tpu.dma_semaphore, #tpu.memory_space<semaphore_mem>>, %arg22: memref<!tpu.dma_semaphore, #tpu.memory_space<semaphore_mem>>, %arg23: memref<!tpu.dma_semaphore, #tpu.memory_space<semaphore_mem>>, %arg24: memref<!tpu.dma_semaphore, #tpu.memory_space<semaphore_mem>>, %arg25: memref<!tpu.dma_semaphore, #tpu.memory_space<semaphore_mem>>, %arg26: memref<10240x64xf32, #tpu.memory_space<vmem_shared>>) attributes {dimension_semantics = [#tpu.dimension_semantics<core_parallel>, #tpu.dimension_semantics<subcore_parallel>], iteration_bounds = array<i64: 2, 16>, scalar_prefetch = 0 : i64, scratch_operands = 18 : i64, tpu.core_type = #tpu.core_type<sc_vector_subcore>, window_params = [{transform_indices = #map}, {transform_indices = #map}, {transform_indices = #map1}, {transform_indices = #map1}, {transform_indices = #map}, {transform_indices = #map1}, {transform_indices = #map1}]} {
    %mul3A = arith.constant 16 : i32
    %mul3A_0 = arith.muli %arg0, %mul3A : i32
    %add3A = arith.addi %mul3A_0, %arg1 : i32
    "tpu.region"() ({
      %run_scoped3A = tpu.sem_alloc : memref<!tpu.dma_semaphore, #tpu.memory_space<semaphore_mem>>
      %dma_start3A_373 = arith.constant 0 : i32
      %dma_start3A_374 = arith.constant 0 : i32
      %dma_start3A_375 = tpu.memref_slice %arg4[%add3A, %dma_start3A_373, %dma_start3A_374] : memref<32x80x128xi32, #tpu.memory_space<hbm>> -> memref<1x80x128xi32, #tpu.memory_space<hbm>>
      %dma_start3A_376 = tpu.memref_squeeze %dma_start3A_375 : memref<1x80x128xi32, #tpu.memory_space<hbm>> -> memref<80x128xi32, #tpu.memory_space<hbm>>
      %dma_start3A_377 = arith.constant 0 : i32
      %dma_start3A_378 = arith.constant 0 : i32
      %dma_start3A_379 = tpu.memref_slice %arg4[%add3A, %dma_start3A_377, %dma_start3A_378] : memref<32x80x128xi32, #tpu.memory_space<hbm>> -> memref<1x80x128xi32, #tpu.memory_space<hbm>>
      %dma_start3A_380 = tpu.memref_squeeze %dma_start3A_379 : memref<1x80x128xi32, #tpu.memory_space<hbm>> -> memref<80x128xi32, #tpu.memory_space<hbm>>
      tpu.enqueue_dma source(%dma_start3A_380 : memref<80x128xi32, #tpu.memory_space<hbm>>) target(%arg9 : memref<80x128xi32, #tpu.memory_space<vmem>>) target_semaphore(%run_scoped3A : memref<!tpu.dma_semaphore, #tpu.memory_space<semaphore_mem>>)
      %dma_wait3A_381 = arith.constant 0 : i32
      %dma_wait3A_382 = arith.constant 0 : i32
      %dma_wait3A_383 = tpu.memref_slice %arg4[%add3A, %dma_wait3A_381, %dma_wait3A_382] : memref<32x80x128xi32, #tpu.memory_space<hbm>> -> memref<1x80x128xi32, #tpu.memory_space<hbm>>
      %dma_wait3A_384 = tpu.memref_squeeze %dma_wait3A_383 : memref<1x80x128xi32, #tpu.memory_space<hbm>> -> memref<80x128xi32, #tpu.memory_space<hbm>>
      %dma_wait3A_385 = arith.constant 0 : i32
      %dma_wait3A_386 = arith.constant 0 : i32
      %dma_wait3A_387 = tpu.memref_slice %arg4[%add3A, %dma_wait3A_385, %dma_wait3A_386] : memref<32x80x128xi32, #tpu.memory_space<hbm>> -> memref<1x80x128xi32, #tpu.memory_space<hbm>>
      %dma_wait3A_388 = tpu.memref_squeeze %dma_wait3A_387 : memref<1x80x128xi32, #tpu.memory_space<hbm>> -> memref<80x128xi32, #tpu.memory_space<hbm>>
      tpu.wait_dma2 semaphore(%run_scoped3A : memref<!tpu.dma_semaphore, #tpu.memory_space<semaphore_mem>>) src(%dma_wait3A_388 : memref<80x128xi32, #tpu.memory_space<hbm>>) dst(%arg9 : memref<80x128xi32, #tpu.memory_space<vmem>>)
      tpu.yield
    }) : () -> ()
    "tpu.region"() ({
      %run_scoped3A = tpu.sem_alloc : memref<!tpu.dma_semaphore, #tpu.memory_space<semaphore_mem>>
      %dma_start3A_373 = arith.constant 0 : i32
      %dma_start3A_374 = arith.constant 0 : i32
      %dma_start3A_375 = tpu.memref_slice %arg5[%add3A, %dma_start3A_373, %dma_start3A_374] : memref<32x80x128xi32, #tpu.memory_space<hbm>> -> memref<1x80x128xi32, #tpu.memory_space<hbm>>
      %dma_start3A_376 = tpu.memref_squeeze %dma_start3A_375 : memref<1x80x128xi32, #tpu.memory_space<hbm>> -> memref<80x128xi32, #tpu.memory_space<hbm>>
      %dma_start3A_377 = arith.constant 0 : i32
      %dma_start3A_378 = arith.constant 0 : i32
      %dma_start3A_379 = tpu.memref_slice %arg5[%add3A, %dma_start3A_377, %dma_start3A_378] : memref<32x80x128xi32, #tpu.memory_space<hbm>> -> memref<1x80x128xi32, #tpu.memory_space<hbm>>
      %dma_start3A_380 = tpu.memref_squeeze %dma_start3A_379 : memref<1x80x128xi32, #tpu.memory_space<hbm>> -> memref<80x128xi32, #tpu.memory_space<hbm>>
      tpu.enqueue_dma source(%dma_start3A_380 : memref<80x128xi32, #tpu.memory_space<hbm>>) target(%arg10 : memref<80x128xi32, #tpu.memory_space<vmem>>) target_semaphore(%run_scoped3A : memref<!tpu.dma_semaphore, #tpu.memory_space<semaphore_mem>>)
      %dma_wait3A_381 = arith.constant 0 : i32
      %dma_wait3A_382 = arith.constant 0 : i32
      %dma_wait3A_383 = tpu.memref_slice %arg5[%add3A, %dma_wait3A_381, %dma_wait3A_382] : memref<32x80x128xi32, #tpu.memory_space<hbm>> -> memref<1x80x128xi32, #tpu.memory_space<hbm>>
      %dma_wait3A_384 = tpu.memref_squeeze %dma_wait3A_383 : memref<1x80x128xi32, #tpu.memory_space<hbm>> -> memref<80x128xi32, #tpu.memory_space<hbm>>
      %dma_wait3A_385 = arith.constant 0 : i32
      %dma_wait3A_386 = arith.constant 0 : i32
      %dma_wait3A_387 = tpu.memref_slice %arg5[%add3A, %dma_wait3A_385, %dma_wait3A_386] : memref<32x80x128xi32, #tpu.memory_space<hbm>> -> memref<1x80x128xi32, #tpu.memory_space<hbm>>
      %dma_wait3A_388 = tpu.memref_squeeze %dma_wait3A_387 : memref<1x80x128xi32, #tpu.memory_space<hbm>> -> memref<80x128xi32, #tpu.memory_space<hbm>>
      tpu.wait_dma2 semaphore(%run_scoped3A : memref<!tpu.dma_semaphore, #tpu.memory_space<semaphore_mem>>) src(%dma_wait3A_388 : memref<80x128xi32, #tpu.memory_space<hbm>>) dst(%arg10 : memref<80x128xi32, #tpu.memory_space<vmem>>)
      tpu.yield
    }) : () -> ()
    "tpu.region"() ({
      %run_scoped3A = tpu.sem_alloc : memref<!tpu.dma_semaphore, #tpu.memory_space<semaphore_mem>>
      tpu.enqueue_dma source(%arg6 : memref<128x64xf32, #tpu.memory_space<hbm>>) target(%arg11 : memref<128x64xf32, #tpu.memory_space<vmem>>) target_semaphore(%run_scoped3A : memref<!tpu.dma_semaphore, #tpu.memory_space<semaphore_mem>>)
      tpu.wait_dma2 semaphore(%run_scoped3A : memref<!tpu.dma_semaphore, #tpu.memory_space<semaphore_mem>>) src(%arg6 : memref<128x64xf32, #tpu.memory_space<hbm>>) dst(%arg11 : memref<128x64xf32, #tpu.memory_space<vmem>>)
      tpu.yield
    }) : () -> ()
    %mul3A_1 = arith.constant 640 : i32
    %mul3A_2 = arith.muli %arg1, %mul3A_1 : i32
    %add3A_3 = arith.constant 0 : i32
    %add3A_4 = arith.addi %mul3A_2, %add3A_3 : i32
    "tpu.region"() ({
      %run_scoped3A = tpu.sem_alloc : memref<!tpu.dma_semaphore, #tpu.memory_space<semaphore_mem>>
      %dma_start3A_373 = arith.constant 0 : i32
      %dma_start3A_374 = tpu.memref_slice %arg26[%add3A_4, %dma_start3A_373] : memref<10240x64xf32, #tpu.memory_space<vmem_shared>> -> memref<128x64xf32, #tpu.memory_space<vmem_shared>>
      %dma_start3A_375 = arith.constant 0 : i32
      %dma_start3A_376 = tpu.memref_slice %arg26[%add3A_4, %dma_start3A_375] : memref<10240x64xf32, #tpu.memory_space<vmem_shared>> -> memref<128x64xf32, #tpu.memory_space<vmem_shared>>
      tpu.enqueue_dma source(%arg11 : memref<128x64xf32, #tpu.memory_space<vmem>>) target(%dma_start3A_376 : memref<128x64xf32, #tpu.memory_space<vmem_shared>>) target_semaphore(%run_scoped3A : memref<!tpu.dma_semaphore, #tpu.memory_space<semaphore_mem>>)
      %dma_wait3A_377 = arith.constant 0 : i32
      %dma_wait3A_378 = tpu.memref_slice %arg26[%add3A_4, %dma_wait3A_377] : memref<10240x64xf32, #tpu.memory_space<vmem_shared>> -> memref<128x64xf32, #tpu.memory_space<vmem_shared>>
      %dma_wait3A_379 = arith.constant 0 : i32
      %dma_wait3A_380 = tpu.memref_slice %arg26[%add3A_4, %dma_wait3A_379] : memref<10240x64xf32, #tpu.memory_space<vmem_shared>> -> memref<128x64xf32, #tpu.memory_space<vmem_shared>>
      tpu.wait_dma2 semaphore(%run_scoped3A : memref<!tpu.dma_semaphore, #tpu.memory_space<semaphore_mem>>) src(%arg11 : memref<128x64xf32, #tpu.memory_space<vmem>>) dst(%dma_wait3A_380 : memref<128x64xf32, #tpu.memory_space<vmem_shared>>)
      tpu.yield
    }) : () -> ()
    %mul3A_5 = arith.constant 640 : i32
    %mul3A_6 = arith.muli %arg1, %mul3A_5 : i32
    %add3A_7 = arith.constant 128 : i32
    %add3A_8 = arith.addi %mul3A_6, %add3A_7 : i32
    "tpu.region"() ({
      %run_scoped3A = tpu.sem_alloc : memref<!tpu.dma_semaphore, #tpu.memory_space<semaphore_mem>>
      %dma_start3A_373 = arith.constant 0 : i32
      %dma_start3A_374 = tpu.memref_slice %arg26[%add3A_8, %dma_start3A_373] : memref<10240x64xf32, #tpu.memory_space<vmem_shared>> -> memref<128x64xf32, #tpu.memory_space<vmem_shared>>
      %dma_start3A_375 = arith.constant 0 : i32
      %dma_start3A_376 = tpu.memref_slice %arg26[%add3A_8, %dma_start3A_375] : memref<10240x64xf32, #tpu.memory_space<vmem_shared>> -> memref<128x64xf32, #tpu.memory_space<vmem_shared>>
      tpu.enqueue_dma source(%arg11 : memref<128x64xf32, #tpu.memory_space<vmem>>) target(%dma_start3A_376 : memref<128x64xf32, #tpu.memory_space<vmem_shared>>) target_semaphore(%run_scoped3A : memref<!tpu.dma_semaphore, #tpu.memory_space<semaphore_mem>>)
      %dma_wait3A_377 = arith.constant 0 : i32
      %dma_wait3A_378 = tpu.memref_slice %arg26[%add3A_8, %dma_wait3A_377] : memref<10240x64xf32, #tpu.memory_space<vmem_shared>> -> memref<128x64xf32, #tpu.memory_space<vmem_shared>>
      %dma_wait3A_379 = arith.constant 0 : i32
      %dma_wait3A_380 = tpu.memref_slice %arg26[%add3A_8, %dma_wait3A_379] : memref<10240x64xf32, #tpu.memory_space<vmem_shared>> -> memref<128x64xf32, #tpu.memory_space<vmem_shared>>
      tpu.wait_dma2 semaphore(%run_scoped3A : memref<!tpu.dma_semaphore, #tpu.memory_space<semaphore_mem>>) src(%arg11 : memref<128x64xf32, #tpu.memory_space<vmem>>) dst(%dma_wait3A_380 : memref<128x64xf32, #tpu.memory_space<vmem_shared>>)
      tpu.yield
    }) : () -> ()
    %mul3A_9 = arith.constant 640 : i32
    %mul3A_10 = arith.muli %arg1, %mul3A_9 : i32
    %add3A_11 = arith.constant 256 : i32
    %add3A_12 = arith.addi %mul3A_10, %add3A_11 : i32
    "tpu.region"() ({
      %run_scoped3A = tpu.sem_alloc : memref<!tpu.dma_semaphore, #tpu.memory_space<semaphore_mem>>
      %dma_start3A_373 = arith.constant 0 : i32
      %dma_start3A_374 = tpu.memref_slice %arg26[%add3A_12, %dma_start3A_373] : memref<10240x64xf32, #tpu.memory_space<vmem_shared>> -> memref<128x64xf32, #tpu.memory_space<vmem_shared>>
      %dma_start3A_375 = arith.constant 0 : i32
      %dma_start3A_376 = tpu.memref_slice %arg26[%add3A_12, %dma_start3A_375] : memref<10240x64xf32, #tpu.memory_space<vmem_shared>> -> memref<128x64xf32, #tpu.memory_space<vmem_shared>>
      tpu.enqueue_dma source(%arg11 : memref<128x64xf32, #tpu.memory_space<vmem>>) target(%dma_start3A_376 : memref<128x64xf32, #tpu.memory_space<vmem_shared>>) target_semaphore(%run_scoped3A : memref<!tpu.dma_semaphore, #tpu.memory_space<semaphore_mem>>)
      %dma_wait3A_377 = arith.constant 0 : i32
      %dma_wait3A_378 = tpu.memref_slice %arg26[%add3A_12, %dma_wait3A_377] : memref<10240x64xf32, #tpu.memory_space<vmem_shared>> -> memref<128x64xf32, #tpu.memory_space<vmem_shared>>
      %dma_wait3A_379 = arith.constant 0 : i32
      %dma_wait3A_380 = tpu.memref_slice %arg26[%add3A_12, %dma_wait3A_379] : memref<10240x64xf32, #tpu.memory_space<vmem_shared>> -> memref<128x64xf32, #tpu.memory_space<vmem_shared>>
      tpu.wait_dma2 semaphore(%run_scoped3A : memref<!tpu.dma_semaphore, #tpu.memory_space<semaphore_mem>>) src(%arg11 : memref<128x64xf32, #tpu.memory_space<vmem>>) dst(%dma_wait3A_380 : memref<128x64xf32, #tpu.memory_space<vmem_shared>>)
      tpu.yield
    }) : () -> ()
    %mul3A_13 = arith.constant 640 : i32
    %mul3A_14 = arith.muli %arg1, %mul3A_13 : i32
    %add3A_15 = arith.constant 384 : i32
    %add3A_16 = arith.addi %mul3A_14, %add3A_15 : i32
    "tpu.region"() ({
      %run_scoped3A = tpu.sem_alloc : memref<!tpu.dma_semaphore, #tpu.memory_space<semaphore_mem>>
      %dma_start3A_373 = arith.constant 0 : i32
      %dma_start3A_374 = tpu.memref_slice %arg26[%add3A_16, %dma_start3A_373] : memref<10240x64xf32, #tpu.memory_space<vmem_shared>> -> memref<128x64xf32, #tpu.memory_space<vmem_shared>>
      %dma_start3A_375 = arith.constant 0 : i32
      %dma_start3A_376 = tpu.memref_slice %arg26[%add3A_16, %dma_start3A_375] : memref<10240x64xf32, #tpu.memory_space<vmem_shared>> -> memref<128x64xf32, #tpu.memory_space<vmem_shared>>
      tpu.enqueue_dma source(%arg11 : memref<128x64xf32, #tpu.memory_space<vmem>>) target(%dma_start3A_376 : memref<128x64xf32, #tpu.memory_space<vmem_shared>>) target_semaphore(%run_scoped3A : memref<!tpu.dma_semaphore, #tpu.memory_space<semaphore_mem>>)
      %dma_wait3A_377 = arith.constant 0 : i32
      %dma_wait3A_378 = tpu.memref_slice %arg26[%add3A_16, %dma_wait3A_377] : memref<10240x64xf32, #tpu.memory_space<vmem_shared>> -> memref<128x64xf32, #tpu.memory_space<vmem_shared>>
      %dma_wait3A_379 = arith.constant 0 : i32
      %dma_wait3A_380 = tpu.memref_slice %arg26[%add3A_16, %dma_wait3A_379] : memref<10240x64xf32, #tpu.memory_space<vmem_shared>> -> memref<128x64xf32, #tpu.memory_space<vmem_shared>>
      tpu.wait_dma2 semaphore(%run_scoped3A : memref<!tpu.dma_semaphore, #tpu.memory_space<semaphore_mem>>) src(%arg11 : memref<128x64xf32, #tpu.memory_space<vmem>>) dst(%dma_wait3A_380 : memref<128x64xf32, #tpu.memory_space<vmem_shared>>)
      tpu.yield
    }) : () -> ()
    %mul3A_17 = arith.constant 640 : i32
    %mul3A_18 = arith.muli %arg1, %mul3A_17 : i32
    %add3A_19 = arith.constant 512 : i32
    %add3A_20 = arith.addi %mul3A_18, %add3A_19 : i32
    "tpu.region"() ({
      %run_scoped3A = tpu.sem_alloc : memref<!tpu.dma_semaphore, #tpu.memory_space<semaphore_mem>>
      %dma_start3A_373 = arith.constant 0 : i32
      %dma_start3A_374 = tpu.memref_slice %arg26[%add3A_20, %dma_start3A_373] : memref<10240x64xf32, #tpu.memory_space<vmem_shared>> -> memref<128x64xf32, #tpu.memory_space<vmem_shared>>
      %dma_start3A_375 = arith.constant 0 : i32
      %dma_start3A_376 = tpu.memref_slice %arg26[%add3A_20, %dma_start3A_375] : memref<10240x64xf32, #tpu.memory_space<vmem_shared>> -> memref<128x64xf32, #tpu.memory_space<vmem_shared>>
      tpu.enqueue_dma source(%arg11 : memref<128x64xf32, #tpu.memory_space<vmem>>) target(%dma_start3A_376 : memref<128x64xf32, #tpu.memory_space<vmem_shared>>) target_semaphore(%run_scoped3A : memref<!tpu.dma_semaphore, #tpu.memory_space<semaphore_mem>>)
      %dma_wait3A_377 = arith.constant 0 : i32
      %dma_wait3A_378 = tpu.memref_slice %arg26[%add3A_20, %dma_wait3A_377] : memref<10240x64xf32, #tpu.memory_space<vmem_shared>> -> memref<128x64xf32, #tpu.memory_space<vmem_shared>>
      %dma_wait3A_379 = arith.constant 0 : i32
      %dma_wait3A_380 = tpu.memref_slice %arg26[%add3A_20, %dma_wait3A_379] : memref<10240x64xf32, #tpu.memory_space<vmem_shared>> -> memref<128x64xf32, #tpu.memory_space<vmem_shared>>
      tpu.wait_dma2 semaphore(%run_scoped3A : memref<!tpu.dma_semaphore, #tpu.memory_space<semaphore_mem>>) src(%arg11 : memref<128x64xf32, #tpu.memory_space<vmem>>) dst(%dma_wait3A_380 : memref<128x64xf32, #tpu.memory_space<vmem_shared>>)
      tpu.yield
    }) : () -> ()
    %barrier3A = arith.constant 0 : index
    tpu.barrier barrier_id(%barrier3A)
    %dma_start3A = arith.constant 0 : i32
    %dma_start3A_21 = arith.constant 0 : i32
    %dma_start3A_22 = tpu.memref_slice %arg9[%dma_start3A, %dma_start3A_21] : memref<80x128xi32, #tpu.memory_space<vmem>> -> memref<1x128xi32, #tpu.memory_space<vmem>>
    %dma_start3A_23 = tpu.memref_squeeze %dma_start3A_22 : memref<1x128xi32, #tpu.memory_space<vmem>> -> memref<128xi32, #tpu.memory_space<vmem>>
    %dma_start3A_24 = arith.constant 0 : i32
    %dma_start3A_25 = arith.constant 0 : i32
    %dma_start3A_26 = tpu.memref_slice %arg2[%dma_start3A_24, %dma_start3A_25] : memref<10000x64xf32, #tpu.memory_space<hbm>> -> memref<10000x64xf32, #tpu.memory_space<hbm>>
    tpu.enqueue_indirect_dma source(%dma_start3A_26 : memref<10000x64xf32, #tpu.memory_space<hbm>>) target(%arg11 : memref<128x64xf32, #tpu.memory_space<vmem>>) offsets(%dma_start3A_23 : memref<128xi32, #tpu.memory_space<vmem>>) semaphore(%arg16 : memref<!tpu.dma_semaphore, #tpu.memory_space<semaphore_mem>>)
    %dma_start3A_27 = arith.constant 1 : i32
    %dma_start3A_28 = arith.constant 0 : i32
    %dma_start3A_29 = tpu.memref_slice %arg9[%dma_start3A_27, %dma_start3A_28] : memref<80x128xi32, #tpu.memory_space<vmem>> -> memref<1x128xi32, #tpu.memory_space<vmem>>
    %dma_start3A_30 = tpu.memref_squeeze %dma_start3A_29 : memref<1x128xi32, #tpu.memory_space<vmem>> -> memref<128xi32, #tpu.memory_space<vmem>>
    %dma_start3A_31 = arith.constant 0 : i32
    %dma_start3A_32 = arith.constant 0 : i32
    %dma_start3A_33 = tpu.memref_slice %arg2[%dma_start3A_31, %dma_start3A_32] : memref<10000x64xf32, #tpu.memory_space<hbm>> -> memref<10000x64xf32, #tpu.memory_space<hbm>>
    tpu.enqueue_indirect_dma source(%dma_start3A_33 : memref<10000x64xf32, #tpu.memory_space<hbm>>) target(%arg12 : memref<128x64xf32, #tpu.memory_space<vmem>>) offsets(%dma_start3A_30 : memref<128xi32, #tpu.memory_space<vmem>>) semaphore(%arg17 : memref<!tpu.dma_semaphore, #tpu.memory_space<semaphore_mem>>)
    %dma_start3A_34 = arith.constant 2 : i32
    %dma_start3A_35 = arith.constant 0 : i32
    %dma_start3A_36 = tpu.memref_slice %arg9[%dma_start3A_34, %dma_start3A_35] : memref<80x128xi32, #tpu.memory_space<vmem>> -> memref<1x128xi32, #tpu.memory_space<vmem>>
    %dma_start3A_37 = tpu.memref_squeeze %dma_start3A_36 : memref<1x128xi32, #tpu.memory_space<vmem>> -> memref<128xi32, #tpu.memory_space<vmem>>
    %dma_start3A_38 = arith.constant 0 : i32
    %dma_start3A_39 = arith.constant 0 : i32
    %dma_start3A_40 = tpu.memref_slice %arg2[%dma_start3A_38, %dma_start3A_39] : memref<10000x64xf32, #tpu.memory_space<hbm>> -> memref<10000x64xf32, #tpu.memory_space<hbm>>
    tpu.enqueue_indirect_dma source(%dma_start3A_40 : memref<10000x64xf32, #tpu.memory_space<hbm>>) target(%arg13 : memref<128x64xf32, #tpu.memory_space<vmem>>) offsets(%dma_start3A_37 : memref<128xi32, #tpu.memory_space<vmem>>) semaphore(%arg18 : memref<!tpu.dma_semaphore, #tpu.memory_space<semaphore_mem>>)
    %dma_start3A_41 = arith.constant 3 : i32
    %dma_start3A_42 = arith.constant 0 : i32
    %dma_start3A_43 = tpu.memref_slice %arg9[%dma_start3A_41, %dma_start3A_42] : memref<80x128xi32, #tpu.memory_space<vmem>> -> memref<1x128xi32, #tpu.memory_space<vmem>>
    %dma_start3A_44 = tpu.memref_squeeze %dma_start3A_43 : memref<1x128xi32, #tpu.memory_space<vmem>> -> memref<128xi32, #tpu.memory_space<vmem>>
    %dma_start3A_45 = arith.constant 0 : i32
    %dma_start3A_46 = arith.constant 0 : i32
    %dma_start3A_47 = tpu.memref_slice %arg2[%dma_start3A_45, %dma_start3A_46] : memref<10000x64xf32, #tpu.memory_space<hbm>> -> memref<10000x64xf32, #tpu.memory_space<hbm>>
    tpu.enqueue_indirect_dma source(%dma_start3A_47 : memref<10000x64xf32, #tpu.memory_space<hbm>>) target(%arg14 : memref<128x64xf32, #tpu.memory_space<vmem>>) offsets(%dma_start3A_44 : memref<128xi32, #tpu.memory_space<vmem>>) semaphore(%arg19 : memref<!tpu.dma_semaphore, #tpu.memory_space<semaphore_mem>>)
    %dma_start3A_48 = arith.constant 4 : i32
    %dma_start3A_49 = arith.constant 0 : i32
    %dma_start3A_50 = tpu.memref_slice %arg9[%dma_start3A_48, %dma_start3A_49] : memref<80x128xi32, #tpu.memory_space<vmem>> -> memref<1x128xi32, #tpu.memory_space<vmem>>
    %dma_start3A_51 = tpu.memref_squeeze %dma_start3A_50 : memref<1x128xi32, #tpu.memory_space<vmem>> -> memref<128xi32, #tpu.memory_space<vmem>>
    %dma_start3A_52 = arith.constant 0 : i32
    %dma_start3A_53 = arith.constant 0 : i32
    %dma_start3A_54 = tpu.memref_slice %arg2[%dma_start3A_52, %dma_start3A_53] : memref<10000x64xf32, #tpu.memory_space<hbm>> -> memref<10000x64xf32, #tpu.memory_space<hbm>>
    tpu.enqueue_indirect_dma source(%dma_start3A_54 : memref<10000x64xf32, #tpu.memory_space<hbm>>) target(%arg15 : memref<128x64xf32, #tpu.memory_space<vmem>>) offsets(%dma_start3A_51 : memref<128xi32, #tpu.memory_space<vmem>>) semaphore(%arg20 : memref<!tpu.dma_semaphore, #tpu.memory_space<semaphore_mem>>)
    %scan3A = arith.constant 0 : i32
    %scan3A_55 = arith.constant 0 : i32
    %scan3A_56 = arith.constant 15 : i32
    %scan3A_57 = arith.addi %scan3A_55, %scan3A_56 : i32
    %scan3A_58 = arith.constant 1 : i32
    scf.for %scan3A_373 = %scan3A_55 to %scan3A_57 step %scan3A_58  : i32 {
      %mul3A_374 = arith.constant 5 : i32
      %mul3A_375 = arith.muli %mul3A_374, %scan3A_373 : i32
      %add3A_376 = arith.constant 0 : i32
      %add3A_377 = arith.addi %mul3A_375, %add3A_376 : i32
      %dma_wait3A_378 = arith.constant 0 : i32
      %dma_wait3A_379 = tpu.memref_slice %arg9[%add3A_377, %dma_wait3A_378] : memref<80x128xi32, #tpu.memory_space<vmem>> -> memref<1x128xi32, #tpu.memory_space<vmem>>
      %dma_wait3A_380 = tpu.memref_squeeze %dma_wait3A_379 : memref<1x128xi32, #tpu.memory_space<vmem>> -> memref<128xi32, #tpu.memory_space<vmem>>
      %dma_wait3A_381 = arith.constant 0 : i32
      %dma_wait3A_382 = arith.constant 0 : i32
      %dma_wait3A_383 = tpu.memref_slice %arg2[%dma_wait3A_381, %dma_wait3A_382] : memref<10000x64xf32, #tpu.memory_space<hbm>> -> memref<10000x64xf32, #tpu.memory_space<hbm>>
      tpu.wait_indirect_dma semaphore(%arg16 : memref<!tpu.dma_semaphore, #tpu.memory_space<semaphore_mem>>) src(%dma_wait3A_383 : memref<10000x64xf32, #tpu.memory_space<hbm>>) dst(%arg11 : memref<128x64xf32, #tpu.memory_space<vmem>>)
      %add3A_384 = arith.constant 0 : i32
      %add3A_385 = arith.addi %mul3A_375, %add3A_384 : i32
      %dma_start3A_386 = arith.constant 0 : i32
      %dma_start3A_387 = tpu.memref_slice %arg10[%add3A_385, %dma_start3A_386] : memref<80x128xi32, #tpu.memory_space<vmem>> -> memref<1x128xi32, #tpu.memory_space<vmem>>
      %dma_start3A_388 = tpu.memref_squeeze %dma_start3A_387 : memref<1x128xi32, #tpu.memory_space<vmem>> -> memref<128xi32, #tpu.memory_space<vmem>>
      %dma_start3A_389 = arith.constant 0 : i32
      %dma_start3A_390 = arith.constant 0 : i32
      %dma_start3A_391 = tpu.memref_slice %arg26[%dma_start3A_389, %dma_start3A_390] : memref<10240x64xf32, #tpu.memory_space<vmem_shared>> -> memref<10240x64xf32, #tpu.memory_space<vmem_shared>>
      tpu.enqueue_indirect_dma source(%arg11 : memref<128x64xf32, #tpu.memory_space<vmem>>) target(%dma_start3A_391 : memref<10240x64xf32, #tpu.memory_space<vmem_shared>>) offsets(%dma_start3A_388 : memref<128xi32, #tpu.memory_space<vmem>>) semaphore(%arg21 : memref<!tpu.dma_semaphore, #tpu.memory_space<semaphore_mem>>) {add = true}
      %add3A_392 = arith.constant 1 : i32
      %add3A_393 = arith.addi %mul3A_375, %add3A_392 : i32
      %dma_wait3A_394 = arith.constant 0 : i32
      %dma_wait3A_395 = tpu.memref_slice %arg9[%add3A_393, %dma_wait3A_394] : memref<80x128xi32, #tpu.memory_space<vmem>> -> memref<1x128xi32, #tpu.memory_space<vmem>>
      %dma_wait3A_396 = tpu.memref_squeeze %dma_wait3A_395 : memref<1x128xi32, #tpu.memory_space<vmem>> -> memref<128xi32, #tpu.memory_space<vmem>>
      %dma_wait3A_397 = arith.constant 0 : i32
      %dma_wait3A_398 = arith.constant 0 : i32
      %dma_wait3A_399 = tpu.memref_slice %arg2[%dma_wait3A_397, %dma_wait3A_398] : memref<10000x64xf32, #tpu.memory_space<hbm>> -> memref<10000x64xf32, #tpu.memory_space<hbm>>
      tpu.wait_indirect_dma semaphore(%arg17 : memref<!tpu.dma_semaphore, #tpu.memory_space<semaphore_mem>>) src(%dma_wait3A_399 : memref<10000x64xf32, #tpu.memory_space<hbm>>) dst(%arg12 : memref<128x64xf32, #tpu.memory_space<vmem>>)
      %add3A_400 = arith.constant 1 : i32
      %add3A_401 = arith.addi %mul3A_375, %add3A_400 : i32
      %dma_start3A_402 = arith.constant 0 : i32
      %dma_start3A_403 = tpu.memref_slice %arg10[%add3A_401, %dma_start3A_402] : memref<80x128xi32, #tpu.memory_space<vmem>> -> memref<1x128xi32, #tpu.memory_space<vmem>>
      %dma_start3A_404 = tpu.memref_squeeze %dma_start3A_403 : memref<1x128xi32, #tpu.memory_space<vmem>> -> memref<128xi32, #tpu.memory_space<vmem>>
      %dma_start3A_405 = arith.constant 0 : i32
      %dma_start3A_406 = arith.constant 0 : i32
      %dma_start3A_407 = tpu.memref_slice %arg26[%dma_start3A_405, %dma_start3A_406] : memref<10240x64xf32, #tpu.memory_space<vmem_shared>> -> memref<10240x64xf32, #tpu.memory_space<vmem_shared>>
      tpu.enqueue_indirect_dma source(%arg12 : memref<128x64xf32, #tpu.memory_space<vmem>>) target(%dma_start3A_407 : memref<10240x64xf32, #tpu.memory_space<vmem_shared>>) offsets(%dma_start3A_404 : memref<128xi32, #tpu.memory_space<vmem>>) semaphore(%arg22 : memref<!tpu.dma_semaphore, #tpu.memory_space<semaphore_mem>>) {add = true}
      %add3A_408 = arith.constant 2 : i32
      %add3A_409 = arith.addi %mul3A_375, %add3A_408 : i32
      %dma_wait3A_410 = arith.constant 0 : i32
      %dma_wait3A_411 = tpu.memref_slice %arg9[%add3A_409, %dma_wait3A_410] : memref<80x128xi32, #tpu.memory_space<vmem>> -> memref<1x128xi32, #tpu.memory_space<vmem>>
      %dma_wait3A_412 = tpu.memref_squeeze %dma_wait3A_411 : memref<1x128xi32, #tpu.memory_space<vmem>> -> memref<128xi32, #tpu.memory_space<vmem>>
      %dma_wait3A_413 = arith.constant 0 : i32
      %dma_wait3A_414 = arith.constant 0 : i32
      %dma_wait3A_415 = tpu.memref_slice %arg2[%dma_wait3A_413, %dma_wait3A_414] : memref<10000x64xf32, #tpu.memory_space<hbm>> -> memref<10000x64xf32, #tpu.memory_space<hbm>>
      tpu.wait_indirect_dma semaphore(%arg18 : memref<!tpu.dma_semaphore, #tpu.memory_space<semaphore_mem>>) src(%dma_wait3A_415 : memref<10000x64xf32, #tpu.memory_space<hbm>>) dst(%arg13 : memref<128x64xf32, #tpu.memory_space<vmem>>)
      %add3A_416 = arith.constant 2 : i32
      %add3A_417 = arith.addi %mul3A_375, %add3A_416 : i32
      %dma_start3A_418 = arith.constant 0 : i32
      %dma_start3A_419 = tpu.memref_slice %arg10[%add3A_417, %dma_start3A_418] : memref<80x128xi32, #tpu.memory_space<vmem>> -> memref<1x128xi32, #tpu.memory_space<vmem>>
      %dma_start3A_420 = tpu.memref_squeeze %dma_start3A_419 : memref<1x128xi32, #tpu.memory_space<vmem>> -> memref<128xi32, #tpu.memory_space<vmem>>
      %dma_start3A_421 = arith.constant 0 : i32
      %dma_start3A_422 = arith.constant 0 : i32
      %dma_start3A_423 = tpu.memref_slice %arg26[%dma_start3A_421, %dma_start3A_422] : memref<10240x64xf32, #tpu.memory_space<vmem_shared>> -> memref<10240x64xf32, #tpu.memory_space<vmem_shared>>
      tpu.enqueue_indirect_dma source(%arg13 : memref<128x64xf32, #tpu.memory_space<vmem>>) target(%dma_start3A_423 : memref<10240x64xf32, #tpu.memory_space<vmem_shared>>) offsets(%dma_start3A_420 : memref<128xi32, #tpu.memory_space<vmem>>) semaphore(%arg23 : memref<!tpu.dma_semaphore, #tpu.memory_space<semaphore_mem>>) {add = true}
      %add3A_424 = arith.constant 3 : i32
      %add3A_425 = arith.addi %mul3A_375, %add3A_424 : i32
      %dma_wait3A_426 = arith.constant 0 : i32
      %dma_wait3A_427 = tpu.memref_slice %arg9[%add3A_425, %dma_wait3A_426] : memref<80x128xi32, #tpu.memory_space<vmem>> -> memref<1x128xi32, #tpu.memory_space<vmem>>
      %dma_wait3A_428 = tpu.memref_squeeze %dma_wait3A_427 : memref<1x128xi32, #tpu.memory_space<vmem>> -> memref<128xi32, #tpu.memory_space<vmem>>
      %dma_wait3A_429 = arith.constant 0 : i32
      %dma_wait3A_430 = arith.constant 0 : i32
      %dma_wait3A_431 = tpu.memref_slice %arg2[%dma_wait3A_429, %dma_wait3A_430] : memref<10000x64xf32, #tpu.memory_space<hbm>> -> memref<10000x64xf32, #tpu.memory_space<hbm>>
      tpu.wait_indirect_dma semaphore(%arg19 : memref<!tpu.dma_semaphore, #tpu.memory_space<semaphore_mem>>) src(%dma_wait3A_431 : memref<10000x64xf32, #tpu.memory_space<hbm>>) dst(%arg14 : memref<128x64xf32, #tpu.memory_space<vmem>>)
      %add3A_432 = arith.constant 3 : i32
      %add3A_433 = arith.addi %mul3A_375, %add3A_432 : i32
      %dma_start3A_434 = arith.constant 0 : i32
      %dma_start3A_435 = tpu.memref_slice %arg10[%add3A_433, %dma_start3A_434] : memref<80x128xi32, #tpu.memory_space<vmem>> -> memref<1x128xi32, #tpu.memory_space<vmem>>
      %dma_start3A_436 = tpu.memref_squeeze %dma_start3A_435 : memref<1x128xi32, #tpu.memory_space<vmem>> -> memref<128xi32, #tpu.memory_space<vmem>>
      %dma_start3A_437 = arith.constant 0 : i32
      %dma_start3A_438 = arith.constant 0 : i32
      %dma_start3A_439 = tpu.memref_slice %arg26[%dma_start3A_437, %dma_start3A_438] : memref<10240x64xf32, #tpu.memory_space<vmem_shared>> -> memref<10240x64xf32, #tpu.memory_space<vmem_shared>>
      tpu.enqueue_indirect_dma source(%arg14 : memref<128x64xf32, #tpu.memory_space<vmem>>) target(%dma_start3A_439 : memref<10240x64xf32, #tpu.memory_space<vmem_shared>>) offsets(%dma_start3A_436 : memref<128xi32, #tpu.memory_space<vmem>>) semaphore(%arg24 : memref<!tpu.dma_semaphore, #tpu.memory_space<semaphore_mem>>) {add = true}
      %add3A_440 = arith.constant 4 : i32
      %add3A_441 = arith.addi %mul3A_375, %add3A_440 : i32
      %dma_wait3A_442 = arith.constant 0 : i32
      %dma_wait3A_443 = tpu.memref_slice %arg9[%add3A_441, %dma_wait3A_442] : memref<80x128xi32, #tpu.memory_space<vmem>> -> memref<1x128xi32, #tpu.memory_space<vmem>>
      %dma_wait3A_444 = tpu.memref_squeeze %dma_wait3A_443 : memref<1x128xi32, #tpu.memory_space<vmem>> -> memref<128xi32, #tpu.memory_space<vmem>>
      %dma_wait3A_445 = arith.constant 0 : i32
      %dma_wait3A_446 = arith.constant 0 : i32
      %dma_wait3A_447 = tpu.memref_slice %arg2[%dma_wait3A_445, %dma_wait3A_446] : memref<10000x64xf32, #tpu.memory_space<hbm>> -> memref<10000x64xf32, #tpu.memory_space<hbm>>
      tpu.wait_indirect_dma semaphore(%arg20 : memref<!tpu.dma_semaphore, #tpu.memory_space<semaphore_mem>>) src(%dma_wait3A_447 : memref<10000x64xf32, #tpu.memory_space<hbm>>) dst(%arg15 : memref<128x64xf32, #tpu.memory_space<vmem>>)
      %add3A_448 = arith.constant 4 : i32
      %add3A_449 = arith.addi %mul3A_375, %add3A_448 : i32
      %dma_start3A_450 = arith.constant 0 : i32
      %dma_start3A_451 = tpu.memref_slice %arg10[%add3A_449, %dma_start3A_450] : memref<80x128xi32, #tpu.memory_space<vmem>> -> memref<1x128xi32, #tpu.memory_space<vmem>>
      %dma_start3A_452 = tpu.memref_squeeze %dma_start3A_451 : memref<1x128xi32, #tpu.memory_space<vmem>> -> memref<128xi32, #tpu.memory_space<vmem>>
      %dma_start3A_453 = arith.constant 0 : i32
      %dma_start3A_454 = arith.constant 0 : i32
      %dma_start3A_455 = tpu.memref_slice %arg26[%dma_start3A_453, %dma_start3A_454] : memref<10240x64xf32, #tpu.memory_space<vmem_shared>> -> memref<10240x64xf32, #tpu.memory_space<vmem_shared>>
      tpu.enqueue_indirect_dma source(%arg15 : memref<128x64xf32, #tpu.memory_space<vmem>>) target(%dma_start3A_455 : memref<10240x64xf32, #tpu.memory_space<vmem_shared>>) offsets(%dma_start3A_452 : memref<128xi32, #tpu.memory_space<vmem>>) semaphore(%arg25 : memref<!tpu.dma_semaphore, #tpu.memory_space<semaphore_mem>>) {add = true}
      %add3A_456 = arith.constant 0 : i32
      %add3A_457 = arith.addi %mul3A_375, %add3A_456 : i32
      %dma_wait3A_458 = arith.constant 0 : i32
      %dma_wait3A_459 = tpu.memref_slice %arg10[%add3A_457, %dma_wait3A_458] : memref<80x128xi32, #tpu.memory_space<vmem>> -> memref<1x128xi32, #tpu.memory_space<vmem>>
      %dma_wait3A_460 = tpu.memref_squeeze %dma_wait3A_459 : memref<1x128xi32, #tpu.memory_space<vmem>> -> memref<128xi32, #tpu.memory_space<vmem>>
      %dma_wait3A_461 = arith.constant 0 : i32
      %dma_wait3A_462 = arith.constant 0 : i32
      %dma_wait3A_463 = tpu.memref_slice %arg26[%dma_wait3A_461, %dma_wait3A_462] : memref<10240x64xf32, #tpu.memory_space<vmem_shared>> -> memref<10240x64xf32, #tpu.memory_space<vmem_shared>>
      tpu.wait_indirect_dma semaphore(%arg21 : memref<!tpu.dma_semaphore, #tpu.memory_space<semaphore_mem>>) src(%arg11 : memref<128x64xf32, #tpu.memory_space<vmem>>) dst(%dma_wait3A_463 : memref<10240x64xf32, #tpu.memory_space<vmem_shared>>)
      %add3A_464 = arith.constant 5 : i32
      %add3A_465 = arith.addi %mul3A_375, %add3A_464 : i32
      %add3A_466 = arith.constant 0 : i32
      %add3A_467 = arith.addi %add3A_465, %add3A_466 : i32
      %dma_start3A_468 = arith.constant 0 : i32
      %dma_start3A_469 = tpu.memref_slice %arg9[%add3A_467, %dma_start3A_468] : memref<80x128xi32, #tpu.memory_space<vmem>> -> memref<1x128xi32, #tpu.memory_space<vmem>>
      %dma_start3A_470 = tpu.memref_squeeze %dma_start3A_469 : memref<1x128xi32, #tpu.memory_space<vmem>> -> memref<128xi32, #tpu.memory_space<vmem>>
      %dma_start3A_471 = arith.constant 0 : i32
      %dma_start3A_472 = arith.constant 0 : i32
      %dma_start3A_473 = tpu.memref_slice %arg2[%dma_start3A_471, %dma_start3A_472] : memref<10000x64xf32, #tpu.memory_space<hbm>> -> memref<10000x64xf32, #tpu.memory_space<hbm>>
      tpu.enqueue_indirect_dma source(%dma_start3A_473 : memref<10000x64xf32, #tpu.memory_space<hbm>>) target(%arg11 : memref<128x64xf32, #tpu.memory_space<vmem>>) offsets(%dma_start3A_470 : memref<128xi32, #tpu.memory_space<vmem>>) semaphore(%arg16 : memref<!tpu.dma_semaphore, #tpu.memory_space<semaphore_mem>>)
      %add3A_474 = arith.constant 1 : i32
      %add3A_475 = arith.addi %mul3A_375, %add3A_474 : i32
      %dma_wait3A_476 = arith.constant 0 : i32
      %dma_wait3A_477 = tpu.memref_slice %arg10[%add3A_475, %dma_wait3A_476] : memref<80x128xi32, #tpu.memory_space<vmem>> -> memref<1x128xi32, #tpu.memory_space<vmem>>
      %dma_wait3A_478 = tpu.memref_squeeze %dma_wait3A_477 : memref<1x128xi32, #tpu.memory_space<vmem>> -> memref<128xi32, #tpu.memory_space<vmem>>
      %dma_wait3A_479 = arith.constant 0 : i32
      %dma_wait3A_480 = arith.constant 0 : i32
      %dma_wait3A_481 = tpu.memref_slice %arg26[%dma_wait3A_479, %dma_wait3A_480] : memref<10240x64xf32, #tpu.memory_space<vmem_shared>> -> memref<10240x64xf32, #tpu.memory_space<vmem_shared>>
      tpu.wait_indirect_dma semaphore(%arg22 : memref<!tpu.dma_semaphore, #tpu.memory_space<semaphore_mem>>) src(%arg12 : memref<128x64xf32, #tpu.memory_space<vmem>>) dst(%dma_wait3A_481 : memref<10240x64xf32, #tpu.memory_space<vmem_shared>>)
      %add3A_482 = arith.constant 5 : i32
      %add3A_483 = arith.addi %mul3A_375, %add3A_482 : i32
      %add3A_484 = arith.constant 1 : i32
      %add3A_485 = arith.addi %add3A_483, %add3A_484 : i32
      %dma_start3A_486 = arith.constant 0 : i32
      %dma_start3A_487 = tpu.memref_slice %arg9[%add3A_485, %dma_start3A_486] : memref<80x128xi32, #tpu.memory_space<vmem>> -> memref<1x128xi32, #tpu.memory_space<vmem>>
      %dma_start3A_488 = tpu.memref_squeeze %dma_start3A_487 : memref<1x128xi32, #tpu.memory_space<vmem>> -> memref<128xi32, #tpu.memory_space<vmem>>
      %dma_start3A_489 = arith.constant 0 : i32
      %dma_start3A_490 = arith.constant 0 : i32
      %dma_start3A_491 = tpu.memref_slice %arg2[%dma_start3A_489, %dma_start3A_490] : memref<10000x64xf32, #tpu.memory_space<hbm>> -> memref<10000x64xf32, #tpu.memory_space<hbm>>
      tpu.enqueue_indirect_dma source(%dma_start3A_491 : memref<10000x64xf32, #tpu.memory_space<hbm>>) target(%arg12 : memref<128x64xf32, #tpu.memory_space<vmem>>) offsets(%dma_start3A_488 : memref<128xi32, #tpu.memory_space<vmem>>) semaphore(%arg17 : memref<!tpu.dma_semaphore, #tpu.memory_space<semaphore_mem>>)
      %add3A_492 = arith.constant 2 : i32
      %add3A_493 = arith.addi %mul3A_375, %add3A_492 : i32
      %dma_wait3A_494 = arith.constant 0 : i32
      %dma_wait3A_495 = tpu.memref_slice %arg10[%add3A_493, %dma_wait3A_494] : memref<80x128xi32, #tpu.memory_space<vmem>> -> memref<1x128xi32, #tpu.memory_space<vmem>>
      %dma_wait3A_496 = tpu.memref_squeeze %dma_wait3A_495 : memref<1x128xi32, #tpu.memory_space<vmem>> -> memref<128xi32, #tpu.memory_space<vmem>>
      %dma_wait3A_497 = arith.constant 0 : i32
      %dma_wait3A_498 = arith.constant 0 : i32
      %dma_wait3A_499 = tpu.memref_slice %arg26[%dma_wait3A_497, %dma_wait3A_498] : memref<10240x64xf32, #tpu.memory_space<vmem_shared>> -> memref<10240x64xf32, #tpu.memory_space<vmem_shared>>
      tpu.wait_indirect_dma semaphore(%arg23 : memref<!tpu.dma_semaphore, #tpu.memory_space<semaphore_mem>>) src(%arg13 : memref<128x64xf32, #tpu.memory_space<vmem>>) dst(%dma_wait3A_499 : memref<10240x64xf32, #tpu.memory_space<vmem_shared>>)
      %add3A_500 = arith.constant 5 : i32
      %add3A_501 = arith.addi %mul3A_375, %add3A_500 : i32
      %add3A_502 = arith.constant 2 : i32
      %add3A_503 = arith.addi %add3A_501, %add3A_502 : i32
      %dma_start3A_504 = arith.constant 0 : i32
      %dma_start3A_505 = tpu.memref_slice %arg9[%add3A_503, %dma_start3A_504] : memref<80x128xi32, #tpu.memory_space<vmem>> -> memref<1x128xi32, #tpu.memory_space<vmem>>
      %dma_start3A_506 = tpu.memref_squeeze %dma_start3A_505 : memref<1x128xi32, #tpu.memory_space<vmem>> -> memref<128xi32, #tpu.memory_space<vmem>>
      %dma_start3A_507 = arith.constant 0 : i32
      %dma_start3A_508 = arith.constant 0 : i32
      %dma_start3A_509 = tpu.memref_slice %arg2[%dma_start3A_507, %dma_start3A_508] : memref<10000x64xf32, #tpu.memory_space<hbm>> -> memref<10000x64xf32, #tpu.memory_space<hbm>>
      tpu.enqueue_indirect_dma source(%dma_start3A_509 : memref<10000x64xf32, #tpu.memory_space<hbm>>) target(%arg13 : memref<128x64xf32, #tpu.memory_space<vmem>>) offsets(%dma_start3A_506 : memref<128xi32, #tpu.memory_space<vmem>>) semaphore(%arg18 : memref<!tpu.dma_semaphore, #tpu.memory_space<semaphore_mem>>)
      %add3A_510 = arith.constant 3 : i32
      %add3A_511 = arith.addi %mul3A_375, %add3A_510 : i32
      %dma_wait3A_512 = arith.constant 0 : i32
      %dma_wait3A_513 = tpu.memref_slice %arg10[%add3A_511, %dma_wait3A_512] : memref<80x128xi32, #tpu.memory_space<vmem>> -> memref<1x128xi32, #tpu.memory_space<vmem>>
      %dma_wait3A_514 = tpu.memref_squeeze %dma_wait3A_513 : memref<1x128xi32, #tpu.memory_space<vmem>> -> memref<128xi32, #tpu.memory_space<vmem>>
      %dma_wait3A_515 = arith.constant 0 : i32
      %dma_wait3A_516 = arith.constant 0 : i32
      %dma_wait3A_517 = tpu.memref_slice %arg26[%dma_wait3A_515, %dma_wait3A_516] : memref<10240x64xf32, #tpu.memory_space<vmem_shared>> -> memref<10240x64xf32, #tpu.memory_space<vmem_shared>>
      tpu.wait_indirect_dma semaphore(%arg24 : memref<!tpu.dma_semaphore, #tpu.memory_space<semaphore_mem>>) src(%arg14 : memref<128x64xf32, #tpu.memory_space<vmem>>) dst(%dma_wait3A_517 : memref<10240x64xf32, #tpu.memory_space<vmem_shared>>)
      %add3A_518 = arith.constant 5 : i32
      %add3A_519 = arith.addi %mul3A_375, %add3A_518 : i32
      %add3A_520 = arith.constant 3 : i32
      %add3A_521 = arith.addi %add3A_519, %add3A_520 : i32
      %dma_start3A_522 = arith.constant 0 : i32
      %dma_start3A_523 = tpu.memref_slice %arg9[%add3A_521, %dma_start3A_522] : memref<80x128xi32, #tpu.memory_space<vmem>> -> memref<1x128xi32, #tpu.memory_space<vmem>>
      %dma_start3A_524 = tpu.memref_squeeze %dma_start3A_523 : memref<1x128xi32, #tpu.memory_space<vmem>> -> memref<128xi32, #tpu.memory_space<vmem>>
      %dma_start3A_525 = arith.constant 0 : i32
      %dma_start3A_526 = arith.constant 0 : i32
      %dma_start3A_527 = tpu.memref_slice %arg2[%dma_start3A_525, %dma_start3A_526] : memref<10000x64xf32, #tpu.memory_space<hbm>> -> memref<10000x64xf32, #tpu.memory_space<hbm>>
      tpu.enqueue_indirect_dma source(%dma_start3A_527 : memref<10000x64xf32, #tpu.memory_space<hbm>>) target(%arg14 : memref<128x64xf32, #tpu.memory_space<vmem>>) offsets(%dma_start3A_524 : memref<128xi32, #tpu.memory_space<vmem>>) semaphore(%arg19 : memref<!tpu.dma_semaphore, #tpu.memory_space<semaphore_mem>>)
      %add3A_528 = arith.constant 4 : i32
      %add3A_529 = arith.addi %mul3A_375, %add3A_528 : i32
      %dma_wait3A_530 = arith.constant 0 : i32
      %dma_wait3A_531 = tpu.memref_slice %arg10[%add3A_529, %dma_wait3A_530] : memref<80x128xi32, #tpu.memory_space<vmem>> -> memref<1x128xi32, #tpu.memory_space<vmem>>
      %dma_wait3A_532 = tpu.memref_squeeze %dma_wait3A_531 : memref<1x128xi32, #tpu.memory_space<vmem>> -> memref<128xi32, #tpu.memory_space<vmem>>
      %dma_wait3A_533 = arith.constant 0 : i32
      %dma_wait3A_534 = arith.constant 0 : i32
      %dma_wait3A_535 = tpu.memref_slice %arg26[%dma_wait3A_533, %dma_wait3A_534] : memref<10240x64xf32, #tpu.memory_space<vmem_shared>> -> memref<10240x64xf32, #tpu.memory_space<vmem_shared>>
      tpu.wait_indirect_dma semaphore(%arg25 : memref<!tpu.dma_semaphore, #tpu.memory_space<semaphore_mem>>) src(%arg15 : memref<128x64xf32, #tpu.memory_space<vmem>>) dst(%dma_wait3A_535 : memref<10240x64xf32, #tpu.memory_space<vmem_shared>>)
      %add3A_536 = arith.constant 5 : i32
      %add3A_537 = arith.addi %mul3A_375, %add3A_536 : i32
      %add3A_538 = arith.constant 4 : i32
      %add3A_539 = arith.addi %add3A_537, %add3A_538 : i32
      %dma_start3A_540 = arith.constant 0 : i32
      %dma_start3A_541 = tpu.memref_slice %arg9[%add3A_539, %dma_start3A_540] : memref<80x128xi32, #tpu.memory_space<vmem>> -> memref<1x128xi32, #tpu.memory_space<vmem>>
      %dma_start3A_542 = tpu.memref_squeeze %dma_start3A_541 : memref<1x128xi32, #tpu.memory_space<vmem>> -> memref<128xi32, #tpu.memory_space<vmem>>
      %dma_start3A_543 = arith.constant 0 : i32
      %dma_start3A_544 = arith.constant 0 : i32
      %dma_start3A_545 = tpu.memref_slice %arg2[%dma_start3A_543, %dma_start3A_544] : memref<10000x64xf32, #tpu.memory_space<hbm>> -> memref<10000x64xf32, #tpu.memory_space<hbm>>
      tpu.enqueue_indirect_dma source(%dma_start3A_545 : memref<10000x64xf32, #tpu.memory_space<hbm>>) target(%arg15 : memref<128x64xf32, #tpu.memory_space<vmem>>) offsets(%dma_start3A_542 : memref<128xi32, #tpu.memory_space<vmem>>) semaphore(%arg20 : memref<!tpu.dma_semaphore, #tpu.memory_space<semaphore_mem>>)
    }
    %scan3A_59 = arith.constant 15 : i32
    %dma_wait3A = arith.constant 75 : i32
    %dma_wait3A_60 = arith.constant 0 : i32
    %dma_wait3A_61 = tpu.memref_slice %arg9[%dma_wait3A, %dma_wait3A_60] : memref<80x128xi32, #tpu.memory_space<vmem>> -> memref<1x128xi32, #tpu.memory_space<vmem>>
    %dma_wait3A_62 = tpu.memref_squeeze %dma_wait3A_61 : memref<1x128xi32, #tpu.memory_space<vmem>> -> memref<128xi32, #tpu.memory_space<vmem>>
    %dma_wait3A_63 = arith.constant 0 : i32
    %dma_wait3A_64 = arith.constant 0 : i32
    %dma_wait3A_65 = tpu.memref_slice %arg2[%dma_wait3A_63, %dma_wait3A_64] : memref<10000x64xf32, #tpu.memory_space<hbm>> -> memref<10000x64xf32, #tpu.memory_space<hbm>>
    tpu.wait_indirect_dma semaphore(%arg16 : memref<!tpu.dma_semaphore, #tpu.memory_space<semaphore_mem>>) src(%dma_wait3A_65 : memref<10000x64xf32, #tpu.memory_space<hbm>>) dst(%arg11 : memref<128x64xf32, #tpu.memory_space<vmem>>)
    %dma_start3A_66 = arith.constant 75 : i32
    %dma_start3A_67 = arith.constant 0 : i32
    %dma_start3A_68 = tpu.memref_slice %arg10[%dma_start3A_66, %dma_start3A_67] : memref<80x128xi32, #tpu.memory_space<vmem>> -> memref<1x128xi32, #tpu.memory_space<vmem>>
    %dma_start3A_69 = tpu.memref_squeeze %dma_start3A_68 : memref<1x128xi32, #tpu.memory_space<vmem>> -> memref<128xi32, #tpu.memory_space<vmem>>
    %dma_start3A_70 = arith.constant 0 : i32
    %dma_start3A_71 = arith.constant 0 : i32
    %dma_start3A_72 = tpu.memref_slice %arg26[%dma_start3A_70, %dma_start3A_71] : memref<10240x64xf32, #tpu.memory_space<vmem_shared>> -> memref<10240x64xf32, #tpu.memory_space<vmem_shared>>
    tpu.enqueue_indirect_dma source(%arg11 : memref<128x64xf32, #tpu.memory_space<vmem>>) target(%dma_start3A_72 : memref<10240x64xf32, #tpu.memory_space<vmem_shared>>) offsets(%dma_start3A_69 : memref<128xi32, #tpu.memory_space<vmem>>) semaphore(%arg21 : memref<!tpu.dma_semaphore, #tpu.memory_space<semaphore_mem>>) {add = true}
    %dma_wait3A_73 = arith.constant 76 : i32
    %dma_wait3A_74 = arith.constant 0 : i32
    %dma_wait3A_75 = tpu.memref_slice %arg9[%dma_wait3A_73, %dma_wait3A_74] : memref<80x128xi32, #tpu.memory_space<vmem>> -> memref<1x128xi32, #tpu.memory_space<vmem>>
    %dma_wait3A_76 = tpu.memref_squeeze %dma_wait3A_75 : memref<1x128xi32, #tpu.memory_space<vmem>> -> memref<128xi32, #tpu.memory_space<vmem>>
    %dma_wait3A_77 = arith.constant 0 : i32
    %dma_wait3A_78 = arith.constant 0 : i32
    %dma_wait3A_79 = tpu.memref_slice %arg2[%dma_wait3A_77, %dma_wait3A_78] : memref<10000x64xf32, #tpu.memory_space<hbm>> -> memref<10000x64xf32, #tpu.memory_space<hbm>>
    tpu.wait_indirect_dma semaphore(%arg17 : memref<!tpu.dma_semaphore, #tpu.memory_space<semaphore_mem>>) src(%dma_wait3A_79 : memref<10000x64xf32, #tpu.memory_space<hbm>>) dst(%arg12 : memref<128x64xf32, #tpu.memory_space<vmem>>)
    %dma_start3A_80 = arith.constant 76 : i32
    %dma_start3A_81 = arith.constant 0 : i32
    %dma_start3A_82 = tpu.memref_slice %arg10[%dma_start3A_80, %dma_start3A_81] : memref<80x128xi32, #tpu.memory_space<vmem>> -> memref<1x128xi32, #tpu.memory_space<vmem>>
    %dma_start3A_83 = tpu.memref_squeeze %dma_start3A_82 : memref<1x128xi32, #tpu.memory_space<vmem>> -> memref<128xi32, #tpu.memory_space<vmem>>
    %dma_start3A_84 = arith.constant 0 : i32
    %dma_start3A_85 = arith.constant 0 : i32
    %dma_start3A_86 = tpu.memref_slice %arg26[%dma_start3A_84, %dma_start3A_85] : memref<10240x64xf32, #tpu.memory_space<vmem_shared>> -> memref<10240x64xf32, #tpu.memory_space<vmem_shared>>
    tpu.enqueue_indirect_dma source(%arg12 : memref<128x64xf32, #tpu.memory_space<vmem>>) target(%dma_start3A_86 : memref<10240x64xf32, #tpu.memory_space<vmem_shared>>) offsets(%dma_start3A_83 : memref<128xi32, #tpu.memory_space<vmem>>) semaphore(%arg22 : memref<!tpu.dma_semaphore, #tpu.memory_space<semaphore_mem>>) {add = true}
    %dma_wait3A_87 = arith.constant 77 : i32
    %dma_wait3A_88 = arith.constant 0 : i32
    %dma_wait3A_89 = tpu.memref_slice %arg9[%dma_wait3A_87, %dma_wait3A_88] : memref<80x128xi32, #tpu.memory_space<vmem>> -> memref<1x128xi32, #tpu.memory_space<vmem>>
    %dma_wait3A_90 = tpu.memref_squeeze %dma_wait3A_89 : memref<1x128xi32, #tpu.memory_space<vmem>> -> memref<128xi32, #tpu.memory_space<vmem>>
    %dma_wait3A_91 = arith.constant 0 : i32
    %dma_wait3A_92 = arith.constant 0 : i32
    %dma_wait3A_93 = tpu.memref_slice %arg2[%dma_wait3A_91, %dma_wait3A_92] : memref<10000x64xf32, #tpu.memory_space<hbm>> -> memref<10000x64xf32, #tpu.memory_space<hbm>>
    tpu.wait_indirect_dma semaphore(%arg18 : memref<!tpu.dma_semaphore, #tpu.memory_space<semaphore_mem>>) src(%dma_wait3A_93 : memref<10000x64xf32, #tpu.memory_space<hbm>>) dst(%arg13 : memref<128x64xf32, #tpu.memory_space<vmem>>)
    %dma_start3A_94 = arith.constant 77 : i32
    %dma_start3A_95 = arith.constant 0 : i32
    %dma_start3A_96 = tpu.memref_slice %arg10[%dma_start3A_94, %dma_start3A_95] : memref<80x128xi32, #tpu.memory_space<vmem>> -> memref<1x128xi32, #tpu.memory_space<vmem>>
    %dma_start3A_97 = tpu.memref_squeeze %dma_start3A_96 : memref<1x128xi32, #tpu.memory_space<vmem>> -> memref<128xi32, #tpu.memory_space<vmem>>
    %dma_start3A_98 = arith.constant 0 : i32
    %dma_start3A_99 = arith.constant 0 : i32
    %dma_start3A_100 = tpu.memref_slice %arg26[%dma_start3A_98, %dma_start3A_99] : memref<10240x64xf32, #tpu.memory_space<vmem_shared>> -> memref<10240x64xf32, #tpu.memory_space<vmem_shared>>
    tpu.enqueue_indirect_dma source(%arg13 : memref<128x64xf32, #tpu.memory_space<vmem>>) target(%dma_start3A_100 : memref<10240x64xf32, #tpu.memory_space<vmem_shared>>) offsets(%dma_start3A_97 : memref<128xi32, #tpu.memory_space<vmem>>) semaphore(%arg23 : memref<!tpu.dma_semaphore, #tpu.memory_space<semaphore_mem>>) {add = true}
    %dma_wait3A_101 = arith.constant 78 : i32
    %dma_wait3A_102 = arith.constant 0 : i32
    %dma_wait3A_103 = tpu.memref_slice %arg9[%dma_wait3A_101, %dma_wait3A_102] : memref<80x128xi32, #tpu.memory_space<vmem>> -> memref<1x128xi32, #tpu.memory_space<vmem>>
    %dma_wait3A_104 = tpu.memref_squeeze %dma_wait3A_103 : memref<1x128xi32, #tpu.memory_space<vmem>> -> memref<128xi32, #tpu.memory_space<vmem>>
    %dma_wait3A_105 = arith.constant 0 : i32
    %dma_wait3A_106 = arith.constant 0 : i32
    %dma_wait3A_107 = tpu.memref_slice %arg2[%dma_wait3A_105, %dma_wait3A_106] : memref<10000x64xf32, #tpu.memory_space<hbm>> -> memref<10000x64xf32, #tpu.memory_space<hbm>>
    tpu.wait_indirect_dma semaphore(%arg19 : memref<!tpu.dma_semaphore, #tpu.memory_space<semaphore_mem>>) src(%dma_wait3A_107 : memref<10000x64xf32, #tpu.memory_space<hbm>>) dst(%arg14 : memref<128x64xf32, #tpu.memory_space<vmem>>)
    %dma_start3A_108 = arith.constant 78 : i32
    %dma_start3A_109 = arith.constant 0 : i32
    %dma_start3A_110 = tpu.memref_slice %arg10[%dma_start3A_108, %dma_start3A_109] : memref<80x128xi32, #tpu.memory_space<vmem>> -> memref<1x128xi32, #tpu.memory_space<vmem>>
    %dma_start3A_111 = tpu.memref_squeeze %dma_start3A_110 : memref<1x128xi32, #tpu.memory_space<vmem>> -> memref<128xi32, #tpu.memory_space<vmem>>
    %dma_start3A_112 = arith.constant 0 : i32
    %dma_start3A_113 = arith.constant 0 : i32
    %dma_start3A_114 = tpu.memref_slice %arg26[%dma_start3A_112, %dma_start3A_113] : memref<10240x64xf32, #tpu.memory_space<vmem_shared>> -> memref<10240x64xf32, #tpu.memory_space<vmem_shared>>
    tpu.enqueue_indirect_dma source(%arg14 : memref<128x64xf32, #tpu.memory_space<vmem>>) target(%dma_start3A_114 : memref<10240x64xf32, #tpu.memory_space<vmem_shared>>) offsets(%dma_start3A_111 : memref<128xi32, #tpu.memory_space<vmem>>) semaphore(%arg24 : memref<!tpu.dma_semaphore, #tpu.memory_space<semaphore_mem>>) {add = true}
    %dma_wait3A_115 = arith.constant 79 : i32
    %dma_wait3A_116 = arith.constant 0 : i32
    %dma_wait3A_117 = tpu.memref_slice %arg9[%dma_wait3A_115, %dma_wait3A_116] : memref<80x128xi32, #tpu.memory_space<vmem>> -> memref<1x128xi32, #tpu.memory_space<vmem>>
    %dma_wait3A_118 = tpu.memref_squeeze %dma_wait3A_117 : memref<1x128xi32, #tpu.memory_space<vmem>> -> memref<128xi32, #tpu.memory_space<vmem>>
    %dma_wait3A_119 = arith.constant 0 : i32
    %dma_wait3A_120 = arith.constant 0 : i32
    %dma_wait3A_121 = tpu.memref_slice %arg2[%dma_wait3A_119, %dma_wait3A_120] : memref<10000x64xf32, #tpu.memory_space<hbm>> -> memref<10000x64xf32, #tpu.memory_space<hbm>>
    tpu.wait_indirect_dma semaphore(%arg20 : memref<!tpu.dma_semaphore, #tpu.memory_space<semaphore_mem>>) src(%dma_wait3A_121 : memref<10000x64xf32, #tpu.memory_space<hbm>>) dst(%arg15 : memref<128x64xf32, #tpu.memory_space<vmem>>)
    %dma_start3A_122 = arith.constant 79 : i32
    %dma_start3A_123 = arith.constant 0 : i32
    %dma_start3A_124 = tpu.memref_slice %arg10[%dma_start3A_122, %dma_start3A_123] : memref<80x128xi32, #tpu.memory_space<vmem>> -> memref<1x128xi32, #tpu.memory_space<vmem>>
    %dma_start3A_125 = tpu.memref_squeeze %dma_start3A_124 : memref<1x128xi32, #tpu.memory_space<vmem>> -> memref<128xi32, #tpu.memory_space<vmem>>
    %dma_start3A_126 = arith.constant 0 : i32
    %dma_start3A_127 = arith.constant 0 : i32
    %dma_start3A_128 = tpu.memref_slice %arg26[%dma_start3A_126, %dma_start3A_127] : memref<10240x64xf32, #tpu.memory_space<vmem_shared>> -> memref<10240x64xf32, #tpu.memory_space<vmem_shared>>
    tpu.enqueue_indirect_dma source(%arg15 : memref<128x64xf32, #tpu.memory_space<vmem>>) target(%dma_start3A_128 : memref<10240x64xf32, #tpu.memory_space<vmem_shared>>) offsets(%dma_start3A_125 : memref<128xi32, #tpu.memory_space<vmem>>) semaphore(%arg25 : memref<!tpu.dma_semaphore, #tpu.memory_space<semaphore_mem>>) {add = true}
    %dma_wait3A_129 = arith.constant 75 : i32
    %dma_wait3A_130 = arith.constant 0 : i32
    %dma_wait3A_131 = tpu.memref_slice %arg10[%dma_wait3A_129, %dma_wait3A_130] : memref<80x128xi32, #tpu.memory_space<vmem>> -> memref<1x128xi32, #tpu.memory_space<vmem>>
    %dma_wait3A_132 = tpu.memref_squeeze %dma_wait3A_131 : memref<1x128xi32, #tpu.memory_space<vmem>> -> memref<128xi32, #tpu.memory_space<vmem>>
    %dma_wait3A_133 = arith.constant 0 : i32
    %dma_wait3A_134 = arith.constant 0 : i32
    %dma_wait3A_135 = tpu.memref_slice %arg26[%dma_wait3A_133, %dma_wait3A_134] : memref<10240x64xf32, #tpu.memory_space<vmem_shared>> -> memref<10240x64xf32, #tpu.memory_space<vmem_shared>>
    tpu.wait_indirect_dma semaphore(%arg21 : memref<!tpu.dma_semaphore, #tpu.memory_space<semaphore_mem>>) src(%arg11 : memref<128x64xf32, #tpu.memory_space<vmem>>) dst(%dma_wait3A_135 : memref<10240x64xf32, #tpu.memory_space<vmem_shared>>)
    %dma_wait3A_136 = arith.constant 76 : i32
    %dma_wait3A_137 = arith.constant 0 : i32
    %dma_wait3A_138 = tpu.memref_slice %arg10[%dma_wait3A_136, %dma_wait3A_137] : memref<80x128xi32, #tpu.memory_space<vmem>> -> memref<1x128xi32, #tpu.memory_space<vmem>>
    %dma_wait3A_139 = tpu.memref_squeeze %dma_wait3A_138 : memref<1x128xi32, #tpu.memory_space<vmem>> -> memref<128xi32, #tpu.memory_space<vmem>>
    %dma_wait3A_140 = arith.constant 0 : i32
    %dma_wait3A_141 = arith.constant 0 : i32
    %dma_wait3A_142 = tpu.memref_slice %arg26[%dma_wait3A_140, %dma_wait3A_141] : memref<10240x64xf32, #tpu.memory_space<vmem_shared>> -> memref<10240x64xf32, #tpu.memory_space<vmem_shared>>
    tpu.wait_indirect_dma semaphore(%arg22 : memref<!tpu.dma_semaphore, #tpu.memory_space<semaphore_mem>>) src(%arg12 : memref<128x64xf32, #tpu.memory_space<vmem>>) dst(%dma_wait3A_142 : memref<10240x64xf32, #tpu.memory_space<vmem_shared>>)
    %dma_wait3A_143 = arith.constant 77 : i32
    %dma_wait3A_144 = arith.constant 0 : i32
    %dma_wait3A_145 = tpu.memref_slice %arg10[%dma_wait3A_143, %dma_wait3A_144] : memref<80x128xi32, #tpu.memory_space<vmem>> -> memref<1x128xi32, #tpu.memory_space<vmem>>
    %dma_wait3A_146 = tpu.memref_squeeze %dma_wait3A_145 : memref<1x128xi32, #tpu.memory_space<vmem>> -> memref<128xi32, #tpu.memory_space<vmem>>
    %dma_wait3A_147 = arith.constant 0 : i32
    %dma_wait3A_148 = arith.constant 0 : i32
    %dma_wait3A_149 = tpu.memref_slice %arg26[%dma_wait3A_147, %dma_wait3A_148] : memref<10240x64xf32, #tpu.memory_space<vmem_shared>> -> memref<10240x64xf32, #tpu.memory_space<vmem_shared>>
    tpu.wait_indirect_dma semaphore(%arg23 : memref<!tpu.dma_semaphore, #tpu.memory_space<semaphore_mem>>) src(%arg13 : memref<128x64xf32, #tpu.memory_space<vmem>>) dst(%dma_wait3A_149 : memref<10240x64xf32, #tpu.memory_space<vmem_shared>>)
    %dma_wait3A_150 = arith.constant 78 : i32
    %dma_wait3A_151 = arith.constant 0 : i32
    %dma_wait3A_152 = tpu.memref_slice %arg10[%dma_wait3A_150, %dma_wait3A_151] : memref<80x128xi32, #tpu.memory_space<vmem>> -> memref<1x128xi32, #tpu.memory_space<vmem>>
    %dma_wait3A_153 = tpu.memref_squeeze %dma_wait3A_152 : memref<1x128xi32, #tpu.memory_space<vmem>> -> memref<128xi32, #tpu.memory_space<vmem>>
    %dma_wait3A_154 = arith.constant 0 : i32
    %dma_wait3A_155 = arith.constant 0 : i32
    %dma_wait3A_156 = tpu.memref_slice %arg26[%dma_wait3A_154, %dma_wait3A_155] : memref<10240x64xf32, #tpu.memory_space<vmem_shared>> -> memref<10240x64xf32, #tpu.memory_space<vmem_shared>>
    tpu.wait_indirect_dma semaphore(%arg24 : memref<!tpu.dma_semaphore, #tpu.memory_space<semaphore_mem>>) src(%arg14 : memref<128x64xf32, #tpu.memory_space<vmem>>) dst(%dma_wait3A_156 : memref<10240x64xf32, #tpu.memory_space<vmem_shared>>)
    %dma_wait3A_157 = arith.constant 79 : i32
    %dma_wait3A_158 = arith.constant 0 : i32
    %dma_wait3A_159 = tpu.memref_slice %arg10[%dma_wait3A_157, %dma_wait3A_158] : memref<80x128xi32, #tpu.memory_space<vmem>> -> memref<1x128xi32, #tpu.memory_space<vmem>>
    %dma_wait3A_160 = tpu.memref_squeeze %dma_wait3A_159 : memref<1x128xi32, #tpu.memory_space<vmem>> -> memref<128xi32, #tpu.memory_space<vmem>>
    %dma_wait3A_161 = arith.constant 0 : i32
    %dma_wait3A_162 = arith.constant 0 : i32
    %dma_wait3A_163 = tpu.memref_slice %arg26[%dma_wait3A_161, %dma_wait3A_162] : memref<10240x64xf32, #tpu.memory_space<vmem_shared>> -> memref<10240x64xf32, #tpu.memory_space<vmem_shared>>
    tpu.wait_indirect_dma semaphore(%arg25 : memref<!tpu.dma_semaphore, #tpu.memory_space<semaphore_mem>>) src(%arg15 : memref<128x64xf32, #tpu.memory_space<vmem>>) dst(%dma_wait3A_163 : memref<10240x64xf32, #tpu.memory_space<vmem_shared>>)
    %barrier3A_164 = arith.constant 0 : index
    tpu.barrier barrier_id(%barrier3A_164)
    %mul3A_165 = arith.constant 640 : i32
    %mul3A_166 = arith.muli %arg1, %mul3A_165 : i32
    %add3A_167 = arith.constant 0 : i32
    %add3A_168 = arith.addi %mul3A_166, %add3A_167 : i32
    "tpu.region"() ({
      %run_scoped3A = tpu.sem_alloc : memref<!tpu.dma_semaphore, #tpu.memory_space<semaphore_mem>>
      %dma_start3A_373 = arith.constant 0 : i32
      %dma_start3A_374 = tpu.memref_slice %arg26[%add3A_168, %dma_start3A_373] : memref<10240x64xf32, #tpu.memory_space<vmem_shared>> -> memref<128x64xf32, #tpu.memory_space<vmem_shared>>
      %dma_start3A_375 = arith.constant 0 : i32
      %dma_start3A_376 = tpu.memref_slice %arg26[%add3A_168, %dma_start3A_375] : memref<10240x64xf32, #tpu.memory_space<vmem_shared>> -> memref<128x64xf32, #tpu.memory_space<vmem_shared>>
      tpu.enqueue_dma source(%dma_start3A_376 : memref<128x64xf32, #tpu.memory_space<vmem_shared>>) target(%arg11 : memref<128x64xf32, #tpu.memory_space<vmem>>) target_semaphore(%run_scoped3A : memref<!tpu.dma_semaphore, #tpu.memory_space<semaphore_mem>>)
      %dma_wait3A_377 = arith.constant 0 : i32
      %dma_wait3A_378 = tpu.memref_slice %arg26[%add3A_168, %dma_wait3A_377] : memref<10240x64xf32, #tpu.memory_space<vmem_shared>> -> memref<128x64xf32, #tpu.memory_space<vmem_shared>>
      %dma_wait3A_379 = arith.constant 0 : i32
      %dma_wait3A_380 = tpu.memref_slice %arg26[%add3A_168, %dma_wait3A_379] : memref<10240x64xf32, #tpu.memory_space<vmem_shared>> -> memref<128x64xf32, #tpu.memory_space<vmem_shared>>
      tpu.wait_dma2 semaphore(%run_scoped3A : memref<!tpu.dma_semaphore, #tpu.memory_space<semaphore_mem>>) src(%dma_wait3A_380 : memref<128x64xf32, #tpu.memory_space<vmem_shared>>) dst(%arg11 : memref<128x64xf32, #tpu.memory_space<vmem>>)
      tpu.yield
    }) : () -> ()
    "tpu.region"() ({
      %run_scoped3A = tpu.sem_alloc : memref<!tpu.dma_semaphore, #tpu.memory_space<semaphore_mem>>
      %dma_start3A_373 = arith.constant 0 : i32
      %dma_start3A_374 = tpu.memref_slice %arg7[%arg0, %add3A_168, %dma_start3A_373] : memref<2x10240x64xf32, #tpu.memory_space<hbm>> -> memref<1x128x64xf32, #tpu.memory_space<hbm>>
      %dma_start3A_375 = tpu.memref_squeeze %dma_start3A_374 : memref<1x128x64xf32, #tpu.memory_space<hbm>> -> memref<128x64xf32, #tpu.memory_space<hbm>>
      %dma_start3A_376 = arith.constant 0 : i32
      %dma_start3A_377 = tpu.memref_slice %arg7[%arg0, %add3A_168, %dma_start3A_376] : memref<2x10240x64xf32, #tpu.memory_space<hbm>> -> memref<1x128x64xf32, #tpu.memory_space<hbm>>
      %dma_start3A_378 = tpu.memref_squeeze %dma_start3A_377 : memref<1x128x64xf32, #tpu.memory_space<hbm>> -> memref<128x64xf32, #tpu.memory_space<hbm>>
      tpu.enqueue_dma source(%arg11 : memref<128x64xf32, #tpu.memory_space<vmem>>) target(%dma_start3A_378 : memref<128x64xf32, #tpu.memory_space<hbm>>) target_semaphore(%run_scoped3A : memref<!tpu.dma_semaphore, #tpu.memory_space<semaphore_mem>>)
      %dma_wait3A_379 = arith.constant 0 : i32
      %dma_wait3A_380 = tpu.memref_slice %arg7[%arg0, %add3A_168, %dma_wait3A_379] : memref<2x10240x64xf32, #tpu.memory_space<hbm>> -> memref<1x128x64xf32, #tpu.memory_space<hbm>>
      %dma_wait3A_381 = tpu.memref_squeeze %dma_wait3A_380 : memref<1x128x64xf32, #tpu.memory_space<hbm>> -> memref<128x64xf32, #tpu.memory_space<hbm>>
      %dma_wait3A_382 = arith.constant 0 : i32
      %dma_wait3A_383 = tpu.memref_slice %arg7[%arg0, %add3A_168, %dma_wait3A_382] : memref<2x10240x64xf32, #tpu.memory_space<hbm>> -> memref<1x128x64xf32, #tpu.memory_space<hbm>>
      %dma_wait3A_384 = tpu.memref_squeeze %dma_wait3A_383 : memref<1x128x64xf32, #tpu.memory_space<hbm>> -> memref<128x64xf32, #tpu.memory_space<hbm>>
      tpu.wait_dma2 semaphore(%run_scoped3A : memref<!tpu.dma_semaphore, #tpu.memory_space<semaphore_mem>>) src(%arg11 : memref<128x64xf32, #tpu.memory_space<vmem>>) dst(%dma_wait3A_384 : memref<128x64xf32, #tpu.memory_space<hbm>>)
      tpu.yield
    }) : () -> ()
    %mul3A_169 = arith.constant 640 : i32
    %mul3A_170 = arith.muli %arg1, %mul3A_169 : i32
    %add3A_171 = arith.constant 128 : i32
    %add3A_172 = arith.addi %mul3A_170, %add3A_171 : i32
    "tpu.region"() ({
      %run_scoped3A = tpu.sem_alloc : memref<!tpu.dma_semaphore, #tpu.memory_space<semaphore_mem>>
      %dma_start3A_373 = arith.constant 0 : i32
      %dma_start3A_374 = tpu.memref_slice %arg26[%add3A_172, %dma_start3A_373] : memref<10240x64xf32, #tpu.memory_space<vmem_shared>> -> memref<128x64xf32, #tpu.memory_space<vmem_shared>>
      %dma_start3A_375 = arith.constant 0 : i32
      %dma_start3A_376 = tpu.memref_slice %arg26[%add3A_172, %dma_start3A_375] : memref<10240x64xf32, #tpu.memory_space<vmem_shared>> -> memref<128x64xf32, #tpu.memory_space<vmem_shared>>
      tpu.enqueue_dma source(%dma_start3A_376 : memref<128x64xf32, #tpu.memory_space<vmem_shared>>) target(%arg11 : memref<128x64xf32, #tpu.memory_space<vmem>>) target_semaphore(%run_scoped3A : memref<!tpu.dma_semaphore, #tpu.memory_space<semaphore_mem>>)
      %dma_wait3A_377 = arith.constant 0 : i32
      %dma_wait3A_378 = tpu.memref_slice %arg26[%add3A_172, %dma_wait3A_377] : memref<10240x64xf32, #tpu.memory_space<vmem_shared>> -> memref<128x64xf32, #tpu.memory_space<vmem_shared>>
      %dma_wait3A_379 = arith.constant 0 : i32
      %dma_wait3A_380 = tpu.memref_slice %arg26[%add3A_172, %dma_wait3A_379] : memref<10240x64xf32, #tpu.memory_space<vmem_shared>> -> memref<128x64xf32, #tpu.memory_space<vmem_shared>>
      tpu.wait_dma2 semaphore(%run_scoped3A : memref<!tpu.dma_semaphore, #tpu.memory_space<semaphore_mem>>) src(%dma_wait3A_380 : memref<128x64xf32, #tpu.memory_space<vmem_shared>>) dst(%arg11 : memref<128x64xf32, #tpu.memory_space<vmem>>)
      tpu.yield
    }) : () -> ()
    "tpu.region"() ({
      %run_scoped3A = tpu.sem_alloc : memref<!tpu.dma_semaphore, #tpu.memory_space<semaphore_mem>>
      %dma_start3A_373 = arith.constant 0 : i32
      %dma_start3A_374 = tpu.memref_slice %arg7[%arg0, %add3A_172, %dma_start3A_373] : memref<2x10240x64xf32, #tpu.memory_space<hbm>> -> memref<1x128x64xf32, #tpu.memory_space<hbm>>
      %dma_start3A_375 = tpu.memref_squeeze %dma_start3A_374 : memref<1x128x64xf32, #tpu.memory_space<hbm>> -> memref<128x64xf32, #tpu.memory_space<hbm>>
      %dma_start3A_376 = arith.constant 0 : i32
      %dma_start3A_377 = tpu.memref_slice %arg7[%arg0, %add3A_172, %dma_start3A_376] : memref<2x10240x64xf32, #tpu.memory_space<hbm>> -> memref<1x128x64xf32, #tpu.memory_space<hbm>>
      %dma_start3A_378 = tpu.memref_squeeze %dma_start3A_377 : memref<1x128x64xf32, #tpu.memory_space<hbm>> -> memref<128x64xf32, #tpu.memory_space<hbm>>
      tpu.enqueue_dma source(%arg11 : memref<128x64xf32, #tpu.memory_space<vmem>>) target(%dma_start3A_378 : memref<128x64xf32, #tpu.memory_space<hbm>>) target_semaphore(%run_scoped3A : memref<!tpu.dma_semaphore, #tpu.memory_space<semaphore_mem>>)
      %dma_wait3A_379 = arith.constant 0 : i32
      %dma_wait3A_380 = tpu.memref_slice %arg7[%arg0, %add3A_172, %dma_wait3A_379] : memref<2x10240x64xf32, #tpu.memory_space<hbm>> -> memref<1x128x64xf32, #tpu.memory_space<hbm>>
      %dma_wait3A_381 = tpu.memref_squeeze %dma_wait3A_380 : memref<1x128x64xf32, #tpu.memory_space<hbm>> -> memref<128x64xf32, #tpu.memory_space<hbm>>
      %dma_wait3A_382 = arith.constant 0 : i32
      %dma_wait3A_383 = tpu.memref_slice %arg7[%arg0, %add3A_172, %dma_wait3A_382] : memref<2x10240x64xf32, #tpu.memory_space<hbm>> -> memref<1x128x64xf32, #tpu.memory_space<hbm>>
      %dma_wait3A_384 = tpu.memref_squeeze %dma_wait3A_383 : memref<1x128x64xf32, #tpu.memory_space<hbm>> -> memref<128x64xf32, #tpu.memory_space<hbm>>
      tpu.wait_dma2 semaphore(%run_scoped3A : memref<!tpu.dma_semaphore, #tpu.memory_space<semaphore_mem>>) src(%arg11 : memref<128x64xf32, #tpu.memory_space<vmem>>) dst(%dma_wait3A_384 : memref<128x64xf32, #tpu.memory_space<hbm>>)
      tpu.yield
    }) : () -> ()
    %mul3A_173 = arith.constant 640 : i32
    %mul3A_174 = arith.muli %arg1, %mul3A_173 : i32
    %add3A_175 = arith.constant 256 : i32
    %add3A_176 = arith.addi %mul3A_174, %add3A_175 : i32
    "tpu.region"() ({
      %run_scoped3A = tpu.sem_alloc : memref<!tpu.dma_semaphore, #tpu.memory_space<semaphore_mem>>
      %dma_start3A_373 = arith.constant 0 : i32
      %dma_start3A_374 = tpu.memref_slice %arg26[%add3A_176, %dma_start3A_373] : memref<10240x64xf32, #tpu.memory_space<vmem_shared>> -> memref<128x64xf32, #tpu.memory_space<vmem_shared>>
      %dma_start3A_375 = arith.constant 0 : i32
      %dma_start3A_376 = tpu.memref_slice %arg26[%add3A_176, %dma_start3A_375] : memref<10240x64xf32, #tpu.memory_space<vmem_shared>> -> memref<128x64xf32, #tpu.memory_space<vmem_shared>>
      tpu.enqueue_dma source(%dma_start3A_376 : memref<128x64xf32, #tpu.memory_space<vmem_shared>>) target(%arg11 : memref<128x64xf32, #tpu.memory_space<vmem>>) target_semaphore(%run_scoped3A : memref<!tpu.dma_semaphore, #tpu.memory_space<semaphore_mem>>)
      %dma_wait3A_377 = arith.constant 0 : i32
      %dma_wait3A_378 = tpu.memref_slice %arg26[%add3A_176, %dma_wait3A_377] : memref<10240x64xf32, #tpu.memory_space<vmem_shared>> -> memref<128x64xf32, #tpu.memory_space<vmem_shared>>
      %dma_wait3A_379 = arith.constant 0 : i32
      %dma_wait3A_380 = tpu.memref_slice %arg26[%add3A_176, %dma_wait3A_379] : memref<10240x64xf32, #tpu.memory_space<vmem_shared>> -> memref<128x64xf32, #tpu.memory_space<vmem_shared>>
      tpu.wait_dma2 semaphore(%run_scoped3A : memref<!tpu.dma_semaphore, #tpu.memory_space<semaphore_mem>>) src(%dma_wait3A_380 : memref<128x64xf32, #tpu.memory_space<vmem_shared>>) dst(%arg11 : memref<128x64xf32, #tpu.memory_space<vmem>>)
      tpu.yield
    }) : () -> ()
    "tpu.region"() ({
      %run_scoped3A = tpu.sem_alloc : memref<!tpu.dma_semaphore, #tpu.memory_space<semaphore_mem>>
      %dma_start3A_373 = arith.constant 0 : i32
      %dma_start3A_374 = tpu.memref_slice %arg7[%arg0, %add3A_176, %dma_start3A_373] : memref<2x10240x64xf32, #tpu.memory_space<hbm>> -> memref<1x128x64xf32, #tpu.memory_space<hbm>>
      %dma_start3A_375 = tpu.memref_squeeze %dma_start3A_374 : memref<1x128x64xf32, #tpu.memory_space<hbm>> -> memref<128x64xf32, #tpu.memory_space<hbm>>
      %dma_start3A_376 = arith.constant 0 : i32
      %dma_start3A_377 = tpu.memref_slice %arg7[%arg0, %add3A_176, %dma_start3A_376] : memref<2x10240x64xf32, #tpu.memory_space<hbm>> -> memref<1x128x64xf32, #tpu.memory_space<hbm>>
      %dma_start3A_378 = tpu.memref_squeeze %dma_start3A_377 : memref<1x128x64xf32, #tpu.memory_space<hbm>> -> memref<128x64xf32, #tpu.memory_space<hbm>>
      tpu.enqueue_dma source(%arg11 : memref<128x64xf32, #tpu.memory_space<vmem>>) target(%dma_start3A_378 : memref<128x64xf32, #tpu.memory_space<hbm>>) target_semaphore(%run_scoped3A : memref<!tpu.dma_semaphore, #tpu.memory_space<semaphore_mem>>)
      %dma_wait3A_379 = arith.constant 0 : i32
      %dma_wait3A_380 = tpu.memref_slice %arg7[%arg0, %add3A_176, %dma_wait3A_379] : memref<2x10240x64xf32, #tpu.memory_space<hbm>> -> memref<1x128x64xf32, #tpu.memory_space<hbm>>
      %dma_wait3A_381 = tpu.memref_squeeze %dma_wait3A_380 : memref<1x128x64xf32, #tpu.memory_space<hbm>> -> memref<128x64xf32, #tpu.memory_space<hbm>>
      %dma_wait3A_382 = arith.constant 0 : i32
      %dma_wait3A_383 = tpu.memref_slice %arg7[%arg0, %add3A_176, %dma_wait3A_382] : memref<2x10240x64xf32, #tpu.memory_space<hbm>> -> memref<1x128x64xf32, #tpu.memory_space<hbm>>
      %dma_wait3A_384 = tpu.memref_squeeze %dma_wait3A_383 : memref<1x128x64xf32, #tpu.memory_space<hbm>> -> memref<128x64xf32, #tpu.memory_space<hbm>>
      tpu.wait_dma2 semaphore(%run_scoped3A : memref<!tpu.dma_semaphore, #tpu.memory_space<semaphore_mem>>) src(%arg11 : memref<128x64xf32, #tpu.memory_space<vmem>>) dst(%dma_wait3A_384 : memref<128x64xf32, #tpu.memory_space<hbm>>)
      tpu.yield
    }) : () -> ()
    %mul3A_177 = arith.constant 640 : i32
    %mul3A_178 = arith.muli %arg1, %mul3A_177 : i32
    %add3A_179 = arith.constant 384 : i32
    %add3A_180 = arith.addi %mul3A_178, %add3A_179 : i32
    "tpu.region"() ({
      %run_scoped3A = tpu.sem_alloc : memref<!tpu.dma_semaphore, #tpu.memory_space<semaphore_mem>>
      %dma_start3A_373 = arith.constant 0 : i32
      %dma_start3A_374 = tpu.memref_slice %arg26[%add3A_180, %dma_start3A_373] : memref<10240x64xf32, #tpu.memory_space<vmem_shared>> -> memref<128x64xf32, #tpu.memory_space<vmem_shared>>
      %dma_start3A_375 = arith.constant 0 : i32
      %dma_start3A_376 = tpu.memref_slice %arg26[%add3A_180, %dma_start3A_375] : memref<10240x64xf32, #tpu.memory_space<vmem_shared>> -> memref<128x64xf32, #tpu.memory_space<vmem_shared>>
      tpu.enqueue_dma source(%dma_start3A_376 : memref<128x64xf32, #tpu.memory_space<vmem_shared>>) target(%arg11 : memref<128x64xf32, #tpu.memory_space<vmem>>) target_semaphore(%run_scoped3A : memref<!tpu.dma_semaphore, #tpu.memory_space<semaphore_mem>>)
      %dma_wait3A_377 = arith.constant 0 : i32
      %dma_wait3A_378 = tpu.memref_slice %arg26[%add3A_180, %dma_wait3A_377] : memref<10240x64xf32, #tpu.memory_space<vmem_shared>> -> memref<128x64xf32, #tpu.memory_space<vmem_shared>>
      %dma_wait3A_379 = arith.constant 0 : i32
      %dma_wait3A_380 = tpu.memref_slice %arg26[%add3A_180, %dma_wait3A_379] : memref<10240x64xf32, #tpu.memory_space<vmem_shared>> -> memref<128x64xf32, #tpu.memory_space<vmem_shared>>
      tpu.wait_dma2 semaphore(%run_scoped3A : memref<!tpu.dma_semaphore, #tpu.memory_space<semaphore_mem>>) src(%dma_wait3A_380 : memref<128x64xf32, #tpu.memory_space<vmem_shared>>) dst(%arg11 : memref<128x64xf32, #tpu.memory_space<vmem>>)
      tpu.yield
    }) : () -> ()
    "tpu.region"() ({
      %run_scoped3A = tpu.sem_alloc : memref<!tpu.dma_semaphore, #tpu.memory_space<semaphore_mem>>
      %dma_start3A_373 = arith.constant 0 : i32
      %dma_start3A_374 = tpu.memref_slice %arg7[%arg0, %add3A_180, %dma_start3A_373] : memref<2x10240x64xf32, #tpu.memory_space<hbm>> -> memref<1x128x64xf32, #tpu.memory_space<hbm>>
      %dma_start3A_375 = tpu.memref_squeeze %dma_start3A_374 : memref<1x128x64xf32, #tpu.memory_space<hbm>> -> memref<128x64xf32, #tpu.memory_space<hbm>>
      %dma_start3A_376 = arith.constant 0 : i32
      %dma_start3A_377 = tpu.memref_slice %arg7[%arg0, %add3A_180, %dma_start3A_376] : memref<2x10240x64xf32, #tpu.memory_space<hbm>> -> memref<1x128x64xf32, #tpu.memory_space<hbm>>
      %dma_start3A_378 = tpu.memref_squeeze %dma_start3A_377 : memref<1x128x64xf32, #tpu.memory_space<hbm>> -> memref<128x64xf32, #tpu.memory_space<hbm>>
      tpu.enqueue_dma source(%arg11 : memref<128x64xf32, #tpu.memory_space<vmem>>) target(%dma_start3A_378 : memref<128x64xf32, #tpu.memory_space<hbm>>) target_semaphore(%run_scoped3A : memref<!tpu.dma_semaphore, #tpu.memory_space<semaphore_mem>>)
      %dma_wait3A_379 = arith.constant 0 : i32
      %dma_wait3A_380 = tpu.memref_slice %arg7[%arg0, %add3A_180, %dma_wait3A_379] : memref<2x10240x64xf32, #tpu.memory_space<hbm>> -> memref<1x128x64xf32, #tpu.memory_space<hbm>>
      %dma_wait3A_381 = tpu.memref_squeeze %dma_wait3A_380 : memref<1x128x64xf32, #tpu.memory_space<hbm>> -> memref<128x64xf32, #tpu.memory_space<hbm>>
      %dma_wait3A_382 = arith.constant 0 : i32
      %dma_wait3A_383 = tpu.memref_slice %arg7[%arg0, %add3A_180, %dma_wait3A_382] : memref<2x10240x64xf32, #tpu.memory_space<hbm>> -> memref<1x128x64xf32, #tpu.memory_space<hbm>>
      %dma_wait3A_384 = tpu.memref_squeeze %dma_wait3A_383 : memref<1x128x64xf32, #tpu.memory_space<hbm>> -> memref<128x64xf32, #tpu.memory_space<hbm>>
      tpu.wait_dma2 semaphore(%run_scoped3A : memref<!tpu.dma_semaphore, #tpu.memory_space<semaphore_mem>>) src(%arg11 : memref<128x64xf32, #tpu.memory_space<vmem>>) dst(%dma_wait3A_384 : memref<128x64xf32, #tpu.memory_space<hbm>>)
      tpu.yield
    }) : () -> ()
    %mul3A_181 = arith.constant 640 : i32
    %mul3A_182 = arith.muli %arg1, %mul3A_181 : i32
    %add3A_183 = arith.constant 512 : i32
    %add3A_184 = arith.addi %mul3A_182, %add3A_183 : i32
    "tpu.region"() ({
      %run_scoped3A = tpu.sem_alloc : memref<!tpu.dma_semaphore, #tpu.memory_space<semaphore_mem>>
      %dma_start3A_373 = arith.constant 0 : i32
      %dma_start3A_374 = tpu.memref_slice %arg26[%add3A_184, %dma_start3A_373] : memref<10240x64xf32, #tpu.memory_space<vmem_shared>> -> memref<128x64xf32, #tpu.memory_space<vmem_shared>>
      %dma_start3A_375 = arith.constant 0 : i32
      %dma_start3A_376 = tpu.memref_slice %arg26[%add3A_184, %dma_start3A_375] : memref<10240x64xf32, #tpu.memory_space<vmem_shared>> -> memref<128x64xf32, #tpu.memory_space<vmem_shared>>
      tpu.enqueue_dma source(%dma_start3A_376 : memref<128x64xf32, #tpu.memory_space<vmem_shared>>) target(%arg11 : memref<128x64xf32, #tpu.memory_space<vmem>>) target_semaphore(%run_scoped3A : memref<!tpu.dma_semaphore, #tpu.memory_space<semaphore_mem>>)
      %dma_wait3A_377 = arith.constant 0 : i32
      %dma_wait3A_378 = tpu.memref_slice %arg26[%add3A_184, %dma_wait3A_377] : memref<10240x64xf32, #tpu.memory_space<vmem_shared>> -> memref<128x64xf32, #tpu.memory_space<vmem_shared>>
      %dma_wait3A_379 = arith.constant 0 : i32
      %dma_wait3A_380 = tpu.memref_slice %arg26[%add3A_184, %dma_wait3A_379] : memref<10240x64xf32, #tpu.memory_space<vmem_shared>> -> memref<128x64xf32, #tpu.memory_space<vmem_shared>>
      tpu.wait_dma2 semaphore(%run_scoped3A : memref<!tpu.dma_semaphore, #tpu.memory_space<semaphore_mem>>) src(%dma_wait3A_380 : memref<128x64xf32, #tpu.memory_space<vmem_shared>>) dst(%arg11 : memref<128x64xf32, #tpu.memory_space<vmem>>)
      tpu.yield
    }) : () -> ()
    "tpu.region"() ({
      %run_scoped3A = tpu.sem_alloc : memref<!tpu.dma_semaphore, #tpu.memory_space<semaphore_mem>>
      %dma_start3A_373 = arith.constant 0 : i32
      %dma_start3A_374 = tpu.memref_slice %arg7[%arg0, %add3A_184, %dma_start3A_373] : memref<2x10240x64xf32, #tpu.memory_space<hbm>> -> memref<1x128x64xf32, #tpu.memory_space<hbm>>
      %dma_start3A_375 = tpu.memref_squeeze %dma_start3A_374 : memref<1x128x64xf32, #tpu.memory_space<hbm>> -> memref<128x64xf32, #tpu.memory_space<hbm>>
      %dma_start3A_376 = arith.constant 0 : i32
      %dma_start3A_377 = tpu.memref_slice %arg7[%arg0, %add3A_184, %dma_start3A_376] : memref<2x10240x64xf32, #tpu.memory_space<hbm>> -> memref<1x128x64xf32, #tpu.memory_space<hbm>>
      %dma_start3A_378 = tpu.memref_squeeze %dma_start3A_377 : memref<1x128x64xf32, #tpu.memory_space<hbm>> -> memref<128x64xf32, #tpu.memory_space<hbm>>
      tpu.enqueue_dma source(%arg11 : memref<128x64xf32, #tpu.memory_space<vmem>>) target(%dma_start3A_378 : memref<128x64xf32, #tpu.memory_space<hbm>>) target_semaphore(%run_scoped3A : memref<!tpu.dma_semaphore, #tpu.memory_space<semaphore_mem>>)
      %dma_wait3A_379 = arith.constant 0 : i32
      %dma_wait3A_380 = tpu.memref_slice %arg7[%arg0, %add3A_184, %dma_wait3A_379] : memref<2x10240x64xf32, #tpu.memory_space<hbm>> -> memref<1x128x64xf32, #tpu.memory_space<hbm>>
      %dma_wait3A_381 = tpu.memref_squeeze %dma_wait3A_380 : memref<1x128x64xf32, #tpu.memory_space<hbm>> -> memref<128x64xf32, #tpu.memory_space<hbm>>
      %dma_wait3A_382 = arith.constant 0 : i32
      %dma_wait3A_383 = tpu.memref_slice %arg7[%arg0, %add3A_184, %dma_wait3A_382] : memref<2x10240x64xf32, #tpu.memory_space<hbm>> -> memref<1x128x64xf32, #tpu.memory_space<hbm>>
      %dma_wait3A_384 = tpu.memref_squeeze %dma_wait3A_383 : memref<1x128x64xf32, #tpu.memory_space<hbm>> -> memref<128x64xf32, #tpu.memory_space<hbm>>
      tpu.wait_dma2 semaphore(%run_scoped3A : memref<!tpu.dma_semaphore, #tpu.memory_space<semaphore_mem>>) src(%arg11 : memref<128x64xf32, #tpu.memory_space<vmem>>) dst(%dma_wait3A_384 : memref<128x64xf32, #tpu.memory_space<hbm>>)
      tpu.yield
    }) : () -> ()
    "tpu.region"() ({
      %run_scoped3A = tpu.sem_alloc : memref<!tpu.dma_semaphore, #tpu.memory_space<semaphore_mem>>
      tpu.enqueue_dma source(%arg6 : memref<128x64xf32, #tpu.memory_space<hbm>>) target(%arg11 : memref<128x64xf32, #tpu.memory_space<vmem>>) target_semaphore(%run_scoped3A : memref<!tpu.dma_semaphore, #tpu.memory_space<semaphore_mem>>)
      tpu.wait_dma2 semaphore(%run_scoped3A : memref<!tpu.dma_semaphore, #tpu.memory_space<semaphore_mem>>) src(%arg6 : memref<128x64xf32, #tpu.memory_space<hbm>>) dst(%arg11 : memref<128x64xf32, #tpu.memory_space<vmem>>)
      tpu.yield
    }) : () -> ()
    %mul3A_185 = arith.constant 640 : i32
    %mul3A_186 = arith.muli %arg1, %mul3A_185 : i32
    %add3A_187 = arith.constant 0 : i32
    %add3A_188 = arith.addi %mul3A_186, %add3A_187 : i32
    "tpu.region"() ({
      %run_scoped3A = tpu.sem_alloc : memref<!tpu.dma_semaphore, #tpu.memory_space<semaphore_mem>>
      %dma_start3A_373 = arith.constant 0 : i32
      %dma_start3A_374 = tpu.memref_slice %arg26[%add3A_188, %dma_start3A_373] : memref<10240x64xf32, #tpu.memory_space<vmem_shared>> -> memref<128x64xf32, #tpu.memory_space<vmem_shared>>
      %dma_start3A_375 = arith.constant 0 : i32
      %dma_start3A_376 = tpu.memref_slice %arg26[%add3A_188, %dma_start3A_375] : memref<10240x64xf32, #tpu.memory_space<vmem_shared>> -> memref<128x64xf32, #tpu.memory_space<vmem_shared>>
      tpu.enqueue_dma source(%arg11 : memref<128x64xf32, #tpu.memory_space<vmem>>) target(%dma_start3A_376 : memref<128x64xf32, #tpu.memory_space<vmem_shared>>) target_semaphore(%run_scoped3A : memref<!tpu.dma_semaphore, #tpu.memory_space<semaphore_mem>>)
      %dma_wait3A_377 = arith.constant 0 : i32
      %dma_wait3A_378 = tpu.memref_slice %arg26[%add3A_188, %dma_wait3A_377] : memref<10240x64xf32, #tpu.memory_space<vmem_shared>> -> memref<128x64xf32, #tpu.memory_space<vmem_shared>>
      %dma_wait3A_379 = arith.constant 0 : i32
      %dma_wait3A_380 = tpu.memref_slice %arg26[%add3A_188, %dma_wait3A_379] : memref<10240x64xf32, #tpu.memory_space<vmem_shared>> -> memref<128x64xf32, #tpu.memory_space<vmem_shared>>
      tpu.wait_dma2 semaphore(%run_scoped3A : memref<!tpu.dma_semaphore, #tpu.memory_space<semaphore_mem>>) src(%arg11 : memref<128x64xf32, #tpu.memory_space<vmem>>) dst(%dma_wait3A_380 : memref<128x64xf32, #tpu.memory_space<vmem_shared>>)
      tpu.yield
    }) : () -> ()
    %mul3A_189 = arith.constant 640 : i32
    %mul3A_190 = arith.muli %arg1, %mul3A_189 : i32
    %add3A_191 = arith.constant 128 : i32
    %add3A_192 = arith.addi %mul3A_190, %add3A_191 : i32
    "tpu.region"() ({
      %run_scoped3A = tpu.sem_alloc : memref<!tpu.dma_semaphore, #tpu.memory_space<semaphore_mem>>
      %dma_start3A_373 = arith.constant 0 : i32
      %dma_start3A_374 = tpu.memref_slice %arg26[%add3A_192, %dma_start3A_373] : memref<10240x64xf32, #tpu.memory_space<vmem_shared>> -> memref<128x64xf32, #tpu.memory_space<vmem_shared>>
      %dma_start3A_375 = arith.constant 0 : i32
      %dma_start3A_376 = tpu.memref_slice %arg26[%add3A_192, %dma_start3A_375] : memref<10240x64xf32, #tpu.memory_space<vmem_shared>> -> memref<128x64xf32, #tpu.memory_space<vmem_shared>>
      tpu.enqueue_dma source(%arg11 : memref<128x64xf32, #tpu.memory_space<vmem>>) target(%dma_start3A_376 : memref<128x64xf32, #tpu.memory_space<vmem_shared>>) target_semaphore(%run_scoped3A : memref<!tpu.dma_semaphore, #tpu.memory_space<semaphore_mem>>)
      %dma_wait3A_377 = arith.constant 0 : i32
      %dma_wait3A_378 = tpu.memref_slice %arg26[%add3A_192, %dma_wait3A_377] : memref<10240x64xf32, #tpu.memory_space<vmem_shared>> -> memref<128x64xf32, #tpu.memory_space<vmem_shared>>
      %dma_wait3A_379 = arith.constant 0 : i32
      %dma_wait3A_380 = tpu.memref_slice %arg26[%add3A_192, %dma_wait3A_379] : memref<10240x64xf32, #tpu.memory_space<vmem_shared>> -> memref<128x64xf32, #tpu.memory_space<vmem_shared>>
      tpu.wait_dma2 semaphore(%run_scoped3A : memref<!tpu.dma_semaphore, #tpu.memory_space<semaphore_mem>>) src(%arg11 : memref<128x64xf32, #tpu.memory_space<vmem>>) dst(%dma_wait3A_380 : memref<128x64xf32, #tpu.memory_space<vmem_shared>>)
      tpu.yield
    }) : () -> ()
    %mul3A_193 = arith.constant 640 : i32
    %mul3A_194 = arith.muli %arg1, %mul3A_193 : i32
    %add3A_195 = arith.constant 256 : i32
    %add3A_196 = arith.addi %mul3A_194, %add3A_195 : i32
    "tpu.region"() ({
      %run_scoped3A = tpu.sem_alloc : memref<!tpu.dma_semaphore, #tpu.memory_space<semaphore_mem>>
      %dma_start3A_373 = arith.constant 0 : i32
      %dma_start3A_374 = tpu.memref_slice %arg26[%add3A_196, %dma_start3A_373] : memref<10240x64xf32, #tpu.memory_space<vmem_shared>> -> memref<128x64xf32, #tpu.memory_space<vmem_shared>>
      %dma_start3A_375 = arith.constant 0 : i32
      %dma_start3A_376 = tpu.memref_slice %arg26[%add3A_196, %dma_start3A_375] : memref<10240x64xf32, #tpu.memory_space<vmem_shared>> -> memref<128x64xf32, #tpu.memory_space<vmem_shared>>
      tpu.enqueue_dma source(%arg11 : memref<128x64xf32, #tpu.memory_space<vmem>>) target(%dma_start3A_376 : memref<128x64xf32, #tpu.memory_space<vmem_shared>>) target_semaphore(%run_scoped3A : memref<!tpu.dma_semaphore, #tpu.memory_space<semaphore_mem>>)
      %dma_wait3A_377 = arith.constant 0 : i32
      %dma_wait3A_378 = tpu.memref_slice %arg26[%add3A_196, %dma_wait3A_377] : memref<10240x64xf32, #tpu.memory_space<vmem_shared>> -> memref<128x64xf32, #tpu.memory_space<vmem_shared>>
      %dma_wait3A_379 = arith.constant 0 : i32
      %dma_wait3A_380 = tpu.memref_slice %arg26[%add3A_196, %dma_wait3A_379] : memref<10240x64xf32, #tpu.memory_space<vmem_shared>> -> memref<128x64xf32, #tpu.memory_space<vmem_shared>>
      tpu.wait_dma2 semaphore(%run_scoped3A : memref<!tpu.dma_semaphore, #tpu.memory_space<semaphore_mem>>) src(%arg11 : memref<128x64xf32, #tpu.memory_space<vmem>>) dst(%dma_wait3A_380 : memref<128x64xf32, #tpu.memory_space<vmem_shared>>)
      tpu.yield
    }) : () -> ()
    %mul3A_197 = arith.constant 640 : i32
    %mul3A_198 = arith.muli %arg1, %mul3A_197 : i32
    %add3A_199 = arith.constant 384 : i32
    %add3A_200 = arith.addi %mul3A_198, %add3A_199 : i32
    "tpu.region"() ({
      %run_scoped3A = tpu.sem_alloc : memref<!tpu.dma_semaphore, #tpu.memory_space<semaphore_mem>>
      %dma_start3A_373 = arith.constant 0 : i32
      %dma_start3A_374 = tpu.memref_slice %arg26[%add3A_200, %dma_start3A_373] : memref<10240x64xf32, #tpu.memory_space<vmem_shared>> -> memref<128x64xf32, #tpu.memory_space<vmem_shared>>
      %dma_start3A_375 = arith.constant 0 : i32
      %dma_start3A_376 = tpu.memref_slice %arg26[%add3A_200, %dma_start3A_375] : memref<10240x64xf32, #tpu.memory_space<vmem_shared>> -> memref<128x64xf32, #tpu.memory_space<vmem_shared>>
      tpu.enqueue_dma source(%arg11 : memref<128x64xf32, #tpu.memory_space<vmem>>) target(%dma_start3A_376 : memref<128x64xf32, #tpu.memory_space<vmem_shared>>) target_semaphore(%run_scoped3A : memref<!tpu.dma_semaphore, #tpu.memory_space<semaphore_mem>>)
      %dma_wait3A_377 = arith.constant 0 : i32
      %dma_wait3A_378 = tpu.memref_slice %arg26[%add3A_200, %dma_wait3A_377] : memref<10240x64xf32, #tpu.memory_space<vmem_shared>> -> memref<128x64xf32, #tpu.memory_space<vmem_shared>>
      %dma_wait3A_379 = arith.constant 0 : i32
      %dma_wait3A_380 = tpu.memref_slice %arg26[%add3A_200, %dma_wait3A_379] : memref<10240x64xf32, #tpu.memory_space<vmem_shared>> -> memref<128x64xf32, #tpu.memory_space<vmem_shared>>
      tpu.wait_dma2 semaphore(%run_scoped3A : memref<!tpu.dma_semaphore, #tpu.memory_space<semaphore_mem>>) src(%arg11 : memref<128x64xf32, #tpu.memory_space<vmem>>) dst(%dma_wait3A_380 : memref<128x64xf32, #tpu.memory_space<vmem_shared>>)
      tpu.yield
    }) : () -> ()
    %mul3A_201 = arith.constant 640 : i32
    %mul3A_202 = arith.muli %arg1, %mul3A_201 : i32
    %add3A_203 = arith.constant 512 : i32
    %add3A_204 = arith.addi %mul3A_202, %add3A_203 : i32
    "tpu.region"() ({
      %run_scoped3A = tpu.sem_alloc : memref<!tpu.dma_semaphore, #tpu.memory_space<semaphore_mem>>
      %dma_start3A_373 = arith.constant 0 : i32
      %dma_start3A_374 = tpu.memref_slice %arg26[%add3A_204, %dma_start3A_373] : memref<10240x64xf32, #tpu.memory_space<vmem_shared>> -> memref<128x64xf32, #tpu.memory_space<vmem_shared>>
      %dma_start3A_375 = arith.constant 0 : i32
      %dma_start3A_376 = tpu.memref_slice %arg26[%add3A_204, %dma_start3A_375] : memref<10240x64xf32, #tpu.memory_space<vmem_shared>> -> memref<128x64xf32, #tpu.memory_space<vmem_shared>>
      tpu.enqueue_dma source(%arg11 : memref<128x64xf32, #tpu.memory_space<vmem>>) target(%dma_start3A_376 : memref<128x64xf32, #tpu.memory_space<vmem_shared>>) target_semaphore(%run_scoped3A : memref<!tpu.dma_semaphore, #tpu.memory_space<semaphore_mem>>)
      %dma_wait3A_377 = arith.constant 0 : i32
      %dma_wait3A_378 = tpu.memref_slice %arg26[%add3A_204, %dma_wait3A_377] : memref<10240x64xf32, #tpu.memory_space<vmem_shared>> -> memref<128x64xf32, #tpu.memory_space<vmem_shared>>
      %dma_wait3A_379 = arith.constant 0 : i32
      %dma_wait3A_380 = tpu.memref_slice %arg26[%add3A_204, %dma_wait3A_379] : memref<10240x64xf32, #tpu.memory_space<vmem_shared>> -> memref<128x64xf32, #tpu.memory_space<vmem_shared>>
      tpu.wait_dma2 semaphore(%run_scoped3A : memref<!tpu.dma_semaphore, #tpu.memory_space<semaphore_mem>>) src(%arg11 : memref<128x64xf32, #tpu.memory_space<vmem>>) dst(%dma_wait3A_380 : memref<128x64xf32, #tpu.memory_space<vmem_shared>>)
      tpu.yield
    }) : () -> ()
    %barrier3A_205 = arith.constant 0 : index
    tpu.barrier barrier_id(%barrier3A_205)
    %dma_start3A_206 = arith.constant 0 : i32
    %dma_start3A_207 = arith.constant 0 : i32
    %dma_start3A_208 = tpu.memref_slice %arg9[%dma_start3A_206, %dma_start3A_207] : memref<80x128xi32, #tpu.memory_space<vmem>> -> memref<1x128xi32, #tpu.memory_space<vmem>>
    %dma_start3A_209 = tpu.memref_squeeze %dma_start3A_208 : memref<1x128xi32, #tpu.memory_space<vmem>> -> memref<128xi32, #tpu.memory_space<vmem>>
    %dma_start3A_210 = arith.constant 0 : i32
    %dma_start3A_211 = arith.constant 0 : i32
    %dma_start3A_212 = tpu.memref_slice %arg3[%dma_start3A_210, %dma_start3A_211] : memref<10000x64xf32, #tpu.memory_space<hbm>> -> memref<10000x64xf32, #tpu.memory_space<hbm>>
    tpu.enqueue_indirect_dma source(%dma_start3A_212 : memref<10000x64xf32, #tpu.memory_space<hbm>>) target(%arg11 : memref<128x64xf32, #tpu.memory_space<vmem>>) offsets(%dma_start3A_209 : memref<128xi32, #tpu.memory_space<vmem>>) semaphore(%arg16 : memref<!tpu.dma_semaphore, #tpu.memory_space<semaphore_mem>>)
    %dma_start3A_213 = arith.constant 1 : i32
    %dma_start3A_214 = arith.constant 0 : i32
    %dma_start3A_215 = tpu.memref_slice %arg9[%dma_start3A_213, %dma_start3A_214] : memref<80x128xi32, #tpu.memory_space<vmem>> -> memref<1x128xi32, #tpu.memory_space<vmem>>
    %dma_start3A_216 = tpu.memref_squeeze %dma_start3A_215 : memref<1x128xi32, #tpu.memory_space<vmem>> -> memref<128xi32, #tpu.memory_space<vmem>>
    %dma_start3A_217 = arith.constant 0 : i32
    %dma_start3A_218 = arith.constant 0 : i32
    %dma_start3A_219 = tpu.memref_slice %arg3[%dma_start3A_217, %dma_start3A_218] : memref<10000x64xf32, #tpu.memory_space<hbm>> -> memref<10000x64xf32, #tpu.memory_space<hbm>>
    tpu.enqueue_indirect_dma source(%dma_start3A_219 : memref<10000x64xf32, #tpu.memory_space<hbm>>) target(%arg12 : memref<128x64xf32, #tpu.memory_space<vmem>>) offsets(%dma_start3A_216 : memref<128xi32, #tpu.memory_space<vmem>>) semaphore(%arg17 : memref<!tpu.dma_semaphore, #tpu.memory_space<semaphore_mem>>)
    %dma_start3A_220 = arith.constant 2 : i32
    %dma_start3A_221 = arith.constant 0 : i32
    %dma_start3A_222 = tpu.memref_slice %arg9[%dma_start3A_220, %dma_start3A_221] : memref<80x128xi32, #tpu.memory_space<vmem>> -> memref<1x128xi32, #tpu.memory_space<vmem>>
    %dma_start3A_223 = tpu.memref_squeeze %dma_start3A_222 : memref<1x128xi32, #tpu.memory_space<vmem>> -> memref<128xi32, #tpu.memory_space<vmem>>
    %dma_start3A_224 = arith.constant 0 : i32
    %dma_start3A_225 = arith.constant 0 : i32
    %dma_start3A_226 = tpu.memref_slice %arg3[%dma_start3A_224, %dma_start3A_225] : memref<10000x64xf32, #tpu.memory_space<hbm>> -> memref<10000x64xf32, #tpu.memory_space<hbm>>
    tpu.enqueue_indirect_dma source(%dma_start3A_226 : memref<10000x64xf32, #tpu.memory_space<hbm>>) target(%arg13 : memref<128x64xf32, #tpu.memory_space<vmem>>) offsets(%dma_start3A_223 : memref<128xi32, #tpu.memory_space<vmem>>) semaphore(%arg18 : memref<!tpu.dma_semaphore, #tpu.memory_space<semaphore_mem>>)
    %dma_start3A_227 = arith.constant 3 : i32
    %dma_start3A_228 = arith.constant 0 : i32
    %dma_start3A_229 = tpu.memref_slice %arg9[%dma_start3A_227, %dma_start3A_228] : memref<80x128xi32, #tpu.memory_space<vmem>> -> memref<1x128xi32, #tpu.memory_space<vmem>>
    %dma_start3A_230 = tpu.memref_squeeze %dma_start3A_229 : memref<1x128xi32, #tpu.memory_space<vmem>> -> memref<128xi32, #tpu.memory_space<vmem>>
    %dma_start3A_231 = arith.constant 0 : i32
    %dma_start3A_232 = arith.constant 0 : i32
    %dma_start3A_233 = tpu.memref_slice %arg3[%dma_start3A_231, %dma_start3A_232] : memref<10000x64xf32, #tpu.memory_space<hbm>> -> memref<10000x64xf32, #tpu.memory_space<hbm>>
    tpu.enqueue_indirect_dma source(%dma_start3A_233 : memref<10000x64xf32, #tpu.memory_space<hbm>>) target(%arg14 : memref<128x64xf32, #tpu.memory_space<vmem>>) offsets(%dma_start3A_230 : memref<128xi32, #tpu.memory_space<vmem>>) semaphore(%arg19 : memref<!tpu.dma_semaphore, #tpu.memory_space<semaphore_mem>>)
    %dma_start3A_234 = arith.constant 4 : i32
    %dma_start3A_235 = arith.constant 0 : i32
    %dma_start3A_236 = tpu.memref_slice %arg9[%dma_start3A_234, %dma_start3A_235] : memref<80x128xi32, #tpu.memory_space<vmem>> -> memref<1x128xi32, #tpu.memory_space<vmem>>
    %dma_start3A_237 = tpu.memref_squeeze %dma_start3A_236 : memref<1x128xi32, #tpu.memory_space<vmem>> -> memref<128xi32, #tpu.memory_space<vmem>>
    %dma_start3A_238 = arith.constant 0 : i32
    %dma_start3A_239 = arith.constant 0 : i32
    %dma_start3A_240 = tpu.memref_slice %arg3[%dma_start3A_238, %dma_start3A_239] : memref<10000x64xf32, #tpu.memory_space<hbm>> -> memref<10000x64xf32, #tpu.memory_space<hbm>>
    tpu.enqueue_indirect_dma source(%dma_start3A_240 : memref<10000x64xf32, #tpu.memory_space<hbm>>) target(%arg15 : memref<128x64xf32, #tpu.memory_space<vmem>>) offsets(%dma_start3A_237 : memref<128xi32, #tpu.memory_space<vmem>>) semaphore(%arg20 : memref<!tpu.dma_semaphore, #tpu.memory_space<semaphore_mem>>)
    %scan3A_241 = arith.constant 0 : i32
    %scan3A_242 = arith.constant 0 : i32
    %scan3A_243 = arith.constant 15 : i32
    %scan3A_244 = arith.addi %scan3A_242, %scan3A_243 : i32
    %scan3A_245 = arith.constant 1 : i32
    scf.for %scan3A_373 = %scan3A_242 to %scan3A_244 step %scan3A_245  : i32 {
      %mul3A_374 = arith.constant 5 : i32
      %mul3A_375 = arith.muli %mul3A_374, %scan3A_373 : i32
      %add3A_376 = arith.constant 0 : i32
      %add3A_377 = arith.addi %mul3A_375, %add3A_376 : i32
      %dma_wait3A_378 = arith.constant 0 : i32
      %dma_wait3A_379 = tpu.memref_slice %arg9[%add3A_377, %dma_wait3A_378] : memref<80x128xi32, #tpu.memory_space<vmem>> -> memref<1x128xi32, #tpu.memory_space<vmem>>
      %dma_wait3A_380 = tpu.memref_squeeze %dma_wait3A_379 : memref<1x128xi32, #tpu.memory_space<vmem>> -> memref<128xi32, #tpu.memory_space<vmem>>
      %dma_wait3A_381 = arith.constant 0 : i32
      %dma_wait3A_382 = arith.constant 0 : i32
      %dma_wait3A_383 = tpu.memref_slice %arg2[%dma_wait3A_381, %dma_wait3A_382] : memref<10000x64xf32, #tpu.memory_space<hbm>> -> memref<10000x64xf32, #tpu.memory_space<hbm>>
      tpu.wait_indirect_dma semaphore(%arg16 : memref<!tpu.dma_semaphore, #tpu.memory_space<semaphore_mem>>) src(%dma_wait3A_383 : memref<10000x64xf32, #tpu.memory_space<hbm>>) dst(%arg11 : memref<128x64xf32, #tpu.memory_space<vmem>>)
      %add3A_384 = arith.constant 0 : i32
      %add3A_385 = arith.addi %mul3A_375, %add3A_384 : i32
      %dma_start3A_386 = arith.constant 0 : i32
      %dma_start3A_387 = tpu.memref_slice %arg10[%add3A_385, %dma_start3A_386] : memref<80x128xi32, #tpu.memory_space<vmem>> -> memref<1x128xi32, #tpu.memory_space<vmem>>
      %dma_start3A_388 = tpu.memref_squeeze %dma_start3A_387 : memref<1x128xi32, #tpu.memory_space<vmem>> -> memref<128xi32, #tpu.memory_space<vmem>>
      %dma_start3A_389 = arith.constant 0 : i32
      %dma_start3A_390 = arith.constant 0 : i32
      %dma_start3A_391 = tpu.memref_slice %arg26[%dma_start3A_389, %dma_start3A_390] : memref<10240x64xf32, #tpu.memory_space<vmem_shared>> -> memref<10240x64xf32, #tpu.memory_space<vmem_shared>>
      tpu.enqueue_indirect_dma source(%arg11 : memref<128x64xf32, #tpu.memory_space<vmem>>) target(%dma_start3A_391 : memref<10240x64xf32, #tpu.memory_space<vmem_shared>>) offsets(%dma_start3A_388 : memref<128xi32, #tpu.memory_space<vmem>>) semaphore(%arg21 : memref<!tpu.dma_semaphore, #tpu.memory_space<semaphore_mem>>) {add = true}
      %add3A_392 = arith.constant 1 : i32
      %add3A_393 = arith.addi %mul3A_375, %add3A_392 : i32
      %dma_wait3A_394 = arith.constant 0 : i32
      %dma_wait3A_395 = tpu.memref_slice %arg9[%add3A_393, %dma_wait3A_394] : memref<80x128xi32, #tpu.memory_space<vmem>> -> memref<1x128xi32, #tpu.memory_space<vmem>>
      %dma_wait3A_396 = tpu.memref_squeeze %dma_wait3A_395 : memref<1x128xi32, #tpu.memory_space<vmem>> -> memref<128xi32, #tpu.memory_space<vmem>>
      %dma_wait3A_397 = arith.constant 0 : i32
      %dma_wait3A_398 = arith.constant 0 : i32
      %dma_wait3A_399 = tpu.memref_slice %arg2[%dma_wait3A_397, %dma_wait3A_398] : memref<10000x64xf32, #tpu.memory_space<hbm>> -> memref<10000x64xf32, #tpu.memory_space<hbm>>
      tpu.wait_indirect_dma semaphore(%arg17 : memref<!tpu.dma_semaphore, #tpu.memory_space<semaphore_mem>>) src(%dma_wait3A_399 : memref<10000x64xf32, #tpu.memory_space<hbm>>) dst(%arg12 : memref<128x64xf32, #tpu.memory_space<vmem>>)
      %add3A_400 = arith.constant 1 : i32
      %add3A_401 = arith.addi %mul3A_375, %add3A_400 : i32
      %dma_start3A_402 = arith.constant 0 : i32
      %dma_start3A_403 = tpu.memref_slice %arg10[%add3A_401, %dma_start3A_402] : memref<80x128xi32, #tpu.memory_space<vmem>> -> memref<1x128xi32, #tpu.memory_space<vmem>>
      %dma_start3A_404 = tpu.memref_squeeze %dma_start3A_403 : memref<1x128xi32, #tpu.memory_space<vmem>> -> memref<128xi32, #tpu.memory_space<vmem>>
      %dma_start3A_405 = arith.constant 0 : i32
      %dma_start3A_406 = arith.constant 0 : i32
      %dma_start3A_407 = tpu.memref_slice %arg26[%dma_start3A_405, %dma_start3A_406] : memref<10240x64xf32, #tpu.memory_space<vmem_shared>> -> memref<10240x64xf32, #tpu.memory_space<vmem_shared>>
      tpu.enqueue_indirect_dma source(%arg12 : memref<128x64xf32, #tpu.memory_space<vmem>>) target(%dma_start3A_407 : memref<10240x64xf32, #tpu.memory_space<vmem_shared>>) offsets(%dma_start3A_404 : memref<128xi32, #tpu.memory_space<vmem>>) semaphore(%arg22 : memref<!tpu.dma_semaphore, #tpu.memory_space<semaphore_mem>>) {add = true}
      %add3A_408 = arith.constant 2 : i32
      %add3A_409 = arith.addi %mul3A_375, %add3A_408 : i32
      %dma_wait3A_410 = arith.constant 0 : i32
      %dma_wait3A_411 = tpu.memref_slice %arg9[%add3A_409, %dma_wait3A_410] : memref<80x128xi32, #tpu.memory_space<vmem>> -> memref<1x128xi32, #tpu.memory_space<vmem>>
      %dma_wait3A_412 = tpu.memref_squeeze %dma_wait3A_411 : memref<1x128xi32, #tpu.memory_space<vmem>> -> memref<128xi32, #tpu.memory_space<vmem>>
      %dma_wait3A_413 = arith.constant 0 : i32
      %dma_wait3A_414 = arith.constant 0 : i32
      %dma_wait3A_415 = tpu.memref_slice %arg2[%dma_wait3A_413, %dma_wait3A_414] : memref<10000x64xf32, #tpu.memory_space<hbm>> -> memref<10000x64xf32, #tpu.memory_space<hbm>>
      tpu.wait_indirect_dma semaphore(%arg18 : memref<!tpu.dma_semaphore, #tpu.memory_space<semaphore_mem>>) src(%dma_wait3A_415 : memref<10000x64xf32, #tpu.memory_space<hbm>>) dst(%arg13 : memref<128x64xf32, #tpu.memory_space<vmem>>)
      %add3A_416 = arith.constant 2 : i32
      %add3A_417 = arith.addi %mul3A_375, %add3A_416 : i32
      %dma_start3A_418 = arith.constant 0 : i32
      %dma_start3A_419 = tpu.memref_slice %arg10[%add3A_417, %dma_start3A_418] : memref<80x128xi32, #tpu.memory_space<vmem>> -> memref<1x128xi32, #tpu.memory_space<vmem>>
      %dma_start3A_420 = tpu.memref_squeeze %dma_start3A_419 : memref<1x128xi32, #tpu.memory_space<vmem>> -> memref<128xi32, #tpu.memory_space<vmem>>
      %dma_start3A_421 = arith.constant 0 : i32
      %dma_start3A_422 = arith.constant 0 : i32
      %dma_start3A_423 = tpu.memref_slice %arg26[%dma_start3A_421, %dma_start3A_422] : memref<10240x64xf32, #tpu.memory_space<vmem_shared>> -> memref<10240x64xf32, #tpu.memory_space<vmem_shared>>
      tpu.enqueue_indirect_dma source(%arg13 : memref<128x64xf32, #tpu.memory_space<vmem>>) target(%dma_start3A_423 : memref<10240x64xf32, #tpu.memory_space<vmem_shared>>) offsets(%dma_start3A_420 : memref<128xi32, #tpu.memory_space<vmem>>) semaphore(%arg23 : memref<!tpu.dma_semaphore, #tpu.memory_space<semaphore_mem>>) {add = true}
      %add3A_424 = arith.constant 3 : i32
      %add3A_425 = arith.addi %mul3A_375, %add3A_424 : i32
      %dma_wait3A_426 = arith.constant 0 : i32
      %dma_wait3A_427 = tpu.memref_slice %arg9[%add3A_425, %dma_wait3A_426] : memref<80x128xi32, #tpu.memory_space<vmem>> -> memref<1x128xi32, #tpu.memory_space<vmem>>
      %dma_wait3A_428 = tpu.memref_squeeze %dma_wait3A_427 : memref<1x128xi32, #tpu.memory_space<vmem>> -> memref<128xi32, #tpu.memory_space<vmem>>
      %dma_wait3A_429 = arith.constant 0 : i32
      %dma_wait3A_430 = arith.constant 0 : i32
      %dma_wait3A_431 = tpu.memref_slice %arg2[%dma_wait3A_429, %dma_wait3A_430] : memref<10000x64xf32, #tpu.memory_space<hbm>> -> memref<10000x64xf32, #tpu.memory_space<hbm>>
      tpu.wait_indirect_dma semaphore(%arg19 : memref<!tpu.dma_semaphore, #tpu.memory_space<semaphore_mem>>) src(%dma_wait3A_431 : memref<10000x64xf32, #tpu.memory_space<hbm>>) dst(%arg14 : memref<128x64xf32, #tpu.memory_space<vmem>>)
      %add3A_432 = arith.constant 3 : i32
      %add3A_433 = arith.addi %mul3A_375, %add3A_432 : i32
      %dma_start3A_434 = arith.constant 0 : i32
      %dma_start3A_435 = tpu.memref_slice %arg10[%add3A_433, %dma_start3A_434] : memref<80x128xi32, #tpu.memory_space<vmem>> -> memref<1x128xi32, #tpu.memory_space<vmem>>
      %dma_start3A_436 = tpu.memref_squeeze %dma_start3A_435 : memref<1x128xi32, #tpu.memory_space<vmem>> -> memref<128xi32, #tpu.memory_space<vmem>>
      %dma_start3A_437 = arith.constant 0 : i32
      %dma_start3A_438 = arith.constant 0 : i32
      %dma_start3A_439 = tpu.memref_slice %arg26[%dma_start3A_437, %dma_start3A_438] : memref<10240x64xf32, #tpu.memory_space<vmem_shared>> -> memref<10240x64xf32, #tpu.memory_space<vmem_shared>>
      tpu.enqueue_indirect_dma source(%arg14 : memref<128x64xf32, #tpu.memory_space<vmem>>) target(%dma_start3A_439 : memref<10240x64xf32, #tpu.memory_space<vmem_shared>>) offsets(%dma_start3A_436 : memref<128xi32, #tpu.memory_space<vmem>>) semaphore(%arg24 : memref<!tpu.dma_semaphore, #tpu.memory_space<semaphore_mem>>) {add = true}
      %add3A_440 = arith.constant 4 : i32
      %add3A_441 = arith.addi %mul3A_375, %add3A_440 : i32
      %dma_wait3A_442 = arith.constant 0 : i32
      %dma_wait3A_443 = tpu.memref_slice %arg9[%add3A_441, %dma_wait3A_442] : memref<80x128xi32, #tpu.memory_space<vmem>> -> memref<1x128xi32, #tpu.memory_space<vmem>>
      %dma_wait3A_444 = tpu.memref_squeeze %dma_wait3A_443 : memref<1x128xi32, #tpu.memory_space<vmem>> -> memref<128xi32, #tpu.memory_space<vmem>>
      %dma_wait3A_445 = arith.constant 0 : i32
      %dma_wait3A_446 = arith.constant 0 : i32
      %dma_wait3A_447 = tpu.memref_slice %arg2[%dma_wait3A_445, %dma_wait3A_446] : memref<10000x64xf32, #tpu.memory_space<hbm>> -> memref<10000x64xf32, #tpu.memory_space<hbm>>
      tpu.wait_indirect_dma semaphore(%arg20 : memref<!tpu.dma_semaphore, #tpu.memory_space<semaphore_mem>>) src(%dma_wait3A_447 : memref<10000x64xf32, #tpu.memory_space<hbm>>) dst(%arg15 : memref<128x64xf32, #tpu.memory_space<vmem>>)
      %add3A_448 = arith.constant 4 : i32
      %add3A_449 = arith.addi %mul3A_375, %add3A_448 : i32
      %dma_start3A_450 = arith.constant 0 : i32
      %dma_start3A_451 = tpu.memref_slice %arg10[%add3A_449, %dma_start3A_450] : memref<80x128xi32, #tpu.memory_space<vmem>> -> memref<1x128xi32, #tpu.memory_space<vmem>>
      %dma_start3A_452 = tpu.memref_squeeze %dma_start3A_451 : memref<1x128xi32, #tpu.memory_space<vmem>> -> memref<128xi32, #tpu.memory_space<vmem>>
      %dma_start3A_453 = arith.constant 0 : i32
      %dma_start3A_454 = arith.constant 0 : i32
      %dma_start3A_455 = tpu.memref_slice %arg26[%dma_start3A_453, %dma_start3A_454] : memref<10240x64xf32, #tpu.memory_space<vmem_shared>> -> memref<10240x64xf32, #tpu.memory_space<vmem_shared>>
      tpu.enqueue_indirect_dma source(%arg15 : memref<128x64xf32, #tpu.memory_space<vmem>>) target(%dma_start3A_455 : memref<10240x64xf32, #tpu.memory_space<vmem_shared>>) offsets(%dma_start3A_452 : memref<128xi32, #tpu.memory_space<vmem>>) semaphore(%arg25 : memref<!tpu.dma_semaphore, #tpu.memory_space<semaphore_mem>>) {add = true}
      %add3A_456 = arith.constant 0 : i32
      %add3A_457 = arith.addi %mul3A_375, %add3A_456 : i32
      %dma_wait3A_458 = arith.constant 0 : i32
      %dma_wait3A_459 = tpu.memref_slice %arg10[%add3A_457, %dma_wait3A_458] : memref<80x128xi32, #tpu.memory_space<vmem>> -> memref<1x128xi32, #tpu.memory_space<vmem>>
      %dma_wait3A_460 = tpu.memref_squeeze %dma_wait3A_459 : memref<1x128xi32, #tpu.memory_space<vmem>> -> memref<128xi32, #tpu.memory_space<vmem>>
      %dma_wait3A_461 = arith.constant 0 : i32
      %dma_wait3A_462 = arith.constant 0 : i32
      %dma_wait3A_463 = tpu.memref_slice %arg26[%dma_wait3A_461, %dma_wait3A_462] : memref<10240x64xf32, #tpu.memory_space<vmem_shared>> -> memref<10240x64xf32, #tpu.memory_space<vmem_shared>>
      tpu.wait_indirect_dma semaphore(%arg21 : memref<!tpu.dma_semaphore, #tpu.memory_space<semaphore_mem>>) src(%arg11 : memref<128x64xf32, #tpu.memory_space<vmem>>) dst(%dma_wait3A_463 : memref<10240x64xf32, #tpu.memory_space<vmem_shared>>)
      %add3A_464 = arith.constant 5 : i32
      %add3A_465 = arith.addi %mul3A_375, %add3A_464 : i32
      %add3A_466 = arith.constant 0 : i32
      %add3A_467 = arith.addi %add3A_465, %add3A_466 : i32
      %dma_start3A_468 = arith.constant 0 : i32
      %dma_start3A_469 = tpu.memref_slice %arg9[%add3A_467, %dma_start3A_468] : memref<80x128xi32, #tpu.memory_space<vmem>> -> memref<1x128xi32, #tpu.memory_space<vmem>>
      %dma_start3A_470 = tpu.memref_squeeze %dma_start3A_469 : memref<1x128xi32, #tpu.memory_space<vmem>> -> memref<128xi32, #tpu.memory_space<vmem>>
      %dma_start3A_471 = arith.constant 0 : i32
      %dma_start3A_472 = arith.constant 0 : i32
      %dma_start3A_473 = tpu.memref_slice %arg3[%dma_start3A_471, %dma_start3A_472] : memref<10000x64xf32, #tpu.memory_space<hbm>> -> memref<10000x64xf32, #tpu.memory_space<hbm>>
      tpu.enqueue_indirect_dma source(%dma_start3A_473 : memref<10000x64xf32, #tpu.memory_space<hbm>>) target(%arg11 : memref<128x64xf32, #tpu.memory_space<vmem>>) offsets(%dma_start3A_470 : memref<128xi32, #tpu.memory_space<vmem>>) semaphore(%arg16 : memref<!tpu.dma_semaphore, #tpu.memory_space<semaphore_mem>>)
      %add3A_474 = arith.constant 1 : i32
      %add3A_475 = arith.addi %mul3A_375, %add3A_474 : i32
      %dma_wait3A_476 = arith.constant 0 : i32
      %dma_wait3A_477 = tpu.memref_slice %arg10[%add3A_475, %dma_wait3A_476] : memref<80x128xi32, #tpu.memory_space<vmem>> -> memref<1x128xi32, #tpu.memory_space<vmem>>
      %dma_wait3A_478 = tpu.memref_squeeze %dma_wait3A_477 : memref<1x128xi32, #tpu.memory_space<vmem>> -> memref<128xi32, #tpu.memory_space<vmem>>
      %dma_wait3A_479 = arith.constant 0 : i32
      %dma_wait3A_480 = arith.constant 0 : i32
      %dma_wait3A_481 = tpu.memref_slice %arg26[%dma_wait3A_479, %dma_wait3A_480] : memref<10240x64xf32, #tpu.memory_space<vmem_shared>> -> memref<10240x64xf32, #tpu.memory_space<vmem_shared>>
      tpu.wait_indirect_dma semaphore(%arg22 : memref<!tpu.dma_semaphore, #tpu.memory_space<semaphore_mem>>) src(%arg12 : memref<128x64xf32, #tpu.memory_space<vmem>>) dst(%dma_wait3A_481 : memref<10240x64xf32, #tpu.memory_space<vmem_shared>>)
      %add3A_482 = arith.constant 5 : i32
      %add3A_483 = arith.addi %mul3A_375, %add3A_482 : i32
      %add3A_484 = arith.constant 1 : i32
      %add3A_485 = arith.addi %add3A_483, %add3A_484 : i32
      %dma_start3A_486 = arith.constant 0 : i32
      %dma_start3A_487 = tpu.memref_slice %arg9[%add3A_485, %dma_start3A_486] : memref<80x128xi32, #tpu.memory_space<vmem>> -> memref<1x128xi32, #tpu.memory_space<vmem>>
      %dma_start3A_488 = tpu.memref_squeeze %dma_start3A_487 : memref<1x128xi32, #tpu.memory_space<vmem>> -> memref<128xi32, #tpu.memory_space<vmem>>
      %dma_start3A_489 = arith.constant 0 : i32
      %dma_start3A_490 = arith.constant 0 : i32
      %dma_start3A_491 = tpu.memref_slice %arg3[%dma_start3A_489, %dma_start3A_490] : memref<10000x64xf32, #tpu.memory_space<hbm>> -> memref<10000x64xf32, #tpu.memory_space<hbm>>
      tpu.enqueue_indirect_dma source(%dma_start3A_491 : memref<10000x64xf32, #tpu.memory_space<hbm>>) target(%arg12 : memref<128x64xf32, #tpu.memory_space<vmem>>) offsets(%dma_start3A_488 : memref<128xi32, #tpu.memory_space<vmem>>) semaphore(%arg17 : memref<!tpu.dma_semaphore, #tpu.memory_space<semaphore_mem>>)
      %add3A_492 = arith.constant 2 : i32
      %add3A_493 = arith.addi %mul3A_375, %add3A_492 : i32
      %dma_wait3A_494 = arith.constant 0 : i32
      %dma_wait3A_495 = tpu.memref_slice %arg10[%add3A_493, %dma_wait3A_494] : memref<80x128xi32, #tpu.memory_space<vmem>> -> memref<1x128xi32, #tpu.memory_space<vmem>>
      %dma_wait3A_496 = tpu.memref_squeeze %dma_wait3A_495 : memref<1x128xi32, #tpu.memory_space<vmem>> -> memref<128xi32, #tpu.memory_space<vmem>>
      %dma_wait3A_497 = arith.constant 0 : i32
      %dma_wait3A_498 = arith.constant 0 : i32
      %dma_wait3A_499 = tpu.memref_slice %arg26[%dma_wait3A_497, %dma_wait3A_498] : memref<10240x64xf32, #tpu.memory_space<vmem_shared>> -> memref<10240x64xf32, #tpu.memory_space<vmem_shared>>
      tpu.wait_indirect_dma semaphore(%arg23 : memref<!tpu.dma_semaphore, #tpu.memory_space<semaphore_mem>>) src(%arg13 : memref<128x64xf32, #tpu.memory_space<vmem>>) dst(%dma_wait3A_499 : memref<10240x64xf32, #tpu.memory_space<vmem_shared>>)
      %add3A_500 = arith.constant 5 : i32
      %add3A_501 = arith.addi %mul3A_375, %add3A_500 : i32
      %add3A_502 = arith.constant 2 : i32
      %add3A_503 = arith.addi %add3A_501, %add3A_502 : i32
      %dma_start3A_504 = arith.constant 0 : i32
      %dma_start3A_505 = tpu.memref_slice %arg9[%add3A_503, %dma_start3A_504] : memref<80x128xi32, #tpu.memory_space<vmem>> -> memref<1x128xi32, #tpu.memory_space<vmem>>
      %dma_start3A_506 = tpu.memref_squeeze %dma_start3A_505 : memref<1x128xi32, #tpu.memory_space<vmem>> -> memref<128xi32, #tpu.memory_space<vmem>>
      %dma_start3A_507 = arith.constant 0 : i32
      %dma_start3A_508 = arith.constant 0 : i32
      %dma_start3A_509 = tpu.memref_slice %arg3[%dma_start3A_507, %dma_start3A_508] : memref<10000x64xf32, #tpu.memory_space<hbm>> -> memref<10000x64xf32, #tpu.memory_space<hbm>>
      tpu.enqueue_indirect_dma source(%dma_start3A_509 : memref<10000x64xf32, #tpu.memory_space<hbm>>) target(%arg13 : memref<128x64xf32, #tpu.memory_space<vmem>>) offsets(%dma_start3A_506 : memref<128xi32, #tpu.memory_space<vmem>>) semaphore(%arg18 : memref<!tpu.dma_semaphore, #tpu.memory_space<semaphore_mem>>)
      %add3A_510 = arith.constant 3 : i32
      %add3A_511 = arith.addi %mul3A_375, %add3A_510 : i32
      %dma_wait3A_512 = arith.constant 0 : i32
      %dma_wait3A_513 = tpu.memref_slice %arg10[%add3A_511, %dma_wait3A_512] : memref<80x128xi32, #tpu.memory_space<vmem>> -> memref<1x128xi32, #tpu.memory_space<vmem>>
      %dma_wait3A_514 = tpu.memref_squeeze %dma_wait3A_513 : memref<1x128xi32, #tpu.memory_space<vmem>> -> memref<128xi32, #tpu.memory_space<vmem>>
      %dma_wait3A_515 = arith.constant 0 : i32
      %dma_wait3A_516 = arith.constant 0 : i32
      %dma_wait3A_517 = tpu.memref_slice %arg26[%dma_wait3A_515, %dma_wait3A_516] : memref<10240x64xf32, #tpu.memory_space<vmem_shared>> -> memref<10240x64xf32, #tpu.memory_space<vmem_shared>>
      tpu.wait_indirect_dma semaphore(%arg24 : memref<!tpu.dma_semaphore, #tpu.memory_space<semaphore_mem>>) src(%arg14 : memref<128x64xf32, #tpu.memory_space<vmem>>) dst(%dma_wait3A_517 : memref<10240x64xf32, #tpu.memory_space<vmem_shared>>)
      %add3A_518 = arith.constant 5 : i32
      %add3A_519 = arith.addi %mul3A_375, %add3A_518 : i32
      %add3A_520 = arith.constant 3 : i32
      %add3A_521 = arith.addi %add3A_519, %add3A_520 : i32
      %dma_start3A_522 = arith.constant 0 : i32
      %dma_start3A_523 = tpu.memref_slice %arg9[%add3A_521, %dma_start3A_522] : memref<80x128xi32, #tpu.memory_space<vmem>> -> memref<1x128xi32, #tpu.memory_space<vmem>>
      %dma_start3A_524 = tpu.memref_squeeze %dma_start3A_523 : memref<1x128xi32, #tpu.memory_space<vmem>> -> memref<128xi32, #tpu.memory_space<vmem>>
      %dma_start3A_525 = arith.constant 0 : i32
      %dma_start3A_526 = arith.constant 0 : i32
      %dma_start3A_527 = tpu.memref_slice %arg3[%dma_start3A_525, %dma_start3A_526] : memref<10000x64xf32, #tpu.memory_space<hbm>> -> memref<10000x64xf32, #tpu.memory_space<hbm>>
      tpu.enqueue_indirect_dma source(%dma_start3A_527 : memref<10000x64xf32, #tpu.memory_space<hbm>>) target(%arg14 : memref<128x64xf32, #tpu.memory_space<vmem>>) offsets(%dma_start3A_524 : memref<128xi32, #tpu.memory_space<vmem>>) semaphore(%arg19 : memref<!tpu.dma_semaphore, #tpu.memory_space<semaphore_mem>>)
      %add3A_528 = arith.constant 4 : i32
      %add3A_529 = arith.addi %mul3A_375, %add3A_528 : i32
      %dma_wait3A_530 = arith.constant 0 : i32
      %dma_wait3A_531 = tpu.memref_slice %arg10[%add3A_529, %dma_wait3A_530] : memref<80x128xi32, #tpu.memory_space<vmem>> -> memref<1x128xi32, #tpu.memory_space<vmem>>
      %dma_wait3A_532 = tpu.memref_squeeze %dma_wait3A_531 : memref<1x128xi32, #tpu.memory_space<vmem>> -> memref<128xi32, #tpu.memory_space<vmem>>
      %dma_wait3A_533 = arith.constant 0 : i32
      %dma_wait3A_534 = arith.constant 0 : i32
      %dma_wait3A_535 = tpu.memref_slice %arg26[%dma_wait3A_533, %dma_wait3A_534] : memref<10240x64xf32, #tpu.memory_space<vmem_shared>> -> memref<10240x64xf32, #tpu.memory_space<vmem_shared>>
      tpu.wait_indirect_dma semaphore(%arg25 : memref<!tpu.dma_semaphore, #tpu.memory_space<semaphore_mem>>) src(%arg15 : memref<128x64xf32, #tpu.memory_space<vmem>>) dst(%dma_wait3A_535 : memref<10240x64xf32, #tpu.memory_space<vmem_shared>>)
      %add3A_536 = arith.constant 5 : i32
      %add3A_537 = arith.addi %mul3A_375, %add3A_536 : i32
      %add3A_538 = arith.constant 4 : i32
      %add3A_539 = arith.addi %add3A_537, %add3A_538 : i32
      %dma_start3A_540 = arith.constant 0 : i32
      %dma_start3A_541 = tpu.memref_slice %arg9[%add3A_539, %dma_start3A_540] : memref<80x128xi32, #tpu.memory_space<vmem>> -> memref<1x128xi32, #tpu.memory_space<vmem>>
      %dma_start3A_542 = tpu.memref_squeeze %dma_start3A_541 : memref<1x128xi32, #tpu.memory_space<vmem>> -> memref<128xi32, #tpu.memory_space<vmem>>
      %dma_start3A_543 = arith.constant 0 : i32
      %dma_start3A_544 = arith.constant 0 : i32
      %dma_start3A_545 = tpu.memref_slice %arg3[%dma_start3A_543, %dma_start3A_544] : memref<10000x64xf32, #tpu.memory_space<hbm>> -> memref<10000x64xf32, #tpu.memory_space<hbm>>
      tpu.enqueue_indirect_dma source(%dma_start3A_545 : memref<10000x64xf32, #tpu.memory_space<hbm>>) target(%arg15 : memref<128x64xf32, #tpu.memory_space<vmem>>) offsets(%dma_start3A_542 : memref<128xi32, #tpu.memory_space<vmem>>) semaphore(%arg20 : memref<!tpu.dma_semaphore, #tpu.memory_space<semaphore_mem>>)
    }
    %scan3A_246 = arith.constant 15 : i32
    %dma_wait3A_247 = arith.constant 75 : i32
    %dma_wait3A_248 = arith.constant 0 : i32
    %dma_wait3A_249 = tpu.memref_slice %arg9[%dma_wait3A_247, %dma_wait3A_248] : memref<80x128xi32, #tpu.memory_space<vmem>> -> memref<1x128xi32, #tpu.memory_space<vmem>>
    %dma_wait3A_250 = tpu.memref_squeeze %dma_wait3A_249 : memref<1x128xi32, #tpu.memory_space<vmem>> -> memref<128xi32, #tpu.memory_space<vmem>>
    %dma_wait3A_251 = arith.constant 0 : i32
    %dma_wait3A_252 = arith.constant 0 : i32
    %dma_wait3A_253 = tpu.memref_slice %arg2[%dma_wait3A_251, %dma_wait3A_252] : memref<10000x64xf32, #tpu.memory_space<hbm>> -> memref<10000x64xf32, #tpu.memory_space<hbm>>
    tpu.wait_indirect_dma semaphore(%arg16 : memref<!tpu.dma_semaphore, #tpu.memory_space<semaphore_mem>>) src(%dma_wait3A_253 : memref<10000x64xf32, #tpu.memory_space<hbm>>) dst(%arg11 : memref<128x64xf32, #tpu.memory_space<vmem>>)
    %dma_start3A_254 = arith.constant 75 : i32
    %dma_start3A_255 = arith.constant 0 : i32
    %dma_start3A_256 = tpu.memref_slice %arg10[%dma_start3A_254, %dma_start3A_255] : memref<80x128xi32, #tpu.memory_space<vmem>> -> memref<1x128xi32, #tpu.memory_space<vmem>>
    %dma_start3A_257 = tpu.memref_squeeze %dma_start3A_256 : memref<1x128xi32, #tpu.memory_space<vmem>> -> memref<128xi32, #tpu.memory_space<vmem>>
    %dma_start3A_258 = arith.constant 0 : i32
    %dma_start3A_259 = arith.constant 0 : i32
    %dma_start3A_260 = tpu.memref_slice %arg26[%dma_start3A_258, %dma_start3A_259] : memref<10240x64xf32, #tpu.memory_space<vmem_shared>> -> memref<10240x64xf32, #tpu.memory_space<vmem_shared>>
    tpu.enqueue_indirect_dma source(%arg11 : memref<128x64xf32, #tpu.memory_space<vmem>>) target(%dma_start3A_260 : memref<10240x64xf32, #tpu.memory_space<vmem_shared>>) offsets(%dma_start3A_257 : memref<128xi32, #tpu.memory_space<vmem>>) semaphore(%arg21 : memref<!tpu.dma_semaphore, #tpu.memory_space<semaphore_mem>>) {add = true}
    %dma_wait3A_261 = arith.constant 76 : i32
    %dma_wait3A_262 = arith.constant 0 : i32
    %dma_wait3A_263 = tpu.memref_slice %arg9[%dma_wait3A_261, %dma_wait3A_262] : memref<80x128xi32, #tpu.memory_space<vmem>> -> memref<1x128xi32, #tpu.memory_space<vmem>>
    %dma_wait3A_264 = tpu.memref_squeeze %dma_wait3A_263 : memref<1x128xi32, #tpu.memory_space<vmem>> -> memref<128xi32, #tpu.memory_space<vmem>>
    %dma_wait3A_265 = arith.constant 0 : i32
    %dma_wait3A_266 = arith.constant 0 : i32
    %dma_wait3A_267 = tpu.memref_slice %arg2[%dma_wait3A_265, %dma_wait3A_266] : memref<10000x64xf32, #tpu.memory_space<hbm>> -> memref<10000x64xf32, #tpu.memory_space<hbm>>
    tpu.wait_indirect_dma semaphore(%arg17 : memref<!tpu.dma_semaphore, #tpu.memory_space<semaphore_mem>>) src(%dma_wait3A_267 : memref<10000x64xf32, #tpu.memory_space<hbm>>) dst(%arg12 : memref<128x64xf32, #tpu.memory_space<vmem>>)
    %dma_start3A_268 = arith.constant 76 : i32
    %dma_start3A_269 = arith.constant 0 : i32
    %dma_start3A_270 = tpu.memref_slice %arg10[%dma_start3A_268, %dma_start3A_269] : memref<80x128xi32, #tpu.memory_space<vmem>> -> memref<1x128xi32, #tpu.memory_space<vmem>>
    %dma_start3A_271 = tpu.memref_squeeze %dma_start3A_270 : memref<1x128xi32, #tpu.memory_space<vmem>> -> memref<128xi32, #tpu.memory_space<vmem>>
    %dma_start3A_272 = arith.constant 0 : i32
    %dma_start3A_273 = arith.constant 0 : i32
    %dma_start3A_274 = tpu.memref_slice %arg26[%dma_start3A_272, %dma_start3A_273] : memref<10240x64xf32, #tpu.memory_space<vmem_shared>> -> memref<10240x64xf32, #tpu.memory_space<vmem_shared>>
    tpu.enqueue_indirect_dma source(%arg12 : memref<128x64xf32, #tpu.memory_space<vmem>>) target(%dma_start3A_274 : memref<10240x64xf32, #tpu.memory_space<vmem_shared>>) offsets(%dma_start3A_271 : memref<128xi32, #tpu.memory_space<vmem>>) semaphore(%arg22 : memref<!tpu.dma_semaphore, #tpu.memory_space<semaphore_mem>>) {add = true}
    %dma_wait3A_275 = arith.constant 77 : i32
    %dma_wait3A_276 = arith.constant 0 : i32
    %dma_wait3A_277 = tpu.memref_slice %arg9[%dma_wait3A_275, %dma_wait3A_276] : memref<80x128xi32, #tpu.memory_space<vmem>> -> memref<1x128xi32, #tpu.memory_space<vmem>>
    %dma_wait3A_278 = tpu.memref_squeeze %dma_wait3A_277 : memref<1x128xi32, #tpu.memory_space<vmem>> -> memref<128xi32, #tpu.memory_space<vmem>>
    %dma_wait3A_279 = arith.constant 0 : i32
    %dma_wait3A_280 = arith.constant 0 : i32
    %dma_wait3A_281 = tpu.memref_slice %arg2[%dma_wait3A_279, %dma_wait3A_280] : memref<10000x64xf32, #tpu.memory_space<hbm>> -> memref<10000x64xf32, #tpu.memory_space<hbm>>
    tpu.wait_indirect_dma semaphore(%arg18 : memref<!tpu.dma_semaphore, #tpu.memory_space<semaphore_mem>>) src(%dma_wait3A_281 : memref<10000x64xf32, #tpu.memory_space<hbm>>) dst(%arg13 : memref<128x64xf32, #tpu.memory_space<vmem>>)
    %dma_start3A_282 = arith.constant 77 : i32
    %dma_start3A_283 = arith.constant 0 : i32
    %dma_start3A_284 = tpu.memref_slice %arg10[%dma_start3A_282, %dma_start3A_283] : memref<80x128xi32, #tpu.memory_space<vmem>> -> memref<1x128xi32, #tpu.memory_space<vmem>>
    %dma_start3A_285 = tpu.memref_squeeze %dma_start3A_284 : memref<1x128xi32, #tpu.memory_space<vmem>> -> memref<128xi32, #tpu.memory_space<vmem>>
    %dma_start3A_286 = arith.constant 0 : i32
    %dma_start3A_287 = arith.constant 0 : i32
    %dma_start3A_288 = tpu.memref_slice %arg26[%dma_start3A_286, %dma_start3A_287] : memref<10240x64xf32, #tpu.memory_space<vmem_shared>> -> memref<10240x64xf32, #tpu.memory_space<vmem_shared>>
    tpu.enqueue_indirect_dma source(%arg13 : memref<128x64xf32, #tpu.memory_space<vmem>>) target(%dma_start3A_288 : memref<10240x64xf32, #tpu.memory_space<vmem_shared>>) offsets(%dma_start3A_285 : memref<128xi32, #tpu.memory_space<vmem>>) semaphore(%arg23 : memref<!tpu.dma_semaphore, #tpu.memory_space<semaphore_mem>>) {add = true}
    %dma_wait3A_289 = arith.constant 78 : i32
    %dma_wait3A_290 = arith.constant 0 : i32
    %dma_wait3A_291 = tpu.memref_slice %arg9[%dma_wait3A_289, %dma_wait3A_290] : memref<80x128xi32, #tpu.memory_space<vmem>> -> memref<1x128xi32, #tpu.memory_space<vmem>>
    %dma_wait3A_292 = tpu.memref_squeeze %dma_wait3A_291 : memref<1x128xi32, #tpu.memory_space<vmem>> -> memref<128xi32, #tpu.memory_space<vmem>>
    %dma_wait3A_293 = arith.constant 0 : i32
    %dma_wait3A_294 = arith.constant 0 : i32
    %dma_wait3A_295 = tpu.memref_slice %arg2[%dma_wait3A_293, %dma_wait3A_294] : memref<10000x64xf32, #tpu.memory_space<hbm>> -> memref<10000x64xf32, #tpu.memory_space<hbm>>
    tpu.wait_indirect_dma semaphore(%arg19 : memref<!tpu.dma_semaphore, #tpu.memory_space<semaphore_mem>>) src(%dma_wait3A_295 : memref<10000x64xf32, #tpu.memory_space<hbm>>) dst(%arg14 : memref<128x64xf32, #tpu.memory_space<vmem>>)
    %dma_start3A_296 = arith.constant 78 : i32
    %dma_start3A_297 = arith.constant 0 : i32
    %dma_start3A_298 = tpu.memref_slice %arg10[%dma_start3A_296, %dma_start3A_297] : memref<80x128xi32, #tpu.memory_space<vmem>> -> memref<1x128xi32, #tpu.memory_space<vmem>>
    %dma_start3A_299 = tpu.memref_squeeze %dma_start3A_298 : memref<1x128xi32, #tpu.memory_space<vmem>> -> memref<128xi32, #tpu.memory_space<vmem>>
    %dma_start3A_300 = arith.constant 0 : i32
    %dma_start3A_301 = arith.constant 0 : i32
    %dma_start3A_302 = tpu.memref_slice %arg26[%dma_start3A_300, %dma_start3A_301] : memref<10240x64xf32, #tpu.memory_space<vmem_shared>> -> memref<10240x64xf32, #tpu.memory_space<vmem_shared>>
    tpu.enqueue_indirect_dma source(%arg14 : memref<128x64xf32, #tpu.memory_space<vmem>>) target(%dma_start3A_302 : memref<10240x64xf32, #tpu.memory_space<vmem_shared>>) offsets(%dma_start3A_299 : memref<128xi32, #tpu.memory_space<vmem>>) semaphore(%arg24 : memref<!tpu.dma_semaphore, #tpu.memory_space<semaphore_mem>>) {add = true}
    %dma_wait3A_303 = arith.constant 79 : i32
    %dma_wait3A_304 = arith.constant 0 : i32
    %dma_wait3A_305 = tpu.memref_slice %arg9[%dma_wait3A_303, %dma_wait3A_304] : memref<80x128xi32, #tpu.memory_space<vmem>> -> memref<1x128xi32, #tpu.memory_space<vmem>>
    %dma_wait3A_306 = tpu.memref_squeeze %dma_wait3A_305 : memref<1x128xi32, #tpu.memory_space<vmem>> -> memref<128xi32, #tpu.memory_space<vmem>>
    %dma_wait3A_307 = arith.constant 0 : i32
    %dma_wait3A_308 = arith.constant 0 : i32
    %dma_wait3A_309 = tpu.memref_slice %arg2[%dma_wait3A_307, %dma_wait3A_308] : memref<10000x64xf32, #tpu.memory_space<hbm>> -> memref<10000x64xf32, #tpu.memory_space<hbm>>
    tpu.wait_indirect_dma semaphore(%arg20 : memref<!tpu.dma_semaphore, #tpu.memory_space<semaphore_mem>>) src(%dma_wait3A_309 : memref<10000x64xf32, #tpu.memory_space<hbm>>) dst(%arg15 : memref<128x64xf32, #tpu.memory_space<vmem>>)
    %dma_start3A_310 = arith.constant 79 : i32
    %dma_start3A_311 = arith.constant 0 : i32
    %dma_start3A_312 = tpu.memref_slice %arg10[%dma_start3A_310, %dma_start3A_311] : memref<80x128xi32, #tpu.memory_space<vmem>> -> memref<1x128xi32, #tpu.memory_space<vmem>>
    %dma_start3A_313 = tpu.memref_squeeze %dma_start3A_312 : memref<1x128xi32, #tpu.memory_space<vmem>> -> memref<128xi32, #tpu.memory_space<vmem>>
    %dma_start3A_314 = arith.constant 0 : i32
    %dma_start3A_315 = arith.constant 0 : i32
    %dma_start3A_316 = tpu.memref_slice %arg26[%dma_start3A_314, %dma_start3A_315] : memref<10240x64xf32, #tpu.memory_space<vmem_shared>> -> memref<10240x64xf32, #tpu.memory_space<vmem_shared>>
    tpu.enqueue_indirect_dma source(%arg15 : memref<128x64xf32, #tpu.memory_space<vmem>>) target(%dma_start3A_316 : memref<10240x64xf32, #tpu.memory_space<vmem_shared>>) offsets(%dma_start3A_313 : memref<128xi32, #tpu.memory_space<vmem>>) semaphore(%arg25 : memref<!tpu.dma_semaphore, #tpu.memory_space<semaphore_mem>>) {add = true}
    %dma_wait3A_317 = arith.constant 75 : i32
    %dma_wait3A_318 = arith.constant 0 : i32
    %dma_wait3A_319 = tpu.memref_slice %arg10[%dma_wait3A_317, %dma_wait3A_318] : memref<80x128xi32, #tpu.memory_space<vmem>> -> memref<1x128xi32, #tpu.memory_space<vmem>>
    %dma_wait3A_320 = tpu.memref_squeeze %dma_wait3A_319 : memref<1x128xi32, #tpu.memory_space<vmem>> -> memref<128xi32, #tpu.memory_space<vmem>>
    %dma_wait3A_321 = arith.constant 0 : i32
    %dma_wait3A_322 = arith.constant 0 : i32
    %dma_wait3A_323 = tpu.memref_slice %arg26[%dma_wait3A_321, %dma_wait3A_322] : memref<10240x64xf32, #tpu.memory_space<vmem_shared>> -> memref<10240x64xf32, #tpu.memory_space<vmem_shared>>
    tpu.wait_indirect_dma semaphore(%arg21 : memref<!tpu.dma_semaphore, #tpu.memory_space<semaphore_mem>>) src(%arg11 : memref<128x64xf32, #tpu.memory_space<vmem>>) dst(%dma_wait3A_323 : memref<10240x64xf32, #tpu.memory_space<vmem_shared>>)
    %dma_wait3A_324 = arith.constant 76 : i32
    %dma_wait3A_325 = arith.constant 0 : i32
    %dma_wait3A_326 = tpu.memref_slice %arg10[%dma_wait3A_324, %dma_wait3A_325] : memref<80x128xi32, #tpu.memory_space<vmem>> -> memref<1x128xi32, #tpu.memory_space<vmem>>
    %dma_wait3A_327 = tpu.memref_squeeze %dma_wait3A_326 : memref<1x128xi32, #tpu.memory_space<vmem>> -> memref<128xi32, #tpu.memory_space<vmem>>
    %dma_wait3A_328 = arith.constant 0 : i32
    %dma_wait3A_329 = arith.constant 0 : i32
    %dma_wait3A_330 = tpu.memref_slice %arg26[%dma_wait3A_328, %dma_wait3A_329] : memref<10240x64xf32, #tpu.memory_space<vmem_shared>> -> memref<10240x64xf32, #tpu.memory_space<vmem_shared>>
    tpu.wait_indirect_dma semaphore(%arg22 : memref<!tpu.dma_semaphore, #tpu.memory_space<semaphore_mem>>) src(%arg12 : memref<128x64xf32, #tpu.memory_space<vmem>>) dst(%dma_wait3A_330 : memref<10240x64xf32, #tpu.memory_space<vmem_shared>>)
    %dma_wait3A_331 = arith.constant 77 : i32
    %dma_wait3A_332 = arith.constant 0 : i32
    %dma_wait3A_333 = tpu.memref_slice %arg10[%dma_wait3A_331, %dma_wait3A_332] : memref<80x128xi32, #tpu.memory_space<vmem>> -> memref<1x128xi32, #tpu.memory_space<vmem>>
    %dma_wait3A_334 = tpu.memref_squeeze %dma_wait3A_333 : memref<1x128xi32, #tpu.memory_space<vmem>> -> memref<128xi32, #tpu.memory_space<vmem>>
    %dma_wait3A_335 = arith.constant 0 : i32
    %dma_wait3A_336 = arith.constant 0 : i32
    %dma_wait3A_337 = tpu.memref_slice %arg26[%dma_wait3A_335, %dma_wait3A_336] : memref<10240x64xf32, #tpu.memory_space<vmem_shared>> -> memref<10240x64xf32, #tpu.memory_space<vmem_shared>>
    tpu.wait_indirect_dma semaphore(%arg23 : memref<!tpu.dma_semaphore, #tpu.memory_space<semaphore_mem>>) src(%arg13 : memref<128x64xf32, #tpu.memory_space<vmem>>) dst(%dma_wait3A_337 : memref<10240x64xf32, #tpu.memory_space<vmem_shared>>)
    %dma_wait3A_338 = arith.constant 78 : i32
    %dma_wait3A_339 = arith.constant 0 : i32
    %dma_wait3A_340 = tpu.memref_slice %arg10[%dma_wait3A_338, %dma_wait3A_339] : memref<80x128xi32, #tpu.memory_space<vmem>> -> memref<1x128xi32, #tpu.memory_space<vmem>>
    %dma_wait3A_341 = tpu.memref_squeeze %dma_wait3A_340 : memref<1x128xi32, #tpu.memory_space<vmem>> -> memref<128xi32, #tpu.memory_space<vmem>>
    %dma_wait3A_342 = arith.constant 0 : i32
    %dma_wait3A_343 = arith.constant 0 : i32
    %dma_wait3A_344 = tpu.memref_slice %arg26[%dma_wait3A_342, %dma_wait3A_343] : memref<10240x64xf32, #tpu.memory_space<vmem_shared>> -> memref<10240x64xf32, #tpu.memory_space<vmem_shared>>
    tpu.wait_indirect_dma semaphore(%arg24 : memref<!tpu.dma_semaphore, #tpu.memory_space<semaphore_mem>>) src(%arg14 : memref<128x64xf32, #tpu.memory_space<vmem>>) dst(%dma_wait3A_344 : memref<10240x64xf32, #tpu.memory_space<vmem_shared>>)
    %dma_wait3A_345 = arith.constant 79 : i32
    %dma_wait3A_346 = arith.constant 0 : i32
    %dma_wait3A_347 = tpu.memref_slice %arg10[%dma_wait3A_345, %dma_wait3A_346] : memref<80x128xi32, #tpu.memory_space<vmem>> -> memref<1x128xi32, #tpu.memory_space<vmem>>
    %dma_wait3A_348 = tpu.memref_squeeze %dma_wait3A_347 : memref<1x128xi32, #tpu.memory_space<vmem>> -> memref<128xi32, #tpu.memory_space<vmem>>
    %dma_wait3A_349 = arith.constant 0 : i32
    %dma_wait3A_350 = arith.constant 0 : i32
    %dma_wait3A_351 = tpu.memref_slice %arg26[%dma_wait3A_349, %dma_wait3A_350] : memref<10240x64xf32, #tpu.memory_space<vmem_shared>> -> memref<10240x64xf32, #tpu.memory_space<vmem_shared>>
    tpu.wait_indirect_dma semaphore(%arg25 : memref<!tpu.dma_semaphore, #tpu.memory_space<semaphore_mem>>) src(%arg15 : memref<128x64xf32, #tpu.memory_space<vmem>>) dst(%dma_wait3A_351 : memref<10240x64xf32, #tpu.memory_space<vmem_shared>>)
    %barrier3A_352 = arith.constant 0 : index
    tpu.barrier barrier_id(%barrier3A_352)
    %mul3A_353 = arith.constant 640 : i32
    %mul3A_354 = arith.muli %arg1, %mul3A_353 : i32
    %add3A_355 = arith.constant 0 : i32
    %add3A_356 = arith.addi %mul3A_354, %add3A_355 : i32
    "tpu.region"() ({
      %run_scoped3A = tpu.sem_alloc : memref<!tpu.dma_semaphore, #tpu.memory_space<semaphore_mem>>
      %dma_start3A_373 = arith.constant 0 : i32
      %dma_start3A_374 = tpu.memref_slice %arg26[%add3A_356, %dma_start3A_373] : memref<10240x64xf32, #tpu.memory_space<vmem_shared>> -> memref<128x64xf32, #tpu.memory_space<vmem_shared>>
      %dma_start3A_375 = arith.constant 0 : i32
      %dma_start3A_376 = tpu.memref_slice %arg26[%add3A_356, %dma_start3A_375] : memref<10240x64xf32, #tpu.memory_space<vmem_shared>> -> memref<128x64xf32, #tpu.memory_space<vmem_shared>>
      tpu.enqueue_dma source(%dma_start3A_376 : memref<128x64xf32, #tpu.memory_space<vmem_shared>>) target(%arg11 : memref<128x64xf32, #tpu.memory_space<vmem>>) target_semaphore(%run_scoped3A : memref<!tpu.dma_semaphore, #tpu.memory_space<semaphore_mem>>)
      %dma_wait3A_377 = arith.constant 0 : i32
      %dma_wait3A_378 = tpu.memref_slice %arg26[%add3A_356, %dma_wait3A_377] : memref<10240x64xf32, #tpu.memory_space<vmem_shared>> -> memref<128x64xf32, #tpu.memory_space<vmem_shared>>
      %dma_wait3A_379 = arith.constant 0 : i32
      %dma_wait3A_380 = tpu.memref_slice %arg26[%add3A_356, %dma_wait3A_379] : memref<10240x64xf32, #tpu.memory_space<vmem_shared>> -> memref<128x64xf32, #tpu.memory_space<vmem_shared>>
      tpu.wait_dma2 semaphore(%run_scoped3A : memref<!tpu.dma_semaphore, #tpu.memory_space<semaphore_mem>>) src(%dma_wait3A_380 : memref<128x64xf32, #tpu.memory_space<vmem_shared>>) dst(%arg11 : memref<128x64xf32, #tpu.memory_space<vmem>>)
      tpu.yield
    }) : () -> ()
    "tpu.region"() ({
      %run_scoped3A = tpu.sem_alloc : memref<!tpu.dma_semaphore, #tpu.memory_space<semaphore_mem>>
      %dma_start3A_373 = arith.constant 0 : i32
      %dma_start3A_374 = tpu.memref_slice %arg8[%arg0, %add3A_356, %dma_start3A_373] : memref<2x10240x64xf32, #tpu.memory_space<hbm>> -> memref<1x128x64xf32, #tpu.memory_space<hbm>>
      %dma_start3A_375 = tpu.memref_squeeze %dma_start3A_374 : memref<1x128x64xf32, #tpu.memory_space<hbm>> -> memref<128x64xf32, #tpu.memory_space<hbm>>
      %dma_start3A_376 = arith.constant 0 : i32
      %dma_start3A_377 = tpu.memref_slice %arg8[%arg0, %add3A_356, %dma_start3A_376] : memref<2x10240x64xf32, #tpu.memory_space<hbm>> -> memref<1x128x64xf32, #tpu.memory_space<hbm>>
      %dma_start3A_378 = tpu.memref_squeeze %dma_start3A_377 : memref<1x128x64xf32, #tpu.memory_space<hbm>> -> memref<128x64xf32, #tpu.memory_space<hbm>>
      tpu.enqueue_dma source(%arg11 : memref<128x64xf32, #tpu.memory_space<vmem>>) target(%dma_start3A_378 : memref<128x64xf32, #tpu.memory_space<hbm>>) target_semaphore(%run_scoped3A : memref<!tpu.dma_semaphore, #tpu.memory_space<semaphore_mem>>)
      %dma_wait3A_379 = arith.constant 0 : i32
      %dma_wait3A_380 = tpu.memref_slice %arg8[%arg0, %add3A_356, %dma_wait3A_379] : memref<2x10240x64xf32, #tpu.memory_space<hbm>> -> memref<1x128x64xf32, #tpu.memory_space<hbm>>
      %dma_wait3A_381 = tpu.memref_squeeze %dma_wait3A_380 : memref<1x128x64xf32, #tpu.memory_space<hbm>> -> memref<128x64xf32, #tpu.memory_space<hbm>>
      %dma_wait3A_382 = arith.constant 0 : i32
      %dma_wait3A_383 = tpu.memref_slice %arg8[%arg0, %add3A_356, %dma_wait3A_382] : memref<2x10240x64xf32, #tpu.memory_space<hbm>> -> memref<1x128x64xf32, #tpu.memory_space<hbm>>
      %dma_wait3A_384 = tpu.memref_squeeze %dma_wait3A_383 : memref<1x128x64xf32, #tpu.memory_space<hbm>> -> memref<128x64xf32, #tpu.memory_space<hbm>>
      tpu.wait_dma2 semaphore(%run_scoped3A : memref<!tpu.dma_semaphore, #tpu.memory_space<semaphore_mem>>) src(%arg11 : memref<128x64xf32, #tpu.memory_space<vmem>>) dst(%dma_wait3A_384 : memref<128x64xf32, #tpu.memory_space<hbm>>)
      tpu.yield
    }) : () -> ()
    %mul3A_357 = arith.constant 640 : i32
    %mul3A_358 = arith.muli %arg1, %mul3A_357 : i32
    %add3A_359 = arith.constant 128 : i32
    %add3A_360 = arith.addi %mul3A_358, %add3A_359 : i32
    "tpu.region"() ({
      %run_scoped3A = tpu.sem_alloc : memref<!tpu.dma_semaphore, #tpu.memory_space<semaphore_mem>>
      %dma_start3A_373 = arith.constant 0 : i32
      %dma_start3A_374 = tpu.memref_slice %arg26[%add3A_360, %dma_start3A_373] : memref<10240x64xf32, #tpu.memory_space<vmem_shared>> -> memref<128x64xf32, #tpu.memory_space<vmem_shared>>
      %dma_start3A_375 = arith.constant 0 : i32
      %dma_start3A_376 = tpu.memref_slice %arg26[%add3A_360, %dma_start3A_375] : memref<10240x64xf32, #tpu.memory_space<vmem_shared>> -> memref<128x64xf32, #tpu.memory_space<vmem_shared>>
      tpu.enqueue_dma source(%dma_start3A_376 : memref<128x64xf32, #tpu.memory_space<vmem_shared>>) target(%arg11 : memref<128x64xf32, #tpu.memory_space<vmem>>) target_semaphore(%run_scoped3A : memref<!tpu.dma_semaphore, #tpu.memory_space<semaphore_mem>>)
      %dma_wait3A_377 = arith.constant 0 : i32
      %dma_wait3A_378 = tpu.memref_slice %arg26[%add3A_360, %dma_wait3A_377] : memref<10240x64xf32, #tpu.memory_space<vmem_shared>> -> memref<128x64xf32, #tpu.memory_space<vmem_shared>>
      %dma_wait3A_379 = arith.constant 0 : i32
      %dma_wait3A_380 = tpu.memref_slice %arg26[%add3A_360, %dma_wait3A_379] : memref<10240x64xf32, #tpu.memory_space<vmem_shared>> -> memref<128x64xf32, #tpu.memory_space<vmem_shared>>
      tpu.wait_dma2 semaphore(%run_scoped3A : memref<!tpu.dma_semaphore, #tpu.memory_space<semaphore_mem>>) src(%dma_wait3A_380 : memref<128x64xf32, #tpu.memory_space<vmem_shared>>) dst(%arg11 : memref<128x64xf32, #tpu.memory_space<vmem>>)
      tpu.yield
    }) : () -> ()
    "tpu.region"() ({
      %run_scoped3A = tpu.sem_alloc : memref<!tpu.dma_semaphore, #tpu.memory_space<semaphore_mem>>
      %dma_start3A_373 = arith.constant 0 : i32
      %dma_start3A_374 = tpu.memref_slice %arg8[%arg0, %add3A_360, %dma_start3A_373] : memref<2x10240x64xf32, #tpu.memory_space<hbm>> -> memref<1x128x64xf32, #tpu.memory_space<hbm>>
      %dma_start3A_375 = tpu.memref_squeeze %dma_start3A_374 : memref<1x128x64xf32, #tpu.memory_space<hbm>> -> memref<128x64xf32, #tpu.memory_space<hbm>>
      %dma_start3A_376 = arith.constant 0 : i32
      %dma_start3A_377 = tpu.memref_slice %arg8[%arg0, %add3A_360, %dma_start3A_376] : memref<2x10240x64xf32, #tpu.memory_space<hbm>> -> memref<1x128x64xf32, #tpu.memory_space<hbm>>
      %dma_start3A_378 = tpu.memref_squeeze %dma_start3A_377 : memref<1x128x64xf32, #tpu.memory_space<hbm>> -> memref<128x64xf32, #tpu.memory_space<hbm>>
      tpu.enqueue_dma source(%arg11 : memref<128x64xf32, #tpu.memory_space<vmem>>) target(%dma_start3A_378 : memref<128x64xf32, #tpu.memory_space<hbm>>) target_semaphore(%run_scoped3A : memref<!tpu.dma_semaphore, #tpu.memory_space<semaphore_mem>>)
      %dma_wait3A_379 = arith.constant 0 : i32
      %dma_wait3A_380 = tpu.memref_slice %arg8[%arg0, %add3A_360, %dma_wait3A_379] : memref<2x10240x64xf32, #tpu.memory_space<hbm>> -> memref<1x128x64xf32, #tpu.memory_space<hbm>>
      %dma_wait3A_381 = tpu.memref_squeeze %dma_wait3A_380 : memref<1x128x64xf32, #tpu.memory_space<hbm>> -> memref<128x64xf32, #tpu.memory_space<hbm>>
      %dma_wait3A_382 = arith.constant 0 : i32
      %dma_wait3A_383 = tpu.memref_slice %arg8[%arg0, %add3A_360, %dma_wait3A_382] : memref<2x10240x64xf32, #tpu.memory_space<hbm>> -> memref<1x128x64xf32, #tpu.memory_space<hbm>>
      %dma_wait3A_384 = tpu.memref_squeeze %dma_wait3A_383 : memref<1x128x64xf32, #tpu.memory_space<hbm>> -> memref<128x64xf32, #tpu.memory_space<hbm>>
      tpu.wait_dma2 semaphore(%run_scoped3A : memref<!tpu.dma_semaphore, #tpu.memory_space<semaphore_mem>>) src(%arg11 : memref<128x64xf32, #tpu.memory_space<vmem>>) dst(%dma_wait3A_384 : memref<128x64xf32, #tpu.memory_space<hbm>>)
      tpu.yield
    }) : () -> ()
    %mul3A_361 = arith.constant 640 : i32
    %mul3A_362 = arith.muli %arg1, %mul3A_361 : i32
    %add3A_363 = arith.constant 256 : i32
    %add3A_364 = arith.addi %mul3A_362, %add3A_363 : i32
    "tpu.region"() ({
      %run_scoped3A = tpu.sem_alloc : memref<!tpu.dma_semaphore, #tpu.memory_space<semaphore_mem>>
      %dma_start3A_373 = arith.constant 0 : i32
      %dma_start3A_374 = tpu.memref_slice %arg26[%add3A_364, %dma_start3A_373] : memref<10240x64xf32, #tpu.memory_space<vmem_shared>> -> memref<128x64xf32, #tpu.memory_space<vmem_shared>>
      %dma_start3A_375 = arith.constant 0 : i32
      %dma_start3A_376 = tpu.memref_slice %arg26[%add3A_364, %dma_start3A_375] : memref<10240x64xf32, #tpu.memory_space<vmem_shared>> -> memref<128x64xf32, #tpu.memory_space<vmem_shared>>
      tpu.enqueue_dma source(%dma_start3A_376 : memref<128x64xf32, #tpu.memory_space<vmem_shared>>) target(%arg11 : memref<128x64xf32, #tpu.memory_space<vmem>>) target_semaphore(%run_scoped3A : memref<!tpu.dma_semaphore, #tpu.memory_space<semaphore_mem>>)
      %dma_wait3A_377 = arith.constant 0 : i32
      %dma_wait3A_378 = tpu.memref_slice %arg26[%add3A_364, %dma_wait3A_377] : memref<10240x64xf32, #tpu.memory_space<vmem_shared>> -> memref<128x64xf32, #tpu.memory_space<vmem_shared>>
      %dma_wait3A_379 = arith.constant 0 : i32
      %dma_wait3A_380 = tpu.memref_slice %arg26[%add3A_364, %dma_wait3A_379] : memref<10240x64xf32, #tpu.memory_space<vmem_shared>> -> memref<128x64xf32, #tpu.memory_space<vmem_shared>>
      tpu.wait_dma2 semaphore(%run_scoped3A : memref<!tpu.dma_semaphore, #tpu.memory_space<semaphore_mem>>) src(%dma_wait3A_380 : memref<128x64xf32, #tpu.memory_space<vmem_shared>>) dst(%arg11 : memref<128x64xf32, #tpu.memory_space<vmem>>)
      tpu.yield
    }) : () -> ()
    "tpu.region"() ({
      %run_scoped3A = tpu.sem_alloc : memref<!tpu.dma_semaphore, #tpu.memory_space<semaphore_mem>>
      %dma_start3A_373 = arith.constant 0 : i32
      %dma_start3A_374 = tpu.memref_slice %arg8[%arg0, %add3A_364, %dma_start3A_373] : memref<2x10240x64xf32, #tpu.memory_space<hbm>> -> memref<1x128x64xf32, #tpu.memory_space<hbm>>
      %dma_start3A_375 = tpu.memref_squeeze %dma_start3A_374 : memref<1x128x64xf32, #tpu.memory_space<hbm>> -> memref<128x64xf32, #tpu.memory_space<hbm>>
      %dma_start3A_376 = arith.constant 0 : i32
      %dma_start3A_377 = tpu.memref_slice %arg8[%arg0, %add3A_364, %dma_start3A_376] : memref<2x10240x64xf32, #tpu.memory_space<hbm>> -> memref<1x128x64xf32, #tpu.memory_space<hbm>>
      %dma_start3A_378 = tpu.memref_squeeze %dma_start3A_377 : memref<1x128x64xf32, #tpu.memory_space<hbm>> -> memref<128x64xf32, #tpu.memory_space<hbm>>
      tpu.enqueue_dma source(%arg11 : memref<128x64xf32, #tpu.memory_space<vmem>>) target(%dma_start3A_378 : memref<128x64xf32, #tpu.memory_space<hbm>>) target_semaphore(%run_scoped3A : memref<!tpu.dma_semaphore, #tpu.memory_space<semaphore_mem>>)
      %dma_wait3A_379 = arith.constant 0 : i32
      %dma_wait3A_380 = tpu.memref_slice %arg8[%arg0, %add3A_364, %dma_wait3A_379] : memref<2x10240x64xf32, #tpu.memory_space<hbm>> -> memref<1x128x64xf32, #tpu.memory_space<hbm>>
      %dma_wait3A_381 = tpu.memref_squeeze %dma_wait3A_380 : memref<1x128x64xf32, #tpu.memory_space<hbm>> -> memref<128x64xf32, #tpu.memory_space<hbm>>
      %dma_wait3A_382 = arith.constant 0 : i32
      %dma_wait3A_383 = tpu.memref_slice %arg8[%arg0, %add3A_364, %dma_wait3A_382] : memref<2x10240x64xf32, #tpu.memory_space<hbm>> -> memref<1x128x64xf32, #tpu.memory_space<hbm>>
      %dma_wait3A_384 = tpu.memref_squeeze %dma_wait3A_383 : memref<1x128x64xf32, #tpu.memory_space<hbm>> -> memref<128x64xf32, #tpu.memory_space<hbm>>
      tpu.wait_dma2 semaphore(%run_scoped3A : memref<!tpu.dma_semaphore, #tpu.memory_space<semaphore_mem>>) src(%arg11 : memref<128x64xf32, #tpu.memory_space<vmem>>) dst(%dma_wait3A_384 : memref<128x64xf32, #tpu.memory_space<hbm>>)
      tpu.yield
    }) : () -> ()
    %mul3A_365 = arith.constant 640 : i32
    %mul3A_366 = arith.muli %arg1, %mul3A_365 : i32
    %add3A_367 = arith.constant 384 : i32
    %add3A_368 = arith.addi %mul3A_366, %add3A_367 : i32
    "tpu.region"() ({
      %run_scoped3A = tpu.sem_alloc : memref<!tpu.dma_semaphore, #tpu.memory_space<semaphore_mem>>
      %dma_start3A_373 = arith.constant 0 : i32
      %dma_start3A_374 = tpu.memref_slice %arg26[%add3A_368, %dma_start3A_373] : memref<10240x64xf32, #tpu.memory_space<vmem_shared>> -> memref<128x64xf32, #tpu.memory_space<vmem_shared>>
      %dma_start3A_375 = arith.constant 0 : i32
      %dma_start3A_376 = tpu.memref_slice %arg26[%add3A_368, %dma_start3A_375] : memref<10240x64xf32, #tpu.memory_space<vmem_shared>> -> memref<128x64xf32, #tpu.memory_space<vmem_shared>>
      tpu.enqueue_dma source(%dma_start3A_376 : memref<128x64xf32, #tpu.memory_space<vmem_shared>>) target(%arg11 : memref<128x64xf32, #tpu.memory_space<vmem>>) target_semaphore(%run_scoped3A : memref<!tpu.dma_semaphore, #tpu.memory_space<semaphore_mem>>)
      %dma_wait3A_377 = arith.constant 0 : i32
      %dma_wait3A_378 = tpu.memref_slice %arg26[%add3A_368, %dma_wait3A_377] : memref<10240x64xf32, #tpu.memory_space<vmem_shared>> -> memref<128x64xf32, #tpu.memory_space<vmem_shared>>
      %dma_wait3A_379 = arith.constant 0 : i32
      %dma_wait3A_380 = tpu.memref_slice %arg26[%add3A_368, %dma_wait3A_379] : memref<10240x64xf32, #tpu.memory_space<vmem_shared>> -> memref<128x64xf32, #tpu.memory_space<vmem_shared>>
      tpu.wait_dma2 semaphore(%run_scoped3A : memref<!tpu.dma_semaphore, #tpu.memory_space<semaphore_mem>>) src(%dma_wait3A_380 : memref<128x64xf32, #tpu.memory_space<vmem_shared>>) dst(%arg11 : memref<128x64xf32, #tpu.memory_space<vmem>>)
      tpu.yield
    }) : () -> ()
    "tpu.region"() ({
      %run_scoped3A = tpu.sem_alloc : memref<!tpu.dma_semaphore, #tpu.memory_space<semaphore_mem>>
      %dma_start3A_373 = arith.constant 0 : i32
      %dma_start3A_374 = tpu.memref_slice %arg8[%arg0, %add3A_368, %dma_start3A_373] : memref<2x10240x64xf32, #tpu.memory_space<hbm>> -> memref<1x128x64xf32, #tpu.memory_space<hbm>>
      %dma_start3A_375 = tpu.memref_squeeze %dma_start3A_374 : memref<1x128x64xf32, #tpu.memory_space<hbm>> -> memref<128x64xf32, #tpu.memory_space<hbm>>
      %dma_start3A_376 = arith.constant 0 : i32
      %dma_start3A_377 = tpu.memref_slice %arg8[%arg0, %add3A_368, %dma_start3A_376] : memref<2x10240x64xf32, #tpu.memory_space<hbm>> -> memref<1x128x64xf32, #tpu.memory_space<hbm>>
      %dma_start3A_378 = tpu.memref_squeeze %dma_start3A_377 : memref<1x128x64xf32, #tpu.memory_space<hbm>> -> memref<128x64xf32, #tpu.memory_space<hbm>>
      tpu.enqueue_dma source(%arg11 : memref<128x64xf32, #tpu.memory_space<vmem>>) target(%dma_start3A_378 : memref<128x64xf32, #tpu.memory_space<hbm>>) target_semaphore(%run_scoped3A : memref<!tpu.dma_semaphore, #tpu.memory_space<semaphore_mem>>)
      %dma_wait3A_379 = arith.constant 0 : i32
      %dma_wait3A_380 = tpu.memref_slice %arg8[%arg0, %add3A_368, %dma_wait3A_379] : memref<2x10240x64xf32, #tpu.memory_space<hbm>> -> memref<1x128x64xf32, #tpu.memory_space<hbm>>
      %dma_wait3A_381 = tpu.memref_squeeze %dma_wait3A_380 : memref<1x128x64xf32, #tpu.memory_space<hbm>> -> memref<128x64xf32, #tpu.memory_space<hbm>>
      %dma_wait3A_382 = arith.constant 0 : i32
      %dma_wait3A_383 = tpu.memref_slice %arg8[%arg0, %add3A_368, %dma_wait3A_382] : memref<2x10240x64xf32, #tpu.memory_space<hbm>> -> memref<1x128x64xf32, #tpu.memory_space<hbm>>
      %dma_wait3A_384 = tpu.memref_squeeze %dma_wait3A_383 : memref<1x128x64xf32, #tpu.memory_space<hbm>> -> memref<128x64xf32, #tpu.memory_space<hbm>>
      tpu.wait_dma2 semaphore(%run_scoped3A : memref<!tpu.dma_semaphore, #tpu.memory_space<semaphore_mem>>) src(%arg11 : memref<128x64xf32, #tpu.memory_space<vmem>>) dst(%dma_wait3A_384 : memref<128x64xf32, #tpu.memory_space<hbm>>)
      tpu.yield
    }) : () -> ()
    %mul3A_369 = arith.constant 640 : i32
    %mul3A_370 = arith.muli %arg1, %mul3A_369 : i32
    %add3A_371 = arith.constant 512 : i32
    %add3A_372 = arith.addi %mul3A_370, %add3A_371 : i32
    "tpu.region"() ({
      %run_scoped3A = tpu.sem_alloc : memref<!tpu.dma_semaphore, #tpu.memory_space<semaphore_mem>>
      %dma_start3A_373 = arith.constant 0 : i32
      %dma_start3A_374 = tpu.memref_slice %arg26[%add3A_372, %dma_start3A_373] : memref<10240x64xf32, #tpu.memory_space<vmem_shared>> -> memref<128x64xf32, #tpu.memory_space<vmem_shared>>
      %dma_start3A_375 = arith.constant 0 : i32
      %dma_start3A_376 = tpu.memref_slice %arg26[%add3A_372, %dma_start3A_375] : memref<10240x64xf32, #tpu.memory_space<vmem_shared>> -> memref<128x64xf32, #tpu.memory_space<vmem_shared>>
      tpu.enqueue_dma source(%dma_start3A_376 : memref<128x64xf32, #tpu.memory_space<vmem_shared>>) target(%arg11 : memref<128x64xf32, #tpu.memory_space<vmem>>) target_semaphore(%run_scoped3A : memref<!tpu.dma_semaphore, #tpu.memory_space<semaphore_mem>>)
      %dma_wait3A_377 = arith.constant 0 : i32
      %dma_wait3A_378 = tpu.memref_slice %arg26[%add3A_372, %dma_wait3A_377] : memref<10240x64xf32, #tpu.memory_space<vmem_shared>> -> memref<128x64xf32, #tpu.memory_space<vmem_shared>>
      %dma_wait3A_379 = arith.constant 0 : i32
      %dma_wait3A_380 = tpu.memref_slice %arg26[%add3A_372, %dma_wait3A_379] : memref<10240x64xf32, #tpu.memory_space<vmem_shared>> -> memref<128x64xf32, #tpu.memory_space<vmem_shared>>
      tpu.wait_dma2 semaphore(%run_scoped3A : memref<!tpu.dma_semaphore, #tpu.memory_space<semaphore_mem>>) src(%dma_wait3A_380 : memref<128x64xf32, #tpu.memory_space<vmem_shared>>) dst(%arg11 : memref<128x64xf32, #tpu.memory_space<vmem>>)
      tpu.yield
    }) : () -> ()
    "tpu.region"() ({
      %run_scoped3A = tpu.sem_alloc : memref<!tpu.dma_semaphore, #tpu.memory_space<semaphore_mem>>
      %dma_start3A_373 = arith.constant 0 : i32
      %dma_start3A_374 = tpu.memref_slice %arg8[%arg0, %add3A_372, %dma_start3A_373] : memref<2x10240x64xf32, #tpu.memory_space<hbm>> -> memref<1x128x64xf32, #tpu.memory_space<hbm>>
      %dma_start3A_375 = tpu.memref_squeeze %dma_start3A_374 : memref<1x128x64xf32, #tpu.memory_space<hbm>> -> memref<128x64xf32, #tpu.memory_space<hbm>>
      %dma_start3A_376 = arith.constant 0 : i32
      %dma_start3A_377 = tpu.memref_slice %arg8[%arg0, %add3A_372, %dma_start3A_376] : memref<2x10240x64xf32, #tpu.memory_space<hbm>> -> memref<1x128x64xf32, #tpu.memory_space<hbm>>
      %dma_start3A_378 = tpu.memref_squeeze %dma_start3A_377 : memref<1x128x64xf32, #tpu.memory_space<hbm>> -> memref<128x64xf32, #tpu.memory_space<hbm>>
      tpu.enqueue_dma source(%arg11 : memref<128x64xf32, #tpu.memory_space<vmem>>) target(%dma_start3A_378 : memref<128x64xf32, #tpu.memory_space<hbm>>) target_semaphore(%run_scoped3A : memref<!tpu.dma_semaphore, #tpu.memory_space<semaphore_mem>>)
      %dma_wait3A_379 = arith.constant 0 : i32
      %dma_wait3A_380 = tpu.memref_slice %arg8[%arg0, %add3A_372, %dma_wait3A_379] : memref<2x10240x64xf32, #tpu.memory_space<hbm>> -> memref<1x128x64xf32, #tpu.memory_space<hbm>>
      %dma_wait3A_381 = tpu.memref_squeeze %dma_wait3A_380 : memref<1x128x64xf32, #tpu.memory_space<hbm>> -> memref<128x64xf32, #tpu.memory_space<hbm>>
      %dma_wait3A_382 = arith.constant 0 : i32
      %dma_wait3A_383 = tpu.memref_slice %arg8[%arg0, %add3A_372, %dma_wait3A_382] : memref<2x10240x64xf32, #tpu.memory_space<hbm>> -> memref<1x128x64xf32, #tpu.memory_space<hbm>>
      %dma_wait3A_384 = tpu.memref_squeeze %dma_wait3A_383 : memref<1x128x64xf32, #tpu.memory_space<hbm>> -> memref<128x64xf32, #tpu.memory_space<hbm>>
      tpu.wait_dma2 semaphore(%run_scoped3A : memref<!tpu.dma_semaphore, #tpu.memory_space<semaphore_mem>>) src(%arg11 : memref<128x64xf32, #tpu.memory_space<vmem>>) dst(%dma_wait3A_384 : memref<128x64xf32, #tpu.memory_space<hbm>>)
      tpu.yield
    }) : () -> ()
    return
  }
}

module attributes {stable_mosaic.version = 14 : i64} {
  func.func @_pre_body(%arg0: i32, %arg1: memref<1000x128xf32, #tpu.memory_space<vmem>>, %arg2: memref<128x128xf32, #tpu.memory_space<vmem>>, %arg3: memref<1000x1xf32, #tpu.memory_space<vmem>>, %arg4: memref<1000x1xf32, #tpu.memory_space<vmem>>, %arg5: memref<1000x64xf32, #tpu.memory_space<vmem>>, %arg6: memref<1000x64xf32, #tpu.memory_space<vmem>>) attributes {dimension_semantics = [#tpu.dimension_semantics<arbitrary>], iteration_bounds = array<i64: 10>, scalar_prefetch = 0 : i64, scratch_operands = 0 : i64, tpu.core_type = #tpu.core_type<tc>, window_params = [{transform_indices = @transform_0, window_bounds = array<i64: 1000, 128>}, {pipeline_mode = #tpu.pipeline_mode<synchronous>, transform_indices = @transform_1, window_bounds = array<i64: 128, 128>}, {transform_indices = @transform_2, window_bounds = array<i64: 1000, 1>}, {transform_indices = @transform_3, window_bounds = array<i64: 1000, 1>}, {transform_indices = @transform_4, window_bounds = array<i64: 1000, 64>}, {transform_indices = @transform_5, window_bounds = array<i64: 1000, 64>}]} {
    %get3A = arith.constant 0 : index
    %get3A_0 = arith.constant 0 : index
    %get3A_1 = vector.load %arg3[%get3A, %get3A_0] : memref<1000x1xf32, #tpu.memory_space<vmem>>, vector<1000x1xf32>
    %get3A_2 = arith.constant 0 : index
    %get3A_3 = arith.constant 0 : index
    %get3A_4 = vector.load %arg4[%get3A_2, %get3A_3] : memref<1000x1xf32, #tpu.memory_space<vmem>>, vector<1000x1xf32>
    %add3A = arith.addf %get3A_1, %get3A_4 : vector<1000x1xf32>
    %add3A_5 = arith.constant 1.000000e+00 : f32
    %add3A_6 = vector.broadcast %add3A_5 : f32 to vector<1000x1xf32>
    %add3A_7 = arith.addf %add3A, %add3A_6 : vector<1000x1xf32>
    %rsqrt3A = math.rsqrt %add3A_7 : vector<1000x1xf32>
    %get3A_8 = arith.constant 0 : index
    %get3A_9 = arith.constant 0 : index
    %get3A_10 = vector.load %arg1[%get3A_8, %get3A_9] : memref<1000x128xf32, #tpu.memory_space<vmem>>, vector<1000x128xf32>
    %get3A_11 = arith.constant 0 : index
    %get3A_12 = arith.constant 0 : index
    %get3A_13 = vector.load %arg2[%get3A_11, %get3A_12] : memref<128x128xf32, #tpu.memory_space<vmem>>, vector<128x128xf32>
    %dot_general3A = arith.constant dense<0.000000e+00> : vector<1000x128xf32>
    %dot_general3A_14 = tpu.matmul %get3A_10, %get3A_13, %dot_general3A {dimension_numbers = #tpu.dot_dimension_numbers<[1], [0], [0], [1], [0, 0, 1, 1], [], []>, transpose_lhs_hint = false} : vector<1000x128xf32>, vector<128x128xf32>, vector<1000x128xf32> -> vector<1000x128xf32>
    %mul3A = vector.broadcast %rsqrt3A : vector<1000x1xf32> to vector<1000x128xf32>
    %mul3A_15 = arith.mulf %dot_general3A_14, %mul3A : vector<1000x128xf32>
    %slice3A = vector.extract_strided_slice %mul3A_15 {offsets = [0, 0], sizes = [1000, 64], strides = [1, 1]} : vector<1000x128xf32> to vector<1000x64xf32>
    %swap3A = arith.constant 0 : index
    %swap3A_16 = arith.constant 0 : index
    %swap3A_17 = vector.load %arg5[%swap3A, %swap3A_16] : memref<1000x64xf32, #tpu.memory_space<vmem>>, vector<1000x64xf32>
    tpu.vector_store %arg5[%swap3A, %swap3A_16], %slice3A {strides = array<i32>} : memref<1000x64xf32, #tpu.memory_space<vmem>>, vector<1000x64xf32>,
    %slice3A_18 = vector.extract_strided_slice %mul3A_15 {offsets = [0, 64], sizes = [1000, 64], strides = [1, 1]} : vector<1000x128xf32> to vector<1000x64xf32>
    %swap3A_19 = arith.constant 0 : index
    %swap3A_20 = arith.constant 0 : index
    %swap3A_21 = vector.load %arg6[%swap3A_19, %swap3A_20] : memref<1000x64xf32, #tpu.memory_space<vmem>>, vector<1000x64xf32>
    tpu.vector_store %arg6[%swap3A_19, %swap3A_20], %slice3A_18 {strides = array<i32>} : memref<1000x64xf32, #tpu.memory_space<vmem>>, vector<1000x64xf32>,
    return
  }
  func.func @transform_0(%arg0: i32) -> (i32, i32) {
    %c0_i32 = arith.constant 0 : i32
    %c0_i32_0 = arith.constant 0 : i32
    return %arg0, %c0_i32 : i32, i32
  }
  func.func @transform_1(%arg0: i32) -> (i32, i32) {
    %c0_i32 = arith.constant 0 : i32
    %c0_i32_0 = arith.constant 0 : i32
    %c0_i32_1 = arith.constant 0 : i32
    return %c0_i32, %c0_i32_0 : i32, i32
  }
  func.func @transform_2(%arg0: i32) -> (i32, i32) {
    %c0_i32 = arith.constant 0 : i32
    %c0_i32_0 = arith.constant 0 : i32
    return %arg0, %c0_i32 : i32, i32
  }
  func.func @transform_3(%arg0: i32) -> (i32, i32) {
    %c0_i32 = arith.constant 0 : i32
    %c0_i32_0 = arith.constant 0 : i32
    return %arg0, %c0_i32 : i32, i32
  }
  func.func @transform_4(%arg0: i32) -> (i32, i32) {
    %c0_i32 = arith.constant 0 : i32
    %c0_i32_0 = arith.constant 0 : i32
    return %arg0, %c0_i32 : i32, i32
  }
  func.func @transform_5(%arg0: i32) -> (i32, i32) {
    %c0_i32 = arith.constant 0 : i32
    %c0_i32_0 = arith.constant 0 : i32
    return %arg0, %c0_i32 : i32, i32
  }
}

module attributes {stable_mosaic.version = 14 : i64} {
  func.func @_mid_body(%arg0: i32, %arg1: memref<1000x64xf32, #tpu.memory_space<vmem>>, %arg2: memref<1000x64xf32, #tpu.memory_space<vmem>>, %arg3: memref<1000x64xf32, #tpu.memory_space<vmem>>, %arg4: memref<1000x64xf32, #tpu.memory_space<vmem>>, %arg5: memref<1000x64xf32, #tpu.memory_space<vmem>>, %arg6: memref<1000x64xf32, #tpu.memory_space<vmem>>, %arg7: memref<1000x1xf32, #tpu.memory_space<vmem>>, %arg8: memref<1000x1xf32, #tpu.memory_space<vmem>>, %arg9: memref<128xf32, #tpu.memory_space<vmem>>, %arg10: memref<128xf32, #tpu.memory_space<vmem>>, %arg11: memref<128x128xf32, #tpu.memory_space<vmem>>, %arg12: memref<1000x1xi32, #tpu.memory_space<vmem>>, %arg13: memref<1000x64xf32, #tpu.memory_space<vmem>>, %arg14: memref<1000x64xf32, #tpu.memory_space<vmem>>, %arg15: memref<64x128xf32, #tpu.memory_space<vmem>>) attributes {dimension_semantics = [#tpu.dimension_semantics<arbitrary>], iteration_bounds = array<i64: 10>, scalar_prefetch = 0 : i64, scratch_operands = 0 : i64, tpu.core_type = #tpu.core_type<tc>, window_params = [{transform_indices = @transform_0, window_bounds = array<i64: 1000, 64>}, {transform_indices = @transform_1, window_bounds = array<i64: 1000, 64>}, {transform_indices = @transform_2, window_bounds = array<i64: 1000, 64>}, {transform_indices = @transform_3, window_bounds = array<i64: 1000, 64>}, {transform_indices = @transform_4, window_bounds = array<i64: 1000, 64>}, {transform_indices = @transform_5, window_bounds = array<i64: 1000, 64>}, {transform_indices = @transform_6, window_bounds = array<i64: 1000, 1>}, {transform_indices = @transform_7, window_bounds = array<i64: 1000, 1>}, {pipeline_mode = #tpu.pipeline_mode<synchronous>, transform_indices = @transform_8, window_bounds = array<i64: 128>}, {pipeline_mode = #tpu.pipeline_mode<synchronous>, transform_indices = @transform_9, window_bounds = array<i64: 128>}, {pipeline_mode = #tpu.pipeline_mode<synchronous>, transform_indices = @transform_10, window_bounds = array<i64: 128, 128>}, {transform_indices = @transform_11, window_bounds = array<i64: 1000, 1>}, {transform_indices = @transform_12, window_bounds = array<i64: 1000, 64>}, {transform_indices = @transform_13, window_bounds = array<i64: 1000, 64>}, {pipeline_mode = #tpu.pipeline_mode<synchronous>, transform_indices = @transform_14, window_bounds = array<i64: 64, 128>}]} {
    %get3A = arith.constant 0 : index
    %get3A_0 = arith.constant 0 : index
    %get3A_1 = vector.load %arg7[%get3A, %get3A_0] : memref<1000x1xf32, #tpu.memory_space<vmem>>, vector<1000x1xf32>
    %get3A_2 = arith.constant 0 : index
    %get3A_3 = arith.constant 0 : index
    %get3A_4 = vector.load %arg8[%get3A_2, %get3A_3] : memref<1000x1xf32, #tpu.memory_space<vmem>>, vector<1000x1xf32>
    %add3A = arith.addf %get3A_1, %get3A_4 : vector<1000x1xf32>
    %add3A_5 = arith.constant 1.000000e+00 : f32
    %add3A_6 = vector.broadcast %add3A_5 : f32 to vector<1000x1xf32>
    %add3A_7 = arith.addf %add3A, %add3A_6 : vector<1000x1xf32>
    %rsqrt3A = math.rsqrt %add3A_7 : vector<1000x1xf32>
    %get3A_8 = arith.constant 0 : index
    %get3A_9 = arith.constant 0 : index
    %get3A_10 = vector.load %arg1[%get3A_8, %get3A_9] : memref<1000x64xf32, #tpu.memory_space<vmem>>, vector<1000x64xf32>
    %get3A_11 = arith.constant 0 : index
    %get3A_12 = arith.constant 0 : index
    %get3A_13 = vector.load %arg3[%get3A_11, %get3A_12] : memref<1000x64xf32, #tpu.memory_space<vmem>>, vector<1000x64xf32>
    %add3A_14 = arith.addf %get3A_10, %get3A_13 : vector<1000x64xf32>
    %get3A_15 = arith.constant 0 : index
    %get3A_16 = arith.constant 0 : index
    %get3A_17 = vector.load %arg5[%get3A_15, %get3A_16] : memref<1000x64xf32, #tpu.memory_space<vmem>>, vector<1000x64xf32>
    %add3A_18 = arith.addf %add3A_14, %get3A_17 : vector<1000x64xf32>
    %get3A_19 = arith.constant 0 : index
    %get3A_20 = arith.constant 0 : index
    %get3A_21 = vector.load %arg2[%get3A_19, %get3A_20] : memref<1000x64xf32, #tpu.memory_space<vmem>>, vector<1000x64xf32>
    %get3A_22 = arith.constant 0 : index
    %get3A_23 = arith.constant 0 : index
    %get3A_24 = vector.load %arg4[%get3A_22, %get3A_23] : memref<1000x64xf32, #tpu.memory_space<vmem>>, vector<1000x64xf32>
    %add3A_25 = arith.addf %get3A_21, %get3A_24 : vector<1000x64xf32>
    %get3A_26 = arith.constant 0 : index
    %get3A_27 = arith.constant 0 : index
    %get3A_28 = vector.load %arg6[%get3A_26, %get3A_27] : memref<1000x64xf32, #tpu.memory_space<vmem>>, vector<1000x64xf32>
    %add3A_29 = arith.addf %add3A_25, %get3A_28 : vector<1000x64xf32>
    %concatenate3A = tpu.concatenate %add3A_18, %add3A_29 in 1 : vector<1000x64xf32>, vector<1000x64xf32> -> vector<1000x128xf32>
    %mul3A = vector.broadcast %rsqrt3A : vector<1000x1xf32> to vector<1000x128xf32>
    %mul3A_30 = arith.mulf %mul3A, %concatenate3A : vector<1000x128xf32>
    %get3A_31 = arith.constant 0 : index
    %get3A_32 = vector.load %arg9[%get3A_31] : memref<128xf32, #tpu.memory_space<vmem>>, vector<128xf32>
    %broadcast_in_dim3A = vector.shape_cast %get3A_32 : vector<128xf32> to vector<1x128xf32>
    %add3A_33 = vector.broadcast %broadcast_in_dim3A : vector<1x128xf32> to vector<1000x128xf32>
    %add3A_34 = arith.addf %mul3A_30, %add3A_33 : vector<1000x128xf32>
    %ge3A = arith.constant 0.000000e+00 : f32
    %ge3A_35 = vector.broadcast %ge3A : f32 to vector<1000x128xf32>
    %ge3A_36 = arith.cmpf oge, %add3A_34, %ge3A_35 : vector<1000x128xf32>
    %get3A_37 = arith.constant 0 : index
    %get3A_38 = vector.load %arg10[%get3A_37] : memref<128xf32, #tpu.memory_space<vmem>>, vector<128xf32>
    %broadcast_in_dim3A_39 = vector.shape_cast %get3A_38 : vector<128xf32> to vector<1x128xf32>
    %mul3A_40 = vector.broadcast %broadcast_in_dim3A_39 : vector<1x128xf32> to vector<1000x128xf32>
    %mul3A_41 = arith.mulf %mul3A_40, %add3A_34 : vector<1000x128xf32>
    %select_n3A = arith.select %ge3A_36, %add3A_34, %mul3A_41 : vector<1000x128xi1>, vector<1000x128xf32>
    %get3A_42 = arith.constant 0 : index
    %get3A_43 = arith.constant 0 : index
    %get3A_44 = vector.load %arg11[%get3A_42, %get3A_43] : memref<128x128xf32, #tpu.memory_space<vmem>>, vector<128x128xf32>
    %dot_general3A = arith.constant dense<0.000000e+00> : vector<1000x128xf32>
    %dot_general3A_45 = tpu.matmul %select_n3A, %get3A_44, %dot_general3A {dimension_numbers = #tpu.dot_dimension_numbers<[1], [0], [0], [1], [0, 0, 1, 1], [], []>, transpose_lhs_hint = false} : vector<1000x128xf32>, vector<128x128xf32>, vector<1000x128xf32> -> vector<1000x128xf32>
    %mul3A_46 = vector.broadcast %rsqrt3A : vector<1000x1xf32> to vector<1000x128xf32>
    %mul3A_47 = arith.mulf %dot_general3A_45, %mul3A_46 : vector<1000x128xf32>
    %slice3A = vector.extract_strided_slice %mul3A_47 {offsets = [0, 0], sizes = [1000, 64], strides = [1, 1]} : vector<1000x128xf32> to vector<1000x64xf32>
    %swap3A = arith.constant 0 : index
    %swap3A_48 = arith.constant 0 : index
    %swap3A_49 = vector.load %arg13[%swap3A, %swap3A_48] : memref<1000x64xf32, #tpu.memory_space<vmem>>, vector<1000x64xf32>
    tpu.vector_store %arg13[%swap3A, %swap3A_48], %slice3A {strides = array<i32>} : memref<1000x64xf32, #tpu.memory_space<vmem>>, vector<1000x64xf32>,
    %slice3A_50 = vector.extract_strided_slice %mul3A_47 {offsets = [0, 64], sizes = [1000, 64], strides = [1, 1]} : vector<1000x128xf32> to vector<1000x64xf32>
    %swap3A_51 = arith.constant 0 : index
    %swap3A_52 = arith.constant 0 : index
    %swap3A_53 = vector.load %arg14[%swap3A_51, %swap3A_52] : memref<1000x64xf32, #tpu.memory_space<vmem>>, vector<1000x64xf32>
    tpu.vector_store %arg14[%swap3A_51, %swap3A_52], %slice3A_50 {strides = array<i32>} : memref<1000x64xf32, #tpu.memory_space<vmem>>, vector<1000x64xf32>,
    %get3A_54 = arith.constant 0 : index
    %get3A_55 = arith.constant 0 : index
    %get3A_56 = vector.load %arg12[%get3A_54, %get3A_55] : memref<1000x1xi32, #tpu.memory_space<vmem>>, vector<1000x1xi32>
    %iota3A = tpu.iota {dimensions = array<i32: 1>} : vector<1000x64xi32>
    %eq3A = vector.broadcast %get3A_56 : vector<1000x1xi32> to vector<1000x64xi32>
    %eq3A_57 = arith.cmpi eq, %eq3A, %iota3A : vector<1000x64xi32>
    %convert_element_type3A = arith.extui %eq3A_57 : vector<1000x64xi1> to vector<1000x64xi32>
    %convert_element_type3A_58 = arith.sitofp %convert_element_type3A : vector<1000x64xi32> to vector<1000x64xf32>
    %dot_general3A_59 = arith.constant dense<0.000000e+00> : vector<64x128xf32>
    %dot_general3A_60 = tpu.matmul %convert_element_type3A_58, %select_n3A, %dot_general3A_59 {dimension_numbers = #tpu.dot_dimension_numbers<[0], [0], [1], [1], [0, 1, 1, 1], [], []>, transpose_lhs_hint = false} : vector<1000x64xf32>, vector<1000x128xf32>, vector<64x128xf32> -> vector<64x128xf32>
    %eq3A_61 = arith.constant 0 : i32
    %eq3A_62 = arith.cmpi eq, %arg0, %eq3A_61 : i32
    %convert_element_type3A_63 = arith.extui %eq3A_62 : i1 to i32
    %cond3A = arith.constant 0 : i32
    %cond3A_64 = arith.cmpi ne, %convert_element_type3A_63, %cond3A : i32
    scf.if %cond3A_64 {
      %broadcast_in_dim3A_72 = arith.constant 0.000000e+00 : f32
      %broadcast_in_dim3A_73 = vector.broadcast %broadcast_in_dim3A_72 : f32 to vector<64x128xf32>
      %swap3A_74 = arith.constant 0 : index
      %swap3A_75 = arith.constant 0 : index
      %swap3A_76 = vector.load %arg15[%swap3A_74, %swap3A_75] : memref<64x128xf32, #tpu.memory_space<vmem>>, vector<64x128xf32>
      tpu.vector_store %arg15[%swap3A_74, %swap3A_75], %broadcast_in_dim3A_73 {strides = array<i32>} : memref<64x128xf32, #tpu.memory_space<vmem>>, vector<64x128xf32>,
    } else {
    }
    %get3A_65 = arith.constant 0 : index
    %get3A_66 = arith.constant 0 : index
    %get3A_67 = vector.load %arg15[%get3A_65, %get3A_66] : memref<64x128xf32, #tpu.memory_space<vmem>>, vector<64x128xf32>
    %add3A_68 = arith.addf %get3A_67, %dot_general3A_60 : vector<64x128xf32>
    %swap3A_69 = arith.constant 0 : index
    %swap3A_70 = arith.constant 0 : index
    %swap3A_71 = vector.load %arg15[%swap3A_69, %swap3A_70] : memref<64x128xf32, #tpu.memory_space<vmem>>, vector<64x128xf32>
    tpu.vector_store %arg15[%swap3A_69, %swap3A_70], %add3A_68 {strides = array<i32>} : memref<64x128xf32, #tpu.memory_space<vmem>>, vector<64x128xf32>,
    return
  }
  func.func @transform_0(%arg0: i32) -> (i32, i32) {
    %c0_i32 = arith.constant 0 : i32
    %c0_i32_0 = arith.constant 0 : i32
    return %arg0, %c0_i32 : i32, i32
  }
  func.func @transform_1(%arg0: i32) -> (i32, i32) {
    %c0_i32 = arith.constant 0 : i32
    %c0_i32_0 = arith.constant 0 : i32
    return %arg0, %c0_i32 : i32, i32
  }
  func.func @transform_2(%arg0: i32) -> (i32, i32) {
    %c0_i32 = arith.constant 0 : i32
    %c0_i32_0 = arith.constant 0 : i32
    return %arg0, %c0_i32 : i32, i32
  }
  func.func @transform_3(%arg0: i32) -> (i32, i32) {
    %c0_i32 = arith.constant 0 : i32
    %c0_i32_0 = arith.constant 0 : i32
    return %arg0, %c0_i32 : i32, i32
  }
  func.func @transform_4(%arg0: i32) -> (i32, i32) {
    %c0_i32 = arith.constant 0 : i32
    %c0_i32_0 = arith.constant 0 : i32
    return %arg0, %c0_i32 : i32, i32
  }
  func.func @transform_5(%arg0: i32) -> (i32, i32) {
    %c0_i32 = arith.constant 0 : i32
    %c0_i32_0 = arith.constant 0 : i32
    return %arg0, %c0_i32 : i32, i32
  }
  func.func @transform_6(%arg0: i32) -> (i32, i32) {
    %c0_i32 = arith.constant 0 : i32
    %c0_i32_0 = arith.constant 0 : i32
    return %arg0, %c0_i32 : i32, i32
  }
  func.func @transform_7(%arg0: i32) -> (i32, i32) {
    %c0_i32 = arith.constant 0 : i32
    %c0_i32_0 = arith.constant 0 : i32
    return %arg0, %c0_i32 : i32, i32
  }
  func.func @transform_8(%arg0: i32) -> i32 {
    %c0_i32 = arith.constant 0 : i32
    %c0_i32_0 = arith.constant 0 : i32
    return %c0_i32 : i32
  }
  func.func @transform_9(%arg0: i32) -> i32 {
    %c0_i32 = arith.constant 0 : i32
    %c0_i32_0 = arith.constant 0 : i32
    return %c0_i32 : i32
  }
  func.func @transform_10(%arg0: i32) -> (i32, i32) {
    %c0_i32 = arith.constant 0 : i32
    %c0_i32_0 = arith.constant 0 : i32
    %c0_i32_1 = arith.constant 0 : i32
    return %c0_i32, %c0_i32_0 : i32, i32
  }
  func.func @transform_11(%arg0: i32) -> (i32, i32) {
    %c0_i32 = arith.constant 0 : i32
    %c0_i32_0 = arith.constant 0 : i32
    return %arg0, %c0_i32 : i32, i32
  }
  func.func @transform_12(%arg0: i32) -> (i32, i32) {
    %c0_i32 = arith.constant 0 : i32
    %c0_i32_0 = arith.constant 0 : i32
    return %arg0, %c0_i32 : i32, i32
  }
  func.func @transform_13(%arg0: i32) -> (i32, i32) {
    %c0_i32 = arith.constant 0 : i32
    %c0_i32_0 = arith.constant 0 : i32
    return %arg0, %c0_i32 : i32, i32
  }
  func.func @transform_14(%arg0: i32) -> (i32, i32) {
    %c0_i32 = arith.constant 0 : i32
    %c0_i32_0 = arith.constant 0 : i32
    %c0_i32_1 = arith.constant 0 : i32
    return %c0_i32, %c0_i32_0 : i32, i32
  }
}

module attributes {stable_mosaic.version = 14 : i64} {
  func.func @_post_body(%arg0: i32, %arg1: memref<1000x64xf32, #tpu.memory_space<vmem>>, %arg2: memref<1000x64xf32, #tpu.memory_space<vmem>>, %arg3: memref<1000x64xf32, #tpu.memory_space<vmem>>, %arg4: memref<1000x64xf32, #tpu.memory_space<vmem>>, %arg5: memref<1000x64xf32, #tpu.memory_space<vmem>>, %arg6: memref<1000x64xf32, #tpu.memory_space<vmem>>, %arg7: memref<1000x1xf32, #tpu.memory_space<vmem>>, %arg8: memref<1000x1xf32, #tpu.memory_space<vmem>>, %arg9: memref<128xf32, #tpu.memory_space<vmem>>, %arg10: memref<128xf32, #tpu.memory_space<vmem>>, %arg11: memref<1000x1xi32, #tpu.memory_space<vmem>>, %arg12: memref<1000x128xf32, #tpu.memory_space<vmem>>, %arg13: memref<64x128xf32, #tpu.memory_space<vmem>>) attributes {dimension_semantics = [#tpu.dimension_semantics<arbitrary>], iteration_bounds = array<i64: 10>, scalar_prefetch = 0 : i64, scratch_operands = 0 : i64, tpu.core_type = #tpu.core_type<tc>, window_params = [{transform_indices = @transform_0, window_bounds = array<i64: 1000, 64>}, {transform_indices = @transform_1, window_bounds = array<i64: 1000, 64>}, {transform_indices = @transform_2, window_bounds = array<i64: 1000, 64>}, {transform_indices = @transform_3, window_bounds = array<i64: 1000, 64>}, {transform_indices = @transform_4, window_bounds = array<i64: 1000, 64>}, {transform_indices = @transform_5, window_bounds = array<i64: 1000, 64>}, {transform_indices = @transform_6, window_bounds = array<i64: 1000, 1>}, {transform_indices = @transform_7, window_bounds = array<i64: 1000, 1>}, {pipeline_mode = #tpu.pipeline_mode<synchronous>, transform_indices = @transform_8, window_bounds = array<i64: 128>}, {pipeline_mode = #tpu.pipeline_mode<synchronous>, transform_indices = @transform_9, window_bounds = array<i64: 128>}, {transform_indices = @transform_10, window_bounds = array<i64: 1000, 1>}, {transform_indices = @transform_11, window_bounds = array<i64: 1000, 128>}, {pipeline_mode = #tpu.pipeline_mode<synchronous>, transform_indices = @transform_12, window_bounds = array<i64: 64, 128>}]} {
    %get3A = arith.constant 0 : index
    %get3A_0 = arith.constant 0 : index
    %get3A_1 = vector.load %arg7[%get3A, %get3A_0] : memref<1000x1xf32, #tpu.memory_space<vmem>>, vector<1000x1xf32>
    %get3A_2 = arith.constant 0 : index
    %get3A_3 = arith.constant 0 : index
    %get3A_4 = vector.load %arg8[%get3A_2, %get3A_3] : memref<1000x1xf32, #tpu.memory_space<vmem>>, vector<1000x1xf32>
    %add3A = arith.addf %get3A_1, %get3A_4 : vector<1000x1xf32>
    %add3A_5 = arith.constant 1.000000e+00 : f32
    %add3A_6 = vector.broadcast %add3A_5 : f32 to vector<1000x1xf32>
    %add3A_7 = arith.addf %add3A, %add3A_6 : vector<1000x1xf32>
    %rsqrt3A = math.rsqrt %add3A_7 : vector<1000x1xf32>
    %get3A_8 = arith.constant 0 : index
    %get3A_9 = arith.constant 0 : index
    %get3A_10 = vector.load %arg1[%get3A_8, %get3A_9] : memref<1000x64xf32, #tpu.memory_space<vmem>>, vector<1000x64xf32>
    %get3A_11 = arith.constant 0 : index
    %get3A_12 = arith.constant 0 : index
    %get3A_13 = vector.load %arg3[%get3A_11, %get3A_12] : memref<1000x64xf32, #tpu.memory_space<vmem>>, vector<1000x64xf32>
    %add3A_14 = arith.addf %get3A_10, %get3A_13 : vector<1000x64xf32>
    %get3A_15 = arith.constant 0 : index
    %get3A_16 = arith.constant 0 : index
    %get3A_17 = vector.load %arg5[%get3A_15, %get3A_16] : memref<1000x64xf32, #tpu.memory_space<vmem>>, vector<1000x64xf32>
    %add3A_18 = arith.addf %add3A_14, %get3A_17 : vector<1000x64xf32>
    %get3A_19 = arith.constant 0 : index
    %get3A_20 = arith.constant 0 : index
    %get3A_21 = vector.load %arg2[%get3A_19, %get3A_20] : memref<1000x64xf32, #tpu.memory_space<vmem>>, vector<1000x64xf32>
    %get3A_22 = arith.constant 0 : index
    %get3A_23 = arith.constant 0 : index
    %get3A_24 = vector.load %arg4[%get3A_22, %get3A_23] : memref<1000x64xf32, #tpu.memory_space<vmem>>, vector<1000x64xf32>
    %add3A_25 = arith.addf %get3A_21, %get3A_24 : vector<1000x64xf32>
    %get3A_26 = arith.constant 0 : index
    %get3A_27 = arith.constant 0 : index
    %get3A_28 = vector.load %arg6[%get3A_26, %get3A_27] : memref<1000x64xf32, #tpu.memory_space<vmem>>, vector<1000x64xf32>
    %add3A_29 = arith.addf %add3A_25, %get3A_28 : vector<1000x64xf32>
    %concatenate3A = tpu.concatenate %add3A_18, %add3A_29 in 1 : vector<1000x64xf32>, vector<1000x64xf32> -> vector<1000x128xf32>
    %mul3A = vector.broadcast %rsqrt3A : vector<1000x1xf32> to vector<1000x128xf32>
    %mul3A_30 = arith.mulf %mul3A, %concatenate3A : vector<1000x128xf32>
    %get3A_31 = arith.constant 0 : index
    %get3A_32 = vector.load %arg9[%get3A_31] : memref<128xf32, #tpu.memory_space<vmem>>, vector<128xf32>
    %broadcast_in_dim3A = vector.shape_cast %get3A_32 : vector<128xf32> to vector<1x128xf32>
    %add3A_33 = vector.broadcast %broadcast_in_dim3A : vector<1x128xf32> to vector<1000x128xf32>
    %add3A_34 = arith.addf %mul3A_30, %add3A_33 : vector<1000x128xf32>
    %ge3A = arith.constant 0.000000e+00 : f32
    %ge3A_35 = vector.broadcast %ge3A : f32 to vector<1000x128xf32>
    %ge3A_36 = arith.cmpf oge, %add3A_34, %ge3A_35 : vector<1000x128xf32>
    %get3A_37 = arith.constant 0 : index
    %get3A_38 = vector.load %arg10[%get3A_37] : memref<128xf32, #tpu.memory_space<vmem>>, vector<128xf32>
    %broadcast_in_dim3A_39 = vector.shape_cast %get3A_38 : vector<128xf32> to vector<1x128xf32>
    %mul3A_40 = vector.broadcast %broadcast_in_dim3A_39 : vector<1x128xf32> to vector<1000x128xf32>
    %mul3A_41 = arith.mulf %mul3A_40, %add3A_34 : vector<1000x128xf32>
    %select_n3A = arith.select %ge3A_36, %add3A_34, %mul3A_41 : vector<1000x128xi1>, vector<1000x128xf32>
    %swap3A = arith.constant 0 : index
    %swap3A_42 = arith.constant 0 : index
    %swap3A_43 = vector.load %arg12[%swap3A, %swap3A_42] : memref<1000x128xf32, #tpu.memory_space<vmem>>, vector<1000x128xf32>
    tpu.vector_store %arg12[%swap3A, %swap3A_42], %select_n3A {strides = array<i32>} : memref<1000x128xf32, #tpu.memory_space<vmem>>, vector<1000x128xf32>,
    %get3A_44 = arith.constant 0 : index
    %get3A_45 = arith.constant 0 : index
    %get3A_46 = vector.load %arg11[%get3A_44, %get3A_45] : memref<1000x1xi32, #tpu.memory_space<vmem>>, vector<1000x1xi32>
    %iota3A = tpu.iota {dimensions = array<i32: 1>} : vector<1000x64xi32>
    %eq3A = vector.broadcast %get3A_46 : vector<1000x1xi32> to vector<1000x64xi32>
    %eq3A_47 = arith.cmpi eq, %eq3A, %iota3A : vector<1000x64xi32>
    %convert_element_type3A = arith.extui %eq3A_47 : vector<1000x64xi1> to vector<1000x64xi32>
    %convert_element_type3A_48 = arith.sitofp %convert_element_type3A : vector<1000x64xi32> to vector<1000x64xf32>
    %dot_general3A = arith.constant dense<0.000000e+00> : vector<64x128xf32>
    %dot_general3A_49 = tpu.matmul %convert_element_type3A_48, %select_n3A, %dot_general3A {dimension_numbers = #tpu.dot_dimension_numbers<[0], [0], [1], [1], [0, 1, 1, 1], [], []>, transpose_lhs_hint = false} : vector<1000x64xf32>, vector<1000x128xf32>, vector<64x128xf32> -> vector<64x128xf32>
    %eq3A_50 = arith.constant 0 : i32
    %eq3A_51 = arith.cmpi eq, %arg0, %eq3A_50 : i32
    %convert_element_type3A_52 = arith.extui %eq3A_51 : i1 to i32
    %cond3A = arith.constant 0 : i32
    %cond3A_53 = arith.cmpi ne, %convert_element_type3A_52, %cond3A : i32
    scf.if %cond3A_53 {
      %broadcast_in_dim3A_61 = arith.constant 0.000000e+00 : f32
      %broadcast_in_dim3A_62 = vector.broadcast %broadcast_in_dim3A_61 : f32 to vector<64x128xf32>
      %swap3A_63 = arith.constant 0 : index
      %swap3A_64 = arith.constant 0 : index
      %swap3A_65 = vector.load %arg13[%swap3A_63, %swap3A_64] : memref<64x128xf32, #tpu.memory_space<vmem>>, vector<64x128xf32>
      tpu.vector_store %arg13[%swap3A_63, %swap3A_64], %broadcast_in_dim3A_62 {strides = array<i32>} : memref<64x128xf32, #tpu.memory_space<vmem>>, vector<64x128xf32>,
    } else {
    }
    %get3A_54 = arith.constant 0 : index
    %get3A_55 = arith.constant 0 : index
    %get3A_56 = vector.load %arg13[%get3A_54, %get3A_55] : memref<64x128xf32, #tpu.memory_space<vmem>>, vector<64x128xf32>
    %add3A_57 = arith.addf %get3A_56, %dot_general3A_49 : vector<64x128xf32>
    %swap3A_58 = arith.constant 0 : index
    %swap3A_59 = arith.constant 0 : index
    %swap3A_60 = vector.load %arg13[%swap3A_58, %swap3A_59] : memref<64x128xf32, #tpu.memory_space<vmem>>, vector<64x128xf32>
    tpu.vector_store %arg13[%swap3A_58, %swap3A_59], %add3A_57 {strides = array<i32>} : memref<64x128xf32, #tpu.memory_space<vmem>>, vector<64x128xf32>,
    return
  }
  func.func @transform_0(%arg0: i32) -> (i32, i32) {
    %c0_i32 = arith.constant 0 : i32
    %c0_i32_0 = arith.constant 0 : i32
    return %arg0, %c0_i32 : i32, i32
  }
  func.func @transform_1(%arg0: i32) -> (i32, i32) {
    %c0_i32 = arith.constant 0 : i32
    %c0_i32_0 = arith.constant 0 : i32
    return %arg0, %c0_i32 : i32, i32
  }
  func.func @transform_2(%arg0: i32) -> (i32, i32) {
    %c0_i32 = arith.constant 0 : i32
    %c0_i32_0 = arith.constant 0 : i32
    return %arg0, %c0_i32 : i32, i32
  }
  func.func @transform_3(%arg0: i32) -> (i32, i32) {
    %c0_i32 = arith.constant 0 : i32
    %c0_i32_0 = arith.constant 0 : i32
    return %arg0, %c0_i32 : i32, i32
  }
  func.func @transform_4(%arg0: i32) -> (i32, i32) {
    %c0_i32 = arith.constant 0 : i32
    %c0_i32_0 = arith.constant 0 : i32
    return %arg0, %c0_i32 : i32, i32
  }
  func.func @transform_5(%arg0: i32) -> (i32, i32) {
    %c0_i32 = arith.constant 0 : i32
    %c0_i32_0 = arith.constant 0 : i32
    return %arg0, %c0_i32 : i32, i32
  }
  func.func @transform_6(%arg0: i32) -> (i32, i32) {
    %c0_i32 = arith.constant 0 : i32
    %c0_i32_0 = arith.constant 0 : i32
    return %arg0, %c0_i32 : i32, i32
  }
  func.func @transform_7(%arg0: i32) -> (i32, i32) {
    %c0_i32 = arith.constant 0 : i32
    %c0_i32_0 = arith.constant 0 : i32
    return %arg0, %c0_i32 : i32, i32
  }
  func.func @transform_8(%arg0: i32) -> i32 {
    %c0_i32 = arith.constant 0 : i32
    %c0_i32_0 = arith.constant 0 : i32
    return %c0_i32 : i32
  }
  func.func @transform_9(%arg0: i32) -> i32 {
    %c0_i32 = arith.constant 0 : i32
    %c0_i32_0 = arith.constant 0 : i32
    return %c0_i32 : i32
  }
  func.func @transform_10(%arg0: i32) -> (i32, i32) {
    %c0_i32 = arith.constant 0 : i32
    %c0_i32_0 = arith.constant 0 : i32
    return %arg0, %c0_i32 : i32, i32
  }
  func.func @transform_11(%arg0: i32) -> (i32, i32) {
    %c0_i32 = arith.constant 0 : i32
    %c0_i32_0 = arith.constant 0 : i32
    return %arg0, %c0_i32 : i32, i32
  }
  func.func @transform_12(%arg0: i32) -> (i32, i32) {
    %c0_i32 = arith.constant 0 : i32
    %c0_i32_0 = arith.constant 0 : i32
    %c0_i32_1 = arith.constant 0 : i32
    return %c0_i32, %c0_i32_0 : i32, i32
  }
}

</mosaic_0001>

<sc_bundles>
// kernel: kernel.11.cloned.1.call-start
scs
__scs_entry_jumppad:
0x0: {  	(pc) =	sbr.rel $0x88, $3  }
0x1: {  	(tag) =	ssettag $0x0;
	lr =	simm.s32 $0x1  }
0x2: {  	[smem:$0x3F99] =	sst lr;
	_ =	strace $0xD0000000  }
0x3: {  	_ = 	snop  }
0x4: {  	_ = 	snop  }
0x5: {  	_ = 	snop  }
0x6: {  	_ = 	snop  }
0x7: {  	_ = 	snop  }
__scs_overlays_trampoline_lowered:
0x8: {  	[smem:$0x3FA8] =	sst s0  }
0x9: {  	[smem:$0x3FA9] =	sst s1  }
0xa: {  	[smem:$0x3FAA] =	sst s2  }
0xb: {  	[smem:$0x3FAB] =	sst s3  }
0xc: {  	[smem:$0x3FAC] =	sst s4  }
0xd: {  	[smem:$0x3FAD] =	sst s5  }
0xe: {  	[smem:$0x3FAE] =	sst s6  }
0xf: {  	[smem:$0x3FAF] =	sst s7  }
0x10: {  	[smem:$0x3FB0] =	sst s8  }
0x11: {  	[smem:$0x3FB1] =	sst s9;
	s0 =	simm.s32 @!p0 $0x0  }
0x12: {  	s1 =	sld [smem:$0x3F97];
	s0 =	simm.s32 @p0 $0x1  }
0x13: {  	[smem:$0x3FB2] =	sst s0;
	s0 =	simm.s32 @!p1 $0x0  }
0x14: {  	s2 =	sld [smem:$0x3F96];
	s0 =	simm.s32 @p1 $0x1  }
0x15: {  	[smem:$0x3FB3] =	sst s0;
	s0 =	simm.s32 @!p2 $0x0  }
0x16: {  	s3 =	sld [smem:$0x3FDB];
	s0 =	simm.s32 @p2 $0x1  }
0x17: {  	s4 =	simm.s32 $0x1BF5;
	[smem:$0x3FB5] =	sst s0  }
0x18: {  	s0 =	sld [smem:$0x3F98];
	_ =	swait.ge [sflag:s4], $0x0  }
0x19: {  	s7 =	sld [smem:$0x3F99]  }
0x1a: {  	s8 =	sadd.s32 $0xFFFFE003, lr  }
0x1b: {  	s9 =	sadd.s32 $0xFFFFFEF7, lr;
	s5 =	simm.s32 $0xFFFFFFFF;
	p2 =	slt.u32 s8, $0xFFFFF086  }
0x1c: {  	p1 =	slt.u32 s9, $0xF7A;
	s5 =	simm.s32 @!p2 $0x0  }
0x1d: {  	s5 =	simm.s32 @p1 $0x1;
	p0 =	seq.s32 s7, s2  }
0x1e: {  	s7 =	smul.u32 @!p0 $0xF7A, s2;
	p2 =	seq.s32 @!p0 s5, $0x0  }
0x1f: {  	s9 =	smul.u32 $0xF7A, s1;
	s8 =	simm.s32 @!p0 $0x1BF5;
	p2 =	por !p2, p0  }
0x20: {  	[sflag:s8] =	ssyncset.s32 @!p0 $0xFFFFF086;
	s6 =	sadd.s32 @!p0 s3, s7;
	s7 =	simm.s32 @!p0 $0x108  }
0x21: {  	s3 =	sadd.s32 s3, s9;
	s6 =	sadd.s32 @!p0 $0x88, s6;
	s7 =	simm.s32 @p2 $0x1082  }
0x22: {  	[simem:s7], [sflag:s8] =	dma.local @!p0 [hbm:s6], $0xF7A  }
0x23: {  	s9 =	sor.u32 $0xD0000000, s2;
	s6 =	simm.s32 $0x108;
	_ =	swait.ge @!p0 [sflag:s8], $0x0  }
0x24: {  	s3 =	sadd.s32 $0x88, s3;
	s6 =	simm.s32 @!p1 $0x1082;
	[sflag:s4] =	ssyncset.s32 $0xFFFFF086  }
0x25: {  	[simem:s6], [sflag:s4] =	dma.local [hbm:s3], $0xF7A  }
0x26: {  	[smem:$0x3F99] =	sst s1;
	(tag) =	ssettag s2;
	_ =	strace s9  }
0x27: {  	s1 =	sld [smem:$0x3FA9]  }
0x28: {  	s2 =	sld [smem:$0x3FAA]  }
0x29: {  	s4 =	sld [smem:$0x3FAC]  }
0x2a: {  	p0 =	seq.s32 s5, $0x0;
	s5 =	sld [smem:$0x3FAD]  }
0x2b: {  	s6 =	sld [smem:$0x3FAE]  }
0x2c: {  	s7 =	sld [smem:$0x3FAF]  }
0x2d: {  	s3 =	simm.s32 $0x108;
	s8 =	sld [smem:$0x3FB0]  }
0x2e: {  	s3 =	simm.s32 @!p0 $0x1082;
	s9 =	sld [smem:$0x3FB1]  }
0x2f: {  	lr =	sadd.s32 s0, s3;
	s0 =	sld [smem:$0x3FA8]  }
0x30: {  	s3 =	sld [smem:$0x3FAB]  }
0x31: {  	[smem:$0x3FB4] =	sst s10  }
0x32: {  	s10 =	sld [smem:$0x3FB2];
	_ =	sdelay $0x3  }
0x33: {  	p0 =	seq.s32 s10, $0x1;
	s10 =	sld [smem:$0x3FB4];
	_ =	sdelay $0x3  }
0x34: {  	[smem:$0x3FB4] =	sst s10  }
0x35: {  	s10 =	sld [smem:$0x3FB3];
	_ =	sdelay $0x3  }
0x36: {  	p1 =	seq.s32 s10, $0x1;
	s10 =	sld [smem:$0x3FB4];
	_ =	sdelay $0x3  }
0x37: {  	[smem:$0x3FB4] =	sst s10  }
0x38: {  	s10 =	sld [smem:$0x3FB5]  }
0x39: {  	_ = 	snop;
	(pc) =	sbr.ind lr, $3  }
0x3a: {  	_ = 	snop  }
0x3b: {  	_ = 	snop  }
0x3c: {  	p2 =	seq.s32 s10, $0x1;
	s10 =	sld [smem:$0x3FB4]  }
0x3d: {  	_ =	shalt  }
0x3e: {  	_ =	shalt  }
0x3f: {  	_ =	shalt  }
0x40: {  	_ =	shalt  }
0x41: {  	_ =	shalt  }
0x42: {  	_ =	shalt  }
0x43: {  	_ =	shalt  }
0x44: {  	_ =	shalt  }
0x45: {  	_ =	shalt  }
0x46: {  	_ =	shalt  }
0x47: {  	_ =	shalt  }
0x48: {  	_ =	shalt  }
0x49: {  	_ =	shalt  }
0x4a: {  	_ =	shalt  }
0x4b: {  	_ =	shalt  }
0x4c: {  	_ =	shalt  }
0x4d: {  	_ =	shalt  }
0x4e: {  	_ =	shalt  }
0x4f: {  	_ =	shalt  }
0x50: {  	_ =	shalt  }
0x51: {  	_ =	shalt  }
0x52: {  	_ =	shalt  }
0x53: {  	_ =	shalt  }
0x54: {  	_ =	shalt  }
0x55: {  	_ =	shalt  }
0x56: {  	_ =	shalt  }
0x57: {  	_ =	shalt  }
0x58: {  	_ =	shalt  }
0x59: {  	_ =	shalt  }
0x5a: {  	_ =	shalt  }
0x5b: {  	_ =	shalt  }
0x5c: {  	_ =	shalt  }
0x5d: {  	_ =	shalt  }
0x5e: {  	_ =	shalt  }
0x5f: {  	_ =	shalt  }
0x60: {  	_ =	shalt  }
0x61: {  	_ =	shalt  }
0x62: {  	_ =	shalt  }
0x63: {  	_ =	shalt  }
0x64: {  	_ =	shalt  }
0x65: {  	_ =	shalt  }
0x66: {  	_ =	shalt  }
0x67: {  	_ =	shalt  }
0x68: {  	_ =	shalt  }
0x69: {  	_ =	shalt  }
0x6a: {  	_ =	shalt  }
0x6b: {  	_ =	shalt  }
0x6c: {  	_ =	shalt  }
0x6d: {  	_ =	shalt  }
0x6e: {  	_ =	shalt  }
0x6f: {  	_ =	shalt  }
0x70: {  	_ =	shalt  }
0x71: {  	_ =	shalt  }
0x72: {  	_ =	shalt  }
0x73: {  	_ =	shalt  }
0x74: {  	_ =	shalt  }
0x75: {  	_ =	shalt  }
0x76: {  	_ =	shalt  }
0x77: {  	_ =	shalt  }
0x78: {  	_ =	shalt  }
0x79: {  	_ =	shalt  }
0x7a: {  	_ =	shalt  }
0x7b: {  	_ =	shalt  }
0x7c: {  	_ =	shalt  }
0x7d: {  	_ =	shalt  }
0x7e: {  	_ =	shalt  }
0x7f: {  	_ =	shalt  }
0x80: {  	_ =	shalt  }
0x81: {  	_ =	shalt  }
0x82: {  	_ =	shalt  }
0x83: {  	_ =	shalt  }
0x84: {  	_ =	shalt  }
0x85: {  	_ =	shalt  }
0x86: {  	_ =	shalt  }
0x87: {  	_ =	shalt  }
.Lfunc_end0:
.L_simem_size_0:
called_computation.1_lowered:
.L_overlay_start_0:
0x88: {  	s2 =	sld [smem:$0x3FD9]  }
0x89: {  	s3 =	sld [smem:$0x3FFE];
	_ =	sdelay $0x1  }
0x8a: {  	s1 =	srdreg.scid  }
0x8b: {  	s0 =	sand.u32 $0x1, s1  }
0x8c: {  	s14 =	sshll.u32 s0, $0xA;
	s2 =	sadd.s32 s3, s2  }
0x8d: {  	s2 =	sadd.s32 s2, s14  }
0x8e: {  	[smem:$0x3FC0] =	sst s2  }
0x8f: {  	_ = 	snop  }
0x90: {  	s2 =	sld [smem:$0x3FD0];
	_ =	sdelay $0x2  }
0x91: {  	s15 =	simm.s32 $0xA;
	s4 =	simm.s32 $0x10  }
0x92: {  	[smem:s4], [sflag:s15] =	dma.local [hbm:s2], $0x1  }
0x93: {  	_ =	swait.eq [sflag:s15], $0x1  }
0x94: {  	[sflag:s15] =	ssyncset.done $0x0  }
0x95: {  	[sflag:s15] =	ssyncadd.s32 $0xFFFFFFFF  }
0x96: {  	s16 =	sld [smem:$0x11];
	(tm) =	ssettm $0x1  }
0x97: {  	s17 =	sld [smem:$0x3FFB];
	_ =	sdelay $0x3  }
0x98: {  	_ =	strace s17  }
0x99: {  	s3 =	sld [smem:$0x3FFC];
	_ =	sdelay $0x3  }
0x9a: {  	_ =	strace s3  }
0x9b: {  	s3 =	sld [smem:$0x3FFD];
	_ =	sdelay $0x3  }
0x9c: {  	_ =	strace s3  }
0x9d: {  	_ =	strace $0x8FFFFFFF  }
0x9e: {  	s18 =	sld [smem:$0x3FDB];
	_ =	sdelay $0x1  }
0x9f: {  	s19 =	simm.s32 $_scs_section_size  }
0xa0: {  	s5 =	simm.s32 $_size__tile_overlayer_lowered;
	s6 =	simm.s32 $_tile_overlayer_lowered  }
0xa1: {  	s22 =	simm.s32 $0x1BFF;
	s21 =	sshll.u32 s6, $0x1;
	s3 =	sadd.s32 s19, s18  }
0xa2: {  	s7 =	simm.s32 $0x0;
	s20 =	sshll.u32 s5, $0x1;
	s5 =	sadd.s32 s21, s3  }
0xa3: {  	[timem:s7], [sflag:s22] =	dma.local [hbm:s5], s20  }
0xa4: {  	_ =	swait.ge [sflag:s22], s20  }
0xa5: {  	s4 =	ssub.s32 $0x0, s20;
	[sflag:s22] =	ssyncset.done $0x0  }
0xa6: {  	[sflag:s22] =	ssyncadd.s32 s4;
	_ =	sdelay $0x1  }
0xa7: {  	s23 =	simm.s32 $0x1B8B  }
0xa8: {  	_ =	swait.ge [sflag:s23], $0x1  }
0xa9: {  	[sflag:s23] =	ssyncset.done $0x0  }
0xaa: {  	s25 =	simm.s32 $0x1B8E;
	s24 =	sld [smem:$0x3FFE];
	[sflag:s23] =	ssyncadd.s32 $0xFFFFFFFF  }
0xab: {  	s26 =	simm.s32 $execute0_lowered;
	[smem:$0x3FD2] =	sst s25  }
0xac: {  	s5 =	sshll.u32 s26, $0x1;
	_ =	strace $0x80000049;
	[dreg:$0x1] =	wrdreg $0xFFFFFFFF  }
0xad: {  	s28 =	simm.s32 $_size_execute0_lowered;
	s3 =	sadd.s32 s3, s5;
	[dreg:$0x0] =	wrdreg $0x0  }
0xae: {  	s5 =	sshll.u32 s28, $0x1;
	[dreg:$0x2] =	wrdreg s3  }
0xaf: {  	[dreg:$0x3] =	wrdreg s5  }
0xb0: {  	[dreg:$0x4] =	wrdreg $0xC0  }
0xb1: {  	_ =	task [dreg:s7], $0x5FFFF  }
0xb2: {  	[dreg:$0x1] =	wrdreg $0xFFFFFFFF  }
0xb3: {  	[dreg:$0x0] =	wrdreg $0x60  }
0xb4: {  	[dreg:$0x2] =	wrdreg s24  }
0xb5: {  	[dreg:$0x3] =	wrdreg s16  }
0xb6: {  	[dreg:$0x4] =	wrdreg $0xF0000  }
0xb7: {  	[dreg:$0x5] =	wrdreg $0x9  }
0xb8: {  	_ =	task.clear_ibuf [dreg:s7], $0x6FFFF;
	_ =	strace $0x90000049  }
0xb9: {  	s29 =	simm.s32 $0x9;
	_ =	strace $0x8000004B  }
0xba: {  	_ =	swait.ge [sflag:s29], $0x1  }
0xbb: {  	[sflag:s29] =	ssyncadd.s32 $0xFFFFFFFF  }
0xbc: {  	_ =	strace $0x9000004B  }
0xbd: {  	_ =	sfence  }
0xbe: {  	s30 =	sld [smem:$0x0];
	_ =	sdelay $0x2  }
0xbf: {  	s31 =	sshll.u32 s1, $0xD;
	s1 =	sshrl.u32 s1, $0x2  }
0xc0: {  	s3 =	sand.u32 $0x4000, s31;
	s1 =	sadd.s32 s1, s30  }
0xc1: {  	s0 =	sor.u32 s3, s0;
	s1 =	sshll.u32 s1, $0x11  }
0xc2: {  	s0 =	sor.u32 s1, s0  }
0xc3: {  	s0 =	sadd.s32 $0x8F2B, s0  }
0xc4: {  	[sflag:s0] =	ssyncadd.remote.s32 $0x1  }
0xc5: {  	_ =	sfence.sel $0xFFFF  }
0xc6: {  	[dreg:$0x0] =	wrdreg $0xFFFFFFFF;
	(pc) =	sbr.abs _section_cstart, $3  }
0xc7: {  	[dreg:$0x1] =	wrdreg $0xFFFFFFFF  }
0xc8: {  	_ =	task.clear_ibuf [dreg:s7], $0x2FFFF;
	_ =	strace $0x9FFFFFFF  }
0xc9: {  	(tm) =	ssettm $0x7FFFFFFF  }
tec
execute0_lowered:
.L_overlay_start_1:
0x0: {  	(tag) =	ssettag $0x1  }
0x1: {  	s0 =	rddreg [dreg:$0x0]  }
0x2: {  	s2 =	rddreg [dreg:$0x2];
	s1 =	srdreg.scid;
	s4 =	simm.s32 $0x0  }
0x3: {  	s9 =	stileid.u32;
	s28 =	simm.s32 $0x5000;
	s29 =	simm.s32 $0x80  }
0x4: {  	s30 =	simm.s32 $0x7000;
	s31 =	simm.s32 $0xA;
	s1 =	sand.u32 $0x1, s1  }
0x5: {  	[smem:$0x7FF] =	sst s4;
	s5 =	sadd.s32 $0x7B800, s0;
	s6 =	sadd.s32 $0x67E00, s0  }
0x6: {  	s13 =	smul.u32 $0xA000, s9;
	s14 =	sadd.s32 $0xB7200, s0;
	s3 =	sshll.u32 s1, $0x4  }
0x7: {  	_ =	strace $0x8000004A;
	s7 =	ssub.s32 $0x2, s1;
	s1 =	smul.u32 $0xA0000, s1  }
0x8: {  	s3 =	sor.u32 s9, s3;
	s8 =	sshrl.u32 s7, $0x1;
	s9 =	sadd.s32 s13, s2  }
0x9: {  	s18 =	sadd.s32 $0x2000, s13;
	s19 =	sadd.s32 $0x4000, s13;
	s15 =	sadd.s32 $0x6000, s13  }
0xa: {  	s3 =	smul.u32 $0x500, s3;
	s7 =	ssub.s32 s7, s8;
	s10 =	sadd.s32 s18, s2  }
0xb: {  	s11 =	sadd.s32 s19, s2;
	s12 =	sadd.s32 s15, s2;
	s16 =	sadd.s32 s13, s1  }
0xc: {  	s8 =	sadd.s32 s1, s19;
	s15 =	sadd.s32 s1, s15;
	s19 =	simm.s32 $0x7  }
0xd: {  	s16 =	sshrl.u32 s16, $0x3;
	s8 =	sshrl.u32 s8, $0x3;
	s15 =	sshrl.u32 s15, $0x3  }
0xe: {  	s26 =	smax.u32 s7, $0x1;
	s7 =	simm.s32 $0xD000;
	s3 =	sadd.s32 s3, s0  }
0xf: {  	s0 =	sadd.s32 $0x8F200, s0;
	s21 =	sadd.s32 s14, s8;
	[dreg:$0x10] =	wrdreg s26  }
0x10: {  	s22 =	sadd.s32 s14, s15;
	s26 =	simm.s32 $0xB000;
	[dreg:$0x8] =	wrdreg s21  }
0x11: {  	s17 =	sadd.s32 $0xDE00, s3;
	s3 =	sadd.s32 $0x3E00, s3;
	[dreg:$0x9] =	wrdreg s22  }
0x12: {  	s23 =	sadd.s32 s0, s16;
	s24 =	sadd.s32 s0, s8;
	[dreg:$0x4] =	wrdreg s17  }
0x13: {  	s25 =	sadd.s32 s0, s15;
	s8 =	simm.s32 $0x1;
	[dreg:$0x5] =	wrdreg s3  }
0x14: {  	s15 =	simm.s32 $0x3;
	s21 =	simm.s32 $0x9;
	[dreg:$0xb] =	wrdreg s23  }
0x15: {  	s22 =	simm.s32 $0x0;
	s3 =	sadd.s32 s1, s18;
	[dreg:$0xd] =	wrdreg s24  }
0x16: {  	s17 =	sadd.s32 $0x8000, s13;
	s18 =	sadd.s32 s14, s16;
	[dreg:$0xe] =	wrdreg s25  }
0x17: {  	s25 =	simm.s32 $0xB;
	s16 =	simm.s32 $0x4;
	s3 =	sshrl.u32 s3, $0x3  }
0x18: {  	s13 =	sadd.s32 s17, s2;
	[dreg:$0x6] =	wrdreg s18;
	s1 =	sadd.s32 s1, s17  }
0x19: {  	s17 =	simm.s32 $0x5;
	s18 =	simm.s32 $0x6;
	s20 =	sadd.s32 s14, s3  }
0x1a: {  	s1 =	sshrl.u32 s1, $0x3;
	s3 =	sadd.s32 s0, s3;
	[dreg:$0x7] =	wrdreg s20  }
0x1b: {  	s14 =	sadd.s32 s14, s1;
	[dreg:$0xc] =	wrdreg s3;
	s0 =	sadd.s32 s0, s1  }
0x1c: {  	s20 =	simm.s32 $0x8;
	s1 =	simm.s32 $0x4F80;
	[dreg:$0xa] =	wrdreg s14  }
0x1d: {  	[dreg:$0xf] =	wrdreg s0;
	s0 =	simm.s32 $0x9000;
	s14 =	simm.s32 $0x2  }
.LBB2_1:
0x1e: {  	s3 =	rddreg [dreg:$0x4]  }
0x1f: {  	[tilespmem:s4], [sflag:$0xB] =	stream.linear.gather [hbm4b:s3+s4], $0x2800, $0x38;
	[tilespmem:$0x19000] =	vst v63  }
0x20: {  	_ =	swait.ge [sflag:s25], $0x2800  }
0x21: {  	[sflag:s25] =	ssyncset.done $0x0  }
0x22: {  	s23 =	simm.s32 $0x2800;
	s24 =	rddreg [dreg:$0x5];
	[sflag:s25] =	ssyncadd.s32 $0xFFFFD800  }
0x23: {  	[tilespmem:s23], [sflag:$0xB] =	stream.linear.gather [hbm4b:s24+s4], $0x2800, $0x38;
	[tilespmem:$0x19000] =	vst v63  }
0x24: {  	_ =	swait.ge [sflag:s25], $0x2800  }
0x25: {  	[sflag:s25] =	ssyncset.done $0x0  }
0x26: {  	[sflag:s25] =	ssyncadd.s32 $0xFFFFD800  }
0x27: {  	s24 =	rddreg [dreg:$0x1]  }
0x28: {  	[tilespmem:s28], [sflag:$0xB] =	stream.linear.gather [hbm4b:s24+s4], $0x2000, $0x38;
	[tilespmem:$0x19000] =	vst v63  }
0x29: {  	_ =	swait.ge [sflag:s25], $0x2000  }
0x2a: {  	[sflag:s25] =	ssyncset.done $0x0  }
0x2b: {  	[sflag:s25] =	ssyncadd.s32 $0xFFFFE000  }
0x2c: {  	[spmem:s9] =	stream.linear.scatter [tilespmem:s28], [sflag:$0xB], $0x2000, $0x38;
	[tilespmem:$0x19000] =	vst v63  }
0x2d: {  	_ =	swait.ge [sflag:s25], $0x2000  }
0x2e: {  	[sflag:s25] =	ssyncset.done $0x0  }
0x2f: {  	[sflag:s25] =	ssyncadd.s32 $0xFFFFE000  }
0x30: {  	[spmem:s10] =	stream.linear.scatter [tilespmem:s28], [sflag:$0xB], $0x2000, $0x38;
	[tilespmem:$0x19000] =	vst v63  }
0x31: {  	_ =	swait.ge [sflag:s25], $0x2000  }
0x32: {  	[sflag:s25] =	ssyncset.done $0x0  }
0x33: {  	[sflag:s25] =	ssyncadd.s32 $0xFFFFE000  }
0x34: {  	[spmem:s11] =	stream.linear.scatter [tilespmem:s28], [sflag:$0xB], $0x2000, $0x38;
	[tilespmem:$0x19000] =	vst v63  }
0x35: {  	_ =	swait.ge [sflag:s25], $0x2000  }
0x36: {  	[sflag:s25] =	ssyncset.done $0x0  }
0x37: {  	[sflag:s25] =	ssyncadd.s32 $0xFFFFE000  }
0x38: {  	[spmem:s12] =	stream.linear.scatter [tilespmem:s28], [sflag:$0xB], $0x2000, $0x38;
	[tilespmem:$0x19000] =	vst v63  }
0x39: {  	_ =	swait.ge [sflag:s25], $0x2000  }
0x3a: {  	[sflag:s25] =	ssyncset.done $0x0  }
0x3b: {  	[sflag:s25] =	ssyncadd.s32 $0xFFFFE000  }
0x3c: {  	[spmem:s13] =	stream.linear.scatter [tilespmem:s28], [sflag:$0xB], $0x2000, $0x38;
	[tilespmem:$0x19000] =	vst v63  }
0x3d: {  	_ =	swait.ge [sflag:s25], $0x2000  }
0x3e: {  	[sflag:s25] =	ssyncset.done $0x0  }
0x3f: {  	[sflag:s25] =	ssyncadd.s32 $0xFFFFE000  }
0x40: {  	[bflag:$0x0] =	sbarrier.arrive $0xFFFF  }
0x41: {  	[tilespmem:s28], [sflag:$0x1] =	stream.indirect.gather [hbm4b:s5+s29], $0x40, s4, s29, $0xb8;
	[tilespmem:$0x19000] =	vst v63  }
0x42: {  	_ = 	snop  }
0x43: {  	[tilespmem:s30], [sflag:$0x2] =	stream.indirect.gather [hbm4b:s5+s29], $0x40, s29, s29, $0xb8;
	[tilespmem:$0x19000] =	vst v63  }
0x44: {  	s23 =	simm.s32 $0x100  }
0x45: {  	[tilespmem:s0], [sflag:$0x3] =	stream.indirect.gather [hbm4b:s5+s29], $0x40, s23, s29, $0xb8;
	[tilespmem:$0x19000] =	vst v63  }
0x46: {  	s24 =	simm.s32 $0x180  }
0x47: {  	[tilespmem:s26], [sflag:$0x4] =	stream.indirect.gather [hbm4b:s5+s29], $0x40, s24, s29, $0xb8;
	[tilespmem:$0x19000] =	vst v63  }
0x48: {  	s23 =	simm.s32 $0x200  }
0x49: {  	[tilespmem:s7], [sflag:$0x5] =	stream.indirect.gather [hbm4b:s5+s29], $0x40, s23, s29, $0xb8;
	[tilespmem:$0x19000] =	vst v63  }
0x4a: {  	_ =	swait.ge [sflag:s8], $0x2000  }
0x4b: {  	[sflag:s8] =	ssyncset.done $0x0  }
0x4c: {  	s24 =	simm.s32 $0x2800;
	[sflag:s8] =	ssyncadd.s32 $0xFFFFE000  }
0x4d: {  	[spmem:s2] =	stream.indirect.scatter.add.f32 [tilespmem:s28], [sflag:$0x6], $0x40, s24, s29, $0xb8;
	[tilespmem:$0x19000] =	vst v63  }
0x4e: {  	_ =	swait.ge [sflag:s14], $0x2000  }
0x4f: {  	[sflag:s14] =	ssyncset.done $0x0  }
0x50: {  	s23 =	simm.s32 $0x2880;
	[sflag:s14] =	ssyncadd.s32 $0xFFFFE000  }
0x51: {  	[spmem:s2] =	stream.indirect.scatter.add.f32 [tilespmem:s30], [sflag:$0x7], $0x40, s23, s29, $0xb8;
	[tilespmem:$0x19000] =	vst v63  }
0x52: {  	_ =	swait.ge [sflag:s15], $0x2000  }
0x53: {  	[sflag:s15] =	ssyncset.done $0x0  }
0x54: {  	s24 =	simm.s32 $0x2900;
	[sflag:s15] =	ssyncadd.s32 $0xFFFFE000  }
0x55: {  	[spmem:s2] =	stream.indirect.scatter.add.f32 [tilespmem:s0], [sflag:$0x8], $0x40, s24, s29, $0xb8;
	[tilespmem:$0x19000] =	vst v63  }
0x56: {  	_ =	swait.ge [sflag:s16], $0x2000  }
0x57: {  	[sflag:s16] =	ssyncset.done $0x0  }
0x58: {  	s23 =	simm.s32 $0x2980;
	[sflag:s16] =	ssyncadd.s32 $0xFFFFE000  }
0x59: {  	[spmem:s2] =	stream.indirect.scatter.add.f32 [tilespmem:s26], [sflag:$0x9], $0x40, s23, s29, $0xb8;
	[tilespmem:$0x19000] =	vst v63  }
0x5a: {  	_ =	swait.ge [sflag:s17], $0x2000  }
0x5b: {  	[sflag:s17] =	ssyncset.done $0x0  }
0x5c: {  	s24 =	simm.s32 $0x2A00;
	[sflag:s17] =	ssyncadd.s32 $0xFFFFE000  }
0x5d: {  	[spmem:s2] =	stream.indirect.scatter.add.f32 [tilespmem:s7], [sflag:$0xA], $0x40, s24, s29, $0xb8;
	[tilespmem:$0x19000] =	vst v63  }
0x5e: {  	_ =	swait.ge [sflag:s18], $0x2000  }
0x5f: {  	[sflag:s18] =	ssyncset.done $0x0  }
0x60: {  	s23 =	simm.s32 $0x280;
	[sflag:s18] =	ssyncadd.s32 $0xFFFFE000  }
0x61: {  	[tilespmem:s28], [sflag:$0x1] =	stream.indirect.gather [hbm4b:s5+s29], $0x40, s23, s29, $0xb8;
	[tilespmem:$0x19000] =	vst v63  }
0x62: {  	_ =	swait.ge [sflag:s19], $0x2000  }
0x63: {  	[sflag:s19] =	ssyncset.done $0x0  }
0x64: {  	s24 =	simm.s32 $0x300;
	[sflag:s19] =	ssyncadd.s32 $0xFFFFE000  }
0x65: {  	[tilespmem:s30], [sflag:$0x2] =	stream.indirect.gather [hbm4b:s5+s29], $0x40, s24, s29, $0xb8;
	[tilespmem:$0x19000] =	vst v63  }
0x66: {  	_ =	swait.ge [sflag:s20], $0x2000  }
0x67: {  	[sflag:s20] =	ssyncset.done $0x0  }
0x68: {  	s23 =	simm.s32 $0x380;
	[sflag:s20] =	ssyncadd.s32 $0xFFFFE000  }
0x69: {  	[tilespmem:s0], [sflag:$0x3] =	stream.indirect.gather [hbm4b:s5+s29], $0x40, s23, s29, $0xb8;
	[tilespmem:$0x19000] =	vst v63  }
0x6a: {  	_ =	swait.ge [sflag:s21], $0x2000  }
0x6b: {  	[sflag:s21] =	ssyncset.done $0x0  }
0x6c: {  	s24 =	simm.s32 $0x400;
	[sflag:s21] =	ssyncadd.s32 $0xFFFFE000  }
0x6d: {  	[tilespmem:s26], [sflag:$0x4] =	stream.indirect.gather [hbm4b:s5+s29], $0x40, s24, s29, $0xb8;
	[tilespmem:$0x19000] =	vst v63  }
0x6e: {  	_ =	swait.ge [sflag:s31], $0x2000  }
0x6f: {  	[sflag:s31] =	ssyncset.done $0x0  }
0x70: {  	s3 =	simm.s32 $0x480;
	s23 =	simm.s32 $0xA00;
	[sflag:s31] =	ssyncadd.s32 $0xFFFFE000  }
.LBB2_2:
0x71: {  	[tilespmem:s7], [sflag:$0x5] =	stream.indirect.gather [hbm4b:s5+s29], $0x40, s3, s29, $0xb8;
	[tilespmem:$0x19000] =	vst v63  }
0x72: {  	s3 =	smov.u32 s23  }
0x73: {  	p0 =	sne.s32 s23, $0x8C00;
	s23 =	sadd.s32 $0xA00, s23;
	_ =	swait.ge [sflag:s8], $0x2000  }
0x74: {  	s3 =	sshra.s32 s3, $0x2;
	[sflag:s8] =	ssyncset.done $0x0  }
0x75: {  	s24 =	sadd.s32 $0x2800, s3;
	[sflag:s8] =	ssyncadd.s32 $0xFFFFE000  }
0x76: {  	[spmem:s2] =	stream.indirect.scatter.add.f32 [tilespmem:s28], [sflag:$0x6], $0x40, s24, s29, $0xb8;
	[tilespmem:$0x19000] =	vst v63  }
0x77: {  	_ =	swait.ge [sflag:s14], $0x2000  }
0x78: {  	[sflag:s14] =	ssyncset.done $0x0  }
0x79: {  	s24 =	sadd.s32 $0x2880, s3;
	[sflag:s14] =	ssyncadd.s32 $0xFFFFE000  }
0x7a: {  	[spmem:s2] =	stream.indirect.scatter.add.f32 [tilespmem:s30], [sflag:$0x7], $0x40, s24, s29, $0xb8;
	[tilespmem:$0x19000] =	vst v63  }
0x7b: {  	_ =	swait.ge [sflag:s15], $0x2000  }
0x7c: {  	[sflag:s15] =	ssyncset.done $0x0  }
0x7d: {  	s24 =	sadd.s32 $0x2900, s3;
	[sflag:s15] =	ssyncadd.s32 $0xFFFFE000  }
0x7e: {  	[spmem:s2] =	stream.indirect.scatter.add.f32 [tilespmem:s0], [sflag:$0x8], $0x40, s24, s29, $0xb8;
	[tilespmem:$0x19000] =	vst v63  }
0x7f: {  	_ =	swait.ge [sflag:s16], $0x2000  }
0x80: {  	[sflag:s16] =	ssyncset.done $0x0  }
0x81: {  	s24 =	sadd.s32 $0x2980, s3;
	[sflag:s16] =	ssyncadd.s32 $0xFFFFE000  }
0x82: {  	[spmem:s2] =	stream.indirect.scatter.add.f32 [tilespmem:s26], [sflag:$0x9], $0x40, s24, s29, $0xb8;
	[tilespmem:$0x19000] =	vst v63  }
0x83: {  	_ =	swait.ge [sflag:s17], $0x2000  }
0x84: {  	[sflag:s17] =	ssyncset.done $0x0  }
0x85: {  	s24 =	sadd.s32 $0x2A00, s3;
	[sflag:s17] =	ssyncadd.s32 $0xFFFFE000  }
0x86: {  	[spmem:s2] =	stream.indirect.scatter.add.f32 [tilespmem:s7], [sflag:$0xA], $0x40, s24, s29, $0xb8;
	[tilespmem:$0x19000] =	vst v63  }
0x87: {  	_ =	swait.ge [sflag:s18], $0x2000  }
0x88: {  	[sflag:s18] =	ssyncset.done $0x0  }
0x89: {  	s24 =	sadd.s32 $0x280, s3;
	[sflag:s18] =	ssyncadd.s32 $0xFFFFE000  }
0x8a: {  	[tilespmem:s28], [sflag:$0x1] =	stream.indirect.gather [hbm4b:s5+s29], $0x40, s24, s29, $0xb8;
	[tilespmem:$0x19000] =	vst v63  }
0x8b: {  	_ =	swait.ge [sflag:s19], $0x2000  }
0x8c: {  	[sflag:s19] =	ssyncset.done $0x0  }
0x8d: {  	s24 =	sadd.s32 $0x300, s3;
	[sflag:s19] =	ssyncadd.s32 $0xFFFFE000  }
0x8e: {  	[tilespmem:s30], [sflag:$0x2] =	stream.indirect.gather [hbm4b:s5+s29], $0x40, s24, s29, $0xb8;
	[tilespmem:$0x19000] =	vst v63  }
0x8f: {  	_ =	swait.ge [sflag:s20], $0x2000  }
0x90: {  	[sflag:s20] =	ssyncset.done $0x0  }
0x91: {  	s24 =	sadd.s32 $0x380, s3;
	[sflag:s20] =	ssyncadd.s32 $0xFFFFE000  }
0x92: {  	[tilespmem:s0], [sflag:$0x3] =	stream.indirect.gather [hbm4b:s5+s29], $0x40, s24, s29, $0xb8;
	[tilespmem:$0x19000] =	vst v63  }
0x93: {  	_ =	swait.ge [sflag:s21], $0x2000  }
0x94: {  	[sflag:s21] =	ssyncset.done $0x0  }
.Ltmp0:
0x95: {  	s24 =	sadd.s32 $0x400, s3;
	[sflag:s21] =	ssyncadd.s32 $0xFFFFE000;
	(pc) =	sbr.rel @p0 .LBB2_2-.Ltmp0, $4  }
0x96: {  	[tilespmem:s26], [sflag:$0x4] =	stream.indirect.gather [hbm4b:s5+s29], $0x40, s24, s29, $0xb8;
	[tilespmem:$0x19000] =	vst v63  }
0x97: {  	_ =	swait.ge [sflag:s31], $0x2000  }
0x98: {  	[sflag:s31] =	ssyncset.done $0x0  }
0x99: {  	s3 =	sadd.s32 $0x480, s3;
	[sflag:s31] =	ssyncadd.s32 $0xFFFFE000  }
0x9a: {  	[tilespmem:s7], [sflag:$0x5] =	stream.indirect.gather [hbm4b:s5+s29], $0x40, s3, s29, $0xb8;
	[tilespmem:$0x19000] =	vst v63  }
0x9b: {  	_ =	swait.ge [sflag:s8], $0x2000  }
0x9c: {  	[sflag:s8] =	ssyncset.done $0x0  }
0x9d: {  	s24 =	simm.s32 $0x4D80;
	[sflag:s8] =	ssyncadd.s32 $0xFFFFE000  }
0x9e: {  	[spmem:s2] =	stream.indirect.scatter.add.f32 [tilespmem:s28], [sflag:$0x6], $0x40, s24, s29, $0xb8;
	[tilespmem:$0x19000] =	vst v63  }
0x9f: {  	_ =	swait.ge [sflag:s14], $0x2000  }
0xa0: {  	[sflag:s14] =	ssyncset.done $0x0  }
0xa1: {  	s23 =	simm.s32 $0x4E00;
	[sflag:s14] =	ssyncadd.s32 $0xFFFFE000  }
0xa2: {  	[spmem:s2] =	stream.indirect.scatter.add.f32 [tilespmem:s30], [sflag:$0x7], $0x40, s23, s29, $0xb8;
	[tilespmem:$0x19000] =	vst v63  }
0xa3: {  	_ =	swait.ge [sflag:s15], $0x2000  }
0xa4: {  	[sflag:s15] =	ssyncset.done $0x0  }
0xa5: {  	s24 =	simm.s32 $0x4E80;
	[sflag:s15] =	ssyncadd.s32 $0xFFFFE000  }
0xa6: {  	[spmem:s2] =	stream.indirect.scatter.add.f32 [tilespmem:s0], [sflag:$0x8], $0x40, s24, s29, $0xb8;
	[tilespmem:$0x19000] =	vst v63  }
0xa7: {  	_ =	swait.ge [sflag:s16], $0x2000  }
0xa8: {  	[sflag:s16] =	ssyncset.done $0x0  }
0xa9: {  	s23 =	simm.s32 $0x4F00;
	[sflag:s16] =	ssyncadd.s32 $0xFFFFE000  }
0xaa: {  	[spmem:s2] =	stream.indirect.scatter.add.f32 [tilespmem:s26], [sflag:$0x9], $0x40, s23, s29, $0xb8;
	[tilespmem:$0x19000] =	vst v63  }
0xab: {  	_ =	swait.ge [sflag:s17], $0x2000  }
0xac: {  	[sflag:s17] =	ssyncset.done $0x0  }
0xad: {  	[sflag:s17] =	ssyncadd.s32 $0xFFFFE000  }
0xae: {  	[spmem:s2] =	stream.indirect.scatter.add.f32 [tilespmem:s7], [sflag:$0xA], $0x40, s1, s29, $0xb8;
	[tilespmem:$0x19000] =	vst v63  }
0xaf: {  	_ =	swait.ge [sflag:s18], $0x2000  }
0xb0: {  	[sflag:s18] =	ssyncset.done $0x0  }
0xb1: {  	[sflag:s18] =	ssyncadd.s32 $0xFFFFE000  }
0xb2: {  	_ =	swait.ge [sflag:s19], $0x2000  }
0xb3: {  	[sflag:s19] =	ssyncset.done $0x0  }
0xb4: {  	[sflag:s19] =	ssyncadd.s32 $0xFFFFE000  }
0xb5: {  	_ =	swait.ge [sflag:s20], $0x2000  }
0xb6: {  	[sflag:s20] =	ssyncset.done $0x0  }
0xb7: {  	[sflag:s20] =	ssyncadd.s32 $0xFFFFE000  }
0xb8: {  	_ =	swait.ge [sflag:s21], $0x2000  }
0xb9: {  	[sflag:s21] =	ssyncset.done $0x0  }
0xba: {  	[sflag:s21] =	ssyncadd.s32 $0xFFFFE000  }
0xbb: {  	_ =	swait.ge [sflag:s31], $0x2000  }
0xbc: {  	[sflag:s31] =	ssyncset.done $0x0  }
0xbd: {  	[sflag:s31] =	ssyncadd.s32 $0xFFFFE000  }
0xbe: {  	[bflag:$0x0] =	sbarrier.arrive $0xFFFF  }
0xbf: {  	[tilespmem:s28], [sflag:$0xB] =	stream.linear.gather [spmem:s9], $0x2000, $0x38;
	[tilespmem:$0x19000] =	vst v63  }
0xc0: {  	_ =	swait.ge [sflag:s25], $0x2000  }
0xc1: {  	[sflag:s25] =	ssyncset.done $0x0  }
0xc2: {  	s3 =	simm.s32 $0x0;
	s23 =	rddreg [dreg:$0x6];
	[sflag:s25] =	ssyncadd.s32 $0xFFFFE000  }
0xc3: {  	[hbm4b:s23+s3] =	stream.linear.scatter [tilespmem:s28], [sflag:$0xB], $0x2000, $0x38;
	[tilespmem:$0x19000] =	vst v63  }
0xc4: {  	_ =	swait.ge [sflag:s25], $0x2000  }
0xc5: {  	[sflag:s25] =	ssyncset.done $0x0  }
0xc6: {  	[sflag:s25] =	ssyncadd.s32 $0xFFFFE000  }
0xc7: {  	[tilespmem:s28], [sflag:$0xB] =	stream.linear.gather [spmem:s10], $0x2000, $0x38;
	[tilespmem:$0x19000] =	vst v63  }
0xc8: {  	_ =	swait.ge [sflag:s25], $0x2000  }
0xc9: {  	[sflag:s25] =	ssyncset.done $0x0  }
0xca: {  	s24 =	rddreg [dreg:$0x7];
	[sflag:s25] =	ssyncadd.s32 $0xFFFFE000  }
0xcb: {  	[hbm4b:s24+s3] =	stream.linear.scatter [tilespmem:s28], [sflag:$0xB], $0x2000, $0x38;
	[tilespmem:$0x19000] =	vst v63  }
0xcc: {  	_ =	swait.ge [sflag:s25], $0x2000  }
0xcd: {  	[sflag:s25] =	ssyncset.done $0x0  }
0xce: {  	[sflag:s25] =	ssyncadd.s32 $0xFFFFE000  }
0xcf: {  	[tilespmem:s28], [sflag:$0xB] =	stream.linear.gather [spmem:s11], $0x2000, $0x38;
	[tilespmem:$0x19000] =	vst v63  }
0xd0: {  	_ =	swait.ge [sflag:s25], $0x2000  }
0xd1: {  	[sflag:s25] =	ssyncset.done $0x0  }
0xd2: {  	s24 =	rddreg [dreg:$0x8];
	[sflag:s25] =	ssyncadd.s32 $0xFFFFE000  }
0xd3: {  	[hbm4b:s24+s3] =	stream.linear.scatter [tilespmem:s28], [sflag:$0xB], $0x2000, $0x38;
	[tilespmem:$0x19000] =	vst v63  }
0xd4: {  	_ =	swait.ge [sflag:s25], $0x2000  }
0xd5: {  	[sflag:s25] =	ssyncset.done $0x0  }
0xd6: {  	[sflag:s25] =	ssyncadd.s32 $0xFFFFE000  }
0xd7: {  	[tilespmem:s28], [sflag:$0xB] =	stream.linear.gather [spmem:s12], $0x2000, $0x38;
	[tilespmem:$0x19000] =	vst v63  }
0xd8: {  	_ =	swait.ge [sflag:s25], $0x2000  }
0xd9: {  	[sflag:s25] =	ssyncset.done $0x0  }
0xda: {  	s24 =	rddreg [dreg:$0x9];
	[sflag:s25] =	ssyncadd.s32 $0xFFFFE000  }
0xdb: {  	[hbm4b:s24+s3] =	stream.linear.scatter [tilespmem:s28], [sflag:$0xB], $0x2000, $0x38;
	[tilespmem:$0x19000] =	vst v63  }
0xdc: {  	_ =	swait.ge [sflag:s25], $0x2000  }
0xdd: {  	[sflag:s25] =	ssyncset.done $0x0  }
0xde: {  	[sflag:s25] =	ssyncadd.s32 $0xFFFFE000  }
0xdf: {  	[tilespmem:s28], [sflag:$0xB] =	stream.linear.gather [spmem:s13], $0x2000, $0x38;
	[tilespmem:$0x19000] =	vst v63  }
0xe0: {  	_ =	swait.ge [sflag:s25], $0x2000  }
0xe1: {  	[sflag:s25] =	ssyncset.done $0x0  }
0xe2: {  	s24 =	rddreg [dreg:$0xa];
	[sflag:s25] =	ssyncadd.s32 $0xFFFFE000  }
0xe3: {  	[hbm4b:s24+s3] =	stream.linear.scatter [tilespmem:s28], [sflag:$0xB], $0x2000, $0x38;
	[tilespmem:$0x19000] =	vst v63  }
0xe4: {  	_ =	swait.ge [sflag:s25], $0x2000  }
0xe5: {  	[sflag:s25] =	ssyncset.done $0x0  }
0xe6: {  	[sflag:s25] =	ssyncadd.s32 $0xFFFFE000  }
0xe7: {  	s24 =	rddreg [dreg:$0x1]  }
0xe8: {  	[tilespmem:s28], [sflag:$0xB] =	stream.linear.gather [hbm4b:s24+s3], $0x2000, $0x38;
	[tilespmem:$0x19000] =	vst v63  }
0xe9: {  	_ =	swait.ge [sflag:s25], $0x2000  }
0xea: {  	[sflag:s25] =	ssyncset.done $0x0  }
0xeb: {  	[sflag:s25] =	ssyncadd.s32 $0xFFFFE000  }
0xec: {  	[spmem:s9] =	stream.linear.scatter [tilespmem:s28], [sflag:$0xB], $0x2000, $0x38;
	[tilespmem:$0x19000] =	vst v63  }
0xed: {  	_ =	swait.ge [sflag:s25], $0x2000  }
0xee: {  	[sflag:s25] =	ssyncset.done $0x0  }
0xef: {  	[sflag:s25] =	ssyncadd.s32 $0xFFFFE000  }
0xf0: {  	[spmem:s10] =	stream.linear.scatter [tilespmem:s28], [sflag:$0xB], $0x2000, $0x38;
	[tilespmem:$0x19000] =	vst v63  }
0xf1: {  	_ =	swait.ge [sflag:s25], $0x2000  }
0xf2: {  	[sflag:s25] =	ssyncset.done $0x0  }
0xf3: {  	[sflag:s25] =	ssyncadd.s32 $0xFFFFE000  }
0xf4: {  	[spmem:s11] =	stream.linear.scatter [tilespmem:s28], [sflag:$0xB], $0x2000, $0x38;
	[tilespmem:$0x19000] =	vst v63  }
0xf5: {  	_ =	swait.ge [sflag:s25], $0x2000  }
0xf6: {  	[sflag:s25] =	ssyncset.done $0x0  }
0xf7: {  	[sflag:s25] =	ssyncadd.s32 $0xFFFFE000  }
0xf8: {  	[spmem:s12] =	stream.linear.scatter [tilespmem:s28], [sflag:$0xB], $0x2000, $0x38;
	[tilespmem:$0x19000] =	vst v63  }
0xf9: {  	_ =	swait.ge [sflag:s25], $0x2000  }
0xfa: {  	[sflag:s25] =	ssyncset.done $0x0  }
0xfb: {  	[sflag:s25] =	ssyncadd.s32 $0xFFFFE000  }
0xfc: {  	[spmem:s13] =	stream.linear.scatter [tilespmem:s28], [sflag:$0xB], $0x2000, $0x38;
	[tilespmem:$0x19000] =	vst v63  }
0xfd: {  	_ =	swait.ge [sflag:s25], $0x2000  }
0xfe: {  	[sflag:s25] =	ssyncset.done $0x0  }
0xff: {  	[sflag:s25] =	ssyncadd.s32 $0xFFFFE000  }
0x100: {  	[bflag:$0x0] =	sbarrier.arrive $0xFFFF  }
0x101: {  	[tilespmem:s28], [sflag:$0x1] =	stream.indirect.gather [hbm4b:s6+s29], $0x40, s3, s29, $0xb8;
	[tilespmem:$0x19000] =	vst v63  }
0x102: {  	_ = 	snop  }
0x103: {  	[tilespmem:s30], [sflag:$0x2] =	stream.indirect.gather [hbm4b:s6+s29], $0x40, s29, s29, $0xb8;
	[tilespmem:$0x19000] =	vst v63  }
0x104: {  	s23 =	simm.s32 $0x100  }
0x105: {  	[tilespmem:s0], [sflag:$0x3] =	stream.indirect.gather [hbm4b:s6+s29], $0x40, s23, s29, $0xb8;
	[tilespmem:$0x19000] =	vst v63  }
0x106: {  	s24 =	simm.s32 $0x180  }
0x107: {  	[tilespmem:s26], [sflag:$0x4] =	stream.indirect.gather [hbm4b:s6+s29], $0x40, s24, s29, $0xb8;
	[tilespmem:$0x19000] =	vst v63  }
0x108: {  	s23 =	simm.s32 $0x200  }
0x109: {  	[tilespmem:s7], [sflag:$0x5] =	stream.indirect.gather [hbm4b:s6+s29], $0x40, s23, s29, $0xb8;
	[tilespmem:$0x19000] =	vst v63  }
0x10a: {  	_ =	swait.ge [sflag:s8], $0x2000  }
0x10b: {  	[sflag:s8] =	ssyncset.done $0x0  }
0x10c: {  	s24 =	simm.s32 $0x2800;
	[sflag:s8] =	ssyncadd.s32 $0xFFFFE000  }
0x10d: {  	[spmem:s2] =	stream.indirect.scatter.add.f32 [tilespmem:s28], [sflag:$0x6], $0x40, s24, s29, $0xb8;
	[tilespmem:$0x19000] =	vst v63  }
0x10e: {  	_ =	swait.ge [sflag:s14], $0x2000  }
0x10f: {  	[sflag:s14] =	ssyncset.done $0x0  }
0x110: {  	s23 =	simm.s32 $0x2880;
	[sflag:s14] =	ssyncadd.s32 $0xFFFFE000  }
0x111: {  	[spmem:s2] =	stream.indirect.scatter.add.f32 [tilespmem:s30], [sflag:$0x7], $0x40, s23, s29, $0xb8;
	[tilespmem:$0x19000] =	vst v63  }
0x112: {  	_ =	swait.ge [sflag:s15], $0x2000  }
0x113: {  	[sflag:s15] =	ssyncset.done $0x0  }
0x114: {  	s24 =	simm.s32 $0x2900;
	[sflag:s15] =	ssyncadd.s32 $0xFFFFE000  }
0x115: {  	[spmem:s2] =	stream.indirect.scatter.add.f32 [tilespmem:s0], [sflag:$0x8], $0x40, s24, s29, $0xb8;
	[tilespmem:$0x19000] =	vst v63  }
0x116: {  	_ =	swait.ge [sflag:s16], $0x2000  }
0x117: {  	[sflag:s16] =	ssyncset.done $0x0  }
0x118: {  	s23 =	simm.s32 $0x2980;
	[sflag:s16] =	ssyncadd.s32 $0xFFFFE000  }
0x119: {  	[spmem:s2] =	stream.indirect.scatter.add.f32 [tilespmem:s26], [sflag:$0x9], $0x40, s23, s29, $0xb8;
	[tilespmem:$0x19000] =	vst v63  }
0x11a: {  	_ =	swait.ge [sflag:s17], $0x2000  }
0x11b: {  	[sflag:s17] =	ssyncset.done $0x0  }
0x11c: {  	s24 =	simm.s32 $0x2A00;
	[sflag:s17] =	ssyncadd.s32 $0xFFFFE000  }
0x11d: {  	[spmem:s2] =	stream.indirect.scatter.add.f32 [tilespmem:s7], [sflag:$0xA], $0x40, s24, s29, $0xb8;
	[tilespmem:$0x19000] =	vst v63  }
0x11e: {  	_ =	swait.ge [sflag:s18], $0x2000  }
0x11f: {  	[sflag:s18] =	ssyncset.done $0x0  }
0x120: {  	s23 =	simm.s32 $0x280;
	[sflag:s18] =	ssyncadd.s32 $0xFFFFE000  }
0x121: {  	[tilespmem:s28], [sflag:$0x1] =	stream.indirect.gather [hbm4b:s6+s29], $0x40, s23, s29, $0xb8;
	[tilespmem:$0x19000] =	vst v63  }
0x122: {  	_ =	swait.ge [sflag:s19], $0x2000  }
0x123: {  	[sflag:s19] =	ssyncset.done $0x0  }
0x124: {  	s24 =	simm.s32 $0x300;
	[sflag:s19] =	ssyncadd.s32 $0xFFFFE000  }
0x125: {  	[tilespmem:s30], [sflag:$0x2] =	stream.indirect.gather [hbm4b:s6+s29], $0x40, s24, s29, $0xb8;
	[tilespmem:$0x19000] =	vst v63  }
0x126: {  	_ =	swait.ge [sflag:s20], $0x2000  }
0x127: {  	[sflag:s20] =	ssyncset.done $0x0  }
0x128: {  	s23 =	simm.s32 $0x380;
	[sflag:s20] =	ssyncadd.s32 $0xFFFFE000  }
0x129: {  	[tilespmem:s0], [sflag:$0x3] =	stream.indirect.gather [hbm4b:s6+s29], $0x40, s23, s29, $0xb8;
	[tilespmem:$0x19000] =	vst v63  }
0x12a: {  	_ =	swait.ge [sflag:s21], $0x2000  }
0x12b: {  	[sflag:s21] =	ssyncset.done $0x0  }
0x12c: {  	s24 =	simm.s32 $0x400;
	[sflag:s21] =	ssyncadd.s32 $0xFFFFE000  }
0x12d: {  	[tilespmem:s26], [sflag:$0x4] =	stream.indirect.gather [hbm4b:s6+s29], $0x40, s24, s29, $0xb8;
	[tilespmem:$0x19000] =	vst v63  }
0x12e: {  	_ =	swait.ge [sflag:s31], $0x2000  }
0x12f: {  	[sflag:s31] =	ssyncset.done $0x0  }
0x130: {  	s3 =	simm.s32 $0x480;
	s23 =	simm.s32 $0xA00;
	[sflag:s31] =	ssyncadd.s32 $0xFFFFE000  }
.LBB2_4:
0x131: {  	[tilespmem:s7], [sflag:$0x5] =	stream.indirect.gather [hbm4b:s6+s29], $0x40, s3, s29, $0xb8;
	[tilespmem:$0x19000] =	vst v63  }
0x132: {  	s3 =	smov.u32 s23  }
0x133: {  	p0 =	sne.s32 s23, $0x8C00;
	s23 =	sadd.s32 $0xA00, s23;
	_ =	swait.ge [sflag:s8], $0x2000  }
0x134: {  	s3 =	sshra.s32 s3, $0x2;
	[sflag:s8] =	ssyncset.done $0x0  }
0x135: {  	s24 =	sadd.s32 $0x2800, s3;
	[sflag:s8] =	ssyncadd.s32 $0xFFFFE000  }
0x136: {  	[spmem:s2] =	stream.indirect.scatter.add.f32 [tilespmem:s28], [sflag:$0x6], $0x40, s24, s29, $0xb8;
	[tilespmem:$0x19000] =	vst v63  }
0x137: {  	_ =	swait.ge [sflag:s14], $0x2000  }
0x138: {  	[sflag:s14] =	ssyncset.done $0x0  }
0x139: {  	s24 =	sadd.s32 $0x2880, s3;
	[sflag:s14] =	ssyncadd.s32 $0xFFFFE000  }
0x13a: {  	[spmem:s2] =	stream.indirect.scatter.add.f32 [tilespmem:s30], [sflag:$0x7], $0x40, s24, s29, $0xb8;
	[tilespmem:$0x19000] =	vst v63  }
0x13b: {  	_ =	swait.ge [sflag:s15], $0x2000  }
0x13c: {  	[sflag:s15] =	ssyncset.done $0x0  }
0x13d: {  	s24 =	sadd.s32 $0x2900, s3;
	[sflag:s15] =	ssyncadd.s32 $0xFFFFE000  }
0x13e: {  	[spmem:s2] =	stream.indirect.scatter.add.f32 [tilespmem:s0], [sflag:$0x8], $0x40, s24, s29, $0xb8;
	[tilespmem:$0x19000] =	vst v63  }
0x13f: {  	_ =	swait.ge [sflag:s16], $0x2000  }
0x140: {  	[sflag:s16] =	ssyncset.done $0x0  }
0x141: {  	s24 =	sadd.s32 $0x2980, s3;
	[sflag:s16] =	ssyncadd.s32 $0xFFFFE000  }
0x142: {  	[spmem:s2] =	stream.indirect.scatter.add.f32 [tilespmem:s26], [sflag:$0x9], $0x40, s24, s29, $0xb8;
	[tilespmem:$0x19000] =	vst v63  }
0x143: {  	_ =	swait.ge [sflag:s17], $0x2000  }
0x144: {  	[sflag:s17] =	ssyncset.done $0x0  }
0x145: {  	s24 =	sadd.s32 $0x2A00, s3;
	[sflag:s17] =	ssyncadd.s32 $0xFFFFE000  }
0x146: {  	[spmem:s2] =	stream.indirect.scatter.add.f32 [tilespmem:s7], [sflag:$0xA], $0x40, s24, s29, $0xb8;
	[tilespmem:$0x19000] =	vst v63  }
0x147: {  	_ =	swait.ge [sflag:s18], $0x2000  }
0x148: {  	[sflag:s18] =	ssyncset.done $0x0  }
0x149: {  	s24 =	sadd.s32 $0x280, s3;
	[sflag:s18] =	ssyncadd.s32 $0xFFFFE000  }
0x14a: {  	[tilespmem:s28], [sflag:$0x1] =	stream.indirect.gather [hbm4b:s6+s29], $0x40, s24, s29, $0xb8;
	[tilespmem:$0x19000] =	vst v63  }
0x14b: {  	_ =	swait.ge [sflag:s19], $0x2000  }
0x14c: {  	[sflag:s19] =	ssyncset.done $0x0  }
0x14d: {  	s24 =	sadd.s32 $0x300, s3;
	[sflag:s19] =	ssyncadd.s32 $0xFFFFE000  }
0x14e: {  	[tilespmem:s30], [sflag:$0x2] =	stream.indirect.gather [hbm4b:s6+s29], $0x40, s24, s29, $0xb8;
	[tilespmem:$0x19000] =	vst v63  }
0x14f: {  	_ =	swait.ge [sflag:s20], $0x2000  }
0x150: {  	[sflag:s20] =	ssyncset.done $0x0  }
0x151: {  	s24 =	sadd.s32 $0x380, s3;
	[sflag:s20] =	ssyncadd.s32 $0xFFFFE000  }
0x152: {  	[tilespmem:s0], [sflag:$0x3] =	stream.indirect.gather [hbm4b:s6+s29], $0x40, s24, s29, $0xb8;
	[tilespmem:$0x19000] =	vst v63  }
0x153: {  	_ =	swait.ge [sflag:s21], $0x2000  }
0x154: {  	[sflag:s21] =	ssyncset.done $0x0  }
.Ltmp1:
0x155: {  	s24 =	sadd.s32 $0x400, s3;
	[sflag:s21] =	ssyncadd.s32 $0xFFFFE000;
	(pc) =	sbr.rel @p0 .LBB2_4-.Ltmp1, $4  }
0x156: {  	[tilespmem:s26], [sflag:$0x4] =	stream.indirect.gather [hbm4b:s6+s29], $0x40, s24, s29, $0xb8;
	[tilespmem:$0x19000] =	vst v63  }
0x157: {  	_ =	swait.ge [sflag:s31], $0x2000  }
0x158: {  	[sflag:s31] =	ssyncset.done $0x0  }
0x159: {  	s3 =	sadd.s32 $0x480, s3;
	[sflag:s31] =	ssyncadd.s32 $0xFFFFE000  }
0x15a: {  	[tilespmem:s7], [sflag:$0x5] =	stream.indirect.gather [hbm4b:s6+s29], $0x40, s3, s29, $0xb8;
	[tilespmem:$0x19000] =	vst v63  }
0x15b: {  	_ =	swait.ge [sflag:s8], $0x2000  }
0x15c: {  	[sflag:s8] =	ssyncset.done $0x0  }
0x15d: {  	s23 =	simm.s32 $0x4D80;
	[sflag:s8] =	ssyncadd.s32 $0xFFFFE000  }
0x15e: {  	[spmem:s2] =	stream.indirect.scatter.add.f32 [tilespmem:s28], [sflag:$0x6], $0x40, s23, s29, $0xb8;
	[tilespmem:$0x19000] =	vst v63  }
0x15f: {  	_ =	swait.ge [sflag:s14], $0x2000  }
0x160: {  	[sflag:s14] =	ssyncset.done $0x0  }
0x161: {  	s24 =	simm.s32 $0x4E00;
	[sflag:s14] =	ssyncadd.s32 $0xFFFFE000  }
0x162: {  	[spmem:s2] =	stream.indirect.scatter.add.f32 [tilespmem:s30], [sflag:$0x7], $0x40, s24, s29, $0xb8;
	[tilespmem:$0x19000] =	vst v63  }
0x163: {  	_ =	swait.ge [sflag:s15], $0x2000  }
0x164: {  	[sflag:s15] =	ssyncset.done $0x0  }
0x165: {  	s23 =	simm.s32 $0x4E80;
	[sflag:s15] =	ssyncadd.s32 $0xFFFFE000  }
0x166: {  	[spmem:s2] =	stream.indirect.scatter.add.f32 [tilespmem:s0], [sflag:$0x8], $0x40, s23, s29, $0xb8;
	[tilespmem:$0x19000] =	vst v63  }
0x167: {  	_ =	swait.ge [sflag:s16], $0x2000  }
0x168: {  	[sflag:s16] =	ssyncset.done $0x0  }
0x169: {  	s24 =	simm.s32 $0x4F00;
	[sflag:s16] =	ssyncadd.s32 $0xFFFFE000  }
0x16a: {  	[spmem:s2] =	stream.indirect.scatter.add.f32 [tilespmem:s26], [sflag:$0x9], $0x40, s24, s29, $0xb8;
	[tilespmem:$0x19000] =	vst v63  }
0x16b: {  	_ =	swait.ge [sflag:s17], $0x2000  }
0x16c: {  	[sflag:s17] =	ssyncset.done $0x0  }
0x16d: {  	[sflag:s17] =	ssyncadd.s32 $0xFFFFE000  }
0x16e: {  	[spmem:s2] =	stream.indirect.scatter.add.f32 [tilespmem:s7], [sflag:$0xA], $0x40, s1, s29, $0xb8;
	[tilespmem:$0x19000] =	vst v63  }
0x16f: {  	_ =	swait.ge [sflag:s18], $0x2000  }
0x170: {  	[sflag:s18] =	ssyncset.done $0x0  }
0x171: {  	[sflag:s18] =	ssyncadd.s32 $0xFFFFE000  }
0x172: {  	_ =	swait.ge [sflag:s19], $0x2000  }
0x173: {  	[sflag:s19] =	ssyncset.done $0x0  }
0x174: {  	[sflag:s19] =	ssyncadd.s32 $0xFFFFE000  }
0x175: {  	_ =	swait.ge [sflag:s20], $0x2000  }
0x176: {  	[sflag:s20] =	ssyncset.done $0x0  }
0x177: {  	[sflag:s20] =	ssyncadd.s32 $0xFFFFE000  }
0x178: {  	_ =	swait.ge [sflag:s21], $0x2000  }
0x179: {  	[sflag:s21] =	ssyncset.done $0x0  }
0x17a: {  	[sflag:s21] =	ssyncadd.s32 $0xFFFFE000  }
0x17b: {  	_ =	swait.ge [sflag:s31], $0x2000  }
0x17c: {  	[sflag:s31] =	ssyncset.done $0x0  }
0x17d: {  	[sflag:s31] =	ssyncadd.s32 $0xFFFFE000  }
0x17e: {  	[bflag:$0x0] =	sbarrier.arrive $0xFFFF  }
0x17f: {  	[tilespmem:s28], [sflag:$0xB] =	stream.linear.gather [spmem:s9], $0x2000, $0x38;
	[tilespmem:$0x19000] =	vst v63  }
0x180: {  	_ =	swait.ge [sflag:s25], $0x2000  }
0x181: {  	[sflag:s25] =	ssyncset.done $0x0  }
0x182: {  	s23 =	rddreg [dreg:$0xb];
	[sflag:s25] =	ssyncadd.s32 $0xFFFFE000  }
0x183: {  	[hbm4b:s23+s4] =	stream.linear.scatter [tilespmem:s28], [sflag:$0xB], $0x2000, $0x38;
	[tilespmem:$0x19000] =	vst v63  }
0x184: {  	_ =	swait.ge [sflag:s25], $0x2000  }
0x185: {  	[sflag:s25] =	ssyncset.done $0x0  }
0x186: {  	[sflag:s25] =	ssyncadd.s32 $0xFFFFE000  }
0x187: {  	[tilespmem:s28], [sflag:$0xB] =	stream.linear.gather [spmem:s10], $0x2000, $0x38;
	[tilespmem:$0x19000] =	vst v63  }
0x188: {  	_ =	swait.ge [sflag:s25], $0x2000  }
0x189: {  	[sflag:s25] =	ssyncset.done $0x0  }
0x18a: {  	s24 =	rddreg [dreg:$0xc];
	[sflag:s25] =	ssyncadd.s32 $0xFFFFE000  }
0x18b: {  	[hbm4b:s24+s4] =	stream.linear.scatter [tilespmem:s28], [sflag:$0xB], $0x2000, $0x38;
	[tilespmem:$0x19000] =	vst v63  }
0x18c: {  	_ =	swait.ge [sflag:s25], $0x2000  }
0x18d: {  	[sflag:s25] =	ssyncset.done $0x0  }
0x18e: {  	[sflag:s25] =	ssyncadd.s32 $0xFFFFE000  }
0x18f: {  	[tilespmem:s28], [sflag:$0xB] =	stream.linear.gather [spmem:s11], $0x2000, $0x38;
	[tilespmem:$0x19000] =	vst v63  }
0x190: {  	_ =	swait.ge [sflag:s25], $0x2000  }
0x191: {  	[sflag:s25] =	ssyncset.done $0x0  }
0x192: {  	s23 =	rddreg [dreg:$0xd];
	[sflag:s25] =	ssyncadd.s32 $0xFFFFE000  }
0x193: {  	[hbm4b:s23+s4] =	stream.linear.scatter [tilespmem:s28], [sflag:$0xB], $0x2000, $0x38;
	[tilespmem:$0x19000] =	vst v63  }
0x194: {  	_ =	swait.ge [sflag:s25], $0x2000  }
0x195: {  	[sflag:s25] =	ssyncset.done $0x0  }
0x196: {  	[sflag:s25] =	ssyncadd.s32 $0xFFFFE000  }
0x197: {  	[tilespmem:s28], [sflag:$0xB] =	stream.linear.gather [spmem:s12], $0x2000, $0x38;
	[tilespmem:$0x19000] =	vst v63  }
0x198: {  	_ =	swait.ge [sflag:s25], $0x2000  }
0x199: {  	[sflag:s25] =	ssyncset.done $0x0  }
0x19a: {  	s24 =	rddreg [dreg:$0xe];
	[sflag:s25] =	ssyncadd.s32 $0xFFFFE000  }
0x19b: {  	[hbm4b:s24+s4] =	stream.linear.scatter [tilespmem:s28], [sflag:$0xB], $0x2000, $0x38;
	[tilespmem:$0x19000] =	vst v63  }
0x19c: {  	_ =	swait.ge [sflag:s25], $0x2000  }
0x19d: {  	[sflag:s25] =	ssyncset.done $0x0  }
0x19e: {  	[sflag:s25] =	ssyncadd.s32 $0xFFFFE000  }
0x19f: {  	[tilespmem:s28], [sflag:$0xB] =	stream.linear.gather [spmem:s13], $0x2000, $0x38;
	[tilespmem:$0x19000] =	vst v63  }
0x1a0: {  	_ =	swait.ge [sflag:s25], $0x2000  }
0x1a1: {  	[sflag:s25] =	ssyncset.done $0x0  }
0x1a2: {  	s23 =	rddreg [dreg:$0xf];
	[sflag:s25] =	ssyncadd.s32 $0xFFFFE000  }
0x1a3: {  	[hbm4b:s23+s4] =	stream.linear.scatter [tilespmem:s28], [sflag:$0xB], $0x2000, $0x38;
	[tilespmem:$0x19000] =	vst v63  }
0x1a4: {  	_ =	swait.ge [sflag:s25], $0x2000  }
0x1a5: {  	s22 =	sadd.s32 $0x1, s22;
	s24 =	rddreg [dreg:$0x10]  }
0x1a6: {  	p0 =	sne.s32 s22, s24  }
.Ltmp2:
0x1a7: {  	_ = 	snop;
	(pc) =	sbr.rel @p0 .LBB2_1-.Ltmp2, $3  }
0x1a8: {  	_ =	sdelay $0x1  }
0x1a9: {  	[sflag:s25] =	ssyncset.done $0x0  }
0x1aa: {  	[sflag:s25] =	ssyncadd.s32 $0xFFFFE000  }
0x1ab: {  	_ =	sfence.sel $0x180000  }
0x1ac: {  	[bflag:$0x0] =	sbarrier.arrive $0xFFFF  }
0x1ad: {  	_ =	strace $0x9000004A  }
0x1ae: {  	s0 =	stileid.u32;
	[bflag:$0x2] =	sbarrier.arrive $0xFFFF  }
0x1af: {  	p0 =	sne.s32 s0, $0x0;
	s0 =	rddreg [dreg:$0x3]  }
0x1b0: {  	s0 =	sadd.s32 @!p0 $0x100000, s0  }
0x1b1: {  	[sflag:s0] =	ssyncadd.tile.s32 @!p0 $0x1;
	_ =	shalt  }
.Lfunc_end2:
_tile_overlayer_lowered:
.L_overlay_start_2:
0x1b2: {  	(tag) =	ssettag $0x2  }
0x1b3: {  	s0 =	rddreg [dreg:$0x0];
	s2 =	stileid.u32  }
0x1b4: {  	s1 =	rddreg [dreg:$0x1];
	p0 =	sne.s32 s2, $0x0  }
0x1b5: {  	s3 =	rddreg [dreg:$0x2];
	[bflag:$0x3] =	sbarrier.arrive $0xFFFF;
	s2 =	simm.s32 @!p0 $0x1C0B  }
0x1b6: {  	[timem:s3], [sflag:s2] =	dma.local @!p0 [hbm:s0], s1  }
0x1b7: {  	s0 =	simm.s32 @!p0 $0xB  }
0x1b8: {  	_ =	swait.ge @!p0 [sflag:s0], s1  }
0x1b9: {  	s1 =	ssub.s32 @!p0 $0x0, s1;
	[sflag:s0] =	ssyncset.done @!p0 $0x0  }
0x1ba: {  	[sflag:s0] =	ssyncadd.s32 @!p0 s1  }
0x1bb: {  	[bflag:$0x3] =	sbarrier.arrive $0xFFFF  }
0x1bc: {  	_ =	shalt  }

// kernel: kernel.14.cloned.1.call-start
scs
__scs_entry_jumppad:
0x0: {  	(pc) =	sbr.rel $0x88, $3  }
0x1: {  	(tag) =	ssettag $0x0;
	lr =	simm.s32 $0x1  }
0x2: {  	[smem:$0x3F99] =	sst lr;
	_ =	strace $0xD0000000  }
0x3: {  	_ = 	snop  }
0x4: {  	_ = 	snop  }
0x5: {  	_ = 	snop  }
0x6: {  	_ = 	snop  }
0x7: {  	_ = 	snop  }
__scs_overlays_trampoline_lowered:
0x8: {  	[smem:$0x3FA8] =	sst s0  }
0x9: {  	[smem:$0x3FA9] =	sst s1  }
0xa: {  	[smem:$0x3FAA] =	sst s2  }
0xb: {  	[smem:$0x3FAB] =	sst s3  }
0xc: {  	[smem:$0x3FAC] =	sst s4  }
0xd: {  	[smem:$0x3FAD] =	sst s5  }
0xe: {  	[smem:$0x3FAE] =	sst s6  }
0xf: {  	[smem:$0x3FAF] =	sst s7  }
0x10: {  	[smem:$0x3FB0] =	sst s8  }
0x11: {  	[smem:$0x3FB1] =	sst s9;
	s0 =	simm.s32 @!p0 $0x0  }
0x12: {  	s1 =	sld [smem:$0x3F97];
	s0 =	simm.s32 @p0 $0x1  }
0x13: {  	[smem:$0x3FB2] =	sst s0;
	s0 =	simm.s32 @!p1 $0x0  }
0x14: {  	s2 =	sld [smem:$0x3F96];
	s0 =	simm.s32 @p1 $0x1  }
0x15: {  	[smem:$0x3FB3] =	sst s0;
	s0 =	simm.s32 @!p2 $0x0  }
0x16: {  	s3 =	sld [smem:$0x3FDB];
	s0 =	simm.s32 @p2 $0x1  }
0x17: {  	s4 =	simm.s32 $0x1BF5;
	[smem:$0x3FB5] =	sst s0  }
0x18: {  	s0 =	sld [smem:$0x3F98];
	_ =	swait.ge [sflag:s4], $0x0  }
0x19: {  	s7 =	sld [smem:$0x3F99]  }
0x1a: {  	s8 =	sadd.s32 $0xFFFFE003, lr  }
0x1b: {  	s9 =	sadd.s32 $0xFFFFFEF7, lr;
	s5 =	simm.s32 $0xFFFFFFFF;
	p2 =	slt.u32 s8, $0xFFFFF086  }
0x1c: {  	p1 =	slt.u32 s9, $0xF7A;
	s5 =	simm.s32 @!p2 $0x0  }
0x1d: {  	s5 =	simm.s32 @p1 $0x1;
	p0 =	seq.s32 s7, s2  }
0x1e: {  	s7 =	smul.u32 @!p0 $0xF7A, s2;
	p2 =	seq.s32 @!p0 s5, $0x0  }
0x1f: {  	s9 =	smul.u32 $0xF7A, s1;
	s8 =	simm.s32 @!p0 $0x1BF5;
	p2 =	por !p2, p0  }
0x20: {  	[sflag:s8] =	ssyncset.s32 @!p0 $0xFFFFF086;
	s6 =	sadd.s32 @!p0 s3, s7;
	s7 =	simm.s32 @!p0 $0x108  }
0x21: {  	s3 =	sadd.s32 s3, s9;
	s6 =	sadd.s32 @!p0 $0x88, s6;
	s7 =	simm.s32 @p2 $0x1082  }
0x22: {  	[simem:s7], [sflag:s8] =	dma.local @!p0 [hbm:s6], $0xF7A  }
0x23: {  	s9 =	sor.u32 $0xD0000000, s2;
	s6 =	simm.s32 $0x108;
	_ =	swait.ge @!p0 [sflag:s8], $0x0  }
0x24: {  	s3 =	sadd.s32 $0x88, s3;
	s6 =	simm.s32 @!p1 $0x1082;
	[sflag:s4] =	ssyncset.s32 $0xFFFFF086  }
0x25: {  	[simem:s6], [sflag:s4] =	dma.local [hbm:s3], $0xF7A  }
0x26: {  	[smem:$0x3F99] =	sst s1;
	(tag) =	ssettag s2;
	_ =	strace s9  }
0x27: {  	s1 =	sld [smem:$0x3FA9]  }
0x28: {  	s2 =	sld [smem:$0x3FAA]  }
0x29: {  	s4 =	sld [smem:$0x3FAC]  }
0x2a: {  	p0 =	seq.s32 s5, $0x0;
	s5 =	sld [smem:$0x3FAD]  }
0x2b: {  	s6 =	sld [smem:$0x3FAE]  }
0x2c: {  	s7 =	sld [smem:$0x3FAF]  }
0x2d: {  	s3 =	simm.s32 $0x108;
	s8 =	sld [smem:$0x3FB0]  }
0x2e: {  	s3 =	simm.s32 @!p0 $0x1082;
	s9 =	sld [smem:$0x3FB1]  }
0x2f: {  	lr =	sadd.s32 s0, s3;
	s0 =	sld [smem:$0x3FA8]  }
0x30: {  	s3 =	sld [smem:$0x3FAB]  }
0x31: {  	[smem:$0x3FB4] =	sst s10  }
0x32: {  	s10 =	sld [smem:$0x3FB2];
	_ =	sdelay $0x3  }
0x33: {  	p0 =	seq.s32 s10, $0x1;
	s10 =	sld [smem:$0x3FB4];
	_ =	sdelay $0x3  }
0x34: {  	[smem:$0x3FB4] =	sst s10  }
0x35: {  	s10 =	sld [smem:$0x3FB3];
	_ =	sdelay $0x3  }
0x36: {  	p1 =	seq.s32 s10, $0x1;
	s10 =	sld [smem:$0x3FB4];
	_ =	sdelay $0x3  }
0x37: {  	[smem:$0x3FB4] =	sst s10  }
0x38: {  	s10 =	sld [smem:$0x3FB5]  }
0x39: {  	_ = 	snop;
	(pc) =	sbr.ind lr, $3  }
0x3a: {  	_ = 	snop  }
0x3b: {  	_ = 	snop  }
0x3c: {  	p2 =	seq.s32 s10, $0x1;
	s10 =	sld [smem:$0x3FB4]  }
0x3d: {  	_ =	shalt  }
0x3e: {  	_ =	shalt  }
0x3f: {  	_ =	shalt  }
0x40: {  	_ =	shalt  }
0x41: {  	_ =	shalt  }
0x42: {  	_ =	shalt  }
0x43: {  	_ =	shalt  }
0x44: {  	_ =	shalt  }
0x45: {  	_ =	shalt  }
0x46: {  	_ =	shalt  }
0x47: {  	_ =	shalt  }
0x48: {  	_ =	shalt  }
0x49: {  	_ =	shalt  }
0x4a: {  	_ =	shalt  }
0x4b: {  	_ =	shalt  }
0x4c: {  	_ =	shalt  }
0x4d: {  	_ =	shalt  }
0x4e: {  	_ =	shalt  }
0x4f: {  	_ =	shalt  }
0x50: {  	_ =	shalt  }
0x51: {  	_ =	shalt  }
0x52: {  	_ =	shalt  }
0x53: {  	_ =	shalt  }
0x54: {  	_ =	shalt  }
0x55: {  	_ =	shalt  }
0x56: {  	_ =	shalt  }
0x57: {  	_ =	shalt  }
0x58: {  	_ =	shalt  }
0x59: {  	_ =	shalt  }
0x5a: {  	_ =	shalt  }
0x5b: {  	_ =	shalt  }
0x5c: {  	_ =	shalt  }
0x5d: {  	_ =	shalt  }
0x5e: {  	_ =	shalt  }
0x5f: {  	_ =	shalt  }
0x60: {  	_ =	shalt  }
0x61: {  	_ =	shalt  }
0x62: {  	_ =	shalt  }
0x63: {  	_ =	shalt  }
0x64: {  	_ =	shalt  }
0x65: {  	_ =	shalt  }
0x66: {  	_ =	shalt  }
0x67: {  	_ =	shalt  }
0x68: {  	_ =	shalt  }
0x69: {  	_ =	shalt  }
0x6a: {  	_ =	shalt  }
0x6b: {  	_ =	shalt  }
0x6c: {  	_ =	shalt  }
0x6d: {  	_ =	shalt  }
0x6e: {  	_ =	shalt  }
0x6f: {  	_ =	shalt  }
0x70: {  	_ =	shalt  }
0x71: {  	_ =	shalt  }
0x72: {  	_ =	shalt  }
0x73: {  	_ =	shalt  }
0x74: {  	_ =	shalt  }
0x75: {  	_ =	shalt  }
0x76: {  	_ =	shalt  }
0x77: {  	_ =	shalt  }
0x78: {  	_ =	shalt  }
0x79: {  	_ =	shalt  }
0x7a: {  	_ =	shalt  }
0x7b: {  	_ =	shalt  }
0x7c: {  	_ =	shalt  }
0x7d: {  	_ =	shalt  }
0x7e: {  	_ =	shalt  }
0x7f: {  	_ =	shalt  }
0x80: {  	_ =	shalt  }
0x81: {  	_ =	shalt  }
0x82: {  	_ =	shalt  }
0x83: {  	_ =	shalt  }
0x84: {  	_ =	shalt  }
0x85: {  	_ =	shalt  }
0x86: {  	_ =	shalt  }
0x87: {  	_ =	shalt  }
.Lfunc_end0:
.L_simem_size_0:
called_computation.2_lowered:
.L_overlay_start_0:
0x88: {  	s2 =	sld [smem:$0x3FD9]  }
0x89: {  	s3 =	sld [smem:$0x3FFE];
	_ =	sdelay $0x1  }
0x8a: {  	s1 =	srdreg.scid  }
0x8b: {  	s0 =	sand.u32 $0x1, s1  }
0x8c: {  	s14 =	sshll.u32 s0, $0xA;
	s2 =	sadd.s32 s3, s2  }
0x8d: {  	s2 =	sadd.s32 s2, s14  }
0x8e: {  	[smem:$0x3FC0] =	sst s2  }
0x8f: {  	_ = 	snop  }
0x90: {  	s2 =	sld [smem:$0x3FD0];
	_ =	sdelay $0x2  }
0x91: {  	s15 =	simm.s32 $0xA;
	s4 =	simm.s32 $0x10  }
0x92: {  	[smem:s4], [sflag:s15] =	dma.local [hbm:s2], $0x1  }
0x93: {  	_ =	swait.eq [sflag:s15], $0x1  }
0x94: {  	[sflag:s15] =	ssyncset.done $0x0  }
0x95: {  	[sflag:s15] =	ssyncadd.s32 $0xFFFFFFFF  }
0x96: {  	s16 =	sld [smem:$0x11];
	(tm) =	ssettm $0x1  }
0x97: {  	s17 =	sld [smem:$0x3FFB];
	_ =	sdelay $0x3  }
0x98: {  	_ =	strace s17  }
0x99: {  	s3 =	sld [smem:$0x3FFC];
	_ =	sdelay $0x3  }
0x9a: {  	_ =	strace s3  }
0x9b: {  	s3 =	sld [smem:$0x3FFD];
	_ =	sdelay $0x3  }
0x9c: {  	_ =	strace s3  }
0x9d: {  	_ =	strace $0x8FFFFFFF  }
0x9e: {  	s18 =	sld [smem:$0x3FDB];
	_ =	sdelay $0x1  }
0x9f: {  	s19 =	simm.s32 $_scs_section_size  }
0xa0: {  	s5 =	simm.s32 $_size__tile_overlayer_lowered;
	s6 =	simm.s32 $_tile_overlayer_lowered  }
0xa1: {  	s22 =	simm.s32 $0x1BFF;
	s21 =	sshll.u32 s6, $0x1;
	s3 =	sadd.s32 s19, s18  }
0xa2: {  	s7 =	simm.s32 $0x0;
	s20 =	sshll.u32 s5, $0x1;
	s5 =	sadd.s32 s21, s3  }
0xa3: {  	[timem:s7], [sflag:s22] =	dma.local [hbm:s5], s20  }
0xa4: {  	_ =	swait.ge [sflag:s22], s20  }
0xa5: {  	s4 =	ssub.s32 $0x0, s20;
	[sflag:s22] =	ssyncset.done $0x0  }
0xa6: {  	[sflag:s22] =	ssyncadd.s32 s4;
	_ =	sdelay $0x1  }
0xa7: {  	s23 =	simm.s32 $0x1B8B  }
0xa8: {  	_ =	swait.ge [sflag:s23], $0x1  }
0xa9: {  	[sflag:s23] =	ssyncset.done $0x0  }
0xaa: {  	s25 =	simm.s32 $0x1B8E;
	s24 =	sld [smem:$0x3FFE];
	[sflag:s23] =	ssyncadd.s32 $0xFFFFFFFF  }
0xab: {  	s26 =	simm.s32 $execute0_lowered;
	[smem:$0x3FD2] =	sst s25  }
0xac: {  	s5 =	sshll.u32 s26, $0x1;
	_ =	strace $0x8000004C;
	[dreg:$0x1] =	wrdreg $0xFFFFFFFF  }
0xad: {  	s28 =	simm.s32 $_size_execute0_lowered;
	s3 =	sadd.s32 s3, s5;
	[dreg:$0x0] =	wrdreg $0x0  }
0xae: {  	s5 =	sshll.u32 s28, $0x1;
	[dreg:$0x2] =	wrdreg s3  }
0xaf: {  	[dreg:$0x3] =	wrdreg s5  }
0xb0: {  	[dreg:$0x4] =	wrdreg $0xC0  }
0xb1: {  	_ =	task [dreg:s7], $0x5FFFF  }
0xb2: {  	[dreg:$0x1] =	wrdreg $0xFFFFFFFF  }
0xb3: {  	[dreg:$0x0] =	wrdreg $0x60  }
0xb4: {  	[dreg:$0x2] =	wrdreg s24  }
0xb5: {  	[dreg:$0x3] =	wrdreg s16  }
0xb6: {  	[dreg:$0x4] =	wrdreg $0xF0000  }
0xb7: {  	[dreg:$0x5] =	wrdreg $0x9  }
0xb8: {  	_ =	task.clear_ibuf [dreg:s7], $0x6FFFF;
	_ =	strace $0x9000004C  }
0xb9: {  	s29 =	simm.s32 $0x9;
	_ =	strace $0x8000004E  }
0xba: {  	_ =	swait.ge [sflag:s29], $0x1  }
0xbb: {  	[sflag:s29] =	ssyncadd.s32 $0xFFFFFFFF  }
0xbc: {  	_ =	strace $0x9000004E  }
0xbd: {  	_ =	sfence  }
0xbe: {  	s30 =	sld [smem:$0x0];
	_ =	sdelay $0x2  }
0xbf: {  	s31 =	sshll.u32 s1, $0xD;
	s1 =	sshrl.u32 s1, $0x2  }
0xc0: {  	s3 =	sand.u32 $0x4000, s31;
	s1 =	sadd.s32 s1, s30  }
0xc1: {  	s0 =	sor.u32 s3, s0;
	s1 =	sshll.u32 s1, $0x11  }
0xc2: {  	s0 =	sor.u32 s1, s0  }
0xc3: {  	s0 =	sadd.s32 $0x8F2B, s0  }
0xc4: {  	[sflag:s0] =	ssyncadd.remote.s32 $0x1  }
0xc5: {  	_ =	sfence.sel $0xFFFF  }
0xc6: {  	[dreg:$0x0] =	wrdreg $0xFFFFFFFF;
	(pc) =	sbr.abs _section_cstart, $3  }
0xc7: {  	[dreg:$0x1] =	wrdreg $0xFFFFFFFF  }
0xc8: {  	_ =	task.clear_ibuf [dreg:s7], $0x2FFFF;
	_ =	strace $0x9FFFFFFF  }
0xc9: {  	(tm) =	ssettm $0x7FFFFFFF  }
tec
execute0_lowered:
.L_overlay_start_1:
0x0: {  	(tag) =	ssettag $0x1  }
0x1: {  	s0 =	rddreg [dreg:$0x0]  }
0x2: {  	s2 =	rddreg [dreg:$0x2];
	s1 =	srdreg.scid;
	s4 =	simm.s32 $0x0  }
0x3: {  	s9 =	stileid.u32;
	s28 =	simm.s32 $0x5000;
	s29 =	simm.s32 $0x80  }
0x4: {  	s30 =	simm.s32 $0x7000;
	s31 =	simm.s32 $0xA;
	s1 =	sand.u32 $0x1, s1  }
0x5: {  	[smem:$0x7FF] =	sst s4;
	s5 =	sadd.s32 $0x7B800, s0;
	s6 =	sadd.s32 $0x67E00, s0  }
0x6: {  	s13 =	smul.u32 $0xA000, s9;
	s14 =	sadd.s32 $0xB7200, s0;
	s3 =	sshll.u32 s1, $0x4  }
0x7: {  	_ =	strace $0x8000004D;
	s7 =	ssub.s32 $0x2, s1;
	s1 =	smul.u32 $0xA0000, s1  }
0x8: {  	s3 =	sor.u32 s9, s3;
	s8 =	sshrl.u32 s7, $0x1;
	s9 =	sadd.s32 s13, s2  }
0x9: {  	s18 =	sadd.s32 $0x2000, s13;
	s19 =	sadd.s32 $0x4000, s13;
	s15 =	sadd.s32 $0x6000, s13  }
0xa: {  	s3 =	smul.u32 $0x500, s3;
	s7 =	ssub.s32 s7, s8;
	s10 =	sadd.s32 s18, s2  }
0xb: {  	s11 =	sadd.s32 s19, s2;
	s12 =	sadd.s32 s15, s2;
	s16 =	sadd.s32 s13, s1  }
0xc: {  	s8 =	sadd.s32 s1, s19;
	s15 =	sadd.s32 s1, s15;
	s19 =	simm.s32 $0x7  }
0xd: {  	s16 =	sshrl.u32 s16, $0x3;
	s8 =	sshrl.u32 s8, $0x3;
	s15 =	sshrl.u32 s15, $0x3  }
0xe: {  	s26 =	smax.u32 s7, $0x1;
	s7 =	simm.s32 $0xD000;
	s3 =	sadd.s32 s3, s0  }
0xf: {  	s0 =	sadd.s32 $0x8F200, s0;
	s21 =	sadd.s32 s14, s8;
	[dreg:$0x10] =	wrdreg s26  }
0x10: {  	s22 =	sadd.s32 s14, s15;
	s26 =	simm.s32 $0xB000;
	[dreg:$0x8] =	wrdreg s21  }
0x11: {  	s17 =	sadd.s32 $0xDE00, s3;
	s3 =	sadd.s32 $0x3E00, s3;
	[dreg:$0x9] =	wrdreg s22  }
0x12: {  	s23 =	sadd.s32 s0, s16;
	s24 =	sadd.s32 s0, s8;
	[dreg:$0x4] =	wrdreg s17  }
0x13: {  	s25 =	sadd.s32 s0, s15;
	s8 =	simm.s32 $0x1;
	[dreg:$0x5] =	wrdreg s3  }
0x14: {  	s15 =	simm.s32 $0x3;
	s21 =	simm.s32 $0x9;
	[dreg:$0xb] =	wrdreg s23  }
0x15: {  	s22 =	simm.s32 $0x0;
	s3 =	sadd.s32 s1, s18;
	[dreg:$0xd] =	wrdreg s24  }
0x16: {  	s17 =	sadd.s32 $0x8000, s13;
	s18 =	sadd.s32 s14, s16;
	[dreg:$0xe] =	wrdreg s25  }
0x17: {  	s25 =	simm.s32 $0xB;
	s16 =	simm.s32 $0x4;
	s3 =	sshrl.u32 s3, $0x3  }
0x18: {  	s13 =	sadd.s32 s17, s2;
	[dreg:$0x6] =	wrdreg s18;
	s1 =	sadd.s32 s1, s17  }
0x19: {  	s17 =	simm.s32 $0x5;
	s18 =	simm.s32 $0x6;
	s20 =	sadd.s32 s14, s3  }
0x1a: {  	s1 =	sshrl.u32 s1, $0x3;
	s3 =	sadd.s32 s0, s3;
	[dreg:$0x7] =	wrdreg s20  }
0x1b: {  	s14 =	sadd.s32 s14, s1;
	[dreg:$0xc] =	wrdreg s3;
	s0 =	sadd.s32 s0, s1  }
0x1c: {  	s20 =	simm.s32 $0x8;
	s1 =	simm.s32 $0x4F80;
	[dreg:$0xa] =	wrdreg s14  }
0x1d: {  	[dreg:$0xf] =	wrdreg s0;
	s0 =	simm.s32 $0x9000;
	s14 =	simm.s32 $0x2  }
.LBB2_1:
0x1e: {  	s3 =	rddreg [dreg:$0x4]  }
0x1f: {  	[tilespmem:s4], [sflag:$0xB] =	stream.linear.gather [hbm4b:s3+s4], $0x2800, $0x38;
	[tilespmem:$0x19000] =	vst v63  }
0x20: {  	_ =	swait.ge [sflag:s25], $0x2800  }
0x21: {  	[sflag:s25] =	ssyncset.done $0x0  }
0x22: {  	s23 =	simm.s32 $0x2800;
	s24 =	rddreg [dreg:$0x5];
	[sflag:s25] =	ssyncadd.s32 $0xFFFFD800  }
0x23: {  	[tilespmem:s23], [sflag:$0xB] =	stream.linear.gather [hbm4b:s24+s4], $0x2800, $0x38;
	[tilespmem:$0x19000] =	vst v63  }
0x24: {  	_ =	swait.ge [sflag:s25], $0x2800  }
0x25: {  	[sflag:s25] =	ssyncset.done $0x0  }
0x26: {  	[sflag:s25] =	ssyncadd.s32 $0xFFFFD800  }
0x27: {  	s24 =	rddreg [dreg:$0x1]  }
0x28: {  	[tilespmem:s28], [sflag:$0xB] =	stream.linear.gather [hbm4b:s24+s4], $0x2000, $0x38;
	[tilespmem:$0x19000] =	vst v63  }
0x29: {  	_ =	swait.ge [sflag:s25], $0x2000  }
0x2a: {  	[sflag:s25] =	ssyncset.done $0x0  }
0x2b: {  	[sflag:s25] =	ssyncadd.s32 $0xFFFFE000  }
0x2c: {  	[spmem:s9] =	stream.linear.scatter [tilespmem:s28], [sflag:$0xB], $0x2000, $0x38;
	[tilespmem:$0x19000] =	vst v63  }
0x2d: {  	_ =	swait.ge [sflag:s25], $0x2000  }
0x2e: {  	[sflag:s25] =	ssyncset.done $0x0  }
0x2f: {  	[sflag:s25] =	ssyncadd.s32 $0xFFFFE000  }
0x30: {  	[spmem:s10] =	stream.linear.scatter [tilespmem:s28], [sflag:$0xB], $0x2000, $0x38;
	[tilespmem:$0x19000] =	vst v63  }
0x31: {  	_ =	swait.ge [sflag:s25], $0x2000  }
0x32: {  	[sflag:s25] =	ssyncset.done $0x0  }
0x33: {  	[sflag:s25] =	ssyncadd.s32 $0xFFFFE000  }
0x34: {  	[spmem:s11] =	stream.linear.scatter [tilespmem:s28], [sflag:$0xB], $0x2000, $0x38;
	[tilespmem:$0x19000] =	vst v63  }
0x35: {  	_ =	swait.ge [sflag:s25], $0x2000  }
0x36: {  	[sflag:s25] =	ssyncset.done $0x0  }
0x37: {  	[sflag:s25] =	ssyncadd.s32 $0xFFFFE000  }
0x38: {  	[spmem:s12] =	stream.linear.scatter [tilespmem:s28], [sflag:$0xB], $0x2000, $0x38;
	[tilespmem:$0x19000] =	vst v63  }
0x39: {  	_ =	swait.ge [sflag:s25], $0x2000  }
0x3a: {  	[sflag:s25] =	ssyncset.done $0x0  }
0x3b: {  	[sflag:s25] =	ssyncadd.s32 $0xFFFFE000  }
0x3c: {  	[spmem:s13] =	stream.linear.scatter [tilespmem:s28], [sflag:$0xB], $0x2000, $0x38;
	[tilespmem:$0x19000] =	vst v63  }
0x3d: {  	_ =	swait.ge [sflag:s25], $0x2000  }
0x3e: {  	[sflag:s25] =	ssyncset.done $0x0  }
0x3f: {  	[sflag:s25] =	ssyncadd.s32 $0xFFFFE000  }
0x40: {  	[bflag:$0x0] =	sbarrier.arrive $0xFFFF  }
0x41: {  	[tilespmem:s28], [sflag:$0x1] =	stream.indirect.gather [hbm4b:s5+s29], $0x40, s4, s29, $0xb8;
	[tilespmem:$0x19000] =	vst v63  }
0x42: {  	_ = 	snop  }
0x43: {  	[tilespmem:s30], [sflag:$0x2] =	stream.indirect.gather [hbm4b:s5+s29], $0x40, s29, s29, $0xb8;
	[tilespmem:$0x19000] =	vst v63  }
0x44: {  	s23 =	simm.s32 $0x100  }
0x45: {  	[tilespmem:s0], [sflag:$0x3] =	stream.indirect.gather [hbm4b:s5+s29], $0x40, s23, s29, $0xb8;
	[tilespmem:$0x19000] =	vst v63  }
0x46: {  	s24 =	simm.s32 $0x180  }
0x47: {  	[tilespmem:s26], [sflag:$0x4] =	stream.indirect.gather [hbm4b:s5+s29], $0x40, s24, s29, $0xb8;
	[tilespmem:$0x19000] =	vst v63  }
0x48: {  	s23 =	simm.s32 $0x200  }
0x49: {  	[tilespmem:s7], [sflag:$0x5] =	stream.indirect.gather [hbm4b:s5+s29], $0x40, s23, s29, $0xb8;
	[tilespmem:$0x19000] =	vst v63  }
0x4a: {  	_ =	swait.ge [sflag:s8], $0x2000  }
0x4b: {  	[sflag:s8] =	ssyncset.done $0x0  }
0x4c: {  	s24 =	simm.s32 $0x2800;
	[sflag:s8] =	ssyncadd.s32 $0xFFFFE000  }
0x4d: {  	[spmem:s2] =	stream.indirect.scatter.add.f32 [tilespmem:s28], [sflag:$0x6], $0x40, s24, s29, $0xb8;
	[tilespmem:$0x19000] =	vst v63  }
0x4e: {  	_ =	swait.ge [sflag:s14], $0x2000  }
0x4f: {  	[sflag:s14] =	ssyncset.done $0x0  }
0x50: {  	s23 =	simm.s32 $0x2880;
	[sflag:s14] =	ssyncadd.s32 $0xFFFFE000  }
0x51: {  	[spmem:s2] =	stream.indirect.scatter.add.f32 [tilespmem:s30], [sflag:$0x7], $0x40, s23, s29, $0xb8;
	[tilespmem:$0x19000] =	vst v63  }
0x52: {  	_ =	swait.ge [sflag:s15], $0x2000  }
0x53: {  	[sflag:s15] =	ssyncset.done $0x0  }
0x54: {  	s24 =	simm.s32 $0x2900;
	[sflag:s15] =	ssyncadd.s32 $0xFFFFE000  }
0x55: {  	[spmem:s2] =	stream.indirect.scatter.add.f32 [tilespmem:s0], [sflag:$0x8], $0x40, s24, s29, $0xb8;
	[tilespmem:$0x19000] =	vst v63  }
0x56: {  	_ =	swait.ge [sflag:s16], $0x2000  }
0x57: {  	[sflag:s16] =	ssyncset.done $0x0  }
0x58: {  	s23 =	simm.s32 $0x2980;
	[sflag:s16] =	ssyncadd.s32 $0xFFFFE000  }
0x59: {  	[spmem:s2] =	stream.indirect.scatter.add.f32 [tilespmem:s26], [sflag:$0x9], $0x40, s23, s29, $0xb8;
	[tilespmem:$0x19000] =	vst v63  }
0x5a: {  	_ =	swait.ge [sflag:s17], $0x2000  }
0x5b: {  	[sflag:s17] =	ssyncset.done $0x0  }
0x5c: {  	s24 =	simm.s32 $0x2A00;
	[sflag:s17] =	ssyncadd.s32 $0xFFFFE000  }
0x5d: {  	[spmem:s2] =	stream.indirect.scatter.add.f32 [tilespmem:s7], [sflag:$0xA], $0x40, s24, s29, $0xb8;
	[tilespmem:$0x19000] =	vst v63  }
0x5e: {  	_ =	swait.ge [sflag:s18], $0x2000  }
0x5f: {  	[sflag:s18] =	ssyncset.done $0x0  }
0x60: {  	s23 =	simm.s32 $0x280;
	[sflag:s18] =	ssyncadd.s32 $0xFFFFE000  }
0x61: {  	[tilespmem:s28], [sflag:$0x1] =	stream.indirect.gather [hbm4b:s5+s29], $0x40, s23, s29, $0xb8;
	[tilespmem:$0x19000] =	vst v63  }
0x62: {  	_ =	swait.ge [sflag:s19], $0x2000  }
0x63: {  	[sflag:s19] =	ssyncset.done $0x0  }
0x64: {  	s24 =	simm.s32 $0x300;
	[sflag:s19] =	ssyncadd.s32 $0xFFFFE000  }
0x65: {  	[tilespmem:s30], [sflag:$0x2] =	stream.indirect.gather [hbm4b:s5+s29], $0x40, s24, s29, $0xb8;
	[tilespmem:$0x19000] =	vst v63  }
0x66: {  	_ =	swait.ge [sflag:s20], $0x2000  }
0x67: {  	[sflag:s20] =	ssyncset.done $0x0  }
0x68: {  	s23 =	simm.s32 $0x380;
	[sflag:s20] =	ssyncadd.s32 $0xFFFFE000  }
0x69: {  	[tilespmem:s0], [sflag:$0x3] =	stream.indirect.gather [hbm4b:s5+s29], $0x40, s23, s29, $0xb8;
	[tilespmem:$0x19000] =	vst v63  }
0x6a: {  	_ =	swait.ge [sflag:s21], $0x2000  }
0x6b: {  	[sflag:s21] =	ssyncset.done $0x0  }
0x6c: {  	s24 =	simm.s32 $0x400;
	[sflag:s21] =	ssyncadd.s32 $0xFFFFE000  }
0x6d: {  	[tilespmem:s26], [sflag:$0x4] =	stream.indirect.gather [hbm4b:s5+s29], $0x40, s24, s29, $0xb8;
	[tilespmem:$0x19000] =	vst v63  }
0x6e: {  	_ =	swait.ge [sflag:s31], $0x2000  }
0x6f: {  	[sflag:s31] =	ssyncset.done $0x0  }
0x70: {  	s3 =	simm.s32 $0x480;
	s23 =	simm.s32 $0xA00;
	[sflag:s31] =	ssyncadd.s32 $0xFFFFE000  }
.LBB2_2:
0x71: {  	[tilespmem:s7], [sflag:$0x5] =	stream.indirect.gather [hbm4b:s5+s29], $0x40, s3, s29, $0xb8;
	[tilespmem:$0x19000] =	vst v63  }
0x72: {  	s3 =	smov.u32 s23  }
0x73: {  	p0 =	sne.s32 s23, $0x8C00;
	s23 =	sadd.s32 $0xA00, s23;
	_ =	swait.ge [sflag:s8], $0x2000  }
0x74: {  	s3 =	sshra.s32 s3, $0x2;
	[sflag:s8] =	ssyncset.done $0x0  }
0x75: {  	s24 =	sadd.s32 $0x2800, s3;
	[sflag:s8] =	ssyncadd.s32 $0xFFFFE000  }
0x76: {  	[spmem:s2] =	stream.indirect.scatter.add.f32 [tilespmem:s28], [sflag:$0x6], $0x40, s24, s29, $0xb8;
	[tilespmem:$0x19000] =	vst v63  }
0x77: {  	_ =	swait.ge [sflag:s14], $0x2000  }
0x78: {  	[sflag:s14] =	ssyncset.done $0x0  }
0x79: {  	s24 =	sadd.s32 $0x2880, s3;
	[sflag:s14] =	ssyncadd.s32 $0xFFFFE000  }
0x7a: {  	[spmem:s2] =	stream.indirect.scatter.add.f32 [tilespmem:s30], [sflag:$0x7], $0x40, s24, s29, $0xb8;
	[tilespmem:$0x19000] =	vst v63  }
0x7b: {  	_ =	swait.ge [sflag:s15], $0x2000  }
0x7c: {  	[sflag:s15] =	ssyncset.done $0x0  }
0x7d: {  	s24 =	sadd.s32 $0x2900, s3;
	[sflag:s15] =	ssyncadd.s32 $0xFFFFE000  }
0x7e: {  	[spmem:s2] =	stream.indirect.scatter.add.f32 [tilespmem:s0], [sflag:$0x8], $0x40, s24, s29, $0xb8;
	[tilespmem:$0x19000] =	vst v63  }
0x7f: {  	_ =	swait.ge [sflag:s16], $0x2000  }
0x80: {  	[sflag:s16] =	ssyncset.done $0x0  }
0x81: {  	s24 =	sadd.s32 $0x2980, s3;
	[sflag:s16] =	ssyncadd.s32 $0xFFFFE000  }
0x82: {  	[spmem:s2] =	stream.indirect.scatter.add.f32 [tilespmem:s26], [sflag:$0x9], $0x40, s24, s29, $0xb8;
	[tilespmem:$0x19000] =	vst v63  }
0x83: {  	_ =	swait.ge [sflag:s17], $0x2000  }
0x84: {  	[sflag:s17] =	ssyncset.done $0x0  }
0x85: {  	s24 =	sadd.s32 $0x2A00, s3;
	[sflag:s17] =	ssyncadd.s32 $0xFFFFE000  }
0x86: {  	[spmem:s2] =	stream.indirect.scatter.add.f32 [tilespmem:s7], [sflag:$0xA], $0x40, s24, s29, $0xb8;
	[tilespmem:$0x19000] =	vst v63  }
0x87: {  	_ =	swait.ge [sflag:s18], $0x2000  }
0x88: {  	[sflag:s18] =	ssyncset.done $0x0  }
0x89: {  	s24 =	sadd.s32 $0x280, s3;
	[sflag:s18] =	ssyncadd.s32 $0xFFFFE000  }
0x8a: {  	[tilespmem:s28], [sflag:$0x1] =	stream.indirect.gather [hbm4b:s5+s29], $0x40, s24, s29, $0xb8;
	[tilespmem:$0x19000] =	vst v63  }
0x8b: {  	_ =	swait.ge [sflag:s19], $0x2000  }
0x8c: {  	[sflag:s19] =	ssyncset.done $0x0  }
0x8d: {  	s24 =	sadd.s32 $0x300, s3;
	[sflag:s19] =	ssyncadd.s32 $0xFFFFE000  }
0x8e: {  	[tilespmem:s30], [sflag:$0x2] =	stream.indirect.gather [hbm4b:s5+s29], $0x40, s24, s29, $0xb8;
	[tilespmem:$0x19000] =	vst v63  }
0x8f: {  	_ =	swait.ge [sflag:s20], $0x2000  }
0x90: {  	[sflag:s20] =	ssyncset.done $0x0  }
0x91: {  	s24 =	sadd.s32 $0x380, s3;
	[sflag:s20] =	ssyncadd.s32 $0xFFFFE000  }
0x92: {  	[tilespmem:s0], [sflag:$0x3] =	stream.indirect.gather [hbm4b:s5+s29], $0x40, s24, s29, $0xb8;
	[tilespmem:$0x19000] =	vst v63  }
0x93: {  	_ =	swait.ge [sflag:s21], $0x2000  }
0x94: {  	[sflag:s21] =	ssyncset.done $0x0  }
.Ltmp0:
0x95: {  	s24 =	sadd.s32 $0x400, s3;
	[sflag:s21] =	ssyncadd.s32 $0xFFFFE000;
	(pc) =	sbr.rel @p0 .LBB2_2-.Ltmp0, $4  }
0x96: {  	[tilespmem:s26], [sflag:$0x4] =	stream.indirect.gather [hbm4b:s5+s29], $0x40, s24, s29, $0xb8;
	[tilespmem:$0x19000] =	vst v63  }
0x97: {  	_ =	swait.ge [sflag:s31], $0x2000  }
0x98: {  	[sflag:s31] =	ssyncset.done $0x0  }
0x99: {  	s3 =	sadd.s32 $0x480, s3;
	[sflag:s31] =	ssyncadd.s32 $0xFFFFE000  }
0x9a: {  	[tilespmem:s7], [sflag:$0x5] =	stream.indirect.gather [hbm4b:s5+s29], $0x40, s3, s29, $0xb8;
	[tilespmem:$0x19000] =	vst v63  }
0x9b: {  	_ =	swait.ge [sflag:s8], $0x2000  }
0x9c: {  	[sflag:s8] =	ssyncset.done $0x0  }
0x9d: {  	s24 =	simm.s32 $0x4D80;
	[sflag:s8] =	ssyncadd.s32 $0xFFFFE000  }
0x9e: {  	[spmem:s2] =	stream.indirect.scatter.add.f32 [tilespmem:s28], [sflag:$0x6], $0x40, s24, s29, $0xb8;
	[tilespmem:$0x19000] =	vst v63  }
0x9f: {  	_ =	swait.ge [sflag:s14], $0x2000  }
0xa0: {  	[sflag:s14] =	ssyncset.done $0x0  }
0xa1: {  	s23 =	simm.s32 $0x4E00;
	[sflag:s14] =	ssyncadd.s32 $0xFFFFE000  }
0xa2: {  	[spmem:s2] =	stream.indirect.scatter.add.f32 [tilespmem:s30], [sflag:$0x7], $0x40, s23, s29, $0xb8;
	[tilespmem:$0x19000] =	vst v63  }
0xa3: {  	_ =	swait.ge [sflag:s15], $0x2000  }
0xa4: {  	[sflag:s15] =	ssyncset.done $0x0  }
0xa5: {  	s24 =	simm.s32 $0x4E80;
	[sflag:s15] =	ssyncadd.s32 $0xFFFFE000  }
0xa6: {  	[spmem:s2] =	stream.indirect.scatter.add.f32 [tilespmem:s0], [sflag:$0x8], $0x40, s24, s29, $0xb8;
	[tilespmem:$0x19000] =	vst v63  }
0xa7: {  	_ =	swait.ge [sflag:s16], $0x2000  }
0xa8: {  	[sflag:s16] =	ssyncset.done $0x0  }
0xa9: {  	s23 =	simm.s32 $0x4F00;
	[sflag:s16] =	ssyncadd.s32 $0xFFFFE000  }
0xaa: {  	[spmem:s2] =	stream.indirect.scatter.add.f32 [tilespmem:s26], [sflag:$0x9], $0x40, s23, s29, $0xb8;
	[tilespmem:$0x19000] =	vst v63  }
0xab: {  	_ =	swait.ge [sflag:s17], $0x2000  }
0xac: {  	[sflag:s17] =	ssyncset.done $0x0  }
0xad: {  	[sflag:s17] =	ssyncadd.s32 $0xFFFFE000  }
0xae: {  	[spmem:s2] =	stream.indirect.scatter.add.f32 [tilespmem:s7], [sflag:$0xA], $0x40, s1, s29, $0xb8;
	[tilespmem:$0x19000] =	vst v63  }
0xaf: {  	_ =	swait.ge [sflag:s18], $0x2000  }
0xb0: {  	[sflag:s18] =	ssyncset.done $0x0  }
0xb1: {  	[sflag:s18] =	ssyncadd.s32 $0xFFFFE000  }
0xb2: {  	_ =	swait.ge [sflag:s19], $0x2000  }
0xb3: {  	[sflag:s19] =	ssyncset.done $0x0  }
0xb4: {  	[sflag:s19] =	ssyncadd.s32 $0xFFFFE000  }
0xb5: {  	_ =	swait.ge [sflag:s20], $0x2000  }
0xb6: {  	[sflag:s20] =	ssyncset.done $0x0  }
0xb7: {  	[sflag:s20] =	ssyncadd.s32 $0xFFFFE000  }
0xb8: {  	_ =	swait.ge [sflag:s21], $0x2000  }
0xb9: {  	[sflag:s21] =	ssyncset.done $0x0  }
0xba: {  	[sflag:s21] =	ssyncadd.s32 $0xFFFFE000  }
0xbb: {  	_ =	swait.ge [sflag:s31], $0x2000  }
0xbc: {  	[sflag:s31] =	ssyncset.done $0x0  }
0xbd: {  	[sflag:s31] =	ssyncadd.s32 $0xFFFFE000  }
0xbe: {  	[bflag:$0x0] =	sbarrier.arrive $0xFFFF  }
0xbf: {  	[tilespmem:s28], [sflag:$0xB] =	stream.linear.gather [spmem:s9], $0x2000, $0x38;
	[tilespmem:$0x19000] =	vst v63  }
0xc0: {  	_ =	swait.ge [sflag:s25], $0x2000  }
0xc1: {  	[sflag:s25] =	ssyncset.done $0x0  }
0xc2: {  	s3 =	simm.s32 $0x0;
	s23 =	rddreg [dreg:$0x6];
	[sflag:s25] =	ssyncadd.s32 $0xFFFFE000  }
0xc3: {  	[hbm4b:s23+s3] =	stream.linear.scatter [tilespmem:s28], [sflag:$0xB], $0x2000, $0x38;
	[tilespmem:$0x19000] =	vst v63  }
0xc4: {  	_ =	swait.ge [sflag:s25], $0x2000  }
0xc5: {  	[sflag:s25] =	ssyncset.done $0x0  }
0xc6: {  	[sflag:s25] =	ssyncadd.s32 $0xFFFFE000  }
0xc7: {  	[tilespmem:s28], [sflag:$0xB] =	stream.linear.gather [spmem:s10], $0x2000, $0x38;
	[tilespmem:$0x19000] =	vst v63  }
0xc8: {  	_ =	swait.ge [sflag:s25], $0x2000  }
0xc9: {  	[sflag:s25] =	ssyncset.done $0x0  }
0xca: {  	s24 =	rddreg [dreg:$0x7];
	[sflag:s25] =	ssyncadd.s32 $0xFFFFE000  }
0xcb: {  	[hbm4b:s24+s3] =	stream.linear.scatter [tilespmem:s28], [sflag:$0xB], $0x2000, $0x38;
	[tilespmem:$0x19000] =	vst v63  }
0xcc: {  	_ =	swait.ge [sflag:s25], $0x2000  }
0xcd: {  	[sflag:s25] =	ssyncset.done $0x0  }
0xce: {  	[sflag:s25] =	ssyncadd.s32 $0xFFFFE000  }
0xcf: {  	[tilespmem:s28], [sflag:$0xB] =	stream.linear.gather [spmem:s11], $0x2000, $0x38;
	[tilespmem:$0x19000] =	vst v63  }
0xd0: {  	_ =	swait.ge [sflag:s25], $0x2000  }
0xd1: {  	[sflag:s25] =	ssyncset.done $0x0  }
0xd2: {  	s24 =	rddreg [dreg:$0x8];
	[sflag:s25] =	ssyncadd.s32 $0xFFFFE000  }
0xd3: {  	[hbm4b:s24+s3] =	stream.linear.scatter [tilespmem:s28], [sflag:$0xB], $0x2000, $0x38;
	[tilespmem:$0x19000] =	vst v63  }
0xd4: {  	_ =	swait.ge [sflag:s25], $0x2000  }
0xd5: {  	[sflag:s25] =	ssyncset.done $0x0  }
0xd6: {  	[sflag:s25] =	ssyncadd.s32 $0xFFFFE000  }
0xd7: {  	[tilespmem:s28], [sflag:$0xB] =	stream.linear.gather [spmem:s12], $0x2000, $0x38;
	[tilespmem:$0x19000] =	vst v63  }
0xd8: {  	_ =	swait.ge [sflag:s25], $0x2000  }
0xd9: {  	[sflag:s25] =	ssyncset.done $0x0  }
0xda: {  	s24 =	rddreg [dreg:$0x9];
	[sflag:s25] =	ssyncadd.s32 $0xFFFFE000  }
0xdb: {  	[hbm4b:s24+s3] =	stream.linear.scatter [tilespmem:s28], [sflag:$0xB], $0x2000, $0x38;
	[tilespmem:$0x19000] =	vst v63  }
0xdc: {  	_ =	swait.ge [sflag:s25], $0x2000  }
0xdd: {  	[sflag:s25] =	ssyncset.done $0x0  }
0xde: {  	[sflag:s25] =	ssyncadd.s32 $0xFFFFE000  }
0xdf: {  	[tilespmem:s28], [sflag:$0xB] =	stream.linear.gather [spmem:s13], $0x2000, $0x38;
	[tilespmem:$0x19000] =	vst v63  }
0xe0: {  	_ =	swait.ge [sflag:s25], $0x2000  }
0xe1: {  	[sflag:s25] =	ssyncset.done $0x0  }
0xe2: {  	s24 =	rddreg [dreg:$0xa];
	[sflag:s25] =	ssyncadd.s32 $0xFFFFE000  }
0xe3: {  	[hbm4b:s24+s3] =	stream.linear.scatter [tilespmem:s28], [sflag:$0xB], $0x2000, $0x38;
	[tilespmem:$0x19000] =	vst v63  }
0xe4: {  	_ =	swait.ge [sflag:s25], $0x2000  }
0xe5: {  	[sflag:s25] =	ssyncset.done $0x0  }
0xe6: {  	[sflag:s25] =	ssyncadd.s32 $0xFFFFE000  }
0xe7: {  	s24 =	rddreg [dreg:$0x1]  }
0xe8: {  	[tilespmem:s28], [sflag:$0xB] =	stream.linear.gather [hbm4b:s24+s3], $0x2000, $0x38;
	[tilespmem:$0x19000] =	vst v63  }
0xe9: {  	_ =	swait.ge [sflag:s25], $0x2000  }
0xea: {  	[sflag:s25] =	ssyncset.done $0x0  }
0xeb: {  	[sflag:s25] =	ssyncadd.s32 $0xFFFFE000  }
0xec: {  	[spmem:s9] =	stream.linear.scatter [tilespmem:s28], [sflag:$0xB], $0x2000, $0x38;
	[tilespmem:$0x19000] =	vst v63  }
0xed: {  	_ =	swait.ge [sflag:s25], $0x2000  }
0xee: {  	[sflag:s25] =	ssyncset.done $0x0  }
0xef: {  	[sflag:s25] =	ssyncadd.s32 $0xFFFFE000  }
0xf0: {  	[spmem:s10] =	stream.linear.scatter [tilespmem:s28], [sflag:$0xB], $0x2000, $0x38;
	[tilespmem:$0x19000] =	vst v63  }
0xf1: {  	_ =	swait.ge [sflag:s25], $0x2000  }
0xf2: {  	[sflag:s25] =	ssyncset.done $0x0  }
0xf3: {  	[sflag:s25] =	ssyncadd.s32 $0xFFFFE000  }
0xf4: {  	[spmem:s11] =	stream.linear.scatter [tilespmem:s28], [sflag:$0xB], $0x2000, $0x38;
	[tilespmem:$0x19000] =	vst v63  }
0xf5: {  	_ =	swait.ge [sflag:s25], $0x2000  }
0xf6: {  	[sflag:s25] =	ssyncset.done $0x0  }
0xf7: {  	[sflag:s25] =	ssyncadd.s32 $0xFFFFE000  }
0xf8: {  	[spmem:s12] =	stream.linear.scatter [tilespmem:s28], [sflag:$0xB], $0x2000, $0x38;
	[tilespmem:$0x19000] =	vst v63  }
0xf9: {  	_ =	swait.ge [sflag:s25], $0x2000  }
0xfa: {  	[sflag:s25] =	ssyncset.done $0x0  }
0xfb: {  	[sflag:s25] =	ssyncadd.s32 $0xFFFFE000  }
0xfc: {  	[spmem:s13] =	stream.linear.scatter [tilespmem:s28], [sflag:$0xB], $0x2000, $0x38;
	[tilespmem:$0x19000] =	vst v63  }
0xfd: {  	_ =	swait.ge [sflag:s25], $0x2000  }
0xfe: {  	[sflag:s25] =	ssyncset.done $0x0  }
0xff: {  	[sflag:s25] =	ssyncadd.s32 $0xFFFFE000  }
0x100: {  	[bflag:$0x0] =	sbarrier.arrive $0xFFFF  }
0x101: {  	[tilespmem:s28], [sflag:$0x1] =	stream.indirect.gather [hbm4b:s6+s29], $0x40, s3, s29, $0xb8;
	[tilespmem:$0x19000] =	vst v63  }
0x102: {  	_ = 	snop  }
0x103: {  	[tilespmem:s30], [sflag:$0x2] =	stream.indirect.gather [hbm4b:s6+s29], $0x40, s29, s29, $0xb8;
	[tilespmem:$0x19000] =	vst v63  }
0x104: {  	s23 =	simm.s32 $0x100  }
0x105: {  	[tilespmem:s0], [sflag:$0x3] =	stream.indirect.gather [hbm4b:s6+s29], $0x40, s23, s29, $0xb8;
	[tilespmem:$0x19000] =	vst v63  }
0x106: {  	s24 =	simm.s32 $0x180  }
0x107: {  	[tilespmem:s26], [sflag:$0x4] =	stream.indirect.gather [hbm4b:s6+s29], $0x40, s24, s29, $0xb8;
	[tilespmem:$0x19000] =	vst v63  }
0x108: {  	s23 =	simm.s32 $0x200  }
0x109: {  	[tilespmem:s7], [sflag:$0x5] =	stream.indirect.gather [hbm4b:s6+s29], $0x40, s23, s29, $0xb8;
	[tilespmem:$0x19000] =	vst v63  }
0x10a: {  	_ =	swait.ge [sflag:s8], $0x2000  }
0x10b: {  	[sflag:s8] =	ssyncset.done $0x0  }
0x10c: {  	s24 =	simm.s32 $0x2800;
	[sflag:s8] =	ssyncadd.s32 $0xFFFFE000  }
0x10d: {  	[spmem:s2] =	stream.indirect.scatter.add.f32 [tilespmem:s28], [sflag:$0x6], $0x40, s24, s29, $0xb8;
	[tilespmem:$0x19000] =	vst v63  }
0x10e: {  	_ =	swait.ge [sflag:s14], $0x2000  }
0x10f: {  	[sflag:s14] =	ssyncset.done $0x0  }
0x110: {  	s23 =	simm.s32 $0x2880;
	[sflag:s14] =	ssyncadd.s32 $0xFFFFE000  }
0x111: {  	[spmem:s2] =	stream.indirect.scatter.add.f32 [tilespmem:s30], [sflag:$0x7], $0x40, s23, s29, $0xb8;
	[tilespmem:$0x19000] =	vst v63  }
0x112: {  	_ =	swait.ge [sflag:s15], $0x2000  }
0x113: {  	[sflag:s15] =	ssyncset.done $0x0  }
0x114: {  	s24 =	simm.s32 $0x2900;
	[sflag:s15] =	ssyncadd.s32 $0xFFFFE000  }
0x115: {  	[spmem:s2] =	stream.indirect.scatter.add.f32 [tilespmem:s0], [sflag:$0x8], $0x40, s24, s29, $0xb8;
	[tilespmem:$0x19000] =	vst v63  }
0x116: {  	_ =	swait.ge [sflag:s16], $0x2000  }
0x117: {  	[sflag:s16] =	ssyncset.done $0x0  }
0x118: {  	s23 =	simm.s32 $0x2980;
	[sflag:s16] =	ssyncadd.s32 $0xFFFFE000  }
0x119: {  	[spmem:s2] =	stream.indirect.scatter.add.f32 [tilespmem:s26], [sflag:$0x9], $0x40, s23, s29, $0xb8;
	[tilespmem:$0x19000] =	vst v63  }
0x11a: {  	_ =	swait.ge [sflag:s17], $0x2000  }
0x11b: {  	[sflag:s17] =	ssyncset.done $0x0  }
0x11c: {  	s24 =	simm.s32 $0x2A00;
	[sflag:s17] =	ssyncadd.s32 $0xFFFFE000  }
0x11d: {  	[spmem:s2] =	stream.indirect.scatter.add.f32 [tilespmem:s7], [sflag:$0xA], $0x40, s24, s29, $0xb8;
	[tilespmem:$0x19000] =	vst v63  }
0x11e: {  	_ =	swait.ge [sflag:s18], $0x2000  }
0x11f: {  	[sflag:s18] =	ssyncset.done $0x0  }
0x120: {  	s23 =	simm.s32 $0x280;
	[sflag:s18] =	ssyncadd.s32 $0xFFFFE000  }
0x121: {  	[tilespmem:s28], [sflag:$0x1] =	stream.indirect.gather [hbm4b:s6+s29], $0x40, s23, s29, $0xb8;
	[tilespmem:$0x19000] =	vst v63  }
0x122: {  	_ =	swait.ge [sflag:s19], $0x2000  }
0x123: {  	[sflag:s19] =	ssyncset.done $0x0  }
0x124: {  	s24 =	simm.s32 $0x300;
	[sflag:s19] =	ssyncadd.s32 $0xFFFFE000  }
0x125: {  	[tilespmem:s30], [sflag:$0x2] =	stream.indirect.gather [hbm4b:s6+s29], $0x40, s24, s29, $0xb8;
	[tilespmem:$0x19000] =	vst v63  }
0x126: {  	_ =	swait.ge [sflag:s20], $0x2000  }
0x127: {  	[sflag:s20] =	ssyncset.done $0x0  }
0x128: {  	s23 =	simm.s32 $0x380;
	[sflag:s20] =	ssyncadd.s32 $0xFFFFE000  }
0x129: {  	[tilespmem:s0], [sflag:$0x3] =	stream.indirect.gather [hbm4b:s6+s29], $0x40, s23, s29, $0xb8;
	[tilespmem:$0x19000] =	vst v63  }
0x12a: {  	_ =	swait.ge [sflag:s21], $0x2000  }
0x12b: {  	[sflag:s21] =	ssyncset.done $0x0  }
0x12c: {  	s24 =	simm.s32 $0x400;
	[sflag:s21] =	ssyncadd.s32 $0xFFFFE000  }
0x12d: {  	[tilespmem:s26], [sflag:$0x4] =	stream.indirect.gather [hbm4b:s6+s29], $0x40, s24, s29, $0xb8;
	[tilespmem:$0x19000] =	vst v63  }
0x12e: {  	_ =	swait.ge [sflag:s31], $0x2000  }
0x12f: {  	[sflag:s31] =	ssyncset.done $0x0  }
0x130: {  	s3 =	simm.s32 $0x480;
	s23 =	simm.s32 $0xA00;
	[sflag:s31] =	ssyncadd.s32 $0xFFFFE000  }
.LBB2_4:
0x131: {  	[tilespmem:s7], [sflag:$0x5] =	stream.indirect.gather [hbm4b:s6+s29], $0x40, s3, s29, $0xb8;
	[tilespmem:$0x19000] =	vst v63  }
0x132: {  	s3 =	smov.u32 s23  }
0x133: {  	p0 =	sne.s32 s23, $0x8C00;
	s23 =	sadd.s32 $0xA00, s23;
	_ =	swait.ge [sflag:s8], $0x2000  }
0x134: {  	s3 =	sshra.s32 s3, $0x2;
	[sflag:s8] =	ssyncset.done $0x0  }
0x135: {  	s24 =	sadd.s32 $0x2800, s3;
	[sflag:s8] =	ssyncadd.s32 $0xFFFFE000  }
0x136: {  	[spmem:s2] =	stream.indirect.scatter.add.f32 [tilespmem:s28], [sflag:$0x6], $0x40, s24, s29, $0xb8;
	[tilespmem:$0x19000] =	vst v63  }
0x137: {  	_ =	swait.ge [sflag:s14], $0x2000  }
0x138: {  	[sflag:s14] =	ssyncset.done $0x0  }
0x139: {  	s24 =	sadd.s32 $0x2880, s3;
	[sflag:s14] =	ssyncadd.s32 $0xFFFFE000  }
0x13a: {  	[spmem:s2] =	stream.indirect.scatter.add.f32 [tilespmem:s30], [sflag:$0x7], $0x40, s24, s29, $0xb8;
	[tilespmem:$0x19000] =	vst v63  }
0x13b: {  	_ =	swait.ge [sflag:s15], $0x2000  }
0x13c: {  	[sflag:s15] =	ssyncset.done $0x0  }
0x13d: {  	s24 =	sadd.s32 $0x2900, s3;
	[sflag:s15] =	ssyncadd.s32 $0xFFFFE000  }
0x13e: {  	[spmem:s2] =	stream.indirect.scatter.add.f32 [tilespmem:s0], [sflag:$0x8], $0x40, s24, s29, $0xb8;
	[tilespmem:$0x19000] =	vst v63  }
0x13f: {  	_ =	swait.ge [sflag:s16], $0x2000  }
0x140: {  	[sflag:s16] =	ssyncset.done $0x0  }
0x141: {  	s24 =	sadd.s32 $0x2980, s3;
	[sflag:s16] =	ssyncadd.s32 $0xFFFFE000  }
0x142: {  	[spmem:s2] =	stream.indirect.scatter.add.f32 [tilespmem:s26], [sflag:$0x9], $0x40, s24, s29, $0xb8;
	[tilespmem:$0x19000] =	vst v63  }
0x143: {  	_ =	swait.ge [sflag:s17], $0x2000  }
0x144: {  	[sflag:s17] =	ssyncset.done $0x0  }
0x145: {  	s24 =	sadd.s32 $0x2A00, s3;
	[sflag:s17] =	ssyncadd.s32 $0xFFFFE000  }
0x146: {  	[spmem:s2] =	stream.indirect.scatter.add.f32 [tilespmem:s7], [sflag:$0xA], $0x40, s24, s29, $0xb8;
	[tilespmem:$0x19000] =	vst v63  }
0x147: {  	_ =	swait.ge [sflag:s18], $0x2000  }
0x148: {  	[sflag:s18] =	ssyncset.done $0x0  }
0x149: {  	s24 =	sadd.s32 $0x280, s3;
	[sflag:s18] =	ssyncadd.s32 $0xFFFFE000  }
0x14a: {  	[tilespmem:s28], [sflag:$0x1] =	stream.indirect.gather [hbm4b:s6+s29], $0x40, s24, s29, $0xb8;
	[tilespmem:$0x19000] =	vst v63  }
0x14b: {  	_ =	swait.ge [sflag:s19], $0x2000  }
0x14c: {  	[sflag:s19] =	ssyncset.done $0x0  }
0x14d: {  	s24 =	sadd.s32 $0x300, s3;
	[sflag:s19] =	ssyncadd.s32 $0xFFFFE000  }
0x14e: {  	[tilespmem:s30], [sflag:$0x2] =	stream.indirect.gather [hbm4b:s6+s29], $0x40, s24, s29, $0xb8;
	[tilespmem:$0x19000] =	vst v63  }
0x14f: {  	_ =	swait.ge [sflag:s20], $0x2000  }
0x150: {  	[sflag:s20] =	ssyncset.done $0x0  }
0x151: {  	s24 =	sadd.s32 $0x380, s3;
	[sflag:s20] =	ssyncadd.s32 $0xFFFFE000  }
0x152: {  	[tilespmem:s0], [sflag:$0x3] =	stream.indirect.gather [hbm4b:s6+s29], $0x40, s24, s29, $0xb8;
	[tilespmem:$0x19000] =	vst v63  }
0x153: {  	_ =	swait.ge [sflag:s21], $0x2000  }
0x154: {  	[sflag:s21] =	ssyncset.done $0x0  }
.Ltmp1:
0x155: {  	s24 =	sadd.s32 $0x400, s3;
	[sflag:s21] =	ssyncadd.s32 $0xFFFFE000;
	(pc) =	sbr.rel @p0 .LBB2_4-.Ltmp1, $4  }
0x156: {  	[tilespmem:s26], [sflag:$0x4] =	stream.indirect.gather [hbm4b:s6+s29], $0x40, s24, s29, $0xb8;
	[tilespmem:$0x19000] =	vst v63  }
0x157: {  	_ =	swait.ge [sflag:s31], $0x2000  }
0x158: {  	[sflag:s31] =	ssyncset.done $0x0  }
0x159: {  	s3 =	sadd.s32 $0x480, s3;
	[sflag:s31] =	ssyncadd.s32 $0xFFFFE000  }
0x15a: {  	[tilespmem:s7], [sflag:$0x5] =	stream.indirect.gather [hbm4b:s6+s29], $0x40, s3, s29, $0xb8;
	[tilespmem:$0x19000] =	vst v63  }
0x15b: {  	_ =	swait.ge [sflag:s8], $0x2000  }
0x15c: {  	[sflag:s8] =	ssyncset.done $0x0  }
0x15d: {  	s23 =	simm.s32 $0x4D80;
	[sflag:s8] =	ssyncadd.s32 $0xFFFFE000  }
0x15e: {  	[spmem:s2] =	stream.indirect.scatter.add.f32 [tilespmem:s28], [sflag:$0x6], $0x40, s23, s29, $0xb8;
	[tilespmem:$0x19000] =	vst v63  }
0x15f: {  	_ =	swait.ge [sflag:s14], $0x2000  }
0x160: {  	[sflag:s14] =	ssyncset.done $0x0  }
0x161: {  	s24 =	simm.s32 $0x4E00;
	[sflag:s14] =	ssyncadd.s32 $0xFFFFE000  }
0x162: {  	[spmem:s2] =	stream.indirect.scatter.add.f32 [tilespmem:s30], [sflag:$0x7], $0x40, s24, s29, $0xb8;
	[tilespmem:$0x19000] =	vst v63  }
0x163: {  	_ =	swait.ge [sflag:s15], $0x2000  }
0x164: {  	[sflag:s15] =	ssyncset.done $0x0  }
0x165: {  	s23 =	simm.s32 $0x4E80;
	[sflag:s15] =	ssyncadd.s32 $0xFFFFE000  }
0x166: {  	[spmem:s2] =	stream.indirect.scatter.add.f32 [tilespmem:s0], [sflag:$0x8], $0x40, s23, s29, $0xb8;
	[tilespmem:$0x19000] =	vst v63  }
0x167: {  	_ =	swait.ge [sflag:s16], $0x2000  }
0x168: {  	[sflag:s16] =	ssyncset.done $0x0  }
0x169: {  	s24 =	simm.s32 $0x4F00;
	[sflag:s16] =	ssyncadd.s32 $0xFFFFE000  }
0x16a: {  	[spmem:s2] =	stream.indirect.scatter.add.f32 [tilespmem:s26], [sflag:$0x9], $0x40, s24, s29, $0xb8;
	[tilespmem:$0x19000] =	vst v63  }
0x16b: {  	_ =	swait.ge [sflag:s17], $0x2000  }
0x16c: {  	[sflag:s17] =	ssyncset.done $0x0  }
0x16d: {  	[sflag:s17] =	ssyncadd.s32 $0xFFFFE000  }
0x16e: {  	[spmem:s2] =	stream.indirect.scatter.add.f32 [tilespmem:s7], [sflag:$0xA], $0x40, s1, s29, $0xb8;
	[tilespmem:$0x19000] =	vst v63  }
0x16f: {  	_ =	swait.ge [sflag:s18], $0x2000  }
0x170: {  	[sflag:s18] =	ssyncset.done $0x0  }
0x171: {  	[sflag:s18] =	ssyncadd.s32 $0xFFFFE000  }
0x172: {  	_ =	swait.ge [sflag:s19], $0x2000  }
0x173: {  	[sflag:s19] =	ssyncset.done $0x0  }
0x174: {  	[sflag:s19] =	ssyncadd.s32 $0xFFFFE000  }
0x175: {  	_ =	swait.ge [sflag:s20], $0x2000  }
0x176: {  	[sflag:s20] =	ssyncset.done $0x0  }
0x177: {  	[sflag:s20] =	ssyncadd.s32 $0xFFFFE000  }
0x178: {  	_ =	swait.ge [sflag:s21], $0x2000  }
0x179: {  	[sflag:s21] =	ssyncset.done $0x0  }
0x17a: {  	[sflag:s21] =	ssyncadd.s32 $0xFFFFE000  }
0x17b: {  	_ =	swait.ge [sflag:s31], $0x2000  }
0x17c: {  	[sflag:s31] =	ssyncset.done $0x0  }
0x17d: {  	[sflag:s31] =	ssyncadd.s32 $0xFFFFE000  }
0x17e: {  	[bflag:$0x0] =	sbarrier.arrive $0xFFFF  }
0x17f: {  	[tilespmem:s28], [sflag:$0xB] =	stream.linear.gather [spmem:s9], $0x2000, $0x38;
	[tilespmem:$0x19000] =	vst v63  }
0x180: {  	_ =	swait.ge [sflag:s25], $0x2000  }
0x181: {  	[sflag:s25] =	ssyncset.done $0x0  }
0x182: {  	s23 =	rddreg [dreg:$0xb];
	[sflag:s25] =	ssyncadd.s32 $0xFFFFE000  }
0x183: {  	[hbm4b:s23+s4] =	stream.linear.scatter [tilespmem:s28], [sflag:$0xB], $0x2000, $0x38;
	[tilespmem:$0x19000] =	vst v63  }
0x184: {  	_ =	swait.ge [sflag:s25], $0x2000  }
0x185: {  	[sflag:s25] =	ssyncset.done $0x0  }
0x186: {  	[sflag:s25] =	ssyncadd.s32 $0xFFFFE000  }
0x187: {  	[tilespmem:s28], [sflag:$0xB] =	stream.linear.gather [spmem:s10], $0x2000, $0x38;
	[tilespmem:$0x19000] =	vst v63  }
0x188: {  	_ =	swait.ge [sflag:s25], $0x2000  }
0x189: {  	[sflag:s25] =	ssyncset.done $0x0  }
0x18a: {  	s24 =	rddreg [dreg:$0xc];
	[sflag:s25] =	ssyncadd.s32 $0xFFFFE000  }
0x18b: {  	[hbm4b:s24+s4] =	stream.linear.scatter [tilespmem:s28], [sflag:$0xB], $0x2000, $0x38;
	[tilespmem:$0x19000] =	vst v63  }
0x18c: {  	_ =	swait.ge [sflag:s25], $0x2000  }
0x18d: {  	[sflag:s25] =	ssyncset.done $0x0  }
0x18e: {  	[sflag:s25] =	ssyncadd.s32 $0xFFFFE000  }
0x18f: {  	[tilespmem:s28], [sflag:$0xB] =	stream.linear.gather [spmem:s11], $0x2000, $0x38;
	[tilespmem:$0x19000] =	vst v63  }
0x190: {  	_ =	swait.ge [sflag:s25], $0x2000  }
0x191: {  	[sflag:s25] =	ssyncset.done $0x0  }
0x192: {  	s23 =	rddreg [dreg:$0xd];
	[sflag:s25] =	ssyncadd.s32 $0xFFFFE000  }
0x193: {  	[hbm4b:s23+s4] =	stream.linear.scatter [tilespmem:s28], [sflag:$0xB], $0x2000, $0x38;
	[tilespmem:$0x19000] =	vst v63  }
0x194: {  	_ =	swait.ge [sflag:s25], $0x2000  }
0x195: {  	[sflag:s25] =	ssyncset.done $0x0  }
0x196: {  	[sflag:s25] =	ssyncadd.s32 $0xFFFFE000  }
0x197: {  	[tilespmem:s28], [sflag:$0xB] =	stream.linear.gather [spmem:s12], $0x2000, $0x38;
	[tilespmem:$0x19000] =	vst v63  }
0x198: {  	_ =	swait.ge [sflag:s25], $0x2000  }
0x199: {  	[sflag:s25] =	ssyncset.done $0x0  }
0x19a: {  	s24 =	rddreg [dreg:$0xe];
	[sflag:s25] =	ssyncadd.s32 $0xFFFFE000  }
0x19b: {  	[hbm4b:s24+s4] =	stream.linear.scatter [tilespmem:s28], [sflag:$0xB], $0x2000, $0x38;
	[tilespmem:$0x19000] =	vst v63  }
0x19c: {  	_ =	swait.ge [sflag:s25], $0x2000  }
0x19d: {  	[sflag:s25] =	ssyncset.done $0x0  }
0x19e: {  	[sflag:s25] =	ssyncadd.s32 $0xFFFFE000  }
0x19f: {  	[tilespmem:s28], [sflag:$0xB] =	stream.linear.gather [spmem:s13], $0x2000, $0x38;
	[tilespmem:$0x19000] =	vst v63  }
0x1a0: {  	_ =	swait.ge [sflag:s25], $0x2000  }
0x1a1: {  	[sflag:s25] =	ssyncset.done $0x0  }
0x1a2: {  	s23 =	rddreg [dreg:$0xf];
	[sflag:s25] =	ssyncadd.s32 $0xFFFFE000  }
0x1a3: {  	[hbm4b:s23+s4] =	stream.linear.scatter [tilespmem:s28], [sflag:$0xB], $0x2000, $0x38;
	[tilespmem:$0x19000] =	vst v63  }
0x1a4: {  	_ =	swait.ge [sflag:s25], $0x2000  }
0x1a5: {  	s22 =	sadd.s32 $0x1, s22;
	s24 =	rddreg [dreg:$0x10]  }
0x1a6: {  	p0 =	sne.s32 s22, s24  }
.Ltmp2:
0x1a7: {  	_ = 	snop;
	(pc) =	sbr.rel @p0 .LBB2_1-.Ltmp2, $3  }
0x1a8: {  	_ =	sdelay $0x1  }
0x1a9: {  	[sflag:s25] =	ssyncset.done $0x0  }
0x1aa: {  	[sflag:s25] =	ssyncadd.s32 $0xFFFFE000  }
0x1ab: {  	_ =	sfence.sel $0x180000  }
0x1ac: {  	[bflag:$0x0] =	sbarrier.arrive $0xFFFF  }
0x1ad: {  	_ =	strace $0x9000004D  }
0x1ae: {  	s0 =	stileid.u32;
	[bflag:$0x2] =	sbarrier.arrive $0xFFFF  }
0x1af: {  	p0 =	sne.s32 s0, $0x0;
	s0 =	rddreg [dreg:$0x3]  }
0x1b0: {  	s0 =	sadd.s32 @!p0 $0x100000, s0  }
0x1b1: {  	[sflag:s0] =	ssyncadd.tile.s32 @!p0 $0x1;
	_ =	shalt  }
.Lfunc_end2:
_tile_overlayer_lowered:
.L_overlay_start_2:
0x1b2: {  	(tag) =	ssettag $0x2  }
0x1b3: {  	s0 =	rddreg [dreg:$0x0];
	s2 =	stileid.u32  }
0x1b4: {  	s1 =	rddreg [dreg:$0x1];
	p0 =	sne.s32 s2, $0x0  }
0x1b5: {  	s3 =	rddreg [dreg:$0x2];
	[bflag:$0x3] =	sbarrier.arrive $0xFFFF;
	s2 =	simm.s32 @!p0 $0x1C0B  }
0x1b6: {  	[timem:s3], [sflag:s2] =	dma.local @!p0 [hbm:s0], s1  }
0x1b7: {  	s0 =	simm.s32 @!p0 $0xB  }
0x1b8: {  	_ =	swait.ge @!p0 [sflag:s0], s1  }
0x1b9: {  	s1 =	ssub.s32 @!p0 $0x0, s1;
	[sflag:s0] =	ssyncset.done @!p0 $0x0  }
0x1ba: {  	[sflag:s0] =	ssyncadd.s32 @!p0 s1  }
0x1bb: {  	[bflag:$0x3] =	sbarrier.arrive $0xFFFF  }
0x1bc: {  	_ =	shalt  }

// kernel: kernel.8.cloned.1.call-start
scs
__scs_entry_jumppad:
0x0: {  	(pc) =	sbr.rel $0x88, $3  }
0x1: {  	(tag) =	ssettag $0x0;
	lr =	simm.s32 $0x1  }
0x2: {  	[smem:$0x3F99] =	sst lr;
	_ =	strace $0xD0000000  }
0x3: {  	_ = 	snop  }
0x4: {  	_ = 	snop  }
0x5: {  	_ = 	snop  }
0x6: {  	_ = 	snop  }
0x7: {  	_ = 	snop  }
__scs_overlays_trampoline_lowered:
0x8: {  	[smem:$0x3FA8] =	sst s0  }
0x9: {  	[smem:$0x3FA9] =	sst s1  }
0xa: {  	[smem:$0x3FAA] =	sst s2  }
0xb: {  	[smem:$0x3FAB] =	sst s3  }
0xc: {  	[smem:$0x3FAC] =	sst s4  }
0xd: {  	[smem:$0x3FAD] =	sst s5  }
0xe: {  	[smem:$0x3FAE] =	sst s6  }
0xf: {  	[smem:$0x3FAF] =	sst s7  }
0x10: {  	[smem:$0x3FB0] =	sst s8  }
0x11: {  	[smem:$0x3FB1] =	sst s9;
	s0 =	simm.s32 @!p0 $0x0  }
0x12: {  	s1 =	sld [smem:$0x3F97];
	s0 =	simm.s32 @p0 $0x1  }
0x13: {  	[smem:$0x3FB2] =	sst s0;
	s0 =	simm.s32 @!p1 $0x0  }
0x14: {  	s2 =	sld [smem:$0x3F96];
	s0 =	simm.s32 @p1 $0x1  }
0x15: {  	[smem:$0x3FB3] =	sst s0;
	s0 =	simm.s32 @!p2 $0x0  }
0x16: {  	s3 =	sld [smem:$0x3FDB];
	s0 =	simm.s32 @p2 $0x1  }
0x17: {  	s4 =	simm.s32 $0x1BF5;
	[smem:$0x3FB5] =	sst s0  }
0x18: {  	s0 =	sld [smem:$0x3F98];
	_ =	swait.ge [sflag:s4], $0x0  }
0x19: {  	s7 =	sld [smem:$0x3F99]  }
0x1a: {  	s8 =	sadd.s32 $0xFFFFE003, lr  }
0x1b: {  	s9 =	sadd.s32 $0xFFFFFEF7, lr;
	s5 =	simm.s32 $0xFFFFFFFF;
	p2 =	slt.u32 s8, $0xFFFFF086  }
0x1c: {  	p1 =	slt.u32 s9, $0xF7A;
	s5 =	simm.s32 @!p2 $0x0  }
0x1d: {  	s5 =	simm.s32 @p1 $0x1;
	p0 =	seq.s32 s7, s2  }
0x1e: {  	s7 =	smul.u32 @!p0 $0xF7A, s2;
	p2 =	seq.s32 @!p0 s5, $0x0  }
0x1f: {  	s9 =	smul.u32 $0xF7A, s1;
	s8 =	simm.s32 @!p0 $0x1BF5;
	p2 =	por !p2, p0  }
0x20: {  	[sflag:s8] =	ssyncset.s32 @!p0 $0xFFFFF086;
	s6 =	sadd.s32 @!p0 s3, s7;
	s7 =	simm.s32 @!p0 $0x108  }
0x21: {  	s3 =	sadd.s32 s3, s9;
	s6 =	sadd.s32 @!p0 $0x88, s6;
	s7 =	simm.s32 @p2 $0x1082  }
0x22: {  	[simem:s7], [sflag:s8] =	dma.local @!p0 [hbm:s6], $0xF7A  }
0x23: {  	s9 =	sor.u32 $0xD0000000, s2;
	s6 =	simm.s32 $0x108;
	_ =	swait.ge @!p0 [sflag:s8], $0x0  }
0x24: {  	s3 =	sadd.s32 $0x88, s3;
	s6 =	simm.s32 @!p1 $0x1082;
	[sflag:s4] =	ssyncset.s32 $0xFFFFF086  }
0x25: {  	[simem:s6], [sflag:s4] =	dma.local [hbm:s3], $0xF7A  }
0x26: {  	[smem:$0x3F99] =	sst s1;
	(tag) =	ssettag s2;
	_ =	strace s9  }
0x27: {  	s1 =	sld [smem:$0x3FA9]  }
0x28: {  	s2 =	sld [smem:$0x3FAA]  }
0x29: {  	s4 =	sld [smem:$0x3FAC]  }
0x2a: {  	p0 =	seq.s32 s5, $0x0;
	s5 =	sld [smem:$0x3FAD]  }
0x2b: {  	s6 =	sld [smem:$0x3FAE]  }
0x2c: {  	s7 =	sld [smem:$0x3FAF]  }
0x2d: {  	s3 =	simm.s32 $0x108;
	s8 =	sld [smem:$0x3FB0]  }
0x2e: {  	s3 =	simm.s32 @!p0 $0x1082;
	s9 =	sld [smem:$0x3FB1]  }
0x2f: {  	lr =	sadd.s32 s0, s3;
	s0 =	sld [smem:$0x3FA8]  }
0x30: {  	s3 =	sld [smem:$0x3FAB]  }
0x31: {  	[smem:$0x3FB4] =	sst s10  }
0x32: {  	s10 =	sld [smem:$0x3FB2];
	_ =	sdelay $0x3  }
0x33: {  	p0 =	seq.s32 s10, $0x1;
	s10 =	sld [smem:$0x3FB4];
	_ =	sdelay $0x3  }
0x34: {  	[smem:$0x3FB4] =	sst s10  }
0x35: {  	s10 =	sld [smem:$0x3FB3];
	_ =	sdelay $0x3  }
0x36: {  	p1 =	seq.s32 s10, $0x1;
	s10 =	sld [smem:$0x3FB4];
	_ =	sdelay $0x3  }
0x37: {  	[smem:$0x3FB4] =	sst s10  }
0x38: {  	s10 =	sld [smem:$0x3FB5]  }
0x39: {  	_ = 	snop;
	(pc) =	sbr.ind lr, $3  }
0x3a: {  	_ = 	snop  }
0x3b: {  	_ = 	snop  }
0x3c: {  	p2 =	seq.s32 s10, $0x1;
	s10 =	sld [smem:$0x3FB4]  }
0x3d: {  	_ =	shalt  }
0x3e: {  	_ =	shalt  }
0x3f: {  	_ =	shalt  }
0x40: {  	_ =	shalt  }
0x41: {  	_ =	shalt  }
0x42: {  	_ =	shalt  }
0x43: {  	_ =	shalt  }
0x44: {  	_ =	shalt  }
0x45: {  	_ =	shalt  }
0x46: {  	_ =	shalt  }
0x47: {  	_ =	shalt  }
0x48: {  	_ =	shalt  }
0x49: {  	_ =	shalt  }
0x4a: {  	_ =	shalt  }
0x4b: {  	_ =	shalt  }
0x4c: {  	_ =	shalt  }
0x4d: {  	_ =	shalt  }
0x4e: {  	_ =	shalt  }
0x4f: {  	_ =	shalt  }
0x50: {  	_ =	shalt  }
0x51: {  	_ =	shalt  }
0x52: {  	_ =	shalt  }
0x53: {  	_ =	shalt  }
0x54: {  	_ =	shalt  }
0x55: {  	_ =	shalt  }
0x56: {  	_ =	shalt  }
0x57: {  	_ =	shalt  }
0x58: {  	_ =	shalt  }
0x59: {  	_ =	shalt  }
0x5a: {  	_ =	shalt  }
0x5b: {  	_ =	shalt  }
0x5c: {  	_ =	shalt  }
0x5d: {  	_ =	shalt  }
0x5e: {  	_ =	shalt  }
0x5f: {  	_ =	shalt  }
0x60: {  	_ =	shalt  }
0x61: {  	_ =	shalt  }
0x62: {  	_ =	shalt  }
0x63: {  	_ =	shalt  }
0x64: {  	_ =	shalt  }
0x65: {  	_ =	shalt  }
0x66: {  	_ =	shalt  }
0x67: {  	_ =	shalt  }
0x68: {  	_ =	shalt  }
0x69: {  	_ =	shalt  }
0x6a: {  	_ =	shalt  }
0x6b: {  	_ =	shalt  }
0x6c: {  	_ =	shalt  }
0x6d: {  	_ =	shalt  }
0x6e: {  	_ =	shalt  }
0x6f: {  	_ =	shalt  }
0x70: {  	_ =	shalt  }
0x71: {  	_ =	shalt  }
0x72: {  	_ =	shalt  }
0x73: {  	_ =	shalt  }
0x74: {  	_ =	shalt  }
0x75: {  	_ =	shalt  }
0x76: {  	_ =	shalt  }
0x77: {  	_ =	shalt  }
0x78: {  	_ =	shalt  }
0x79: {  	_ =	shalt  }
0x7a: {  	_ =	shalt  }
0x7b: {  	_ =	shalt  }
0x7c: {  	_ =	shalt  }
0x7d: {  	_ =	shalt  }
0x7e: {  	_ =	shalt  }
0x7f: {  	_ =	shalt  }
0x80: {  	_ =	shalt  }
0x81: {  	_ =	shalt  }
0x82: {  	_ =	shalt  }
0x83: {  	_ =	shalt  }
0x84: {  	_ =	shalt  }
0x85: {  	_ =	shalt  }
0x86: {  	_ =	shalt  }
0x87: {  	_ =	shalt  }
.Lfunc_end0:
.L_simem_size_0:
called_computation_lowered:
.L_overlay_start_0:
0x88: {  	s2 =	sld [smem:$0x3FD9]  }
0x89: {  	s3 =	sld [smem:$0x3FFE];
	_ =	sdelay $0x1  }
0x8a: {  	s1 =	srdreg.scid  }
0x8b: {  	s0 =	sand.u32 $0x1, s1  }
0x8c: {  	s14 =	sshll.u32 s0, $0xA;
	s2 =	sadd.s32 s3, s2  }
0x8d: {  	s2 =	sadd.s32 s2, s14  }
0x8e: {  	[smem:$0x3FC0] =	sst s2  }
0x8f: {  	_ = 	snop  }
0x90: {  	s2 =	sld [smem:$0x3FD0];
	_ =	sdelay $0x2  }
0x91: {  	s15 =	simm.s32 $0xA;
	s4 =	simm.s32 $0x10  }
0x92: {  	[smem:s4], [sflag:s15] =	dma.local [hbm:s2], $0x1  }
0x93: {  	_ =	swait.eq [sflag:s15], $0x1  }
0x94: {  	[sflag:s15] =	ssyncset.done $0x0  }
0x95: {  	s16 =	sld [smem:$0x10];
	[sflag:s15] =	ssyncadd.s32 $0xFFFFFFFF  }
0x96: {  	s17 =	sld [smem:$0x11];
	(tm) =	ssettm $0x1  }
0x97: {  	s18 =	sld [smem:$0x3FFB];
	_ =	sdelay $0x3  }
0x98: {  	_ =	strace s18  }
0x99: {  	s4 =	sld [smem:$0x3FFC];
	_ =	sdelay $0x3  }
0x9a: {  	_ =	strace s4  }
0x9b: {  	s4 =	sld [smem:$0x3FFD];
	_ =	sdelay $0x3  }
0x9c: {  	_ =	strace s4  }
0x9d: {  	_ =	strace $0x8FFFFFFF  }
0x9e: {  	s19 =	sld [smem:$0x3FDB];
	_ =	sdelay $0x1  }
0x9f: {  	s5 =	simm.s32 $_scs_section_size  }
0xa0: {  	s6 =	simm.s32 $_size__tile_overlayer_lowered;
	s7 =	simm.s32 $_tile_overlayer_lowered  }
0xa1: {  	s22 =	simm.s32 $0x1BFF;
	s21 =	sshll.u32 s7, $0x1;
	s4 =	sadd.s32 s5, s19  }
0xa2: {  	s8 =	simm.s32 $0x0;
	s20 =	sshll.u32 s6, $0x1;
	s6 =	sadd.s32 s21, s4  }
0xa3: {  	[timem:s8], [sflag:s22] =	dma.local [hbm:s6], s20  }
0xa4: {  	_ =	swait.ge [sflag:s22], s20  }
0xa5: {  	s5 =	ssub.s32 $0x0, s20;
	[sflag:s22] =	ssyncset.done $0x0  }
0xa6: {  	[sflag:s22] =	ssyncadd.s32 s5;
	_ =	sdelay $0x1  }
0xa7: {  	s23 =	simm.s32 $0x1B8B  }
0xa8: {  	_ =	swait.ge [sflag:s23], $0x1  }
0xa9: {  	[sflag:s23] =	ssyncset.done $0x0  }
0xaa: {  	s25 =	simm.s32 $0x1B8E;
	s24 =	sld [smem:$0x3FFE];
	[sflag:s23] =	ssyncadd.s32 $0xFFFFFFFF  }
0xab: {  	s26 =	simm.s32 $execute0_lowered;
	[smem:$0x3FD2] =	sst s25  }
0xac: {  	s6 =	sshll.u32 s26, $0x1;
	_ =	strace $0x80000046;
	[dreg:$0x1] =	wrdreg $0xFFFFFFFF  }
0xad: {  	s28 =	simm.s32 $_size_execute0_lowered;
	s4 =	sadd.s32 s4, s6;
	[dreg:$0x0] =	wrdreg $0x0  }
0xae: {  	s6 =	sshll.u32 s28, $0x1;
	[dreg:$0x2] =	wrdreg s4  }
0xaf: {  	[dreg:$0x3] =	wrdreg s6  }
0xb0: {  	[dreg:$0x4] =	wrdreg $0xC0  }
0xb1: {  	_ =	task [dreg:s8], $0x5FFFF  }
0xb2: {  	[dreg:$0x1] =	wrdreg $0xFFFFFFFF  }
0xb3: {  	[dreg:$0x0] =	wrdreg $0x60  }
0xb4: {  	[dreg:$0x2] =	wrdreg s24  }
0xb5: {  	[dreg:$0x3] =	wrdreg s17  }
0xb6: {  	[dreg:$0x4] =	wrdreg s16  }
0xb7: {  	[dreg:$0x5] =	wrdreg $0x2B000  }
0xb8: {  	[dreg:$0x6] =	wrdreg $0x9  }
0xb9: {  	_ =	task.clear_ibuf [dreg:s8], $0x7FFFF;
	_ =	strace $0x90000046  }
0xba: {  	s29 =	simm.s32 $0x9;
	_ =	strace $0x80000048  }
0xbb: {  	_ =	swait.ge [sflag:s29], $0x1  }
0xbc: {  	[sflag:s29] =	ssyncadd.s32 $0xFFFFFFFF  }
0xbd: {  	_ =	strace $0x90000048  }
0xbe: {  	_ =	sfence  }
0xbf: {  	s30 =	sld [smem:$0x0];
	_ =	sdelay $0x2  }
0xc0: {  	s31 =	sshll.u32 s1, $0xD;
	s1 =	sshrl.u32 s1, $0x2  }
0xc1: {  	s3 =	sand.u32 $0x4000, s31;
	s1 =	sadd.s32 s1, s30  }
0xc2: {  	s0 =	sor.u32 s3, s0;
	s1 =	sshll.u32 s1, $0x11  }
0xc3: {  	s0 =	sor.u32 s1, s0  }
0xc4: {  	s0 =	sadd.s32 $0x8F2B, s0  }
0xc5: {  	[sflag:s0] =	ssyncadd.remote.s32 $0x1  }
0xc6: {  	_ =	sfence.sel $0xFFFF  }
0xc7: {  	[dreg:$0x0] =	wrdreg $0xFFFFFFFF;
	(pc) =	sbr.abs _section_cstart, $3  }
0xc8: {  	[dreg:$0x1] =	wrdreg $0xFFFFFFFF  }
0xc9: {  	_ =	task.clear_ibuf [dreg:s8], $0x2FFFF;
	_ =	strace $0x9FFFFFFF  }
0xca: {  	(tm) =	ssettm $0x7FFFFFFF  }
0xcb: {  	_ =	shalt  }
tec
execute0_lowered:
.L_overlay_start_1:
0x0: {  	(tag) =	ssettag $0x1  }
0x1: {  	s5 =	rddreg [dreg:$0x0]  }
0x2: {  	s1 =	rddreg [dreg:$0x1]  }
0x3: {  	s8 =	rddreg [dreg:$0x2]  }
0x4: {  	s0 =	srdreg.scid;
	s3 =	rddreg [dreg:$0x3]  }
0x5: {  	s4 =	simm.s32 $0x0;
	s13 =	simm.s32 $0x80;
	s14 =	simm.s32 $0x100  }
0x6: {  	s15 =	simm.s32 $0x0;
	s6 =	sand.u32 $0x1, s0;
	s0 =	stileid.u32  }
0x7: {  	[smem:$0x7FF] =	sst s4;
	s2 =	sshll.u32 s6, $0x4;
	s9 =	smul.u32 $0xA00, s0  }
0x8: {  	s10 =	smul.u32 $0x500, s0;
	s11 =	ssub.s32 $0x2, s6;
	s6 =	sshll.u32 s6, $0x7  }
0x9: {  	s7 =	sor.u32 s0, s2;
	s2 =	rddreg [dreg:$0x4];
	_ =	strace $0x80000047  }
0xa: {  	s12 =	sshrl.u32 s11, $0x1;
	s7 =	smul.u32 $0x500, s7;
	s9 =	sshrl.u32 s9, $0x2  }
0xb: {  	s10 =	sor.u32 s6, s10;
	s11 =	ssub.s32 s11, s12;
	s12 =	simm.s32 $0x2880  }
0xc: {  	s6 =	sadd.s32 s9, s3;
	s31 =	sshrl.u32 s10, $0x3;
	s9 =	smax.u32 s11, $0x1  }
0xd: {  	s10 =	simm.s32 $0x2800;
	s11 =	simm.s32 $0x1;
	s7 =	sadd.s32 s7, s5  }
0xe: {  	s5 =	sadd.s32 $0x17E00, s5;
	s8 =	sadd.s32 s8, s31;
	s7 =	sadd.s32 $0x3E00, s7  }
.LBB2_1:
0xf: {  	[tilespmem:s10], [sflag:$0x1] =	stream.linear.gather [hbm4b:s5+s4], $0x80, $0x38;
	[tilespmem:$0x2D80] =	vst v63  }
0x10: {  	_ =	swait.ge [sflag:s11], $0x80  }
0x11: {  	[sflag:s11] =	ssyncset.done $0x0  }
0x12: {  	[sflag:s11] =	ssyncadd.s32 $0xFFFFFF80  }
0x13: {  	[tilespmem:s12], [sflag:$0x1] =	stream.linear.gather [hbm4b:s1+s4], $0x280, $0x38;
	[tilespmem:$0x2D80] =	vst v63  }
0x14: {  	_ =	swait.ge [sflag:s11], $0x280  }
0x15: {  	[sflag:s11] =	ssyncset.done $0x0  }
0x16: {  	[sflag:s11] =	ssyncadd.s32 $0xFFFFFD80  }
0x17: {  	[spmem:s6] =	stream.linear.scatter [tilespmem:s12], [sflag:$0x1], $0x280, $0x38;
	[tilespmem:$0x2D80] =	vst v63  }
0x18: {  	_ =	swait.ge [sflag:s11], $0x280  }
0x19: {  	[sflag:s11] =	ssyncset.done $0x0  }
0x1a: {  	[sflag:s11] =	ssyncadd.s32 $0xFFFFFD80  }
0x1b: {  	[bflag:$0x0] =	sbarrier.arrive $0xFFFF  }
0x1c: {  	[tilespmem:s4], [sflag:$0x1] =	stream.linear.gather [hbm4b:s7+s4], $0x2800, $0x38;
	[tilespmem:$0x2D80] =	vst v63  }
0x1d: {  	_ =	swait.ge [sflag:s11], $0x2800  }
0x1e: {  	[sflag:s11] =	ssyncset.done $0x0  }
0x1f: {  	s16 =	simm.s32 $0x0;
	[sflag:s11] =	ssyncadd.s32 $0xFFFFD800  }
0x20: {  	[spmem:s3] =	stream.indirect.scatter.add.f32 [tilespmem:s10], [sflag:$0x1], $0x1, s16, s13, $0xb8;
	[tilespmem:$0x2D80] =	vst v63  }
0x21: {  	_ =	swait.ge [sflag:s11], $0x80  }
0x22: {  	s16 =	simm.s32 $0x200;
	[sflag:s11] =	ssyncset.done $0x0  }
.LBB2_2:
0x23: {  	s17 =	sshra.s32 s16, $0x2;
	[sflag:s11] =	ssyncadd.s32 $0xFFFFFF80;
	p0 =	sne.s32 s16, $0x9E00  }
0x24: {  	[spmem:s3] =	stream.indirect.scatter.add.f32 [tilespmem:s10], [sflag:$0x1], $0x1, s17, s13, $0xb8;
	[tilespmem:$0x2D80] =	vst v63  }
.Ltmp0:
0x25: {  	_ = 	snop;
	(pc) =	sbr.rel @p0 .LBB2_2-.Ltmp0, $4  }
0x26: {  	_ = 	snop  }
0x27: {  	s16 =	sadd.s32 $0x200, s16  }
0x28: {  	_ =	swait.ge [sflag:s11], $0x80  }
0x29: {  	[sflag:s11] =	ssyncset.done $0x0  }
0x2a: {  	[sflag:s11] =	ssyncadd.s32 $0xFFFFFF80  }
0x2b: {  	[bflag:$0x0] =	sbarrier.arrive $0xFFFF  }
0x2c: {  	[tilespmem:s12], [sflag:$0x1] =	stream.linear.gather [spmem:s6], $0x280, $0x38;
	[tilespmem:$0x2D80] =	vst v63  }
0x2d: {  	s15 =	sadd.s32 $0x1, s15;
	_ =	swait.ge [sflag:s11], $0x280  }
0x2e: {  	p0 =	sne.s32 s15, s9;
	[sflag:s11] =	ssyncset.done $0x0  }
.Ltmp1:
0x2f: {  	[sflag:s11] =	ssyncadd.s32 $0xFFFFFD80;
	(pc) =	sbr.rel @p0 .LBB2_1-.Ltmp1, $4  }
0x30: {  	[hbm4b:s8+s13] =	stream.strided.scatter [tilespmem:s12], [sflag:$0x1], $0x280, s14, s13, $0x38;
	[tilespmem:$0x2D80] =	vst v63  }
0x31: {  	_ =	swait.ge [sflag:s11], $0x280  }
0x32: {  	[sflag:s11] =	ssyncset.done $0x0  }
0x33: {  	[sflag:s11] =	ssyncadd.s32 $0xFFFFFD80  }
0x34: {  	_ =	sfence.sel $0x180000  }
0x35: {  	[bflag:$0x0] =	sbarrier.arrive $0xFFFF  }
0x36: {  	p0 =	sne.s32 s0, $0x0;
	_ =	strace $0x90000047  }
0x37: {  	s0 =	sadd.s32 @!p0 $0x100000, s2;
	[bflag:$0x2] =	sbarrier.arrive $0xFFFF  }
0x38: {  	[sflag:s0] =	ssyncadd.tile.s32 @!p0 $0x1;
	_ =	shalt  }
.Lfunc_end2:
_tile_overlayer_lowered:
.L_overlay_start_2:
0x39: {  	(tag) =	ssettag $0x2  }
0x3a: {  	s0 =	rddreg [dreg:$0x0];
	s2 =	stileid.u32  }
0x3b: {  	s1 =	rddreg [dreg:$0x1];
	p0 =	sne.s32 s2, $0x0  }
0x3c: {  	s3 =	rddreg [dreg:$0x2];
	[bflag:$0x3] =	sbarrier.arrive $0xFFFF;
	s2 =	simm.s32 @!p0 $0x1C01  }
0x3d: {  	[timem:s3], [sflag:s2] =	dma.local @!p0 [hbm:s0], s1  }
0x3e: {  	s0 =	simm.s32 @!p0 $0x1  }
0x3f: {  	_ =	swait.ge @!p0 [sflag:s0], s1  }
0x40: {  	s1 =	ssub.s32 @!p0 $0x0, s1;
	[sflag:s0] =	ssyncset.done @!p0 $0x0  }
0x41: {  	[sflag:s0] =	ssyncadd.s32 @!p0 s1  }
0x42: {  	[bflag:$0x3] =	sbarrier.arrive $0xFFFF  }
0x43: {  	_ =	shalt  }

</sc_bundles>
